<compile_context>
chip_gen: v7x
topology: tpu7x:2x2x1
jax: 0.10.2.dev20260603
libtpu: 0.0.44.dev20260713+nightly
codegen_flags: <defaults>
</compile_context>

<pallas_src>
import functools

import jax
import jax.numpy as jnp
from jax import lax
from jax.experimental import pallas as pl
from jax.experimental.pallas import tpu as pltpu
from jax.experimental.pallas import tpu_sc as plsc

N = 10000
C = 128
E = 320000
S = 4

NTILES = 16
NP = 640
NPAD = NTILES * NP
EPT = E // NTILES

_mesh = plsc.VectorSubcoreMesh(core_axis_name="c", subcore_axis_name="s",
                               num_cores=2, num_subcores=16)


def _rsqrt16(x):
    i = plsc.bitcast(x, jnp.int32)
    i = jnp.full((16,), 0x5F3759DF, jnp.int32) - lax.shift_right_logical(
        i, jnp.full((16,), 1, jnp.int32))
    y = plsc.bitcast(i, jnp.float32)
    for _ in range(3):
        y = y * (1.5 - 0.5 * x * y * y)
    return y


@functools.partial(
    pl.kernel,
    out_type=(
        jax.ShapeDtypeStruct((S * NPAD,), jnp.float32),
        jax.ShapeDtypeStruct((S * NPAD,), jnp.float32),
    ),
    mesh=_mesh,
    compiler_params=pltpu.CompilerParams(use_tc_tiling_on_sc=False,
                                         needs_layout_passes=False),
    scratch_types=(
        pltpu.VMEM((EPT,), jnp.int32),
        pltpu.VMEM((EPT,), jnp.int32),
        pltpu.VMEM((NPAD,), jnp.float32),
        pltpu.VMEM((NPAD,), jnp.float32),
        pltpu.VMEM((NTILES, NP), jnp.float32),
        pltpu.VMEM((NP,), jnp.float32),
        pltpu.VMEM_SHARED((NTILES, NPAD), jnp.float32),
        pltpu.VMEM_SHARED((NPAD,), jnp.float32),
    ),
)
def _deg_a(src_hbm, dst_hbm, deg_hbm, a_hbm,
           src_v, dst_v, pdinv, acc, red, slb, stage, sh_dinv):
    c = lax.axis_index("c")
    w = lax.axis_index("s")
    nbase = w * NP
    ebase = w * EPT
    zero16 = jnp.zeros((16,), jnp.float32)
    one16 = jnp.ones((16,), jnp.float32)

    def per_snapshot(sl, _):
        s = c * 2 + sl
        eoff = pl.multiple_of(s * E + ebase, 8)
        noff = pl.multiple_of(s * NPAD + nbase, 8)
        pltpu.sync_copy(src_hbm.at[pl.ds(eoff, EPT)], src_v)
        pltpu.sync_copy(dst_hbm.at[pl.ds(eoff, EPT)], dst_v)

        def initA(i, _):
            acc[pl.ds(i * 16, 16)] = zero16
            return _
        lax.fori_loop(0, NPAD // 16, initA, None)

        def degree(i, _):
            d16 = dst_v[pl.ds(i * 16, 16)]
            plsc.addupdate_scatter(acc, [d16], one16)
            return _
        lax.fori_loop(0, EPT // 16, degree, None)

        pltpu.sync_copy(acc, stage.at[w])
        plsc.subcore_barrier()
        pltpu.sync_copy(stage.at[:, pl.ds(nbase, NP)], red)

        def redA(j, _):
            col = pl.ds(j * 16, 16)
            total = red[0, col]
            for r in range(1, NTILES):
                total = total + red[r, col]
            total = total + 1.0
            acc[col] = total
            slb[col] = _rsqrt16(total)
            return _
        lax.fori_loop(0, NP // 16, redA, None)
        pltpu.sync_copy(acc.at[pl.ds(0, NP)], deg_hbm.at[pl.ds(noff, NP)])
        pltpu.sync_copy(slb, sh_dinv.at[pl.ds(nbase, NP)])
        plsc.subcore_barrier()
        pltpu.sync_copy(sh_dinv, pdinv)

        def initB(i, _):
            acc[pl.ds(i * 16, 16)] = zero16
            return _
        lax.fori_loop(0, NPAD // 16, initB, None)

        def edgeB(i, _):
            col = pl.ds(i * 16, 16)
            s16 = src_v[col]
            d16 = dst_v[col]
            dsv = plsc.load_gather(pdinv, [s16])
            ddv = plsc.load_gather(pdinv, [d16])
            plsc.addupdate_scatter(acc, [s16], dsv * ddv)
            return _
        lax.fori_loop(0, EPT // 16, edgeB, None)

        pltpu.sync_copy(acc, stage.at[w])
        plsc.subcore_barrier()
        pltpu.sync_copy(stage.at[:, pl.ds(nbase, NP)], red)

        def redB(j, _):
            col = pl.ds(j * 16, 16)
            total = red[0, col]
            for r in range(1, NTILES):
                total = total + red[r, col]
            dv = slb[col]
            slb[col] = total + dv * dv
            return _
        lax.fori_loop(0, NP // 16, redB, None)
        pltpu.sync_copy(slb, a_hbm.at[pl.ds(noff, NP)])
        plsc.subcore_barrier()
        return _

    lax.fori_loop(0, S // 2, per_snapshot, None)


EPN = 330240
RPT = EPN // NTILES
MB = 160


@functools.partial(
    pl.kernel,
    out_type=(
        jax.ShapeDtypeStruct((S * EPN, C), jnp.float32),
        jax.ShapeDtypeStruct((S * EPN,), jnp.float32),
    ),
    mesh=_mesh,
    compiler_params=pltpu.CompilerParams(use_tc_tiling_on_sc=False,
                                         needs_layout_passes=False),
    scratch_types=(
        pltpu.VMEM((NPAD,), jnp.float32),
        pltpu.VMEM((MB,), jnp.int32),
        pltpu.VMEM((MB,), jnp.int32),
        pltpu.VMEM((MB // 2,), jnp.int32),
        pltpu.VMEM((MB // 2,), jnp.int32),
        pltpu.VMEM((MB,), jnp.float32),
        pltpu.VMEM((MB, C), jnp.float32),
        pltpu.SemaphoreType.DMA,
    ),
)
def _msg(srcc_hbm, dstc_hbm, dinv_hbm, h_hbm, rows_hbm, wgt_hbm,
         pdinv, ibs, ibd, adjA, adjB, wbuf, rowbuf, sem):
    c = lax.axis_index("c")
    w = lax.axis_index("s")

    def per_snapshot(sl, _):
        s = c * 2 + sl
        doff = pl.multiple_of(s * NPAD, 8)
        pltpu.sync_copy(dinv_hbm.at[pl.ds(doff, NPAD)], pdinv)
        sN = s * N

        def chunk(k, _):
            ioff = pl.multiple_of(s * EPN + w * RPT + k * MB, 8)
            pltpu.sync_copy(srcc_hbm.at[pl.ds(ioff, MB)], ibs)
            pltpu.sync_copy(dstc_hbm.at[pl.ds(ioff, MB)], ibd)
            for g in range(MB // 16):
                col = pl.ds(g * 16, 16)
                sv = ibs[col]
                dv = ibd[col]
                wbuf[col] = (plsc.load_gather(pdinv, [sv])
                             * plsc.load_gather(pdinv, [dv]))
                adj = sv + sN
                if g < MB // 32:
                    adjA[col] = adj
                else:
                    adjB[pl.ds(g * 16 - MB // 2, 16)] = adj
            cp1 = pltpu.async_copy(h_hbm.at[adjA],
                                   rowbuf.at[pl.ds(0, MB // 2)], sem)
            cp2 = pltpu.async_copy(h_hbm.at[adjB],
                                   rowbuf.at[pl.ds(MB // 2, MB // 2)], sem)
            cp1.wait()
            cp2.wait()
            pltpu.sync_copy(rowbuf, rows_hbm.at[pl.ds(ioff, MB)])
            pltpu.sync_copy(wbuf, wgt_hbm.at[pl.ds(ioff, MB)])
            return _
        lax.fori_loop(0, RPT // MB, chunk, None)
        return _

    lax.fori_loop(0, S // 2, per_snapshot, None)


@functools.partial(
    pl.kernel,
    out_type=jax.ShapeDtypeStruct((S * C, C), jnp.float32),
    mesh=_mesh,
    compiler_params=pltpu.CompilerParams(use_tc_tiling_on_sc=False,
                                         needs_layout_passes=False),
    scratch_types=(
        pltpu.VMEM((16,), jnp.int32),
        pltpu.VMEM((16, C), jnp.float32),
        pltpu.SemaphoreType.DMA,
    ),
)
def _pool_rows(perm_hbm, nf_hbm, out_hbm, idx_v, rowbuf, sem):
    c = lax.axis_index("c")
    w = lax.axis_index("s")
    wid = c * NTILES + w
    poff = pl.multiple_of(wid * 16, 8)
    pltpu.sync_copy(perm_hbm.at[pl.ds(poff, 16)], idx_v)
    s_id = wid // 8
    iv = idx_v[pl.ds(0, 16)] + s_id * N
    pltpu.async_copy(nf_hbm.at[iv], rowbuf, sem).wait()
    pltpu.sync_copy(rowbuf, out_hbm.at[pl.ds(poff, 16)])


def _gru(x, h, Wih, Whh, bih, bhh):
    gi = x @ Wih.T + bih
    gh = h @ Whh.T + bhh
    i_r, i_z, i_n = jnp.split(gi, 3, axis=-1)
    h_r, h_z, h_n = jnp.split(gh, 3, axis=-1)
    r = jax.nn.sigmoid(i_r + h_r)
    z = jax.nn.sigmoid(i_z + h_z)
    n = jnp.tanh(i_n + r * h_n)
    return (1.0 - z) * n + z * h


def _gru_from_gi(gi, h, Whh, bhh):
    gh = h @ Whh.T + bhh
    i_r, i_z, i_n = jnp.split(gi, 3, axis=-1)
    h_r, h_z, h_n = jnp.split(gh, 3, axis=-1)
    r = jax.nn.sigmoid(i_r + h_r)
    z = jax.nn.sigmoid(i_z + h_z)
    n = jnp.tanh(i_n + r * h_n)
    return (1.0 - z) * n + z * h


def kernel(raw_node_feat, all_snapshots_edge_index, p, W_ih, W_hh, b_ih,
           b_hh, init_W):
    raw = raw_node_feat
    src_all = all_snapshots_edge_index[:, 0, :]
    dst_all = all_snapshots_edge_index[:, 1, :]

    score0 = (raw @ p[0]) / (jnp.linalg.norm(p[0]) + 1e-16)
    vals0, perm0 = lax.top_k(score0, C)
    xt0 = raw[perm0] * jnp.tanh(vals0)[:, None]
    gi0 = xt0 @ W_ih[0].T + b_ih[0]
    w1 = init_W[0]
    W1s = []
    for _ in range(S):
        w1 = _gru_from_gi(gi0, w1, W_hh[0], b_hh[0])
        W1s.append(w1)

    deg_p, a_p = _deg_a(src_all.reshape(S * E), dst_all.reshape(S * E))
    deg_p = deg_p.reshape(S, NPAD)[:, :N]
    a_p = a_p.reshape(S, NPAD)[:, :N]

    loop = jnp.arange(N, dtype=src_all.dtype)
    nrm1 = jnp.linalg.norm(p[1]) + 1e-16

    deg = deg_p
    dinv = jnp.where(deg > 0, lax.rsqrt(jnp.maximum(deg, 1e-12)), 0.0)
    dinv_pad = jnp.zeros((S, NPAD), jnp.float32).at[:, :N].set(dinv)

    pad = jnp.zeros((S, EPN - (E + N)), jnp.int32)
    srcc = jnp.concatenate(
        [src_all, jnp.broadcast_to(loop, (S, N)), pad], axis=1)
    dstc = jnp.concatenate(
        [dst_all, jnp.broadcast_to(loop, (S, N)), pad], axis=1)

    H = jnp.stack([raw @ W1s[s] for s in range(S)])
    rows_p, wgt_p = _msg(srcc.reshape(S * EPN), dstc.reshape(S * EPN),
                         dinv_pad.reshape(S * NPAD), H.reshape(S * N, C))
    rows_p = rows_p.reshape(S, EPN, C)
    wgt_p = wgt_p.reshape(S, EPN)

    nf1s, vals1s, perm1s = [], [], []
    for s in range(S):
        dst = jnp.concatenate([dst_all[s], loop])
        msg = rows_p[s, :E + N] * wgt_p[s, :E + N, None]
        nf1 = jnp.zeros((N, C), jnp.float32).at[dst].add(msg)
        score1 = (nf1 @ p[1]) / nrm1
        vals1, perm1 = lax.top_k(score1, C)
        nf1s.append(nf1)
        vals1s.append(vals1)
        perm1s.append(perm1)

    nf_cat = jnp.stack(nf1s).reshape(S * N, C)
    perm_cat = jnp.stack(perm1s).reshape(S * C)
    xrows = _pool_rows(perm_cat, nf_cat).reshape(S, C, C)
    del nf_cat

    w2 = init_W[1]
    emb = jnp.zeros((C,), jnp.float32)
    for s in range(S):
        xt1 = xrows[s] * jnp.tanh(vals1s[s])[:, None]
        w2 = _gru(xt1, w2, W_ih[1], W_hh[1], b_ih[1], b_hh[1])
        emb = emb + (a_p[s] @ nf1s[s]) @ w2
    return emb

# --- scband reference (transcript-rebuilt; emitter-appended) ---
"""Pipeline reference for scband-graph-embedder-47957604827239 (READ-ONLY COPY).

The authoritative reference and input builder live on the scoring server;
editing this copy changes nothing except your own understanding.
"""

import jax, jax.numpy as jnp
import numpy as np

N = 10000
C = 128
E = 320000
S = 4
L = 2


def setup_inputs(seed: int = 0) -> dict:
    key = jax.random.key(seed)
    ks = jax.random.split(key, 10)
    raw_node_feat = jax.random.normal(ks[0], (N, C), dtype=jnp.float32)
    all_snapshots_edge_index = jax.random.randint(ks[1], (S, 2, E), 0, N, dtype=jnp.int32)
    glorot = 1.0 / np.sqrt(C)
    p = jax.random.normal(ks[2], (L, C), dtype=jnp.float32) * glorot
    W_ih = jax.random.normal(ks[3], (L, 3 * C, C), dtype=jnp.float32) * glorot
    W_hh = jax.random.normal(ks[4], (L, 3 * C, C), dtype=jnp.float32) * glorot
    b_ih = jax.random.normal(ks[5], (L, 3 * C), dtype=jnp.float32) * glorot
    b_hh = jax.random.normal(ks[6], (L, 3 * C), dtype=jnp.float32) * glorot
    init_W = jax.random.normal(ks[7], (L, C, C), dtype=jnp.float32) * glorot
    return {
        "raw_node_feat": raw_node_feat,
        "all_snapshots_edge_index": all_snapshots_edge_index,
        "p": p,
        "W_ih": W_ih,
        "W_hh": W_hh,
        "b_ih": b_ih,
        "b_hh": b_hh,
        "init_W": init_W,
    }


def _topk_pool(x, p_vec):
    # PyG TopKPooling with ratio = C/N -> k = C selected nodes
    score = (x @ p_vec) / (jnp.linalg.norm(p_vec) + 1e-16)
    vals, perm = jax.lax.top_k(score, C)
    return x[perm] * jnp.tanh(vals)[:, None]


def _gru_cell(x, h, Wih, Whh, bih, bhh):
    # single-layer GRU, seq_len=1: batch = C pooled nodes, hidden = C
    gi = x @ Wih.T + bih
    gh = h @ Whh.T + bhh
    i_r, i_z, i_n = jnp.split(gi, 3, axis=-1)
    h_r, h_z, h_n = jnp.split(gh, 3, axis=-1)
    r = jax.nn.sigmoid(i_r + h_r)
    z = jax.nn.sigmoid(i_z + h_z)
    n = jnp.tanh(i_n + r * h_n)
    return (1.0 - z) * n + z * h


def _gcn_fixed_w(x, W, edge_index):
    # GCNConv_Fixed_W: gcn_norm with self-loops, x @ W, scatter-add aggregation
    src = edge_index[0]
    dst = edge_index[1]
    loop = jnp.arange(N, dtype=src.dtype)
    src = jnp.concatenate([src, loop])
    dst = jnp.concatenate([dst, loop])
    ew = jnp.ones(src.shape[0], dtype=x.dtype)
    deg = jnp.zeros(N, dtype=x.dtype).at[dst].add(ew)
    dinv = jnp.where(deg > 0, jax.lax.rsqrt(jnp.maximum(deg, 1e-12)), 0.0)
    norm = dinv[src] * dinv[dst]
    h = x @ W
    msg = h[src] * norm[:, None]
    out = jnp.zeros_like(h).at[dst].add(msg)
    return out


def reference(raw_node_feat, all_snapshots_edge_index, p, W_ih, W_hh, b_ih, b_hh, init_W):
    # EvolveGCNH weights persist and evolve across snapshots (per layer)
    weights = [init_W[l] for l in range(L)]
    graph_emb = jnp.zeros((C,), dtype=raw_node_feat.dtype)
    for s in range(S):
        ei = all_snapshots_edge_index[s]
        node_feat = raw_node_feat
        for l in range(L):
            x_tilde = _topk_pool(node_feat, p[l])
            weights[l] = _gru_cell(x_tilde, weights[l], W_ih[l], W_hh[l], b_ih[l], b_hh[l])
            node_feat = _gcn_fixed_w(node_feat, weights[l], ei)
        graph_emb = graph_emb + node_feat.sum(axis=0)
    return graph_emb

if __name__ == "__main__":
    import jax
    _d = setup_inputs()
    print(jax.jit(kernel)(*tuple(_d.values())))

</pallas_src>

<mosaic_0001>
#map = affine_map<(d0, d1) -> (0)>
#map1 = affine_map<(d0, d1) -> (0, 0)>
module attributes {stable_mosaic.version = 14 : i64} {
  func.func @_msg(%arg0: i32, %arg1: i32, %arg2: memref<1320960xi32, #tpu.memory_space<hbm>>, %arg3: memref<1320960xi32, #tpu.memory_space<hbm>>, %arg4: memref<40960xf32, #tpu.memory_space<hbm>>, %arg5: memref<40000x128xf32, #tpu.memory_space<hbm>>, %arg6: memref<1320960x128xf32, #tpu.memory_space<hbm>>, %arg7: memref<1320960xf32, #tpu.memory_space<hbm>>, %arg8: memref<10240xf32, #tpu.memory_space<vmem>>, %arg9: memref<160xi32, #tpu.memory_space<vmem>>, %arg10: memref<160xi32, #tpu.memory_space<vmem>>, %arg11: memref<80xi32, #tpu.memory_space<vmem>>, %arg12: memref<80xi32, #tpu.memory_space<vmem>>, %arg13: memref<160xf32, #tpu.memory_space<vmem>>, %arg14: memref<160x128xf32, #tpu.memory_space<vmem>>, %arg15: memref<!tpu.dma_semaphore, #tpu.memory_space<semaphore_mem>>) attributes {dimension_semantics = [#tpu.dimension_semantics<core_parallel>, #tpu.dimension_semantics<subcore_parallel>], iteration_bounds = array<i64: 2, 16>, scalar_prefetch = 0 : i64, scratch_operands = 8 : i64, tpu.core_type = #tpu.core_type<sc_vector_subcore>, window_params = [{transform_indices = #map}, {transform_indices = #map}, {transform_indices = #map}, {transform_indices = #map1}, {transform_indices = #map1}, {transform_indices = #map}]} {
    %scan3A = arith.constant 0 : i32
    %scan3A_0 = arith.constant 2 : i32
    %scan3A_1 = arith.addi %scan3A, %scan3A_0 : i32
    %scan3A_2 = arith.constant 1 : i32
    scf.for %scan3A_4 = %scan3A to %scan3A_1 step %scan3A_2  : i32 {
      %mul3A = arith.constant 2 : i32
      %mul3A_5 = arith.muli %arg0, %mul3A : i32
      %add3A = arith.addi %mul3A_5, %scan3A_4 : i32
      %mul3A_6 = arith.constant 10240 : i32
      %mul3A_7 = arith.muli %add3A, %mul3A_6 : i32
      %multiple_of3A = tpu.assume_multiple %mul3A_7, 8 : i32
      "tpu.region"() ({
        %run_scoped3A = tpu.sem_alloc : memref<!tpu.dma_semaphore, #tpu.memory_space<semaphore_mem>>
        %dma_start3A = tpu.memref_slice %arg4[%multiple_of3A] : memref<40960xf32, #tpu.memory_space<hbm>> -> memref<10240xf32, #tpu.memory_space<hbm>>
        %dma_start3A_15 = tpu.memref_slice %arg4[%multiple_of3A] : memref<40960xf32, #tpu.memory_space<hbm>> -> memref<10240xf32, #tpu.memory_space<hbm>>
        tpu.enqueue_dma source(%dma_start3A_15 : memref<10240xf32, #tpu.memory_space<hbm>>) target(%arg8 : memref<10240xf32, #tpu.memory_space<vmem>>) target_semaphore(%run_scoped3A : memref<!tpu.dma_semaphore, #tpu.memory_space<semaphore_mem>>)
        %dma_wait3A = tpu.memref_slice %arg4[%multiple_of3A] : memref<40960xf32, #tpu.memory_space<hbm>> -> memref<10240xf32, #tpu.memory_space<hbm>>
        %dma_wait3A_16 = tpu.memref_slice %arg4[%multiple_of3A] : memref<40960xf32, #tpu.memory_space<hbm>> -> memref<10240xf32, #tpu.memory_space<hbm>>
        tpu.wait_dma2 semaphore(%run_scoped3A : memref<!tpu.dma_semaphore, #tpu.memory_space<semaphore_mem>>) src(%dma_wait3A_16 : memref<10240xf32, #tpu.memory_space<hbm>>) dst(%arg8 : memref<10240xf32, #tpu.memory_space<vmem>>)
        tpu.yield
      }) : () -> ()
      %mul3A_8 = arith.constant 10000 : i32
      %mul3A_9 = arith.muli %add3A, %mul3A_8 : i32
      %scan3A_10 = arith.constant 0 : i32
      %scan3A_11 = arith.constant 129 : i32
      %scan3A_12 = arith.addi %scan3A_10, %scan3A_11 : i32
      %scan3A_13 = arith.constant 1 : i32
      scf.for %scan3A_15 = %scan3A_10 to %scan3A_12 step %scan3A_13  : i32 {
        %mul3A_16 = arith.constant 330240 : i32
        %mul3A_17 = arith.muli %add3A, %mul3A_16 : i32
        %mul3A_18 = arith.constant 20640 : i32
        %mul3A_19 = arith.muli %arg1, %mul3A_18 : i32
        %add3A_20 = arith.addi %mul3A_17, %mul3A_19 : i32
        %mul3A_21 = arith.constant 160 : i32
        %mul3A_22 = arith.muli %scan3A_15, %mul3A_21 : i32
        %add3A_23 = arith.addi %add3A_20, %mul3A_22 : i32
        %multiple_of3A_24 = tpu.assume_multiple %add3A_23, 8 : i32
        "tpu.region"() ({
          %run_scoped3A = tpu.sem_alloc : memref<!tpu.dma_semaphore, #tpu.memory_space<semaphore_mem>>
          %dma_start3A_174 = tpu.memref_slice %arg2[%multiple_of3A_24] : memref<1320960xi32, #tpu.memory_space<hbm>> -> memref<160xi32, #tpu.memory_space<hbm>>
          %dma_start3A_175 = tpu.memref_slice %arg2[%multiple_of3A_24] : memref<1320960xi32, #tpu.memory_space<hbm>> -> memref<160xi32, #tpu.memory_space<hbm>>
          tpu.enqueue_dma source(%dma_start3A_175 : memref<160xi32, #tpu.memory_space<hbm>>) target(%arg9 : memref<160xi32, #tpu.memory_space<vmem>>) target_semaphore(%run_scoped3A : memref<!tpu.dma_semaphore, #tpu.memory_space<semaphore_mem>>)
          %dma_wait3A_176 = tpu.memref_slice %arg2[%multiple_of3A_24] : memref<1320960xi32, #tpu.memory_space<hbm>> -> memref<160xi32, #tpu.memory_space<hbm>>
          %dma_wait3A_177 = tpu.memref_slice %arg2[%multiple_of3A_24] : memref<1320960xi32, #tpu.memory_space<hbm>> -> memref<160xi32, #tpu.memory_space<hbm>>
          tpu.wait_dma2 semaphore(%run_scoped3A : memref<!tpu.dma_semaphore, #tpu.memory_space<semaphore_mem>>) src(%dma_wait3A_177 : memref<160xi32, #tpu.memory_space<hbm>>) dst(%arg9 : memref<160xi32, #tpu.memory_space<vmem>>)
          tpu.yield
        }) : () -> ()
        "tpu.region"() ({
          %run_scoped3A = tpu.sem_alloc : memref<!tpu.dma_semaphore, #tpu.memory_space<semaphore_mem>>
          %dma_start3A_174 = tpu.memref_slice %arg3[%multiple_of3A_24] : memref<1320960xi32, #tpu.memory_space<hbm>> -> memref<160xi32, #tpu.memory_space<hbm>>
          %dma_start3A_175 = tpu.memref_slice %arg3[%multiple_of3A_24] : memref<1320960xi32, #tpu.memory_space<hbm>> -> memref<160xi32, #tpu.memory_space<hbm>>
          tpu.enqueue_dma source(%dma_start3A_175 : memref<160xi32, #tpu.memory_space<hbm>>) target(%arg10 : memref<160xi32, #tpu.memory_space<vmem>>) target_semaphore(%run_scoped3A : memref<!tpu.dma_semaphore, #tpu.memory_space<semaphore_mem>>)
          %dma_wait3A_176 = tpu.memref_slice %arg3[%multiple_of3A_24] : memref<1320960xi32, #tpu.memory_space<hbm>> -> memref<160xi32, #tpu.memory_space<hbm>>
          %dma_wait3A_177 = tpu.memref_slice %arg3[%multiple_of3A_24] : memref<1320960xi32, #tpu.memory_space<hbm>> -> memref<160xi32, #tpu.memory_space<hbm>>
          tpu.wait_dma2 semaphore(%run_scoped3A : memref<!tpu.dma_semaphore, #tpu.memory_space<semaphore_mem>>) src(%dma_wait3A_177 : memref<160xi32, #tpu.memory_space<hbm>>) dst(%arg10 : memref<160xi32, #tpu.memory_space<vmem>>)
          tpu.yield
        }) : () -> ()
        %get3A = arith.constant 0 : index
        %get3A_25 = tpu.vector_load %arg9[%get3A] {strides = array<i32>} : memref<160xi32, #tpu.memory_space<vmem>>, vector<16xi32>,
        %get3A_26 = arith.constant 0 : index
        %get3A_27 = tpu.vector_load %arg10[%get3A_26] {strides = array<i32>} : memref<160xi32, #tpu.memory_space<vmem>>, vector<16xi32>,
        %gather3A = tpu.vector_load_idx %arg8[%get3A_25] : memref<10240xf32, #tpu.memory_space<vmem>>[vector<16xi32>], vector<16xf32>,
        %gather3A_28 = tpu.vector_load_idx %arg8[%get3A_27] : memref<10240xf32, #tpu.memory_space<vmem>>[vector<16xi32>], vector<16xf32>,
        %mul3A_29 = arith.mulf %gather3A, %gather3A_28 : vector<16xf32>
        %swap3A = arith.constant 0 : index
        %swap3A_30 = tpu.vector_load %arg13[%swap3A] {strides = array<i32>} : memref<160xf32, #tpu.memory_space<vmem>>, vector<16xf32>,
        tpu.vector_store %arg13[%swap3A], %mul3A_29 {strides = array<i32>} : memref<160xf32, #tpu.memory_space<vmem>>, vector<16xf32>,
        %add3A_31 = vector.broadcast %mul3A_9 : i32 to vector<16xi32>
        %add3A_32 = arith.addi %get3A_25, %add3A_31 : vector<16xi32>
        %swap3A_33 = arith.constant 0 : index
        %swap3A_34 = tpu.vector_load %arg11[%swap3A_33] {strides = array<i32>} : memref<80xi32, #tpu.memory_space<vmem>>, vector<16xi32>,
        tpu.vector_store %arg11[%swap3A_33], %add3A_32 {strides = array<i32>} : memref<80xi32, #tpu.memory_space<vmem>>, vector<16xi32>,
        %get3A_35 = arith.constant 16 : index
        %get3A_36 = tpu.vector_load %arg9[%get3A_35] {strides = array<i32>} : memref<160xi32, #tpu.memory_space<vmem>>, vector<16xi32>,
        %get3A_37 = arith.constant 16 : index
        %get3A_38 = tpu.vector_load %arg10[%get3A_37] {strides = array<i32>} : memref<160xi32, #tpu.memory_space<vmem>>, vector<16xi32>,
        %gather3A_39 = tpu.vector_load_idx %arg8[%get3A_36] : memref<10240xf32, #tpu.memory_space<vmem>>[vector<16xi32>], vector<16xf32>,
        %gather3A_40 = tpu.vector_load_idx %arg8[%get3A_38] : memref<10240xf32, #tpu.memory_space<vmem>>[vector<16xi32>], vector<16xf32>,
        %mul3A_41 = arith.mulf %gather3A_39, %gather3A_40 : vector<16xf32>
        %swap3A_42 = arith.constant 16 : index
        %swap3A_43 = tpu.vector_load %arg13[%swap3A_42] {strides = array<i32>} : memref<160xf32, #tpu.memory_space<vmem>>, vector<16xf32>,
        tpu.vector_store %arg13[%swap3A_42], %mul3A_41 {strides = array<i32>} : memref<160xf32, #tpu.memory_space<vmem>>, vector<16xf32>,
        %add3A_44 = vector.broadcast %mul3A_9 : i32 to vector<16xi32>
        %add3A_45 = arith.addi %get3A_36, %add3A_44 : vector<16xi32>
        %swap3A_46 = arith.constant 16 : index
        %swap3A_47 = tpu.vector_load %arg11[%swap3A_46] {strides = array<i32>} : memref<80xi32, #tpu.memory_space<vmem>>, vector<16xi32>,
        tpu.vector_store %arg11[%swap3A_46], %add3A_45 {strides = array<i32>} : memref<80xi32, #tpu.memory_space<vmem>>, vector<16xi32>,
        %get3A_48 = arith.constant 32 : index
        %get3A_49 = tpu.vector_load %arg9[%get3A_48] {strides = array<i32>} : memref<160xi32, #tpu.memory_space<vmem>>, vector<16xi32>,
        %get3A_50 = arith.constant 32 : index
        %get3A_51 = tpu.vector_load %arg10[%get3A_50] {strides = array<i32>} : memref<160xi32, #tpu.memory_space<vmem>>, vector<16xi32>,
        %gather3A_52 = tpu.vector_load_idx %arg8[%get3A_49] : memref<10240xf32, #tpu.memory_space<vmem>>[vector<16xi32>], vector<16xf32>,
        %gather3A_53 = tpu.vector_load_idx %arg8[%get3A_51] : memref<10240xf32, #tpu.memory_space<vmem>>[vector<16xi32>], vector<16xf32>,
        %mul3A_54 = arith.mulf %gather3A_52, %gather3A_53 : vector<16xf32>
        %swap3A_55 = arith.constant 32 : index
        %swap3A_56 = tpu.vector_load %arg13[%swap3A_55] {strides = array<i32>} : memref<160xf32, #tpu.memory_space<vmem>>, vector<16xf32>,
        tpu.vector_store %arg13[%swap3A_55], %mul3A_54 {strides = array<i32>} : memref<160xf32, #tpu.memory_space<vmem>>, vector<16xf32>,
        %add3A_57 = vector.broadcast %mul3A_9 : i32 to vector<16xi32>
        %add3A_58 = arith.addi %get3A_49, %add3A_57 : vector<16xi32>
        %swap3A_59 = arith.constant 32 : index
        %swap3A_60 = tpu.vector_load %arg11[%swap3A_59] {strides = array<i32>} : memref<80xi32, #tpu.memory_space<vmem>>, vector<16xi32>,
        tpu.vector_store %arg11[%swap3A_59], %add3A_58 {strides = array<i32>} : memref<80xi32, #tpu.memory_space<vmem>>, vector<16xi32>,
        %get3A_61 = arith.constant 48 : index
        %get3A_62 = tpu.vector_load %arg9[%get3A_61] {strides = array<i32>} : memref<160xi32, #tpu.memory_space<vmem>>, vector<16xi32>,
        %get3A_63 = arith.constant 48 : index
        %get3A_64 = tpu.vector_load %arg10[%get3A_63] {strides = array<i32>} : memref<160xi32, #tpu.memory_space<vmem>>, vector<16xi32>,
        %gather3A_65 = tpu.vector_load_idx %arg8[%get3A_62] : memref<10240xf32, #tpu.memory_space<vmem>>[vector<16xi32>], vector<16xf32>,
        %gather3A_66 = tpu.vector_load_idx %arg8[%get3A_64] : memref<10240xf32, #tpu.memory_space<vmem>>[vector<16xi32>], vector<16xf32>,
        %mul3A_67 = arith.mulf %gather3A_65, %gather3A_66 : vector<16xf32>
        %swap3A_68 = arith.constant 48 : index
        %swap3A_69 = tpu.vector_load %arg13[%swap3A_68] {strides = array<i32>} : memref<160xf32, #tpu.memory_space<vmem>>, vector<16xf32>,
        tpu.vector_store %arg13[%swap3A_68], %mul3A_67 {strides = array<i32>} : memref<160xf32, #tpu.memory_space<vmem>>, vector<16xf32>,
        %add3A_70 = vector.broadcast %mul3A_9 : i32 to vector<16xi32>
        %add3A_71 = arith.addi %get3A_62, %add3A_70 : vector<16xi32>
        %swap3A_72 = arith.constant 48 : index
        %swap3A_73 = tpu.vector_load %arg11[%swap3A_72] {strides = array<i32>} : memref<80xi32, #tpu.memory_space<vmem>>, vector<16xi32>,
        tpu.vector_store %arg11[%swap3A_72], %add3A_71 {strides = array<i32>} : memref<80xi32, #tpu.memory_space<vmem>>, vector<16xi32>,
        %get3A_74 = arith.constant 64 : index
        %get3A_75 = tpu.vector_load %arg9[%get3A_74] {strides = array<i32>} : memref<160xi32, #tpu.memory_space<vmem>>, vector<16xi32>,
        %get3A_76 = arith.constant 64 : index
        %get3A_77 = tpu.vector_load %arg10[%get3A_76] {strides = array<i32>} : memref<160xi32, #tpu.memory_space<vmem>>, vector<16xi32>,
        %gather3A_78 = tpu.vector_load_idx %arg8[%get3A_75] : memref<10240xf32, #tpu.memory_space<vmem>>[vector<16xi32>], vector<16xf32>,
        %gather3A_79 = tpu.vector_load_idx %arg8[%get3A_77] : memref<10240xf32, #tpu.memory_space<vmem>>[vector<16xi32>], vector<16xf32>,
        %mul3A_80 = arith.mulf %gather3A_78, %gather3A_79 : vector<16xf32>
        %swap3A_81 = arith.constant 64 : index
        %swap3A_82 = tpu.vector_load %arg13[%swap3A_81] {strides = array<i32>} : memref<160xf32, #tpu.memory_space<vmem>>, vector<16xf32>,
        tpu.vector_store %arg13[%swap3A_81], %mul3A_80 {strides = array<i32>} : memref<160xf32, #tpu.memory_space<vmem>>, vector<16xf32>,
        %add3A_83 = vector.broadcast %mul3A_9 : i32 to vector<16xi32>
        %add3A_84 = arith.addi %get3A_75, %add3A_83 : vector<16xi32>
        %swap3A_85 = arith.constant 64 : index
        %swap3A_86 = tpu.vector_load %arg11[%swap3A_85] {strides = array<i32>} : memref<80xi32, #tpu.memory_space<vmem>>, vector<16xi32>,
        tpu.vector_store %arg11[%swap3A_85], %add3A_84 {strides = array<i32>} : memref<80xi32, #tpu.memory_space<vmem>>, vector<16xi32>,
        %get3A_87 = arith.constant 80 : index
        %get3A_88 = tpu.vector_load %arg9[%get3A_87] {strides = array<i32>} : memref<160xi32, #tpu.memory_space<vmem>>, vector<16xi32>,
        %get3A_89 = arith.constant 80 : index
        %get3A_90 = tpu.vector_load %arg10[%get3A_89] {strides = array<i32>} : memref<160xi32, #tpu.memory_space<vmem>>, vector<16xi32>,
        %gather3A_91 = tpu.vector_load_idx %arg8[%get3A_88] : memref<10240xf32, #tpu.memory_space<vmem>>[vector<16xi32>], vector<16xf32>,
        %gather3A_92 = tpu.vector_load_idx %arg8[%get3A_90] : memref<10240xf32, #tpu.memory_space<vmem>>[vector<16xi32>], vector<16xf32>,
        %mul3A_93 = arith.mulf %gather3A_91, %gather3A_92 : vector<16xf32>
        %swap3A_94 = arith.constant 80 : index
        %swap3A_95 = tpu.vector_load %arg13[%swap3A_94] {strides = array<i32>} : memref<160xf32, #tpu.memory_space<vmem>>, vector<16xf32>,
        tpu.vector_store %arg13[%swap3A_94], %mul3A_93 {strides = array<i32>} : memref<160xf32, #tpu.memory_space<vmem>>, vector<16xf32>,
        %add3A_96 = vector.broadcast %mul3A_9 : i32 to vector<16xi32>
        %add3A_97 = arith.addi %get3A_88, %add3A_96 : vector<16xi32>
        %swap3A_98 = arith.constant 0 : index
        %swap3A_99 = tpu.vector_load %arg12[%swap3A_98] {strides = array<i32>} : memref<80xi32, #tpu.memory_space<vmem>>, vector<16xi32>,
        tpu.vector_store %arg12[%swap3A_98], %add3A_97 {strides = array<i32>} : memref<80xi32, #tpu.memory_space<vmem>>, vector<16xi32>,
        %get3A_100 = arith.constant 96 : index
        %get3A_101 = tpu.vector_load %arg9[%get3A_100] {strides = array<i32>} : memref<160xi32, #tpu.memory_space<vmem>>, vector<16xi32>,
        %get3A_102 = arith.constant 96 : index
        %get3A_103 = tpu.vector_load %arg10[%get3A_102] {strides = array<i32>} : memref<160xi32, #tpu.memory_space<vmem>>, vector<16xi32>,
        %gather3A_104 = tpu.vector_load_idx %arg8[%get3A_101] : memref<10240xf32, #tpu.memory_space<vmem>>[vector<16xi32>], vector<16xf32>,
        %gather3A_105 = tpu.vector_load_idx %arg8[%get3A_103] : memref<10240xf32, #tpu.memory_space<vmem>>[vector<16xi32>], vector<16xf32>,
        %mul3A_106 = arith.mulf %gather3A_104, %gather3A_105 : vector<16xf32>
        %swap3A_107 = arith.constant 96 : index
        %swap3A_108 = tpu.vector_load %arg13[%swap3A_107] {strides = array<i32>} : memref<160xf32, #tpu.memory_space<vmem>>, vector<16xf32>,
        tpu.vector_store %arg13[%swap3A_107], %mul3A_106 {strides = array<i32>} : memref<160xf32, #tpu.memory_space<vmem>>, vector<16xf32>,
        %add3A_109 = vector.broadcast %mul3A_9 : i32 to vector<16xi32>
        %add3A_110 = arith.addi %get3A_101, %add3A_109 : vector<16xi32>
        %swap3A_111 = arith.constant 16 : index
        %swap3A_112 = tpu.vector_load %arg12[%swap3A_111] {strides = array<i32>} : memref<80xi32, #tpu.memory_space<vmem>>, vector<16xi32>,
        tpu.vector_store %arg12[%swap3A_111], %add3A_110 {strides = array<i32>} : memref<80xi32, #tpu.memory_space<vmem>>, vector<16xi32>,
        %get3A_113 = arith.constant 112 : index
        %get3A_114 = tpu.vector_load %arg9[%get3A_113] {strides = array<i32>} : memref<160xi32, #tpu.memory_space<vmem>>, vector<16xi32>,
        %get3A_115 = arith.constant 112 : index
        %get3A_116 = tpu.vector_load %arg10[%get3A_115] {strides = array<i32>} : memref<160xi32, #tpu.memory_space<vmem>>, vector<16xi32>,
        %gather3A_117 = tpu.vector_load_idx %arg8[%get3A_114] : memref<10240xf32, #tpu.memory_space<vmem>>[vector<16xi32>], vector<16xf32>,
        %gather3A_118 = tpu.vector_load_idx %arg8[%get3A_116] : memref<10240xf32, #tpu.memory_space<vmem>>[vector<16xi32>], vector<16xf32>,
        %mul3A_119 = arith.mulf %gather3A_117, %gather3A_118 : vector<16xf32>
        %swap3A_120 = arith.constant 112 : index
        %swap3A_121 = tpu.vector_load %arg13[%swap3A_120] {strides = array<i32>} : memref<160xf32, #tpu.memory_space<vmem>>, vector<16xf32>,
        tpu.vector_store %arg13[%swap3A_120], %mul3A_119 {strides = array<i32>} : memref<160xf32, #tpu.memory_space<vmem>>, vector<16xf32>,
        %add3A_122 = vector.broadcast %mul3A_9 : i32 to vector<16xi32>
        %add3A_123 = arith.addi %get3A_114, %add3A_122 : vector<16xi32>
        %swap3A_124 = arith.constant 32 : index
        %swap3A_125 = tpu.vector_load %arg12[%swap3A_124] {strides = array<i32>} : memref<80xi32, #tpu.memory_space<vmem>>, vector<16xi32>,
        tpu.vector_store %arg12[%swap3A_124], %add3A_123 {strides = array<i32>} : memref<80xi32, #tpu.memory_space<vmem>>, vector<16xi32>,
        %get3A_126 = arith.constant 128 : index
        %get3A_127 = tpu.vector_load %arg9[%get3A_126] {strides = array<i32>} : memref<160xi32, #tpu.memory_space<vmem>>, vector<16xi32>,
        %get3A_128 = arith.constant 128 : index
        %get3A_129 = tpu.vector_load %arg10[%get3A_128] {strides = array<i32>} : memref<160xi32, #tpu.memory_space<vmem>>, vector<16xi32>,
        %gather3A_130 = tpu.vector_load_idx %arg8[%get3A_127] : memref<10240xf32, #tpu.memory_space<vmem>>[vector<16xi32>], vector<16xf32>,
        %gather3A_131 = tpu.vector_load_idx %arg8[%get3A_129] : memref<10240xf32, #tpu.memory_space<vmem>>[vector<16xi32>], vector<16xf32>,
        %mul3A_132 = arith.mulf %gather3A_130, %gather3A_131 : vector<16xf32>
        %swap3A_133 = arith.constant 128 : index
        %swap3A_134 = tpu.vector_load %arg13[%swap3A_133] {strides = array<i32>} : memref<160xf32, #tpu.memory_space<vmem>>, vector<16xf32>,
        tpu.vector_store %arg13[%swap3A_133], %mul3A_132 {strides = array<i32>} : memref<160xf32, #tpu.memory_space<vmem>>, vector<16xf32>,
        %add3A_135 = vector.broadcast %mul3A_9 : i32 to vector<16xi32>
        %add3A_136 = arith.addi %get3A_127, %add3A_135 : vector<16xi32>
        %swap3A_137 = arith.constant 48 : index
        %swap3A_138 = tpu.vector_load %arg12[%swap3A_137] {strides = array<i32>} : memref<80xi32, #tpu.memory_space<vmem>>, vector<16xi32>,
        tpu.vector_store %arg12[%swap3A_137], %add3A_136 {strides = array<i32>} : memref<80xi32, #tpu.memory_space<vmem>>, vector<16xi32>,
        %get3A_139 = arith.constant 144 : index
        %get3A_140 = tpu.vector_load %arg9[%get3A_139] {strides = array<i32>} : memref<160xi32, #tpu.memory_space<vmem>>, vector<16xi32>,
        %get3A_141 = arith.constant 144 : index
        %get3A_142 = tpu.vector_load %arg10[%get3A_141] {strides = array<i32>} : memref<160xi32, #tpu.memory_space<vmem>>, vector<16xi32>,
        %gather3A_143 = tpu.vector_load_idx %arg8[%get3A_140] : memref<10240xf32, #tpu.memory_space<vmem>>[vector<16xi32>], vector<16xf32>,
        %gather3A_144 = tpu.vector_load_idx %arg8[%get3A_142] : memref<10240xf32, #tpu.memory_space<vmem>>[vector<16xi32>], vector<16xf32>,
        %mul3A_145 = arith.mulf %gather3A_143, %gather3A_144 : vector<16xf32>
        %swap3A_146 = arith.constant 144 : index
        %swap3A_147 = tpu.vector_load %arg13[%swap3A_146] {strides = array<i32>} : memref<160xf32, #tpu.memory_space<vmem>>, vector<16xf32>,
        tpu.vector_store %arg13[%swap3A_146], %mul3A_145 {strides = array<i32>} : memref<160xf32, #tpu.memory_space<vmem>>, vector<16xf32>,
        %add3A_148 = vector.broadcast %mul3A_9 : i32 to vector<16xi32>
        %add3A_149 = arith.addi %get3A_140, %add3A_148 : vector<16xi32>
        %swap3A_150 = arith.constant 64 : index
        %swap3A_151 = tpu.vector_load %arg12[%swap3A_150] {strides = array<i32>} : memref<80xi32, #tpu.memory_space<vmem>>, vector<16xi32>,
        tpu.vector_store %arg12[%swap3A_150], %add3A_149 {strides = array<i32>} : memref<80xi32, #tpu.memory_space<vmem>>, vector<16xi32>,
        %dma_start3A = arith.constant 0 : i32
        %dma_start3A_152 = arith.constant 0 : i32
        %dma_start3A_153 = tpu.memref_slice %arg14[%dma_start3A, %dma_start3A_152] : memref<160x128xf32, #tpu.memory_space<vmem>> -> memref<80x128xf32, #tpu.memory_space<vmem>>
        %dma_start3A_154 = arith.constant 0 : i32
        %dma_start3A_155 = arith.constant 0 : i32
        %dma_start3A_156 = tpu.memref_slice %arg5[%dma_start3A_154, %dma_start3A_155] : memref<40000x128xf32, #tpu.memory_space<hbm>> -> memref<40000x128xf32, #tpu.memory_space<hbm>>
        tpu.enqueue_indirect_dma source(%dma_start3A_156 : memref<40000x128xf32, #tpu.memory_space<hbm>>) target(%dma_start3A_153 : memref<80x128xf32, #tpu.memory_space<vmem>>) offsets(%arg11 : memref<80xi32, #tpu.memory_space<vmem>>) semaphore(%arg15 : memref<!tpu.dma_semaphore, #tpu.memory_space<semaphore_mem>>)
        %dma_start3A_157 = arith.constant 80 : i32
        %dma_start3A_158 = arith.constant 0 : i32
        %dma_start3A_159 = tpu.memref_slice %arg14[%dma_start3A_157, %dma_start3A_158] : memref<160x128xf32, #tpu.memory_space<vmem>> -> memref<80x128xf32, #tpu.memory_space<vmem>>
        %dma_start3A_160 = arith.constant 0 : i32
        %dma_start3A_161 = arith.constant 0 : i32
        %dma_start3A_162 = tpu.memref_slice %arg5[%dma_start3A_160, %dma_start3A_161] : memref<40000x128xf32, #tpu.memory_space<hbm>> -> memref<40000x128xf32, #tpu.memory_space<hbm>>
        tpu.enqueue_indirect_dma source(%dma_start3A_162 : memref<40000x128xf32, #tpu.memory_space<hbm>>) target(%dma_start3A_159 : memref<80x128xf32, #tpu.memory_space<vmem>>) offsets(%arg12 : memref<80xi32, #tpu.memory_space<vmem>>) semaphore(%arg15 : memref<!tpu.dma_semaphore, #tpu.memory_space<semaphore_mem>>)
        %dma_wait3A = arith.constant 0 : i32
        %dma_wait3A_163 = arith.constant 0 : i32
        %dma_wait3A_164 = tpu.memref_slice %arg14[%dma_wait3A, %dma_wait3A_163] : memref<160x128xf32, #tpu.memory_space<vmem>> -> memref<80x128xf32, #tpu.memory_space<vmem>>
        %dma_wait3A_165 = arith.constant 0 : i32
        %dma_wait3A_166 = arith.constant 0 : i32
        %dma_wait3A_167 = tpu.memref_slice %arg5[%dma_wait3A_165, %dma_wait3A_166] : memref<40000x128xf32, #tpu.memory_space<hbm>> -> memref<40000x128xf32, #tpu.memory_space<hbm>>
        tpu.wait_indirect_dma semaphore(%arg15 : memref<!tpu.dma_semaphore, #tpu.memory_space<semaphore_mem>>) src(%dma_wait3A_167 : memref<40000x128xf32, #tpu.memory_space<hbm>>) dst(%dma_wait3A_164 : memref<80x128xf32, #tpu.memory_space<vmem>>)
        %dma_wait3A_168 = arith.constant 80 : i32
        %dma_wait3A_169 = arith.constant 0 : i32
        %dma_wait3A_170 = tpu.memref_slice %arg14[%dma_wait3A_168, %dma_wait3A_169] : memref<160x128xf32, #tpu.memory_space<vmem>> -> memref<80x128xf32, #tpu.memory_space<vmem>>
        %dma_wait3A_171 = arith.constant 0 : i32
        %dma_wait3A_172 = arith.constant 0 : i32
        %dma_wait3A_173 = tpu.memref_slice %arg5[%dma_wait3A_171, %dma_wait3A_172] : memref<40000x128xf32, #tpu.memory_space<hbm>> -> memref<40000x128xf32, #tpu.memory_space<hbm>>
        tpu.wait_indirect_dma semaphore(%arg15 : memref<!tpu.dma_semaphore, #tpu.memory_space<semaphore_mem>>) src(%dma_wait3A_173 : memref<40000x128xf32, #tpu.memory_space<hbm>>) dst(%dma_wait3A_170 : memref<80x128xf32, #tpu.memory_space<vmem>>)
        "tpu.region"() ({
          %run_scoped3A = tpu.sem_alloc : memref<!tpu.dma_semaphore, #tpu.memory_space<semaphore_mem>>
          %dma_start3A_174 = arith.constant 0 : i32
          %dma_start3A_175 = tpu.memref_slice %arg6[%multiple_of3A_24, %dma_start3A_174] : memref<1320960x128xf32, #tpu.memory_space<hbm>> -> memref<160x128xf32, #tpu.memory_space<hbm>>
          %dma_start3A_176 = arith.constant 0 : i32
          %dma_start3A_177 = tpu.memref_slice %arg6[%multiple_of3A_24, %dma_start3A_176] : memref<1320960x128xf32, #tpu.memory_space<hbm>> -> memref<160x128xf32, #tpu.memory_space<hbm>>
          tpu.enqueue_dma source(%arg14 : memref<160x128xf32, #tpu.memory_space<vmem>>) target(%dma_start3A_177 : memref<160x128xf32, #tpu.memory_space<hbm>>) target_semaphore(%run_scoped3A : memref<!tpu.dma_semaphore, #tpu.memory_space<semaphore_mem>>)
          %dma_wait3A_178 = arith.constant 0 : i32
          %dma_wait3A_179 = tpu.memref_slice %arg6[%multiple_of3A_24, %dma_wait3A_178] : memref<1320960x128xf32, #tpu.memory_space<hbm>> -> memref<160x128xf32, #tpu.memory_space<hbm>>
          %dma_wait3A_180 = arith.constant 0 : i32
          %dma_wait3A_181 = tpu.memref_slice %arg6[%multiple_of3A_24, %dma_wait3A_180] : memref<1320960x128xf32, #tpu.memory_space<hbm>> -> memref<160x128xf32, #tpu.memory_space<hbm>>
          tpu.wait_dma2 semaphore(%run_scoped3A : memref<!tpu.dma_semaphore, #tpu.memory_space<semaphore_mem>>) src(%arg14 : memref<160x128xf32, #tpu.memory_space<vmem>>) dst(%dma_wait3A_181 : memref<160x128xf32, #tpu.memory_space<hbm>>)
          tpu.yield
        }) : () -> ()
        "tpu.region"() ({
          %run_scoped3A = tpu.sem_alloc : memref<!tpu.dma_semaphore, #tpu.memory_space<semaphore_mem>>
          %dma_start3A_174 = tpu.memref_slice %arg7[%multiple_of3A_24] : memref<1320960xf32, #tpu.memory_space<hbm>> -> memref<160xf32, #tpu.memory_space<hbm>>
          %dma_start3A_175 = tpu.memref_slice %arg7[%multiple_of3A_24] : memref<1320960xf32, #tpu.memory_space<hbm>> -> memref<160xf32, #tpu.memory_space<hbm>>
          tpu.enqueue_dma source(%arg13 : memref<160xf32, #tpu.memory_space<vmem>>) target(%dma_start3A_175 : memref<160xf32, #tpu.memory_space<hbm>>) target_semaphore(%run_scoped3A : memref<!tpu.dma_semaphore, #tpu.memory_space<semaphore_mem>>)
          %dma_wait3A_176 = tpu.memref_slice %arg7[%multiple_of3A_24] : memref<1320960xf32, #tpu.memory_space<hbm>> -> memref<160xf32, #tpu.memory_space<hbm>>
          %dma_wait3A_177 = tpu.memref_slice %arg7[%multiple_of3A_24] : memref<1320960xf32, #tpu.memory_space<hbm>> -> memref<160xf32, #tpu.memory_space<hbm>>
          tpu.wait_dma2 semaphore(%run_scoped3A : memref<!tpu.dma_semaphore, #tpu.memory_space<semaphore_mem>>) src(%arg13 : memref<160xf32, #tpu.memory_space<vmem>>) dst(%dma_wait3A_177 : memref<160xf32, #tpu.memory_space<hbm>>)
          tpu.yield
        }) : () -> ()
      }
      %scan3A_14 = arith.constant 129 : i32
    }
    %scan3A_3 = arith.constant 2 : i32
    return
  }
}

#map = affine_map<(d0, d1) -> (0)>
module attributes {stable_mosaic.version = 14 : i64} {
  func.func @_deg_a(%arg0: i32, %arg1: i32, %arg2: memref<1280000xi32, #tpu.memory_space<hbm>>, %arg3: memref<1280000xi32, #tpu.memory_space<hbm>>, %arg4: memref<40960xf32, #tpu.memory_space<hbm>>, %arg5: memref<40960xf32, #tpu.memory_space<hbm>>, %arg6: memref<20000xi32, #tpu.memory_space<vmem>>, %arg7: memref<20000xi32, #tpu.memory_space<vmem>>, %arg8: memref<10240xf32, #tpu.memory_space<vmem>>, %arg9: memref<10240xf32, #tpu.memory_space<vmem>>, %arg10: memref<16x640xf32, #tpu.memory_space<vmem>>, %arg11: memref<640xf32, #tpu.memory_space<vmem>>, %arg12: memref<16x10240xf32, #tpu.memory_space<vmem_shared>>, %arg13: memref<10240xf32, #tpu.memory_space<vmem_shared>>) attributes {dimension_semantics = [#tpu.dimension_semantics<core_parallel>, #tpu.dimension_semantics<subcore_parallel>], iteration_bounds = array<i64: 2, 16>, scalar_prefetch = 0 : i64, scratch_operands = 8 : i64, tpu.core_type = #tpu.core_type<sc_vector_subcore>, window_params = [{transform_indices = #map}, {transform_indices = #map}, {transform_indices = #map}, {transform_indices = #map}]} {
    %mul3A = arith.constant 640 : i32
    %mul3A_0 = arith.muli %arg1, %mul3A : i32
    %mul3A_1 = arith.constant 20000 : i32
    %mul3A_2 = arith.muli %arg1, %mul3A_1 : i32
    %broadcast_in_dim3A = arith.constant 0.000000e+00 : f32
    %broadcast_in_dim3A_3 = vector.broadcast %broadcast_in_dim3A : f32 to vector<16xf32>
    %broadcast_in_dim3A_4 = arith.constant 1.000000e+00 : f32
    %broadcast_in_dim3A_5 = vector.broadcast %broadcast_in_dim3A_4 : f32 to vector<16xf32>
    %scan3A = arith.constant 0 : i32
    %scan3A_6 = arith.constant 2 : i32
    %scan3A_7 = arith.addi %scan3A, %scan3A_6 : i32
    %scan3A_8 = arith.constant 1 : i32
    scf.for %scan3A_10 = %scan3A to %scan3A_7 step %scan3A_8  : i32 {
      %mul3A_11 = arith.constant 2 : i32
      %mul3A_12 = arith.muli %arg0, %mul3A_11 : i32
      %add3A = arith.addi %mul3A_12, %scan3A_10 : i32
      %mul3A_13 = arith.constant 320000 : i32
      %mul3A_14 = arith.muli %add3A, %mul3A_13 : i32
      %add3A_15 = arith.addi %mul3A_14, %mul3A_2 : i32
      %multiple_of3A = tpu.assume_multiple %add3A_15, 8 : i32
      %mul3A_16 = arith.constant 10240 : i32
      %mul3A_17 = arith.muli %add3A, %mul3A_16 : i32
      %add3A_18 = arith.addi %mul3A_17, %mul3A_0 : i32
      %multiple_of3A_19 = tpu.assume_multiple %add3A_18, 8 : i32
      "tpu.region"() ({
        %run_scoped3A = tpu.sem_alloc : memref<!tpu.dma_semaphore, #tpu.memory_space<semaphore_mem>>
        %dma_start3A = tpu.memref_slice %arg2[%multiple_of3A] : memref<1280000xi32, #tpu.memory_space<hbm>> -> memref<20000xi32, #tpu.memory_space<hbm>>
        %dma_start3A_53 = tpu.memref_slice %arg2[%multiple_of3A] : memref<1280000xi32, #tpu.memory_space<hbm>> -> memref<20000xi32, #tpu.memory_space<hbm>>
        tpu.enqueue_dma source(%dma_start3A_53 : memref<20000xi32, #tpu.memory_space<hbm>>) target(%arg6 : memref<20000xi32, #tpu.memory_space<vmem>>) target_semaphore(%run_scoped3A : memref<!tpu.dma_semaphore, #tpu.memory_space<semaphore_mem>>)
        %dma_wait3A = tpu.memref_slice %arg2[%multiple_of3A] : memref<1280000xi32, #tpu.memory_space<hbm>> -> memref<20000xi32, #tpu.memory_space<hbm>>
        %dma_wait3A_54 = tpu.memref_slice %arg2[%multiple_of3A] : memref<1280000xi32, #tpu.memory_space<hbm>> -> memref<20000xi32, #tpu.memory_space<hbm>>
        tpu.wait_dma2 semaphore(%run_scoped3A : memref<!tpu.dma_semaphore, #tpu.memory_space<semaphore_mem>>) src(%dma_wait3A_54 : memref<20000xi32, #tpu.memory_space<hbm>>) dst(%arg6 : memref<20000xi32, #tpu.memory_space<vmem>>)
        tpu.yield
      }) : () -> ()
      "tpu.region"() ({
        %run_scoped3A = tpu.sem_alloc : memref<!tpu.dma_semaphore, #tpu.memory_space<semaphore_mem>>
        %dma_start3A = tpu.memref_slice %arg3[%multiple_of3A] : memref<1280000xi32, #tpu.memory_space<hbm>> -> memref<20000xi32, #tpu.memory_space<hbm>>
        %dma_start3A_53 = tpu.memref_slice %arg3[%multiple_of3A] : memref<1280000xi32, #tpu.memory_space<hbm>> -> memref<20000xi32, #tpu.memory_space<hbm>>
        tpu.enqueue_dma source(%dma_start3A_53 : memref<20000xi32, #tpu.memory_space<hbm>>) target(%arg7 : memref<20000xi32, #tpu.memory_space<vmem>>) target_semaphore(%run_scoped3A : memref<!tpu.dma_semaphore, #tpu.memory_space<semaphore_mem>>)
        %dma_wait3A = tpu.memref_slice %arg3[%multiple_of3A] : memref<1280000xi32, #tpu.memory_space<hbm>> -> memref<20000xi32, #tpu.memory_space<hbm>>
        %dma_wait3A_54 = tpu.memref_slice %arg3[%multiple_of3A] : memref<1280000xi32, #tpu.memory_space<hbm>> -> memref<20000xi32, #tpu.memory_space<hbm>>
        tpu.wait_dma2 semaphore(%run_scoped3A : memref<!tpu.dma_semaphore, #tpu.memory_space<semaphore_mem>>) src(%dma_wait3A_54 : memref<20000xi32, #tpu.memory_space<hbm>>) dst(%arg7 : memref<20000xi32, #tpu.memory_space<vmem>>)
        tpu.yield
      }) : () -> ()
      %scan3A_20 = arith.constant 0 : i32
      %scan3A_21 = arith.constant 640 : i32
      %scan3A_22 = arith.addi %scan3A_20, %scan3A_21 : i32
      %scan3A_23 = arith.constant 1 : i32
      scf.for %scan3A_53 = %scan3A_20 to %scan3A_22 step %scan3A_23  : i32 {
        %mul3A_54 = arith.constant 16 : i32
        %mul3A_55 = arith.muli %scan3A_53, %mul3A_54 : i32
        %swap3A = arith.index_cast %mul3A_55 : i32 to index
        %swap3A_56 = tpu.vector_load %arg9[%swap3A] {strides = array<i32>} : memref<10240xf32, #tpu.memory_space<vmem>>, vector<16xf32>,
        tpu.vector_store %arg9[%swap3A], %broadcast_in_dim3A_3 {strides = array<i32>} : memref<10240xf32, #tpu.memory_space<vmem>>, vector<16xf32>,
      }
      %scan3A_24 = arith.constant 640 : i32
      %scan3A_25 = arith.constant 0 : i32
      %scan3A_26 = arith.constant 1250 : i32
      %scan3A_27 = arith.addi %scan3A_25, %scan3A_26 : i32
      %scan3A_28 = arith.constant 1 : i32
      scf.for %scan3A_53 = %scan3A_25 to %scan3A_27 step %scan3A_28  : i32 {
        %mul3A_54 = arith.constant 16 : i32
        %mul3A_55 = arith.muli %scan3A_53, %mul3A_54 : i32
        %get3A = arith.index_cast %mul3A_55 : i32 to index
        %get3A_56 = tpu.vector_load %arg7[%get3A] {strides = array<i32>} : memref<20000xi32, #tpu.memory_space<vmem>>, vector<16xi32>,
        tpu.vector_store_idx %arg9[%get3A_56], %broadcast_in_dim3A_5 {add = true} : memref<10240xf32, #tpu.memory_space<vmem>>[vector<16xi32>], vector<16xf32>,
      }
      %scan3A_29 = arith.constant 1250 : i32
      "tpu.region"() ({
        %run_scoped3A = tpu.sem_alloc : memref<!tpu.dma_semaphore, #tpu.memory_space<semaphore_mem>>
        %dma_start3A = arith.constant 0 : i32
        %dma_start3A_53 = tpu.memref_slice %arg12[%arg1, %dma_start3A] : memref<16x10240xf32, #tpu.memory_space<vmem_shared>> -> memref<1x10240xf32, #tpu.memory_space<vmem_shared>>
        %dma_start3A_54 = tpu.memref_squeeze %dma_start3A_53 : memref<1x10240xf32, #tpu.memory_space<vmem_shared>> -> memref<10240xf32, #tpu.memory_space<vmem_shared>>
        %dma_start3A_55 = arith.constant 0 : i32
        %dma_start3A_56 = tpu.memref_slice %arg12[%arg1, %dma_start3A_55] : memref<16x10240xf32, #tpu.memory_space<vmem_shared>> -> memref<1x10240xf32, #tpu.memory_space<vmem_shared>>
        %dma_start3A_57 = tpu.memref_squeeze %dma_start3A_56 : memref<1x10240xf32, #tpu.memory_space<vmem_shared>> -> memref<10240xf32, #tpu.memory_space<vmem_shared>>
        tpu.enqueue_dma source(%arg9 : memref<10240xf32, #tpu.memory_space<vmem>>) target(%dma_start3A_57 : memref<10240xf32, #tpu.memory_space<vmem_shared>>) target_semaphore(%run_scoped3A : memref<!tpu.dma_semaphore, #tpu.memory_space<semaphore_mem>>)
        %dma_wait3A = arith.constant 0 : i32
        %dma_wait3A_58 = tpu.memref_slice %arg12[%arg1, %dma_wait3A] : memref<16x10240xf32, #tpu.memory_space<vmem_shared>> -> memref<1x10240xf32, #tpu.memory_space<vmem_shared>>
        %dma_wait3A_59 = tpu.memref_squeeze %dma_wait3A_58 : memref<1x10240xf32, #tpu.memory_space<vmem_shared>> -> memref<10240xf32, #tpu.memory_space<vmem_shared>>
        %dma_wait3A_60 = arith.constant 0 : i32
        %dma_wait3A_61 = tpu.memref_slice %arg12[%arg1, %dma_wait3A_60] : memref<16x10240xf32, #tpu.memory_space<vmem_shared>> -> memref<1x10240xf32, #tpu.memory_space<vmem_shared>>
        %dma_wait3A_62 = tpu.memref_squeeze %dma_wait3A_61 : memref<1x10240xf32, #tpu.memory_space<vmem_shared>> -> memref<10240xf32, #tpu.memory_space<vmem_shared>>
        tpu.wait_dma2 semaphore(%run_scoped3A : memref<!tpu.dma_semaphore, #tpu.memory_space<semaphore_mem>>) src(%arg9 : memref<10240xf32, #tpu.memory_space<vmem>>) dst(%dma_wait3A_62 : memref<10240xf32, #tpu.memory_space<vmem_shared>>)
        tpu.yield
      }) : () -> ()
      %barrier3A = arith.constant 0 : index
      tpu.barrier barrier_id(%barrier3A)
      "tpu.region"() ({
        %run_scoped3A = tpu.sem_alloc : memref<!tpu.dma_semaphore, #tpu.memory_space<semaphore_mem>>
        %dma_start3A = arith.constant 0 : i32
        %dma_start3A_53 = tpu.memref_slice %arg12[%dma_start3A, %mul3A_0] : memref<16x10240xf32, #tpu.memory_space<vmem_shared>> -> memref<16x640xf32, #tpu.memory_space<vmem_shared>>
        %dma_start3A_54 = arith.constant 0 : i32
        %dma_start3A_55 = tpu.memref_slice %arg12[%dma_start3A_54, %mul3A_0] : memref<16x10240xf32, #tpu.memory_space<vmem_shared>> -> memref<16x640xf32, #tpu.memory_space<vmem_shared>>
        tpu.enqueue_dma source(%dma_start3A_55 : memref<16x640xf32, #tpu.memory_space<vmem_shared>>) target(%arg10 : memref<16x640xf32, #tpu.memory_space<vmem>>) target_semaphore(%run_scoped3A : memref<!tpu.dma_semaphore, #tpu.memory_space<semaphore_mem>>)
        %dma_wait3A = arith.constant 0 : i32
        %dma_wait3A_56 = tpu.memref_slice %arg12[%dma_wait3A, %mul3A_0] : memref<16x10240xf32, #tpu.memory_space<vmem_shared>> -> memref<16x640xf32, #tpu.memory_space<vmem_shared>>
        %dma_wait3A_57 = arith.constant 0 : i32
        %dma_wait3A_58 = tpu.memref_slice %arg12[%dma_wait3A_57, %mul3A_0] : memref<16x10240xf32, #tpu.memory_space<vmem_shared>> -> memref<16x640xf32, #tpu.memory_space<vmem_shared>>
        tpu.wait_dma2 semaphore(%run_scoped3A : memref<!tpu.dma_semaphore, #tpu.memory_space<semaphore_mem>>) src(%dma_wait3A_58 : memref<16x640xf32, #tpu.memory_space<vmem_shared>>) dst(%arg10 : memref<16x640xf32, #tpu.memory_space<vmem>>)
        tpu.yield
      }) : () -> ()
      %scan3A_30 = arith.constant 0 : i32
      %scan3A_31 = arith.constant 40 : i32
      %scan3A_32 = arith.addi %scan3A_30, %scan3A_31 : i32
      %scan3A_33 = arith.constant 1 : i32
      scf.for %scan3A_53 = %scan3A_30 to %scan3A_32 step %scan3A_33  : i32 {
        %mul3A_54 = arith.constant 16 : i32
        %mul3A_55 = arith.muli %scan3A_53, %mul3A_54 : i32
        %get3A = arith.constant 0 : i32
        %get3A_56 = arith.index_cast %get3A : i32 to index
        %get3A_57 = arith.index_cast %mul3A_55 : i32 to index
        %get3A_58 = tpu.vector_load %arg10[%get3A_56, %get3A_57] {strides = array<i32>} : memref<16x640xf32, #tpu.memory_space<vmem>>, vector<16xf32>,
        %get3A_59 = arith.constant 1 : i32
        %get3A_60 = arith.index_cast %get3A_59 : i32 to index
        %get3A_61 = arith.index_cast %mul3A_55 : i32 to index
        %get3A_62 = tpu.vector_load %arg10[%get3A_60, %get3A_61] {strides = array<i32>} : memref<16x640xf32, #tpu.memory_space<vmem>>, vector<16xf32>,
        %add3A_63 = arith.addf %get3A_58, %get3A_62 : vector<16xf32>
        %get3A_64 = arith.constant 2 : i32
        %get3A_65 = arith.index_cast %get3A_64 : i32 to index
        %get3A_66 = arith.index_cast %mul3A_55 : i32 to index
        %get3A_67 = tpu.vector_load %arg10[%get3A_65, %get3A_66] {strides = array<i32>} : memref<16x640xf32, #tpu.memory_space<vmem>>, vector<16xf32>,
        %add3A_68 = arith.addf %add3A_63, %get3A_67 : vector<16xf32>
        %get3A_69 = arith.constant 3 : i32
        %get3A_70 = arith.index_cast %get3A_69 : i32 to index
        %get3A_71 = arith.index_cast %mul3A_55 : i32 to index
        %get3A_72 = tpu.vector_load %arg10[%get3A_70, %get3A_71] {strides = array<i32>} : memref<16x640xf32, #tpu.memory_space<vmem>>, vector<16xf32>,
        %add3A_73 = arith.addf %add3A_68, %get3A_72 : vector<16xf32>
        %get3A_74 = arith.constant 4 : i32
        %get3A_75 = arith.index_cast %get3A_74 : i32 to index
        %get3A_76 = arith.index_cast %mul3A_55 : i32 to index
        %get3A_77 = tpu.vector_load %arg10[%get3A_75, %get3A_76] {strides = array<i32>} : memref<16x640xf32, #tpu.memory_space<vmem>>, vector<16xf32>,
        %add3A_78 = arith.addf %add3A_73, %get3A_77 : vector<16xf32>
        %get3A_79 = arith.constant 5 : i32
        %get3A_80 = arith.index_cast %get3A_79 : i32 to index
        %get3A_81 = arith.index_cast %mul3A_55 : i32 to index
        %get3A_82 = tpu.vector_load %arg10[%get3A_80, %get3A_81] {strides = array<i32>} : memref<16x640xf32, #tpu.memory_space<vmem>>, vector<16xf32>,
        %add3A_83 = arith.addf %add3A_78, %get3A_82 : vector<16xf32>
        %get3A_84 = arith.constant 6 : i32
        %get3A_85 = arith.index_cast %get3A_84 : i32 to index
        %get3A_86 = arith.index_cast %mul3A_55 : i32 to index
        %get3A_87 = tpu.vector_load %arg10[%get3A_85, %get3A_86] {strides = array<i32>} : memref<16x640xf32, #tpu.memory_space<vmem>>, vector<16xf32>,
        %add3A_88 = arith.addf %add3A_83, %get3A_87 : vector<16xf32>
        %get3A_89 = arith.constant 7 : i32
        %get3A_90 = arith.index_cast %get3A_89 : i32 to index
        %get3A_91 = arith.index_cast %mul3A_55 : i32 to index
        %get3A_92 = tpu.vector_load %arg10[%get3A_90, %get3A_91] {strides = array<i32>} : memref<16x640xf32, #tpu.memory_space<vmem>>, vector<16xf32>,
        %add3A_93 = arith.addf %add3A_88, %get3A_92 : vector<16xf32>
        %get3A_94 = arith.constant 8 : i32
        %get3A_95 = arith.index_cast %get3A_94 : i32 to index
        %get3A_96 = arith.index_cast %mul3A_55 : i32 to index
        %get3A_97 = tpu.vector_load %arg10[%get3A_95, %get3A_96] {strides = array<i32>} : memref<16x640xf32, #tpu.memory_space<vmem>>, vector<16xf32>,
        %add3A_98 = arith.addf %add3A_93, %get3A_97 : vector<16xf32>
        %get3A_99 = arith.constant 9 : i32
        %get3A_100 = arith.index_cast %get3A_99 : i32 to index
        %get3A_101 = arith.index_cast %mul3A_55 : i32 to index
        %get3A_102 = tpu.vector_load %arg10[%get3A_100, %get3A_101] {strides = array<i32>} : memref<16x640xf32, #tpu.memory_space<vmem>>, vector<16xf32>,
        %add3A_103 = arith.addf %add3A_98, %get3A_102 : vector<16xf32>
        %get3A_104 = arith.constant 10 : i32
        %get3A_105 = arith.index_cast %get3A_104 : i32 to index
        %get3A_106 = arith.index_cast %mul3A_55 : i32 to index
        %get3A_107 = tpu.vector_load %arg10[%get3A_105, %get3A_106] {strides = array<i32>} : memref<16x640xf32, #tpu.memory_space<vmem>>, vector<16xf32>,
        %add3A_108 = arith.addf %add3A_103, %get3A_107 : vector<16xf32>
        %get3A_109 = arith.constant 11 : i32
        %get3A_110 = arith.index_cast %get3A_109 : i32 to index
        %get3A_111 = arith.index_cast %mul3A_55 : i32 to index
        %get3A_112 = tpu.vector_load %arg10[%get3A_110, %get3A_111] {strides = array<i32>} : memref<16x640xf32, #tpu.memory_space<vmem>>, vector<16xf32>,
        %add3A_113 = arith.addf %add3A_108, %get3A_112 : vector<16xf32>
        %get3A_114 = arith.constant 12 : i32
        %get3A_115 = arith.index_cast %get3A_114 : i32 to index
        %get3A_116 = arith.index_cast %mul3A_55 : i32 to index
        %get3A_117 = tpu.vector_load %arg10[%get3A_115, %get3A_116] {strides = array<i32>} : memref<16x640xf32, #tpu.memory_space<vmem>>, vector<16xf32>,
        %add3A_118 = arith.addf %add3A_113, %get3A_117 : vector<16xf32>
        %get3A_119 = arith.constant 13 : i32
        %get3A_120 = arith.index_cast %get3A_119 : i32 to index
        %get3A_121 = arith.index_cast %mul3A_55 : i32 to index
        %get3A_122 = tpu.vector_load %arg10[%get3A_120, %get3A_121] {strides = array<i32>} : memref<16x640xf32, #tpu.memory_space<vmem>>, vector<16xf32>,
        %add3A_123 = arith.addf %add3A_118, %get3A_122 : vector<16xf32>
        %get3A_124 = arith.constant 14 : i32
        %get3A_125 = arith.index_cast %get3A_124 : i32 to index
        %get3A_126 = arith.index_cast %mul3A_55 : i32 to index
        %get3A_127 = tpu.vector_load %arg10[%get3A_125, %get3A_126] {strides = array<i32>} : memref<16x640xf32, #tpu.memory_space<vmem>>, vector<16xf32>,
        %add3A_128 = arith.addf %add3A_123, %get3A_127 : vector<16xf32>
        %get3A_129 = arith.constant 15 : i32
        %get3A_130 = arith.index_cast %get3A_129 : i32 to index
        %get3A_131 = arith.index_cast %mul3A_55 : i32 to index
        %get3A_132 = tpu.vector_load %arg10[%get3A_130, %get3A_131] {strides = array<i32>} : memref<16x640xf32, #tpu.memory_space<vmem>>, vector<16xf32>,
        %add3A_133 = arith.addf %add3A_128, %get3A_132 : vector<16xf32>
        %add3A_134 = arith.constant 1.000000e+00 : f32
        %add3A_135 = vector.broadcast %add3A_134 : f32 to vector<16xf32>
        %add3A_136 = arith.addf %add3A_133, %add3A_135 : vector<16xf32>
        %swap3A = arith.index_cast %mul3A_55 : i32 to index
        %swap3A_137 = tpu.vector_load %arg9[%swap3A] {strides = array<i32>} : memref<10240xf32, #tpu.memory_space<vmem>>, vector<16xf32>,
        tpu.vector_store %arg9[%swap3A], %add3A_136 {strides = array<i32>} : memref<10240xf32, #tpu.memory_space<vmem>>, vector<16xf32>,
        %bitcast3A = vector.bitcast %add3A_136 : vector<16xf32> to vector<16xi32>
        %broadcast_in_dim3A_138 = arith.constant 1597463007 : i32
        %broadcast_in_dim3A_139 = vector.broadcast %broadcast_in_dim3A_138 : i32 to vector<16xi32>
        %broadcast_in_dim3A_140 = arith.constant 1 : i32
        %broadcast_in_dim3A_141 = vector.broadcast %broadcast_in_dim3A_140 : i32 to vector<16xi32>
        %shift_right_logical3A = arith.shrui %bitcast3A, %broadcast_in_dim3A_141 : vector<16xi32>
        %sub3A = arith.subi %broadcast_in_dim3A_139, %shift_right_logical3A : vector<16xi32>
        %bitcast3A_142 = vector.bitcast %sub3A : vector<16xi32> to vector<16xf32>
        %mul3A_143 = arith.constant 5.000000e-01 : f32
        %mul3A_144 = vector.broadcast %mul3A_143 : f32 to vector<16xf32>
        %mul3A_145 = arith.mulf %mul3A_144, %add3A_136 : vector<16xf32>
        %mul3A_146 = arith.mulf %mul3A_145, %bitcast3A_142 : vector<16xf32>
        %mul3A_147 = arith.mulf %mul3A_146, %bitcast3A_142 : vector<16xf32>
        %sub3A_148 = arith.constant 1.500000e+00 : f32
        %sub3A_149 = vector.broadcast %sub3A_148 : f32 to vector<16xf32>
        %sub3A_150 = arith.subf %sub3A_149, %mul3A_147 : vector<16xf32>
        %mul3A_151 = arith.mulf %bitcast3A_142, %sub3A_150 : vector<16xf32>
        %mul3A_152 = arith.constant 5.000000e-01 : f32
        %mul3A_153 = vector.broadcast %mul3A_152 : f32 to vector<16xf32>
        %mul3A_154 = arith.mulf %mul3A_153, %add3A_136 : vector<16xf32>
        %mul3A_155 = arith.mulf %mul3A_154, %mul3A_151 : vector<16xf32>
        %mul3A_156 = arith.mulf %mul3A_155, %mul3A_151 : vector<16xf32>
        %sub3A_157 = arith.constant 1.500000e+00 : f32
        %sub3A_158 = vector.broadcast %sub3A_157 : f32 to vector<16xf32>
        %sub3A_159 = arith.subf %sub3A_158, %mul3A_156 : vector<16xf32>
        %mul3A_160 = arith.mulf %mul3A_151, %sub3A_159 : vector<16xf32>
        %mul3A_161 = arith.constant 5.000000e-01 : f32
        %mul3A_162 = vector.broadcast %mul3A_161 : f32 to vector<16xf32>
        %mul3A_163 = arith.mulf %mul3A_162, %add3A_136 : vector<16xf32>
        %mul3A_164 = arith.mulf %mul3A_163, %mul3A_160 : vector<16xf32>
        %mul3A_165 = arith.mulf %mul3A_164, %mul3A_160 : vector<16xf32>
        %sub3A_166 = arith.constant 1.500000e+00 : f32
        %sub3A_167 = vector.broadcast %sub3A_166 : f32 to vector<16xf32>
        %sub3A_168 = arith.subf %sub3A_167, %mul3A_165 : vector<16xf32>
        %mul3A_169 = arith.mulf %mul3A_160, %sub3A_168 : vector<16xf32>
        %swap3A_170 = arith.index_cast %mul3A_55 : i32 to index
        %swap3A_171 = tpu.vector_load %arg11[%swap3A_170] {strides = array<i32>} : memref<640xf32, #tpu.memory_space<vmem>>, vector<16xf32>,
        tpu.vector_store %arg11[%swap3A_170], %mul3A_169 {strides = array<i32>} : memref<640xf32, #tpu.memory_space<vmem>>, vector<16xf32>,
      }
      %scan3A_34 = arith.constant 40 : i32
      "tpu.region"() ({
        %run_scoped3A = tpu.sem_alloc : memref<!tpu.dma_semaphore, #tpu.memory_space<semaphore_mem>>
        %dma_start3A = arith.constant 0 : i32
        %dma_start3A_53 = tpu.memref_slice %arg9[%dma_start3A] : memref<10240xf32, #tpu.memory_space<vmem>> -> memref<640xf32, #tpu.memory_space<vmem>>
        %dma_start3A_54 = tpu.memref_slice %arg4[%multiple_of3A_19] : memref<40960xf32, #tpu.memory_space<hbm>> -> memref<640xf32, #tpu.memory_space<hbm>>
        %dma_start3A_55 = tpu.memref_slice %arg4[%multiple_of3A_19] : memref<40960xf32, #tpu.memory_space<hbm>> -> memref<640xf32, #tpu.memory_space<hbm>>
        %dma_start3A_56 = arith.constant 0 : i32
        %dma_start3A_57 = tpu.memref_slice %arg9[%dma_start3A_56] : memref<10240xf32, #tpu.memory_space<vmem>> -> memref<640xf32, #tpu.memory_space<vmem>>
        tpu.enqueue_dma source(%dma_start3A_57 : memref<640xf32, #tpu.memory_space<vmem>>) target(%dma_start3A_55 : memref<640xf32, #tpu.memory_space<hbm>>) target_semaphore(%run_scoped3A : memref<!tpu.dma_semaphore, #tpu.memory_space<semaphore_mem>>)
        %dma_wait3A = arith.constant 0 : i32
        %dma_wait3A_58 = tpu.memref_slice %arg9[%dma_wait3A] : memref<10240xf32, #tpu.memory_space<vmem>> -> memref<640xf32, #tpu.memory_space<vmem>>
        %dma_wait3A_59 = tpu.memref_slice %arg4[%multiple_of3A_19] : memref<40960xf32, #tpu.memory_space<hbm>> -> memref<640xf32, #tpu.memory_space<hbm>>
        %dma_wait3A_60 = tpu.memref_slice %arg4[%multiple_of3A_19] : memref<40960xf32, #tpu.memory_space<hbm>> -> memref<640xf32, #tpu.memory_space<hbm>>
        %dma_wait3A_61 = arith.constant 0 : i32
        %dma_wait3A_62 = tpu.memref_slice %arg9[%dma_wait3A_61] : memref<10240xf32, #tpu.memory_space<vmem>> -> memref<640xf32, #tpu.memory_space<vmem>>
        tpu.wait_dma2 semaphore(%run_scoped3A : memref<!tpu.dma_semaphore, #tpu.memory_space<semaphore_mem>>) src(%dma_wait3A_62 : memref<640xf32, #tpu.memory_space<vmem>>) dst(%dma_wait3A_60 : memref<640xf32, #tpu.memory_space<hbm>>)
        tpu.yield
      }) : () -> ()
      "tpu.region"() ({
        %run_scoped3A = tpu.sem_alloc : memref<!tpu.dma_semaphore, #tpu.memory_space<semaphore_mem>>
        %dma_start3A = tpu.memref_slice %arg13[%mul3A_0] : memref<10240xf32, #tpu.memory_space<vmem_shared>> -> memref<640xf32, #tpu.memory_space<vmem_shared>>
        %dma_start3A_53 = tpu.memref_slice %arg13[%mul3A_0] : memref<10240xf32, #tpu.memory_space<vmem_shared>> -> memref<640xf32, #tpu.memory_space<vmem_shared>>
        tpu.enqueue_dma source(%arg11 : memref<640xf32, #tpu.memory_space<vmem>>) target(%dma_start3A_53 : memref<640xf32, #tpu.memory_space<vmem_shared>>) target_semaphore(%run_scoped3A : memref<!tpu.dma_semaphore, #tpu.memory_space<semaphore_mem>>)
        %dma_wait3A = tpu.memref_slice %arg13[%mul3A_0] : memref<10240xf32, #tpu.memory_space<vmem_shared>> -> memref<640xf32, #tpu.memory_space<vmem_shared>>
        %dma_wait3A_54 = tpu.memref_slice %arg13[%mul3A_0] : memref<10240xf32, #tpu.memory_space<vmem_shared>> -> memref<640xf32, #tpu.memory_space<vmem_shared>>
        tpu.wait_dma2 semaphore(%run_scoped3A : memref<!tpu.dma_semaphore, #tpu.memory_space<semaphore_mem>>) src(%arg11 : memref<640xf32, #tpu.memory_space<vmem>>) dst(%dma_wait3A_54 : memref<640xf32, #tpu.memory_space<vmem_shared>>)
        tpu.yield
      }) : () -> ()
      %barrier3A_35 = arith.constant 0 : index
      tpu.barrier barrier_id(%barrier3A_35)
      "tpu.region"() ({
        %run_scoped3A = tpu.sem_alloc : memref<!tpu.dma_semaphore, #tpu.memory_space<semaphore_mem>>
        tpu.enqueue_dma source(%arg13 : memref<10240xf32, #tpu.memory_space<vmem_shared>>) target(%arg8 : memref<10240xf32, #tpu.memory_space<vmem>>) target_semaphore(%run_scoped3A : memref<!tpu.dma_semaphore, #tpu.memory_space<semaphore_mem>>)
        tpu.wait_dma2 semaphore(%run_scoped3A : memref<!tpu.dma_semaphore, #tpu.memory_space<semaphore_mem>>) src(%arg13 : memref<10240xf32, #tpu.memory_space<vmem_shared>>) dst(%arg8 : memref<10240xf32, #tpu.memory_space<vmem>>)
        tpu.yield
      }) : () -> ()
      %scan3A_36 = arith.constant 0 : i32
      %scan3A_37 = arith.constant 640 : i32
      %scan3A_38 = arith.addi %scan3A_36, %scan3A_37 : i32
      %scan3A_39 = arith.constant 1 : i32
      scf.for %scan3A_53 = %scan3A_36 to %scan3A_38 step %scan3A_39  : i32 {
        %mul3A_54 = arith.constant 16 : i32
        %mul3A_55 = arith.muli %scan3A_53, %mul3A_54 : i32
        %swap3A = arith.index_cast %mul3A_55 : i32 to index
        %swap3A_56 = tpu.vector_load %arg9[%swap3A] {strides = array<i32>} : memref<10240xf32, #tpu.memory_space<vmem>>, vector<16xf32>,
        tpu.vector_store %arg9[%swap3A], %broadcast_in_dim3A_3 {strides = array<i32>} : memref<10240xf32, #tpu.memory_space<vmem>>, vector<16xf32>,
      }
      %scan3A_40 = arith.constant 640 : i32
      %scan3A_41 = arith.constant 0 : i32
      %scan3A_42 = arith.constant 1250 : i32
      %scan3A_43 = arith.addi %scan3A_41, %scan3A_42 : i32
      %scan3A_44 = arith.constant 1 : i32
      scf.for %scan3A_53 = %scan3A_41 to %scan3A_43 step %scan3A_44  : i32 {
        %mul3A_54 = arith.constant 16 : i32
        %mul3A_55 = arith.muli %scan3A_53, %mul3A_54 : i32
        %get3A = arith.index_cast %mul3A_55 : i32 to index
        %get3A_56 = tpu.vector_load %arg6[%get3A] {strides = array<i32>} : memref<20000xi32, #tpu.memory_space<vmem>>, vector<16xi32>,
        %get3A_57 = arith.index_cast %mul3A_55 : i32 to index
        %get3A_58 = tpu.vector_load %arg7[%get3A_57] {strides = array<i32>} : memref<20000xi32, #tpu.memory_space<vmem>>, vector<16xi32>,
        %gather3A = tpu.vector_load_idx %arg8[%get3A_56] : memref<10240xf32, #tpu.memory_space<vmem>>[vector<16xi32>], vector<16xf32>,
        %gather3A_59 = tpu.vector_load_idx %arg8[%get3A_58] : memref<10240xf32, #tpu.memory_space<vmem>>[vector<16xi32>], vector<16xf32>,
        %mul3A_60 = arith.mulf %gather3A, %gather3A_59 : vector<16xf32>
        tpu.vector_store_idx %arg9[%get3A_56], %mul3A_60 {add = true} : memref<10240xf32, #tpu.memory_space<vmem>>[vector<16xi32>], vector<16xf32>,
      }
      %scan3A_45 = arith.constant 1250 : i32
      "tpu.region"() ({
        %run_scoped3A = tpu.sem_alloc : memref<!tpu.dma_semaphore, #tpu.memory_space<semaphore_mem>>
        %dma_start3A = arith.constant 0 : i32
        %dma_start3A_53 = tpu.memref_slice %arg12[%arg1, %dma_start3A] : memref<16x10240xf32, #tpu.memory_space<vmem_shared>> -> memref<1x10240xf32, #tpu.memory_space<vmem_shared>>
        %dma_start3A_54 = tpu.memref_squeeze %dma_start3A_53 : memref<1x10240xf32, #tpu.memory_space<vmem_shared>> -> memref<10240xf32, #tpu.memory_space<vmem_shared>>
        %dma_start3A_55 = arith.constant 0 : i32
        %dma_start3A_56 = tpu.memref_slice %arg12[%arg1, %dma_start3A_55] : memref<16x10240xf32, #tpu.memory_space<vmem_shared>> -> memref<1x10240xf32, #tpu.memory_space<vmem_shared>>
        %dma_start3A_57 = tpu.memref_squeeze %dma_start3A_56 : memref<1x10240xf32, #tpu.memory_space<vmem_shared>> -> memref<10240xf32, #tpu.memory_space<vmem_shared>>
        tpu.enqueue_dma source(%arg9 : memref<10240xf32, #tpu.memory_space<vmem>>) target(%dma_start3A_57 : memref<10240xf32, #tpu.memory_space<vmem_shared>>) target_semaphore(%run_scoped3A : memref<!tpu.dma_semaphore, #tpu.memory_space<semaphore_mem>>)
        %dma_wait3A = arith.constant 0 : i32
        %dma_wait3A_58 = tpu.memref_slice %arg12[%arg1, %dma_wait3A] : memref<16x10240xf32, #tpu.memory_space<vmem_shared>> -> memref<1x10240xf32, #tpu.memory_space<vmem_shared>>
        %dma_wait3A_59 = tpu.memref_squeeze %dma_wait3A_58 : memref<1x10240xf32, #tpu.memory_space<vmem_shared>> -> memref<10240xf32, #tpu.memory_space<vmem_shared>>
        %dma_wait3A_60 = arith.constant 0 : i32
        %dma_wait3A_61 = tpu.memref_slice %arg12[%arg1, %dma_wait3A_60] : memref<16x10240xf32, #tpu.memory_space<vmem_shared>> -> memref<1x10240xf32, #tpu.memory_space<vmem_shared>>
        %dma_wait3A_62 = tpu.memref_squeeze %dma_wait3A_61 : memref<1x10240xf32, #tpu.memory_space<vmem_shared>> -> memref<10240xf32, #tpu.memory_space<vmem_shared>>
        tpu.wait_dma2 semaphore(%run_scoped3A : memref<!tpu.dma_semaphore, #tpu.memory_space<semaphore_mem>>) src(%arg9 : memref<10240xf32, #tpu.memory_space<vmem>>) dst(%dma_wait3A_62 : memref<10240xf32, #tpu.memory_space<vmem_shared>>)
        tpu.yield
      }) : () -> ()
      %barrier3A_46 = arith.constant 0 : index
      tpu.barrier barrier_id(%barrier3A_46)
      "tpu.region"() ({
        %run_scoped3A = tpu.sem_alloc : memref<!tpu.dma_semaphore, #tpu.memory_space<semaphore_mem>>
        %dma_start3A = arith.constant 0 : i32
        %dma_start3A_53 = tpu.memref_slice %arg12[%dma_start3A, %mul3A_0] : memref<16x10240xf32, #tpu.memory_space<vmem_shared>> -> memref<16x640xf32, #tpu.memory_space<vmem_shared>>
        %dma_start3A_54 = arith.constant 0 : i32
        %dma_start3A_55 = tpu.memref_slice %arg12[%dma_start3A_54, %mul3A_0] : memref<16x10240xf32, #tpu.memory_space<vmem_shared>> -> memref<16x640xf32, #tpu.memory_space<vmem_shared>>
        tpu.enqueue_dma source(%dma_start3A_55 : memref<16x640xf32, #tpu.memory_space<vmem_shared>>) target(%arg10 : memref<16x640xf32, #tpu.memory_space<vmem>>) target_semaphore(%run_scoped3A : memref<!tpu.dma_semaphore, #tpu.memory_space<semaphore_mem>>)
        %dma_wait3A = arith.constant 0 : i32
        %dma_wait3A_56 = tpu.memref_slice %arg12[%dma_wait3A, %mul3A_0] : memref<16x10240xf32, #tpu.memory_space<vmem_shared>> -> memref<16x640xf32, #tpu.memory_space<vmem_shared>>
        %dma_wait3A_57 = arith.constant 0 : i32
        %dma_wait3A_58 = tpu.memref_slice %arg12[%dma_wait3A_57, %mul3A_0] : memref<16x10240xf32, #tpu.memory_space<vmem_shared>> -> memref<16x640xf32, #tpu.memory_space<vmem_shared>>
        tpu.wait_dma2 semaphore(%run_scoped3A : memref<!tpu.dma_semaphore, #tpu.memory_space<semaphore_mem>>) src(%dma_wait3A_58 : memref<16x640xf32, #tpu.memory_space<vmem_shared>>) dst(%arg10 : memref<16x640xf32, #tpu.memory_space<vmem>>)
        tpu.yield
      }) : () -> ()
      %scan3A_47 = arith.constant 0 : i32
      %scan3A_48 = arith.constant 40 : i32
      %scan3A_49 = arith.addi %scan3A_47, %scan3A_48 : i32
      %scan3A_50 = arith.constant 1 : i32
      scf.for %scan3A_53 = %scan3A_47 to %scan3A_49 step %scan3A_50  : i32 {
        %mul3A_54 = arith.constant 16 : i32
        %mul3A_55 = arith.muli %scan3A_53, %mul3A_54 : i32
        %get3A = arith.constant 0 : i32
        %get3A_56 = arith.index_cast %get3A : i32 to index
        %get3A_57 = arith.index_cast %mul3A_55 : i32 to index
        %get3A_58 = tpu.vector_load %arg10[%get3A_56, %get3A_57] {strides = array<i32>} : memref<16x640xf32, #tpu.memory_space<vmem>>, vector<16xf32>,
        %get3A_59 = arith.constant 1 : i32
        %get3A_60 = arith.index_cast %get3A_59 : i32 to index
        %get3A_61 = arith.index_cast %mul3A_55 : i32 to index
        %get3A_62 = tpu.vector_load %arg10[%get3A_60, %get3A_61] {strides = array<i32>} : memref<16x640xf32, #tpu.memory_space<vmem>>, vector<16xf32>,
        %add3A_63 = arith.addf %get3A_58, %get3A_62 : vector<16xf32>
        %get3A_64 = arith.constant 2 : i32
        %get3A_65 = arith.index_cast %get3A_64 : i32 to index
        %get3A_66 = arith.index_cast %mul3A_55 : i32 to index
        %get3A_67 = tpu.vector_load %arg10[%get3A_65, %get3A_66] {strides = array<i32>} : memref<16x640xf32, #tpu.memory_space<vmem>>, vector<16xf32>,
        %add3A_68 = arith.addf %add3A_63, %get3A_67 : vector<16xf32>
        %get3A_69 = arith.constant 3 : i32
        %get3A_70 = arith.index_cast %get3A_69 : i32 to index
        %get3A_71 = arith.index_cast %mul3A_55 : i32 to index
        %get3A_72 = tpu.vector_load %arg10[%get3A_70, %get3A_71] {strides = array<i32>} : memref<16x640xf32, #tpu.memory_space<vmem>>, vector<16xf32>,
        %add3A_73 = arith.addf %add3A_68, %get3A_72 : vector<16xf32>
        %get3A_74 = arith.constant 4 : i32
        %get3A_75 = arith.index_cast %get3A_74 : i32 to index
        %get3A_76 = arith.index_cast %mul3A_55 : i32 to index
        %get3A_77 = tpu.vector_load %arg10[%get3A_75, %get3A_76] {strides = array<i32>} : memref<16x640xf32, #tpu.memory_space<vmem>>, vector<16xf32>,
        %add3A_78 = arith.addf %add3A_73, %get3A_77 : vector<16xf32>
        %get3A_79 = arith.constant 5 : i32
        %get3A_80 = arith.index_cast %get3A_79 : i32 to index
        %get3A_81 = arith.index_cast %mul3A_55 : i32 to index
        %get3A_82 = tpu.vector_load %arg10[%get3A_80, %get3A_81] {strides = array<i32>} : memref<16x640xf32, #tpu.memory_space<vmem>>, vector<16xf32>,
        %add3A_83 = arith.addf %add3A_78, %get3A_82 : vector<16xf32>
        %get3A_84 = arith.constant 6 : i32
        %get3A_85 = arith.index_cast %get3A_84 : i32 to index
        %get3A_86 = arith.index_cast %mul3A_55 : i32 to index
        %get3A_87 = tpu.vector_load %arg10[%get3A_85, %get3A_86] {strides = array<i32>} : memref<16x640xf32, #tpu.memory_space<vmem>>, vector<16xf32>,
        %add3A_88 = arith.addf %add3A_83, %get3A_87 : vector<16xf32>
        %get3A_89 = arith.constant 7 : i32
        %get3A_90 = arith.index_cast %get3A_89 : i32 to index
        %get3A_91 = arith.index_cast %mul3A_55 : i32 to index
        %get3A_92 = tpu.vector_load %arg10[%get3A_90, %get3A_91] {strides = array<i32>} : memref<16x640xf32, #tpu.memory_space<vmem>>, vector<16xf32>,
        %add3A_93 = arith.addf %add3A_88, %get3A_92 : vector<16xf32>
        %get3A_94 = arith.constant 8 : i32
        %get3A_95 = arith.index_cast %get3A_94 : i32 to index
        %get3A_96 = arith.index_cast %mul3A_55 : i32 to index
        %get3A_97 = tpu.vector_load %arg10[%get3A_95, %get3A_96] {strides = array<i32>} : memref<16x640xf32, #tpu.memory_space<vmem>>, vector<16xf32>,
        %add3A_98 = arith.addf %add3A_93, %get3A_97 : vector<16xf32>
        %get3A_99 = arith.constant 9 : i32
        %get3A_100 = arith.index_cast %get3A_99 : i32 to index
        %get3A_101 = arith.index_cast %mul3A_55 : i32 to index
        %get3A_102 = tpu.vector_load %arg10[%get3A_100, %get3A_101] {strides = array<i32>} : memref<16x640xf32, #tpu.memory_space<vmem>>, vector<16xf32>,
        %add3A_103 = arith.addf %add3A_98, %get3A_102 : vector<16xf32>
        %get3A_104 = arith.constant 10 : i32
        %get3A_105 = arith.index_cast %get3A_104 : i32 to index
        %get3A_106 = arith.index_cast %mul3A_55 : i32 to index
        %get3A_107 = tpu.vector_load %arg10[%get3A_105, %get3A_106] {strides = array<i32>} : memref<16x640xf32, #tpu.memory_space<vmem>>, vector<16xf32>,
        %add3A_108 = arith.addf %add3A_103, %get3A_107 : vector<16xf32>
        %get3A_109 = arith.constant 11 : i32
        %get3A_110 = arith.index_cast %get3A_109 : i32 to index
        %get3A_111 = arith.index_cast %mul3A_55 : i32 to index
        %get3A_112 = tpu.vector_load %arg10[%get3A_110, %get3A_111] {strides = array<i32>} : memref<16x640xf32, #tpu.memory_space<vmem>>, vector<16xf32>,
        %add3A_113 = arith.addf %add3A_108, %get3A_112 : vector<16xf32>
        %get3A_114 = arith.constant 12 : i32
        %get3A_115 = arith.index_cast %get3A_114 : i32 to index
        %get3A_116 = arith.index_cast %mul3A_55 : i32 to index
        %get3A_117 = tpu.vector_load %arg10[%get3A_115, %get3A_116] {strides = array<i32>} : memref<16x640xf32, #tpu.memory_space<vmem>>, vector<16xf32>,
        %add3A_118 = arith.addf %add3A_113, %get3A_117 : vector<16xf32>
        %get3A_119 = arith.constant 13 : i32
        %get3A_120 = arith.index_cast %get3A_119 : i32 to index
        %get3A_121 = arith.index_cast %mul3A_55 : i32 to index
        %get3A_122 = tpu.vector_load %arg10[%get3A_120, %get3A_121] {strides = array<i32>} : memref<16x640xf32, #tpu.memory_space<vmem>>, vector<16xf32>,
        %add3A_123 = arith.addf %add3A_118, %get3A_122 : vector<16xf32>
        %get3A_124 = arith.constant 14 : i32
        %get3A_125 = arith.index_cast %get3A_124 : i32 to index
        %get3A_126 = arith.index_cast %mul3A_55 : i32 to index
        %get3A_127 = tpu.vector_load %arg10[%get3A_125, %get3A_126] {strides = array<i32>} : memref<16x640xf32, #tpu.memory_space<vmem>>, vector<16xf32>,
        %add3A_128 = arith.addf %add3A_123, %get3A_127 : vector<16xf32>
        %get3A_129 = arith.constant 15 : i32
        %get3A_130 = arith.index_cast %get3A_129 : i32 to index
        %get3A_131 = arith.index_cast %mul3A_55 : i32 to index
        %get3A_132 = tpu.vector_load %arg10[%get3A_130, %get3A_131] {strides = array<i32>} : memref<16x640xf32, #tpu.memory_space<vmem>>, vector<16xf32>,
        %add3A_133 = arith.addf %add3A_128, %get3A_132 : vector<16xf32>
        %get3A_134 = arith.index_cast %mul3A_55 : i32 to index
        %get3A_135 = tpu.vector_load %arg11[%get3A_134] {strides = array<i32>} : memref<640xf32, #tpu.memory_space<vmem>>, vector<16xf32>,
        %mul3A_136 = arith.mulf %get3A_135, %get3A_135 : vector<16xf32>
        %add3A_137 = arith.addf %add3A_133, %mul3A_136 : vector<16xf32>
        %swap3A = arith.index_cast %mul3A_55 : i32 to index
        %swap3A_138 = tpu.vector_load %arg11[%swap3A] {strides = array<i32>} : memref<640xf32, #tpu.memory_space<vmem>>, vector<16xf32>,
        tpu.vector_store %arg11[%swap3A], %add3A_137 {strides = array<i32>} : memref<640xf32, #tpu.memory_space<vmem>>, vector<16xf32>,
      }
      %scan3A_51 = arith.constant 40 : i32
      "tpu.region"() ({
        %run_scoped3A = tpu.sem_alloc : memref<!tpu.dma_semaphore, #tpu.memory_space<semaphore_mem>>
        %dma_start3A = tpu.memref_slice %arg5[%multiple_of3A_19] : memref<40960xf32, #tpu.memory_space<hbm>> -> memref<640xf32, #tpu.memory_space<hbm>>
        %dma_start3A_53 = tpu.memref_slice %arg5[%multiple_of3A_19] : memref<40960xf32, #tpu.memory_space<hbm>> -> memref<640xf32, #tpu.memory_space<hbm>>
        tpu.enqueue_dma source(%arg11 : memref<640xf32, #tpu.memory_space<vmem>>) target(%dma_start3A_53 : memref<640xf32, #tpu.memory_space<hbm>>) target_semaphore(%run_scoped3A : memref<!tpu.dma_semaphore, #tpu.memory_space<semaphore_mem>>)
        %dma_wait3A = tpu.memref_slice %arg5[%multiple_of3A_19] : memref<40960xf32, #tpu.memory_space<hbm>> -> memref<640xf32, #tpu.memory_space<hbm>>
        %dma_wait3A_54 = tpu.memref_slice %arg5[%multiple_of3A_19] : memref<40960xf32, #tpu.memory_space<hbm>> -> memref<640xf32, #tpu.memory_space<hbm>>
        tpu.wait_dma2 semaphore(%run_scoped3A : memref<!tpu.dma_semaphore, #tpu.memory_space<semaphore_mem>>) src(%arg11 : memref<640xf32, #tpu.memory_space<vmem>>) dst(%dma_wait3A_54 : memref<640xf32, #tpu.memory_space<hbm>>)
        tpu.yield
      }) : () -> ()
      %barrier3A_52 = arith.constant 0 : index
      tpu.barrier barrier_id(%barrier3A_52)
    }
    %scan3A_9 = arith.constant 2 : i32
    return
  }
}

#map = affine_map<(d0, d1) -> (0)>
#map1 = affine_map<(d0, d1) -> (0, 0)>
module attributes {stable_mosaic.version = 14 : i64} {
  func.func @_pool_rows(%arg0: i32, %arg1: i32, %arg2: memref<512xi32, #tpu.memory_space<hbm>>, %arg3: memref<40000x128xf32, #tpu.memory_space<hbm>>, %arg4: memref<512x128xf32, #tpu.memory_space<hbm>>, %arg5: memref<16xi32, #tpu.memory_space<vmem>>, %arg6: memref<16x128xf32, #tpu.memory_space<vmem>>, %arg7: memref<!tpu.dma_semaphore, #tpu.memory_space<semaphore_mem>>) attributes {dimension_semantics = [#tpu.dimension_semantics<core_parallel>, #tpu.dimension_semantics<subcore_parallel>], iteration_bounds = array<i64: 2, 16>, scalar_prefetch = 0 : i64, scratch_operands = 3 : i64, tpu.core_type = #tpu.core_type<sc_vector_subcore>, window_params = [{transform_indices = #map}, {transform_indices = #map1}, {transform_indices = #map1}]} {
    %mul3A = arith.constant 16 : i32
    %mul3A_0 = arith.muli %arg0, %mul3A : i32
    %add3A = arith.addi %mul3A_0, %arg1 : i32
    %mul3A_1 = arith.constant 16 : i32
    %mul3A_2 = arith.muli %add3A, %mul3A_1 : i32
    %multiple_of3A = tpu.assume_multiple %mul3A_2, 8 : i32
    "tpu.region"() ({
      %run_scoped3A = tpu.sem_alloc : memref<!tpu.dma_semaphore, #tpu.memory_space<semaphore_mem>>
      %dma_start3A_28 = tpu.memref_slice %arg2[%multiple_of3A] : memref<512xi32, #tpu.memory_space<hbm>> -> memref<16xi32, #tpu.memory_space<hbm>>
      %dma_start3A_29 = tpu.memref_slice %arg2[%multiple_of3A] : memref<512xi32, #tpu.memory_space<hbm>> -> memref<16xi32, #tpu.memory_space<hbm>>
      tpu.enqueue_dma source(%dma_start3A_29 : memref<16xi32, #tpu.memory_space<hbm>>) target(%arg5 : memref<16xi32, #tpu.memory_space<vmem>>) target_semaphore(%run_scoped3A : memref<!tpu.dma_semaphore, #tpu.memory_space<semaphore_mem>>)
      %dma_wait3A_30 = tpu.memref_slice %arg2[%multiple_of3A] : memref<512xi32, #tpu.memory_space<hbm>> -> memref<16xi32, #tpu.memory_space<hbm>>
      %dma_wait3A_31 = tpu.memref_slice %arg2[%multiple_of3A] : memref<512xi32, #tpu.memory_space<hbm>> -> memref<16xi32, #tpu.memory_space<hbm>>
      tpu.wait_dma2 semaphore(%run_scoped3A : memref<!tpu.dma_semaphore, #tpu.memory_space<semaphore_mem>>) src(%dma_wait3A_31 : memref<16xi32, #tpu.memory_space<hbm>>) dst(%arg5 : memref<16xi32, #tpu.memory_space<vmem>>)
      tpu.yield
    }) : () -> ()
    %jit3A = arith.constant 8 : i32
    %div3A = arith.divsi %add3A, %jit3A : i32
    %sign3A = arith.constant 0 : i32
    %sign3A_3 = arith.cmpi sgt, %add3A, %sign3A : i32
    %sign3A_4 = arith.extui %sign3A_3 : i1 to i32
    %sign3A_5 = arith.constant 0 : i32
    %sign3A_6 = arith.cmpi slt, %add3A, %sign3A_5 : i32
    %sign3A_7 = arith.extui %sign3A_6 : i1 to i32
    %sign3A_8 = arith.subi %sign3A_4, %sign3A_7 : i32
    %sign3A_9 = arith.constant 0 : i32
    %sign3A_10 = arith.cmpi sgt, %jit3A, %sign3A_9 : i32
    %sign3A_11 = arith.extui %sign3A_10 : i1 to i32
    %sign3A_12 = arith.constant 0 : i32
    %sign3A_13 = arith.cmpi slt, %jit3A, %sign3A_12 : i32
    %sign3A_14 = arith.extui %sign3A_13 : i1 to i32
    %sign3A_15 = arith.subi %sign3A_11, %sign3A_14 : i32
    %ne3A = arith.cmpi ne, %sign3A_8, %sign3A_15 : i32
    %rem3A = arith.remsi %add3A, %jit3A : i32
    %ne3A_16 = arith.constant 0 : i32
    %ne3A_17 = arith.cmpi ne, %rem3A, %ne3A_16 : i32
    %and3A = arith.andi %ne3A, %ne3A_17 : i1
    %sub3A = arith.constant 1 : i32
    %sub3A_18 = arith.subi %div3A, %sub3A : i32
    %select_n3A = arith.select %and3A, %sub3A_18, %div3A : i32
    %get3A = arith.constant 0 : index
    %get3A_19 = tpu.vector_load %arg5[%get3A] {strides = array<i32>} : memref<16xi32, #tpu.memory_space<vmem>>, vector<16xi32>,
    %mul3A_20 = arith.constant 10000 : i32
    %mul3A_21 = arith.muli %select_n3A, %mul3A_20 : i32
    %add3A_22 = vector.broadcast %mul3A_21 : i32 to vector<16xi32>
    %add3A_23 = arith.addi %get3A_19, %add3A_22 : vector<16xi32>
    %dma_start3A = arith.constant 0 : i32
    %dma_start3A_24 = arith.constant 0 : i32
    %dma_start3A_25 = tpu.memref_slice %arg3[%dma_start3A, %dma_start3A_24] : memref<40000x128xf32, #tpu.memory_space<hbm>> -> memref<40000x128xf32, #tpu.memory_space<hbm>>
    tpu.enqueue_indirect_dma source(%dma_start3A_25 : memref<40000x128xf32, #tpu.memory_space<hbm>>) target(%arg6 : memref<16x128xf32, #tpu.memory_space<vmem>>) offsets(%add3A_23 : vector<16xi32>) semaphore(%arg7 : memref<!tpu.dma_semaphore, #tpu.memory_space<semaphore_mem>>)
    %dma_wait3A = arith.constant 0 : i32
    %dma_wait3A_26 = arith.constant 0 : i32
    %dma_wait3A_27 = tpu.memref_slice %arg3[%dma_wait3A, %dma_wait3A_26] : memref<40000x128xf32, #tpu.memory_space<hbm>> -> memref<40000x128xf32, #tpu.memory_space<hbm>>
    tpu.wait_indirect_dma semaphore(%arg7 : memref<!tpu.dma_semaphore, #tpu.memory_space<semaphore_mem>>) src(%dma_wait3A_27 : memref<40000x128xf32, #tpu.memory_space<hbm>>) dst(%arg6 : memref<16x128xf32, #tpu.memory_space<vmem>>)
    "tpu.region"() ({
      %run_scoped3A = tpu.sem_alloc : memref<!tpu.dma_semaphore, #tpu.memory_space<semaphore_mem>>
      %dma_start3A_28 = arith.constant 0 : i32
      %dma_start3A_29 = tpu.memref_slice %arg4[%multiple_of3A, %dma_start3A_28] : memref<512x128xf32, #tpu.memory_space<hbm>> -> memref<16x128xf32, #tpu.memory_space<hbm>>
      %dma_start3A_30 = arith.constant 0 : i32
      %dma_start3A_31 = tpu.memref_slice %arg4[%multiple_of3A, %dma_start3A_30] : memref<512x128xf32, #tpu.memory_space<hbm>> -> memref<16x128xf32, #tpu.memory_space<hbm>>
      tpu.enqueue_dma source(%arg6 : memref<16x128xf32, #tpu.memory_space<vmem>>) target(%dma_start3A_31 : memref<16x128xf32, #tpu.memory_space<hbm>>) target_semaphore(%run_scoped3A : memref<!tpu.dma_semaphore, #tpu.memory_space<semaphore_mem>>)
      %dma_wait3A_32 = arith.constant 0 : i32
      %dma_wait3A_33 = tpu.memref_slice %arg4[%multiple_of3A, %dma_wait3A_32] : memref<512x128xf32, #tpu.memory_space<hbm>> -> memref<16x128xf32, #tpu.memory_space<hbm>>
      %dma_wait3A_34 = arith.constant 0 : i32
      %dma_wait3A_35 = tpu.memref_slice %arg4[%multiple_of3A, %dma_wait3A_34] : memref<512x128xf32, #tpu.memory_space<hbm>> -> memref<16x128xf32, #tpu.memory_space<hbm>>
      tpu.wait_dma2 semaphore(%run_scoped3A : memref<!tpu.dma_semaphore, #tpu.memory_space<semaphore_mem>>) src(%arg6 : memref<16x128xf32, #tpu.memory_space<vmem>>) dst(%dma_wait3A_35 : memref<16x128xf32, #tpu.memory_space<hbm>>)
      tpu.yield
    }) : () -> ()
    return
  }
}

</mosaic_0001>

<sc_bundles>
// kernel: kernel.11.cloned.1.call-start
scs
__scs_entry_jumppad:
0x0: {  	(pc) =	sbr.rel $0x88, $3  }
0x1: {  	(tag) =	ssettag $0x0;
	lr =	simm.s32 $0x1  }
0x2: {  	[smem:$0x3F99] =	sst lr;
	_ =	strace $0xD0000000  }
0x3: {  	_ = 	snop  }
0x4: {  	_ = 	snop  }
0x5: {  	_ = 	snop  }
0x6: {  	_ = 	snop  }
0x7: {  	_ = 	snop  }
__scs_overlays_trampoline_lowered:
0x8: {  	[smem:$0x3FA8] =	sst s0  }
0x9: {  	[smem:$0x3FA9] =	sst s1  }
0xa: {  	[smem:$0x3FAA] =	sst s2  }
0xb: {  	[smem:$0x3FAB] =	sst s3  }
0xc: {  	[smem:$0x3FAC] =	sst s4  }
0xd: {  	[smem:$0x3FAD] =	sst s5  }
0xe: {  	[smem:$0x3FAE] =	sst s6  }
0xf: {  	[smem:$0x3FAF] =	sst s7  }
0x10: {  	[smem:$0x3FB0] =	sst s8  }
0x11: {  	[smem:$0x3FB1] =	sst s9;
	s0 =	simm.s32 @!p0 $0x0  }
0x12: {  	s1 =	sld [smem:$0x3F97];
	s0 =	simm.s32 @p0 $0x1  }
0x13: {  	[smem:$0x3FB2] =	sst s0;
	s0 =	simm.s32 @!p1 $0x0  }
0x14: {  	s2 =	sld [smem:$0x3F96];
	s0 =	simm.s32 @p1 $0x1  }
0x15: {  	[smem:$0x3FB3] =	sst s0;
	s0 =	simm.s32 @!p2 $0x0  }
0x16: {  	s3 =	sld [smem:$0x3FDB];
	s0 =	simm.s32 @p2 $0x1  }
0x17: {  	s4 =	simm.s32 $0x1BF5;
	[smem:$0x3FB5] =	sst s0  }
0x18: {  	s0 =	sld [smem:$0x3F98];
	_ =	swait.ge [sflag:s4], $0x0  }
0x19: {  	s7 =	sld [smem:$0x3F99]  }
0x1a: {  	s8 =	sadd.s32 $0xFFFFE003, lr  }
0x1b: {  	s9 =	sadd.s32 $0xFFFFFEF7, lr;
	s5 =	simm.s32 $0xFFFFFFFF;
	p2 =	slt.u32 s8, $0xFFFFF086  }
0x1c: {  	p1 =	slt.u32 s9, $0xF7A;
	s5 =	simm.s32 @!p2 $0x0  }
0x1d: {  	s5 =	simm.s32 @p1 $0x1;
	p0 =	seq.s32 s7, s2  }
0x1e: {  	s7 =	smul.u32 @!p0 $0xF7A, s2;
	p2 =	seq.s32 @!p0 s5, $0x0  }
0x1f: {  	s9 =	smul.u32 $0xF7A, s1;
	s8 =	simm.s32 @!p0 $0x1BF5;
	p2 =	por !p2, p0  }
0x20: {  	[sflag:s8] =	ssyncset.s32 @!p0 $0xFFFFF086;
	s6 =	sadd.s32 @!p0 s3, s7;
	s7 =	simm.s32 @!p0 $0x108  }
0x21: {  	s3 =	sadd.s32 s3, s9;
	s6 =	sadd.s32 @!p0 $0x88, s6;
	s7 =	simm.s32 @p2 $0x1082  }
0x22: {  	[simem:s7], [sflag:s8] =	dma.local @!p0 [hbm:s6], $0xF7A  }
0x23: {  	s9 =	sor.u32 $0xD0000000, s2;
	s6 =	simm.s32 $0x108;
	_ =	swait.ge @!p0 [sflag:s8], $0x0  }
0x24: {  	s3 =	sadd.s32 $0x88, s3;
	s6 =	simm.s32 @!p1 $0x1082;
	[sflag:s4] =	ssyncset.s32 $0xFFFFF086  }
0x25: {  	[simem:s6], [sflag:s4] =	dma.local [hbm:s3], $0xF7A  }
0x26: {  	[smem:$0x3F99] =	sst s1;
	(tag) =	ssettag s2;
	_ =	strace s9  }
0x27: {  	s1 =	sld [smem:$0x3FA9]  }
0x28: {  	s2 =	sld [smem:$0x3FAA]  }
0x29: {  	s4 =	sld [smem:$0x3FAC]  }
0x2a: {  	p0 =	seq.s32 s5, $0x0;
	s5 =	sld [smem:$0x3FAD]  }
0x2b: {  	s6 =	sld [smem:$0x3FAE]  }
0x2c: {  	s7 =	sld [smem:$0x3FAF]  }
0x2d: {  	s3 =	simm.s32 $0x108;
	s8 =	sld [smem:$0x3FB0]  }
0x2e: {  	s3 =	simm.s32 @!p0 $0x1082;
	s9 =	sld [smem:$0x3FB1]  }
0x2f: {  	lr =	sadd.s32 s0, s3;
	s0 =	sld [smem:$0x3FA8]  }
0x30: {  	s3 =	sld [smem:$0x3FAB]  }
0x31: {  	[smem:$0x3FB4] =	sst s10  }
0x32: {  	s10 =	sld [smem:$0x3FB2];
	_ =	sdelay $0x3  }
0x33: {  	p0 =	seq.s32 s10, $0x1;
	s10 =	sld [smem:$0x3FB4];
	_ =	sdelay $0x3  }
0x34: {  	[smem:$0x3FB4] =	sst s10  }
0x35: {  	s10 =	sld [smem:$0x3FB3];
	_ =	sdelay $0x3  }
0x36: {  	p1 =	seq.s32 s10, $0x1;
	s10 =	sld [smem:$0x3FB4];
	_ =	sdelay $0x3  }
0x37: {  	[smem:$0x3FB4] =	sst s10  }
0x38: {  	s10 =	sld [smem:$0x3FB5]  }
0x39: {  	_ = 	snop;
	(pc) =	sbr.ind lr, $3  }
0x3a: {  	_ = 	snop  }
0x3b: {  	_ = 	snop  }
0x3c: {  	p2 =	seq.s32 s10, $0x1;
	s10 =	sld [smem:$0x3FB4]  }
0x3d: {  	_ =	shalt  }
0x3e: {  	_ =	shalt  }
0x3f: {  	_ =	shalt  }
0x40: {  	_ =	shalt  }
0x41: {  	_ =	shalt  }
0x42: {  	_ =	shalt  }
0x43: {  	_ =	shalt  }
0x44: {  	_ =	shalt  }
0x45: {  	_ =	shalt  }
0x46: {  	_ =	shalt  }
0x47: {  	_ =	shalt  }
0x48: {  	_ =	shalt  }
0x49: {  	_ =	shalt  }
0x4a: {  	_ =	shalt  }
0x4b: {  	_ =	shalt  }
0x4c: {  	_ =	shalt  }
0x4d: {  	_ =	shalt  }
0x4e: {  	_ =	shalt  }
0x4f: {  	_ =	shalt  }
0x50: {  	_ =	shalt  }
0x51: {  	_ =	shalt  }
0x52: {  	_ =	shalt  }
0x53: {  	_ =	shalt  }
0x54: {  	_ =	shalt  }
0x55: {  	_ =	shalt  }
0x56: {  	_ =	shalt  }
0x57: {  	_ =	shalt  }
0x58: {  	_ =	shalt  }
0x59: {  	_ =	shalt  }
0x5a: {  	_ =	shalt  }
0x5b: {  	_ =	shalt  }
0x5c: {  	_ =	shalt  }
0x5d: {  	_ =	shalt  }
0x5e: {  	_ =	shalt  }
0x5f: {  	_ =	shalt  }
0x60: {  	_ =	shalt  }
0x61: {  	_ =	shalt  }
0x62: {  	_ =	shalt  }
0x63: {  	_ =	shalt  }
0x64: {  	_ =	shalt  }
0x65: {  	_ =	shalt  }
0x66: {  	_ =	shalt  }
0x67: {  	_ =	shalt  }
0x68: {  	_ =	shalt  }
0x69: {  	_ =	shalt  }
0x6a: {  	_ =	shalt  }
0x6b: {  	_ =	shalt  }
0x6c: {  	_ =	shalt  }
0x6d: {  	_ =	shalt  }
0x6e: {  	_ =	shalt  }
0x6f: {  	_ =	shalt  }
0x70: {  	_ =	shalt  }
0x71: {  	_ =	shalt  }
0x72: {  	_ =	shalt  }
0x73: {  	_ =	shalt  }
0x74: {  	_ =	shalt  }
0x75: {  	_ =	shalt  }
0x76: {  	_ =	shalt  }
0x77: {  	_ =	shalt  }
0x78: {  	_ =	shalt  }
0x79: {  	_ =	shalt  }
0x7a: {  	_ =	shalt  }
0x7b: {  	_ =	shalt  }
0x7c: {  	_ =	shalt  }
0x7d: {  	_ =	shalt  }
0x7e: {  	_ =	shalt  }
0x7f: {  	_ =	shalt  }
0x80: {  	_ =	shalt  }
0x81: {  	_ =	shalt  }
0x82: {  	_ =	shalt  }
0x83: {  	_ =	shalt  }
0x84: {  	_ =	shalt  }
0x85: {  	_ =	shalt  }
0x86: {  	_ =	shalt  }
0x87: {  	_ =	shalt  }
.Lfunc_end0:
.L_simem_size_0:
called_computation.6_lowered:
.L_overlay_start_0:
0x88: {  	s2 =	sld [smem:$0x3FD9]  }
0x89: {  	s3 =	sld [smem:$0x3FFE];
	_ =	sdelay $0x1  }
0x8a: {  	s1 =	srdreg.scid  }
0x8b: {  	s0 =	sand.u32 $0x1, s1  }
0x8c: {  	s16 =	sshll.u32 s0, $0xA;
	s2 =	sadd.s32 s3, s2  }
0x8d: {  	s2 =	sadd.s32 s2, s16  }
0x8e: {  	[smem:$0x3FC0] =	sst s2  }
0x8f: {  	_ = 	snop  }
0x90: {  	(tm) =	ssettm $0x1  }
0x91: {  	s17 =	sld [smem:$0x3FFB];
	_ =	sdelay $0x3  }
0x92: {  	_ =	strace s17  }
0x93: {  	s2 =	sld [smem:$0x3FFC];
	_ =	sdelay $0x3  }
0x94: {  	_ =	strace s2  }
0x95: {  	s2 =	sld [smem:$0x3FFD];
	_ =	sdelay $0x3  }
0x96: {  	_ =	strace s2  }
0x97: {  	_ =	strace $0x8FFFFFFF  }
0x98: {  	s18 =	sld [smem:$0x3FDB];
	_ =	sdelay $0x1  }
0x99: {  	s19 =	simm.s32 $_scs_section_size  }
0x9a: {  	s4 =	simm.s32 $_size__tile_overlayer_lowered;
	s5 =	simm.s32 $_tile_overlayer_lowered  }
0x9b: {  	s22 =	simm.s32 $0x1BFF;
	s21 =	sshll.u32 s5, $0x1;
	s2 =	sadd.s32 s19, s18  }
0x9c: {  	s6 =	simm.s32 $0x0;
	s20 =	sshll.u32 s4, $0x1;
	s4 =	sadd.s32 s21, s2  }
0x9d: {  	[timem:s6], [sflag:s22] =	dma.local [hbm:s4], s20  }
0x9e: {  	_ =	swait.ge [sflag:s22], s20  }
0x9f: {  	s3 =	ssub.s32 $0x0, s20;
	[sflag:s22] =	ssyncset.done $0x0  }
0xa0: {  	[sflag:s22] =	ssyncadd.s32 s3;
	_ =	sdelay $0x1  }
0xa1: {  	s23 =	simm.s32 $0x1B8B  }
0xa2: {  	_ =	swait.ge [sflag:s23], $0x1  }
0xa3: {  	[sflag:s23] =	ssyncset.done $0x0  }
0xa4: {  	s25 =	simm.s32 $0x1B8E;
	s24 =	sld [smem:$0x3FFE];
	[sflag:s23] =	ssyncadd.s32 $0xFFFFFFFF  }
0xa5: {  	s26 =	simm.s32 $execute0_lowered;
	[smem:$0x3FD2] =	sst s25  }
0xa6: {  	s4 =	sshll.u32 s26, $0x1;
	_ =	strace $0x80000064;
	[dreg:$0x1] =	wrdreg $0xFFFFFFFF  }
0xa7: {  	s28 =	simm.s32 $_size_execute0_lowered;
	s2 =	sadd.s32 s2, s4;
	[dreg:$0x0] =	wrdreg $0x0  }
0xa8: {  	s4 =	sshll.u32 s28, $0x1;
	[dreg:$0x2] =	wrdreg s2  }
0xa9: {  	[dreg:$0x3] =	wrdreg s4  }
0xaa: {  	[dreg:$0x4] =	wrdreg $0xC0  }
0xab: {  	_ =	task [dreg:s6], $0x5FFFF  }
0xac: {  	[dreg:$0x1] =	wrdreg $0xFFFFFFFF  }
0xad: {  	[dreg:$0x0] =	wrdreg $0x60  }
0xae: {  	[dreg:$0x2] =	wrdreg s24  }
0xaf: {  	[dreg:$0x3] =	wrdreg $0x9  }
0xb0: {  	_ =	task.clear_ibuf [dreg:s6], $0x4FFFF;
	_ =	strace $0x90000064  }
0xb1: {  	s29 =	simm.s32 $0x9;
	_ =	strace $0x80000066  }
0xb2: {  	_ =	swait.ge [sflag:s29], $0x1  }
0xb3: {  	[sflag:s29] =	ssyncadd.s32 $0xFFFFFFFF  }
0xb4: {  	_ =	strace $0x90000066  }
0xb5: {  	_ =	sfence  }
0xb6: {  	s30 =	sld [smem:$0x0];
	_ =	sdelay $0x2  }
0xb7: {  	s31 =	sshll.u32 s1, $0xD;
	s1 =	sshrl.u32 s1, $0x2  }
0xb8: {  	s3 =	sand.u32 $0x4000, s31;
	s1 =	sadd.s32 s1, s30  }
0xb9: {  	s0 =	sor.u32 s3, s0;
	s1 =	sshll.u32 s1, $0x11  }
0xba: {  	s0 =	sor.u32 s1, s0  }
0xbb: {  	s0 =	sadd.s32 $0x8F2B, s0  }
0xbc: {  	[sflag:s0] =	ssyncadd.remote.s32 $0x1  }
0xbd: {  	_ =	sfence.sel $0xFFFF  }
0xbe: {  	[dreg:$0x0] =	wrdreg $0xFFFFFFFF;
	(pc) =	sbr.abs _section_cstart, $3  }
0xbf: {  	[dreg:$0x1] =	wrdreg $0xFFFFFFFF  }
0xc0: {  	_ =	task.clear_ibuf [dreg:s6], $0x2FFFF;
	_ =	strace $0x9FFFFFFF  }
0xc1: {  	(tm) =	ssettm $0x7FFFFFFF  }
tec
execute0_lowered:
.L_overlay_start_1:
0x0: {  	(tag) =	ssettag $0x1  }
0x1: {  	s0 =	srdreg.scid  }
0x2: {  	s6 =	sand.u32 $0x1, s0  }
0x3: {  	s1 =	stileid.u32;
	s3 =	sshll.u32 s6, $0x4  }
0x4: {  	s8 =	rddreg [dreg:$0x0];
	s9 =	sor.u32 s1, s3  }
0x5: {  	s2 =	simm.s32 $0x0;
	s0 =	rddreg [dreg:$0x1];
	s3 =	sshll.u32 s9, $0x1  }
0x6: {  	s4 =	simm.s32 $0x2;
	[smem:$0x7FF] =	sst s2;
	s3 =	sadd.s32 s3, s8  }
0x7: {  	s5 =	sand.u32 $0x7, s1;
	_ =	strace $0x80000065;
	s3 =	sadd.s32 $0xA1E00, s3  }
0x8: {  	[tilespmem:s2], [sflag:$0x2] =	stream.linear.gather [hbm4b:s3+s2], $0x10, $0x38;
	[tilespmem:$0x810] =	vst v63  }
0x9: {  	p1 =	sne.s32 s5, $0x0;
	p0 =	seq.s32 s9, $0x0;
	_ =	swait.ge [sflag:s4], $0x10  }
0xa: {  	p0 =	por !p1, !p0;
	[sflag:s4] =	ssyncset.done $0x0  }
0xb: {  	s5 =	simm.s32 $0x1;
	p0 =	por !p0, !p0;
	[sflag:s4] =	ssyncadd.s32 $0xFFFFFFF0  }
0xc: {  	s7 =	sshrl.u32 s9, $0x3;
	s5 =	simm.s32 @!p0 $0x0;
	v1 =	vld [tilespmem:$0x0]  }
0xd: {  	s5 =	ssub.s32 s7, s5  }
0xe: {  	s5 =	smul.u32 $0x2710, s5;
	_ =	sdelay $0x1  }
0xf: {  	v0 =	vmov s5  }
0x10: {  	v1 =	vadd.s32 v0, v1  }
0x11: {  	s10 =	ssub.s32 $0x2, s6  }
0x12: {  	s6 =	simm.s32 $0x1;
	s11 =	sshrl.u32 s10, $0x1  }
0x13: {  	s9 =	sshll.u32 s9, $0x8;
	s31 =	ssub.s32 s10, s11;
	s7 =	simm.s32 $0x10  }
0x14: {  	vm0 =	vmmov $0xffff;
	s5 =	sadd.s32 $0x117400, s8;
	s8 =	sadd.s32 s9, s8;
	s9 =	smax.u32 s31, $0x1  }
0x15: {  	[tilespmem:s7], [sflag:$0x1] =	stream.indirect_vreg.gather [hbm4b:s5+s2], $0x80, v1, vm0, $0xb8;
	[tilespmem:$0x810] =	vst v63  }
0x16: {  	p0 =	sne.s32 s9, $0x1;
	_ =	swait.ge [sflag:s6], $0x800  }
.Ltmp0:
0x17: {  	[sflag:s6] =	ssyncset.done $0x0;
	(pc) =	sbr.rel @!p0 .LBB2_2-.Ltmp0, $4  }
0x18: {  	s8 =	sadd.s32 $0xA2000, s8;
	[sflag:s6] =	ssyncadd.s32 $0xFFFFF800  }
0x19: {  	[hbm4b:s8+s2] =	stream.linear.scatter [tilespmem:s7], [sflag:$0x2], $0x800, $0x38;
	[tilespmem:$0x810] =	vst v63  }
0x1a: {  	_ =	swait.ge [sflag:s4], $0x800  }
0x1b: {  	s9 =	sadd.s32 $0xFFFFFFFF, s9;
	[sflag:s4] =	ssyncset.done $0x0  }
.LBB2_1:
0x1c: {  	p0 =	sne.s32 s9, $0x1;
	s9 =	sadd.s32 $0xFFFFFFFF, s9;
	[sflag:s4] =	ssyncadd.s32 $0xFFFFF800  }
0x1d: {  	[tilespmem:s2], [sflag:$0x2] =	stream.linear.gather [hbm4b:s3+s2], $0x10, $0x38;
	[tilespmem:$0x810] =	vst v63  }
0x1e: {  	_ =	swait.ge [sflag:s4], $0x10  }
0x1f: {  	[sflag:s4] =	ssyncset.done $0x0  }
0x20: {  	[sflag:s4] =	ssyncadd.s32 $0xFFFFFFF0  }
0x21: {  	v1 =	vld [tilespmem:$0x0];
	_ =	sdelay $0x4  }
0x22: {  	v1 =	vadd.s32 v0, v1;
	_ =	sdelay $0x4  }
0x23: {  	[tilespmem:s7], [sflag:$0x1] =	stream.indirect_vreg.gather [hbm4b:s5+s2], $0x80, v1, vm0, $0xb8;
	[tilespmem:$0x810] =	vst v63  }
0x24: {  	_ =	swait.ge [sflag:s6], $0x800  }
.Ltmp1:
0x25: {  	[sflag:s6] =	ssyncset.done $0x0;
	(pc) =	sbr.rel @p0 .LBB2_1-.Ltmp1, $4  }
0x26: {  	[sflag:s6] =	ssyncadd.s32 $0xFFFFF800  }
0x27: {  	[hbm4b:s8+s2] =	stream.linear.scatter [tilespmem:s7], [sflag:$0x2], $0x800, $0x38;
	[tilespmem:$0x810] =	vst v63  }
0x28: {  	_ =	swait.ge [sflag:s4], $0x800  }
0x29: {  	[sflag:s4] =	ssyncset.done $0x0  }
.LBB2_2:
0x2a: {  	[sflag:s4] =	ssyncadd.s32 $0xFFFFF800  }
0x2b: {  	_ =	sfence.sel $0x180000  }
0x2c: {  	[bflag:$0x0] =	sbarrier.arrive $0xFFFF  }
0x2d: {  	p0 =	sne.s32 s1, $0x0;
	_ =	strace $0x90000065  }
0x2e: {  	s0 =	sadd.s32 @!p0 $0x100000, s0;
	[bflag:$0x2] =	sbarrier.arrive $0xFFFF  }
0x2f: {  	[sflag:s0] =	ssyncadd.tile.s32 @!p0 $0x1;
	_ =	shalt  }
.Lfunc_end2:
_tile_overlayer_lowered:
.L_overlay_start_2:
0x30: {  	(tag) =	ssettag $0x2  }
0x31: {  	s0 =	rddreg [dreg:$0x0];
	s2 =	stileid.u32  }
0x32: {  	s1 =	rddreg [dreg:$0x1];
	p0 =	sne.s32 s2, $0x0  }
0x33: {  	s3 =	rddreg [dreg:$0x2];
	[bflag:$0x3] =	sbarrier.arrive $0xFFFF;
	s2 =	simm.s32 @!p0 $0x1C02  }
0x34: {  	[timem:s3], [sflag:s2] =	dma.local @!p0 [hbm:s0], s1  }
0x35: {  	s0 =	simm.s32 @!p0 $0x2  }
0x36: {  	_ =	swait.ge @!p0 [sflag:s0], s1  }
0x37: {  	s1 =	ssub.s32 @!p0 $0x0, s1;
	[sflag:s0] =	ssyncset.done @!p0 $0x0  }
0x38: {  	[sflag:s0] =	ssyncadd.s32 @!p0 s1  }
0x39: {  	[bflag:$0x3] =	sbarrier.arrive $0xFFFF  }
0x3a: {  	_ =	shalt  }

// kernel: kernel.5.cloned.1.call-start
scs
__scs_entry_jumppad:
0x0: {  	(pc) =	sbr.rel $0x88, $3  }
0x1: {  	(tag) =	ssettag $0x0;
	lr =	simm.s32 $0x1  }
0x2: {  	[smem:$0x3F99] =	sst lr;
	_ =	strace $0xD0000000  }
0x3: {  	_ = 	snop  }
0x4: {  	_ = 	snop  }
0x5: {  	_ = 	snop  }
0x6: {  	_ = 	snop  }
0x7: {  	_ = 	snop  }
__scs_overlays_trampoline_lowered:
0x8: {  	[smem:$0x3FA8] =	sst s0  }
0x9: {  	[smem:$0x3FA9] =	sst s1  }
0xa: {  	[smem:$0x3FAA] =	sst s2  }
0xb: {  	[smem:$0x3FAB] =	sst s3  }
0xc: {  	[smem:$0x3FAC] =	sst s4  }
0xd: {  	[smem:$0x3FAD] =	sst s5  }
0xe: {  	[smem:$0x3FAE] =	sst s6  }
0xf: {  	[smem:$0x3FAF] =	sst s7  }
0x10: {  	[smem:$0x3FB0] =	sst s8  }
0x11: {  	[smem:$0x3FB1] =	sst s9;
	s0 =	simm.s32 @!p0 $0x0  }
0x12: {  	s1 =	sld [smem:$0x3F97];
	s0 =	simm.s32 @p0 $0x1  }
0x13: {  	[smem:$0x3FB2] =	sst s0;
	s0 =	simm.s32 @!p1 $0x0  }
0x14: {  	s2 =	sld [smem:$0x3F96];
	s0 =	simm.s32 @p1 $0x1  }
0x15: {  	[smem:$0x3FB3] =	sst s0;
	s0 =	simm.s32 @!p2 $0x0  }
0x16: {  	s3 =	sld [smem:$0x3FDB];
	s0 =	simm.s32 @p2 $0x1  }
0x17: {  	s4 =	simm.s32 $0x1BF5;
	[smem:$0x3FB5] =	sst s0  }
0x18: {  	s0 =	sld [smem:$0x3F98];
	_ =	swait.ge [sflag:s4], $0x0  }
0x19: {  	s7 =	sld [smem:$0x3F99]  }
0x1a: {  	s8 =	sadd.s32 $0xFFFFE003, lr  }
0x1b: {  	s9 =	sadd.s32 $0xFFFFFEF7, lr;
	s5 =	simm.s32 $0xFFFFFFFF;
	p2 =	slt.u32 s8, $0xFFFFF086  }
0x1c: {  	p1 =	slt.u32 s9, $0xF7A;
	s5 =	simm.s32 @!p2 $0x0  }
0x1d: {  	s5 =	simm.s32 @p1 $0x1;
	p0 =	seq.s32 s7, s2  }
0x1e: {  	s7 =	smul.u32 @!p0 $0xF7A, s2;
	p2 =	seq.s32 @!p0 s5, $0x0  }
0x1f: {  	s9 =	smul.u32 $0xF7A, s1;
	s8 =	simm.s32 @!p0 $0x1BF5;
	p2 =	por !p2, p0  }
0x20: {  	[sflag:s8] =	ssyncset.s32 @!p0 $0xFFFFF086;
	s6 =	sadd.s32 @!p0 s3, s7;
	s7 =	simm.s32 @!p0 $0x108  }
0x21: {  	s3 =	sadd.s32 s3, s9;
	s6 =	sadd.s32 @!p0 $0x88, s6;
	s7 =	simm.s32 @p2 $0x1082  }
0x22: {  	[simem:s7], [sflag:s8] =	dma.local @!p0 [hbm:s6], $0xF7A  }
0x23: {  	s9 =	sor.u32 $0xD0000000, s2;
	s6 =	simm.s32 $0x108;
	_ =	swait.ge @!p0 [sflag:s8], $0x0  }
0x24: {  	s3 =	sadd.s32 $0x88, s3;
	s6 =	simm.s32 @!p1 $0x1082;
	[sflag:s4] =	ssyncset.s32 $0xFFFFF086  }
0x25: {  	[simem:s6], [sflag:s4] =	dma.local [hbm:s3], $0xF7A  }
0x26: {  	[smem:$0x3F99] =	sst s1;
	(tag) =	ssettag s2;
	_ =	strace s9  }
0x27: {  	s1 =	sld [smem:$0x3FA9]  }
0x28: {  	s2 =	sld [smem:$0x3FAA]  }
0x29: {  	s4 =	sld [smem:$0x3FAC]  }
0x2a: {  	p0 =	seq.s32 s5, $0x0;
	s5 =	sld [smem:$0x3FAD]  }
0x2b: {  	s6 =	sld [smem:$0x3FAE]  }
0x2c: {  	s7 =	sld [smem:$0x3FAF]  }
0x2d: {  	s3 =	simm.s32 $0x108;
	s8 =	sld [smem:$0x3FB0]  }
0x2e: {  	s3 =	simm.s32 @!p0 $0x1082;
	s9 =	sld [smem:$0x3FB1]  }
0x2f: {  	lr =	sadd.s32 s0, s3;
	s0 =	sld [smem:$0x3FA8]  }
0x30: {  	s3 =	sld [smem:$0x3FAB]  }
0x31: {  	[smem:$0x3FB4] =	sst s10  }
0x32: {  	s10 =	sld [smem:$0x3FB2];
	_ =	sdelay $0x3  }
0x33: {  	p0 =	seq.s32 s10, $0x1;
	s10 =	sld [smem:$0x3FB4];
	_ =	sdelay $0x3  }
0x34: {  	[smem:$0x3FB4] =	sst s10  }
0x35: {  	s10 =	sld [smem:$0x3FB3];
	_ =	sdelay $0x3  }
0x36: {  	p1 =	seq.s32 s10, $0x1;
	s10 =	sld [smem:$0x3FB4];
	_ =	sdelay $0x3  }
0x37: {  	[smem:$0x3FB4] =	sst s10  }
0x38: {  	s10 =	sld [smem:$0x3FB5]  }
0x39: {  	_ = 	snop;
	(pc) =	sbr.ind lr, $3  }
0x3a: {  	_ = 	snop  }
0x3b: {  	_ = 	snop  }
0x3c: {  	p2 =	seq.s32 s10, $0x1;
	s10 =	sld [smem:$0x3FB4]  }
0x3d: {  	_ =	shalt  }
0x3e: {  	_ =	shalt  }
0x3f: {  	_ =	shalt  }
0x40: {  	_ =	shalt  }
0x41: {  	_ =	shalt  }
0x42: {  	_ =	shalt  }
0x43: {  	_ =	shalt  }
0x44: {  	_ =	shalt  }
0x45: {  	_ =	shalt  }
0x46: {  	_ =	shalt  }
0x47: {  	_ =	shalt  }
0x48: {  	_ =	shalt  }
0x49: {  	_ =	shalt  }
0x4a: {  	_ =	shalt  }
0x4b: {  	_ =	shalt  }
0x4c: {  	_ =	shalt  }
0x4d: {  	_ =	shalt  }
0x4e: {  	_ =	shalt  }
0x4f: {  	_ =	shalt  }
0x50: {  	_ =	shalt  }
0x51: {  	_ =	shalt  }
0x52: {  	_ =	shalt  }
0x53: {  	_ =	shalt  }
0x54: {  	_ =	shalt  }
0x55: {  	_ =	shalt  }
0x56: {  	_ =	shalt  }
0x57: {  	_ =	shalt  }
0x58: {  	_ =	shalt  }
0x59: {  	_ =	shalt  }
0x5a: {  	_ =	shalt  }
0x5b: {  	_ =	shalt  }
0x5c: {  	_ =	shalt  }
0x5d: {  	_ =	shalt  }
0x5e: {  	_ =	shalt  }
0x5f: {  	_ =	shalt  }
0x60: {  	_ =	shalt  }
0x61: {  	_ =	shalt  }
0x62: {  	_ =	shalt  }
0x63: {  	_ =	shalt  }
0x64: {  	_ =	shalt  }
0x65: {  	_ =	shalt  }
0x66: {  	_ =	shalt  }
0x67: {  	_ =	shalt  }
0x68: {  	_ =	shalt  }
0x69: {  	_ =	shalt  }
0x6a: {  	_ =	shalt  }
0x6b: {  	_ =	shalt  }
0x6c: {  	_ =	shalt  }
0x6d: {  	_ =	shalt  }
0x6e: {  	_ =	shalt  }
0x6f: {  	_ =	shalt  }
0x70: {  	_ =	shalt  }
0x71: {  	_ =	shalt  }
0x72: {  	_ =	shalt  }
0x73: {  	_ =	shalt  }
0x74: {  	_ =	shalt  }
0x75: {  	_ =	shalt  }
0x76: {  	_ =	shalt  }
0x77: {  	_ =	shalt  }
0x78: {  	_ =	shalt  }
0x79: {  	_ =	shalt  }
0x7a: {  	_ =	shalt  }
0x7b: {  	_ =	shalt  }
0x7c: {  	_ =	shalt  }
0x7d: {  	_ =	shalt  }
0x7e: {  	_ =	shalt  }
0x7f: {  	_ =	shalt  }
0x80: {  	_ =	shalt  }
0x81: {  	_ =	shalt  }
0x82: {  	_ =	shalt  }
0x83: {  	_ =	shalt  }
0x84: {  	_ =	shalt  }
0x85: {  	_ =	shalt  }
0x86: {  	_ =	shalt  }
0x87: {  	_ =	shalt  }
.Lfunc_end0:
.L_simem_size_0:
called_computation.4_lowered:
.L_overlay_start_0:
0x88: {  	s2 =	sld [smem:$0x3FD9]  }
0x89: {  	s3 =	sld [smem:$0x3FFE];
	_ =	sdelay $0x1  }
0x8a: {  	s1 =	srdreg.scid  }
0x8b: {  	s0 =	sand.u32 $0x1, s1  }
0x8c: {  	s16 =	sshll.u32 s0, $0xA;
	s2 =	sadd.s32 s3, s2  }
0x8d: {  	s2 =	sadd.s32 s2, s16  }
0x8e: {  	[smem:$0x3FC0] =	sst s2  }
0x8f: {  	_ = 	snop  }
0x90: {  	(tm) =	ssettm $0x1  }
0x91: {  	s17 =	sld [smem:$0x3FFB];
	_ =	sdelay $0x3  }
0x92: {  	_ =	strace s17  }
0x93: {  	s2 =	sld [smem:$0x3FFC];
	_ =	sdelay $0x3  }
0x94: {  	_ =	strace s2  }
0x95: {  	s2 =	sld [smem:$0x3FFD];
	_ =	sdelay $0x3  }
0x96: {  	_ =	strace s2  }
0x97: {  	_ =	strace $0x8FFFFFFF  }
0x98: {  	s18 =	sld [smem:$0x3FDB];
	_ =	sdelay $0x1  }
0x99: {  	s19 =	simm.s32 $_scs_section_size  }
0x9a: {  	s4 =	simm.s32 $_size__tile_overlayer_lowered;
	s5 =	simm.s32 $_tile_overlayer_lowered  }
0x9b: {  	s22 =	simm.s32 $0x1BFF;
	s21 =	sshll.u32 s5, $0x1;
	s2 =	sadd.s32 s19, s18  }
0x9c: {  	s6 =	simm.s32 $0x0;
	s20 =	sshll.u32 s4, $0x1;
	s4 =	sadd.s32 s21, s2  }
0x9d: {  	[timem:s6], [sflag:s22] =	dma.local [hbm:s4], s20  }
0x9e: {  	_ =	swait.ge [sflag:s22], s20  }
0x9f: {  	s3 =	ssub.s32 $0x0, s20;
	[sflag:s22] =	ssyncset.done $0x0  }
0xa0: {  	[sflag:s22] =	ssyncadd.s32 s3;
	_ =	sdelay $0x1  }
0xa1: {  	s23 =	simm.s32 $0x1B8B  }
0xa2: {  	_ =	swait.ge [sflag:s23], $0x1  }
0xa3: {  	[sflag:s23] =	ssyncset.done $0x0  }
0xa4: {  	s25 =	simm.s32 $0x1B8E;
	s24 =	sld [smem:$0x3FFE];
	[sflag:s23] =	ssyncadd.s32 $0xFFFFFFFF  }
0xa5: {  	s26 =	simm.s32 $execute0_lowered;
	[smem:$0x3FD2] =	sst s25  }
0xa6: {  	s4 =	sshll.u32 s26, $0x1;
	_ =	strace $0x80000046;
	[dreg:$0x1] =	wrdreg $0xFFFFFFFF  }
0xa7: {  	s28 =	simm.s32 $_size_execute0_lowered;
	s2 =	sadd.s32 s2, s4;
	[dreg:$0x0] =	wrdreg $0x0  }
0xa8: {  	s4 =	sshll.u32 s28, $0x1;
	[dreg:$0x2] =	wrdreg s2  }
0xa9: {  	[dreg:$0x3] =	wrdreg s4  }
0xaa: {  	[dreg:$0x4] =	wrdreg $0xC0  }
0xab: {  	_ =	task [dreg:s6], $0x5FFFF  }
0xac: {  	[dreg:$0x1] =	wrdreg $0xFFFFFFFF  }
0xad: {  	[dreg:$0x0] =	wrdreg $0x60  }
0xae: {  	[dreg:$0x2] =	wrdreg s24  }
0xaf: {  	[dreg:$0x3] =	wrdreg $0x116C00  }
0xb0: {  	[dreg:$0x4] =	wrdreg $0x13EC00  }
0xb1: {  	[dreg:$0x5] =	wrdreg $0x9  }
0xb2: {  	_ =	task.clear_ibuf [dreg:s6], $0x6FFFF;
	_ =	strace $0x90000046  }
0xb3: {  	s29 =	simm.s32 $0x9;
	_ =	strace $0x80000048  }
0xb4: {  	_ =	swait.ge [sflag:s29], $0x1  }
0xb5: {  	[sflag:s29] =	ssyncadd.s32 $0xFFFFFFFF  }
0xb6: {  	_ =	strace $0x90000048  }
0xb7: {  	_ =	sfence  }
0xb8: {  	s30 =	sld [smem:$0x0];
	_ =	sdelay $0x2  }
0xb9: {  	s31 =	sshll.u32 s1, $0xD;
	s1 =	sshrl.u32 s1, $0x2  }
0xba: {  	s3 =	sand.u32 $0x4000, s31;
	s1 =	sadd.s32 s1, s30  }
0xbb: {  	s0 =	sor.u32 s3, s0;
	s1 =	sshll.u32 s1, $0x11  }
0xbc: {  	s0 =	sor.u32 s1, s0  }
0xbd: {  	s0 =	sadd.s32 $0x8F2B, s0  }
0xbe: {  	[sflag:s0] =	ssyncadd.remote.s32 $0x1  }
0xbf: {  	_ =	sfence.sel $0xFFFF  }
0xc0: {  	[dreg:$0x0] =	wrdreg $0xFFFFFFFF;
	(pc) =	sbr.abs _section_cstart, $3  }
0xc1: {  	[dreg:$0x1] =	wrdreg $0xFFFFFFFF  }
0xc2: {  	_ =	task.clear_ibuf [dreg:s6], $0x2FFFF;
	_ =	strace $0x9FFFFFFF  }
0xc3: {  	(tm) =	ssettm $0x7FFFFFFF  }
tec
execute0_lowered:
.L_overlay_start_1:
0x0: {  	(tag) =	ssettag $0x1  }
0x1: {  	s1 =	rddreg [dreg:$0x0]  }
0x2: {  	s12 =	rddreg [dreg:$0x1]  }
0x3: {  	s2 =	rddreg [dreg:$0x2]  }
0x4: {  	s0 =	rddreg [dreg:$0x3]  }
0x5: {  	s4 =	simm.s32 $0x0;
	s5 =	srdreg.scid;
	s3 =	stileid.u32  }
0x6: {  	s15 =	simm.s32 $0x1;
	s16 =	simm.s32 $0x4E20;
	s17 =	simm.s32 $0xC440  }
0x7: {  	s18 =	simm.s32 $0x280;
	s19 =	simm.s32 $0x2800;
	s20 =	simm.s32 $0xEC40  }
0x8: {  	s21 =	simm.s32 $0x11440;
	s22 =	simm.s32 $0x9C40;
	s23 =	simm.s32 $0x0  }
0x9: {  	[smem:$0x7FF] =	sst s4;
	s10 =	sand.u32 $0x1, s5;
	s5 =	sadd.s32 $0x27200, s1  }
0xa: {  	s9 =	smul.u32 $0xA000, s3;
	s6 =	sadd.s32 $0x4E400, s1;
	s8 =	ssub.s32 $0x2, s10  }
0xb: {  	s7 =	sadd.s32 $0x4F800, s1;
	_ =	strace $0x80000047;
	s11 =	sshrl.u32 s8, $0x1  }
0xc: {  	s31 =	sshrl.u32 s9, $0x2;
	s14 =	ssub.s32 s8, s11;
	s8 =	smul.u32 $0x280, s3  }
0xd: {  	s10 =	sshll.u32 s10, $0x1;
	s9 =	smul.u32 $0x4E20, s3;
	s11 =	sadd.s32 s31, s12  }
0xe: {  	v0 =	vimm.f32 $0.0e+00;
	v1 =	vimm.f32 $1.000000000e+00;
	s14 =	smax.u32 s14, $0x1;
	s12 =	sadd.s32 s8, s12;
	s13 =	sadd.s32 s8, s2  }
.LBB2_1:
0xf: {  	p1 =	por $0x1, $0x1;
	s24 =	simm.s32 $0x0  }
.LBB2_2:
0x10: {  	s24 =	sor.u32 s10, s24  }
0x11: {  	s25 =	smul.u32 $0x4E200, s24;
	_ =	sdelay $0x1  }
0x12: {  	s25 =	sadd.s32 s9, s25  }
0x13: {  	s25 =	sshrl.u32 s25, $0x3  }
0x14: {  	s28 =	simm.s32 $0x0;
	s26 =	sadd.s32 s1, s25  }
0x15: {  	[tilespmem:s28], [sflag:$0x1] =	stream.linear.gather [hbm4b:s26+s28], $0x4E20, $0x38;
	[tilespmem:$0x14140] =	vst v63  }
0x16: {  	_ =	swait.ge [sflag:s15], $0x4E20  }
0x17: {  	[sflag:s15] =	ssyncset.done $0x0  }
0x18: {  	s25 =	sadd.s32 s5, s25;
	[sflag:s15] =	ssyncadd.s32 $0xFFFFB1E0  }
0x19: {  	[tilespmem:s16], [sflag:$0x1] =	stream.linear.gather [hbm4b:s25+s28], $0x4E20, $0x38;
	[tilespmem:$0x14140] =	vst v63  }
0x1a: {  	_ =	swait.ge [sflag:s15], $0x4E20  }
0x1b: {  	p0 =	por p1, p1;
	[sflag:s15] =	ssyncset.done $0x0  }
0x1c: {  	s26 =	simm.s32 $0x0;
	s25 =	simm.s32 $0x40;
	[sflag:s15] =	ssyncadd.s32 $0xFFFFB1E0  }
.LBB2_3:
0x1d: {  	p1 =	sne.s32 s25, $0x9FC0;
	[tilespmem:s26+$0xC440] =	vst v0;
	s26 =	smov.u32 s25;
	s25 =	sadd.s32 $0x40, s25  }
.Ltmp0:
0x1e: {  	(pc) =	sbr.rel @p1 .LBB2_3-.Ltmp0, $2  }
0x1f: {  	_ =	sdelay $0x2  }
0x20: {  	s26 =	sshra.s32 s26, $0x2  }
0x21: {  	[tilespmem:s26+$0xC440] =	vst v0;
	s26 =	simm.s32 $0x0;
	s25 =	simm.s32 $0x40  }
.LBB2_5:
0x22: {  	p1 =	sne.s32 s25, $0x13840;
	v2 =	vld [tilespmem:s26+$0x4E20];
	_ =	sdelay $0x3  }
.Ltmp1:
0x23: {  	(pc) =	sbr.rel @p1 .LBB2_5-.Ltmp1, $2  }
0x24: {  	_ =	sdelay $0x2  }
0x25: {  	s26 =	sshra.s32 s25, $0x2;
	s25 =	sadd.s32 $0x40, s25;
	[tilespmem:v2+s17+$0x0] =	vst.idx.add.f32.msk $0xffff, v1  }
0x26: {  	v2 =	vld [tilespmem:s26+$0x4E20];
	_ =	sdelay $0x7  }
0x27: {  	[tilespmem:v2+s17+$0x0] =	vst.idx.add.f32.msk $0xffff, v1  }
0x28: {  	[spmem:s11] =	stream.linear.scatter [tilespmem:s17], [sflag:$0x1], $0x2800, $0x38;
	[tilespmem:$0x14140] =	vst v63  }
0x29: {  	_ =	swait.ge [sflag:s15], $0x2800  }
0x2a: {  	[sflag:s15] =	ssyncset.done $0x0  }
0x2b: {  	[sflag:s15] =	ssyncadd.s32 $0xFFFFD800  }
0x2c: {  	[bflag:$0x0] =	sbarrier.arrive $0xFFFF  }
0x2d: {  	[tilespmem:s20], [sflag:$0x1] =	stream.strided.gather [spmem:s12], $0x2800, s19, s18, $0x38;
	[tilespmem:$0x14140] =	vst v63  }
0x2e: {  	_ =	swait.ge [sflag:s15], $0x2800  }
0x2f: {  	[sflag:s15] =	ssyncset.done $0x0  }
0x30: {  	s28 =	simm.s32 $0x0;
	[sflag:s15] =	ssyncadd.s32 $0xFFFFD800  }
0x31: {  	v2 =	vld [tilespmem:s28+$0xEC40]  }
0x32: {  	v3 =	vld [tilespmem:s28+$0xEEC0];
	_ =	sdelay $0x1  }
0x33: {  	v4 =	vld [tilespmem:s28+$0xF140];
	_ =	sdelay $0x1  }
0x34: {  	v5 =	vld [tilespmem:s28+$0xF3C0]  }
0x35: {  	v2 =	vadd.f32 v3, v2  }
0x36: {  	v3 =	vld [tilespmem:s28+$0xF640]  }
0x37: {  	v2 =	vadd.f32 v4, v2  }
0x38: {  	v4 =	vld [tilespmem:s28+$0xF8C0]  }
0x39: {  	v2 =	vadd.f32 v5, v2  }
0x3a: {  	v5 =	vld [tilespmem:s28+$0xFB40]  }
0x3b: {  	v6 =	vld [tilespmem:s28+$0xFDC0];
	v2 =	vadd.f32 v3, v2  }
0x3c: {  	s25 =	simm.s32 $0x10;
	v7 =	vld [tilespmem:s28+$0x10040]  }
0x3d: {  	v8 =	vld [tilespmem:s25+$0xEEC0];
	v2 =	vadd.f32 v4, v2  }
0x3e: {  	v9 =	vld [tilespmem:s25+$0xF140]  }
0x3f: {  	v3 =	vld [tilespmem:s28+$0x102C0];
	v2 =	vadd.f32 v5, v2  }
0x40: {  	v4 =	vld [tilespmem:s25+$0xEC40]  }
0x41: {  	v10 =	vld [tilespmem:s25+$0xF3C0];
	v2 =	vadd.f32 v6, v2  }
0x42: {  	v5 =	vld [tilespmem:s28+$0x10540]  }
0x43: {  	v11 =	vld [tilespmem:s25+$0xF640];
	v2 =	vadd.f32 v7, v2  }
0x44: {  	s26 =	simm.s32 $0x20;
	v6 =	vld [tilespmem:s28+$0x107C0]  }
0x45: {  	v12 =	vld [tilespmem:s26+$0xF3C0];
	v4 =	vadd.f32 v8, v4;
	v2 =	vadd.f32 v3, v2  }
0x46: {  	v7 =	vld [tilespmem:s28+$0x10A40]  }
0x47: {  	v8 =	vld [tilespmem:s25+$0xF8C0];
	v4 =	vadd.f32 v9, v4;
	v2 =	vadd.f32 v5, v2  }
0x48: {  	v5 =	vld [tilespmem:s28+$0x10CC0]  }
0x49: {  	v9 =	vld [tilespmem:s25+$0xFB40];
	v4 =	vadd.f32 v10, v4;
	v2 =	vadd.f32 v6, v2  }
0x4a: {  	v6 =	vld [tilespmem:s28+$0x10F40]  }
0x4b: {  	v3 =	vld [tilespmem:s28+$0x111C0];
	v4 =	vadd.f32 v11, v4;
	v2 =	vadd.f32 v7, v2  }
0x4c: {  	v10 =	vld [tilespmem:s25+$0xFDC0]  }
0x4d: {  	v11 =	vld [tilespmem:s25+$0x10040];
	v4 =	vadd.f32 v8, v4;
	v2 =	vadd.f32 v5, v2  }
0x4e: {  	v8 =	vld [tilespmem:s26+$0xEEC0]  }
0x4f: {  	v4 =	vadd.f32 v9, v4;
	v5 =	vld [tilespmem:s26+$0xEC40];
	v2 =	vadd.f32 v6, v2  }
0x50: {  	v7 =	vld [tilespmem:s25+$0x102C0]  }
0x51: {  	v9 =	vld [tilespmem:s26+$0xF140];
	v4 =	vadd.f32 v10, v4;
	v2 =	vadd.f32 v3, v2  }
0x52: {  	v6 =	vld [tilespmem:s25+$0x10540]  }
0x53: {  	v10 =	vld [tilespmem:s25+$0x107C0];
	v3 =	vadd.f32 v11, v4;
	v2 =	vadd.f32 $1.000000000e+00, v2  }
0x54: {  	v4 =	vld [tilespmem:s25+$0x10A40];
	v5 =	vadd.f32 v8, v5  }
0x55: {  	v8 =	vld [tilespmem:s26+$0xF640];
	v7 =	vadd.f32 v7, v3;
	[tilespmem:s28+$0xC440] =	vst v2;
	v11 =	vshrl.u32 v2, $0x1;
	v2 =	vmul.f32 $5.000000000e-01, v2  }
0x56: {  	v5 =	vadd.f32 v9, v5;
	v3 =	vld [tilespmem:s25+$0x111C0];
	v9 =	vsub.s32 $0x5F3759DF, v11  }
0x57: {  	v6 =	vadd.f32 v6, v7;
	v7 =	vld [tilespmem:s26+$0xF8C0];
	v11 =	vmul.f32 v9, v2  }
0x58: {  	v5 =	vadd.f32 v12, v5;
	v12 =	vld [tilespmem:s25+$0x10CC0]  }
0x59: {  	v6 =	vadd.f32 v10, v6;
	v10 =	vld [tilespmem:s26+$0xFB40];
	v11 =	vmul.f32 v9, v11  }
0x5a: {  	v14 =	vld [tilespmem:s25+$0x10F40];
	v13 =	vadd.f32 v8, v5  }
0x5b: {  	v8 =	vld [tilespmem:s26+$0xFDC0];
	v4 =	vadd.f32 v4, v6;
	v6 =	vsub.f32 $1.500000000e+00, v11  }
0x5c: {  	v5 =	vld [tilespmem:s26+$0x102C0];
	v11 =	vadd.f32 v7, v13  }
0x5d: {  	s29 =	simm.s32 $0x30;
	v7 =	vld [tilespmem:s26+$0x10040];
	v13 =	vadd.f32 v12, v4;
	v4 =	vmul.f32 v9, v6  }
0x5e: {  	v6 =	vld [tilespmem:s29+$0xEC40];
	v12 =	vadd.f32 v10, v11  }
0x5f: {  	s30 =	simm.s32 $0x100;
	v9 =	vld [tilespmem:s29+$0xEEC0];
	v10 =	vadd.f32 v14, v13;
	v11 =	vmul.f32 v4, v2  }
.LBB2_7:
0x60: {  	p1 =	sne.s32 s30, $0x9C0;
	v8 =	vadd.f32 v8, v12;
	v12 =	vld [tilespmem:s26+$0x10540];
	s31 =	smov.u32 s26;
	s26 =	smov.u32 s29  }
0x61: {  	v13 =	vld [tilespmem:s26+$0xF140];
	v3 =	vadd.f32 v3, v10;
	v10 =	vmul.f32 v11, v4  }
0x62: {  	v7 =	vadd.f32 v7, v8;
	v8 =	vld [tilespmem:s31+$0x107C0]  }
0x63: {  	v11 =	vld [tilespmem:s26+$0xF3C0];
	v3 =	vadd.f32 $1.000000000e+00, v3;
	v10 =	vsub.f32 $1.500000000e+00, v10  }
0x64: {  	v6 =	vadd.f32 v9, v6;
	v5 =	vadd.f32 v5, v7;
	v7 =	vld [tilespmem:s31+$0x10A40]  }
0x65: {  	v9 =	vld [tilespmem:s26+$0xF640];
	[tilespmem:s25+$0xC440] =	vst v3;
	v14 =	vshrl.u32 v3, $0x1;
	v15 =	vmul.f32 $5.000000000e-01, v3;
	v10 =	vmul.f32 v10, v4  }
0x66: {  	v4 =	vadd.f32 v13, v6;
	v5 =	vadd.f32 v12, v5;
	v3 =	vld [tilespmem:s31+$0x111C0];
	v6 =	vsub.s32 $0x5F3759DF, v14  }
0x67: {  	v12 =	vld [tilespmem:s26+$0xF8C0];
	v13 =	vmul.f32 v6, v15;
	v14 =	vmul.f32 v10, v2;
	v2 =	vmov v15  }
0x68: {  	v4 =	vadd.f32 v11, v4;
	v5 =	vadd.f32 v8, v5;
	v11 =	vld [tilespmem:s31+$0x10CC0]  }
0x69: {  	v15 =	vld [tilespmem:s26+$0xFB40];
	v13 =	vmul.f32 v6, v13;
	v14 =	vmul.f32 v14, v10  }
0x6a: {  	v4 =	vadd.f32 v9, v4;
	v9 =	vadd.f32 v7, v5;
	v16 =	vld [tilespmem:s31+$0x10F40]  }
.Ltmp2:
0x6b: {  	v8 =	vld [tilespmem:s26+$0xFDC0];
	v13 =	vsub.f32 $1.500000000e+00, v13;
	v14 =	vsub.f32 $1.500000000e+00, v14;
	(pc) =	sbr.rel @p1 .LBB2_7-.Ltmp2, $4  }
0x6c: {  	v12 =	vadd.f32 v12, v4;
	v5 =	vld [tilespmem:s26+$0x102C0]  }
0x6d: {  	s29 =	sshra.s32 s30, $0x2;
	v7 =	vld [tilespmem:s26+$0x10040];
	v11 =	vadd.f32 v11, v9;
	v4 =	vmul.f32 v6, v13;
	v13 =	vmul.f32 v14, v10  }
0x6e: {  	v6 =	vld [tilespmem:s29+$0xEC40];
	v12 =	vadd.f32 v15, v12  }
0x6f: {  	s30 =	sadd.s32 $0x40, s30;
	v9 =	vld [tilespmem:s29+$0xEEC0];
	v10 =	vadd.f32 v16, v11;
	v11 =	vmul.f32 v4, v2;
	[tilespmem:s28+$0x11440] =	vst v13;
	s28 =	smov.u32 s25;
	s25 =	smov.u32 s31  }
0x70: {  	_ = 	snop  }
0x71: {  	v8 =	vadd.f32 v8, v12;
	v23 =	vld [tilespmem:s29+$0xF140];
	v3 =	vadd.f32 v3, v10  }
0x72: {  	v13 =	vld [tilespmem:s26+$0x10540];
	v24 =	vmul.f32 v11, v4  }
0x73: {  	v26 =	vld [tilespmem:s29+$0xF3C0];
	v7 =	vadd.f32 v7, v8;
	v3 =	vadd.f32 $1.000000000e+00, v3  }
0x74: {  	v25 =	vld [tilespmem:s26+$0x107C0];
	v10 =	vsub.f32 $1.500000000e+00, v24;
	v6 =	vadd.f32 v9, v6  }
0x75: {  	v28 =	vld [tilespmem:s29+$0xF640];
	v5 =	vadd.f32 v5, v7  }
0x76: {  	v27 =	vld [tilespmem:s26+$0x10A40];
	[tilespmem:s25+$0xC440] =	vst v3;
	v29 =	vmul.f32 v10, v4;
	v6 =	vadd.f32 v23, v6  }
0x77: {  	v5 =	vadd.f32 v13, v5;
	v30 =	vld [tilespmem:s29+$0xF8C0]  }
0x78: {  	v31 =	vld [tilespmem:s26+$0x10CC0];
	v2 =	vmul.f32 v29, v2;
	v6 =	vadd.f32 v26, v6  }
0x79: {  	v32 =	vld [tilespmem:s29+$0xFB40];
	v5 =	vadd.f32 v25, v5  }
0x7a: {  	v33 =	vld [tilespmem:s26+$0x10F40];
	v2 =	vmul.f32 v2, v29;
	v6 =	vadd.f32 v28, v6  }
0x7b: {  	v34 =	vld [tilespmem:s29+$0xFDC0];
	v5 =	vadd.f32 v27, v5  }
0x7c: {  	v35 =	vld [tilespmem:s26+$0x111C0];
	v2 =	vsub.f32 $1.500000000e+00, v2;
	v6 =	vadd.f32 v30, v6  }
0x7d: {  	v36 =	vld [tilespmem:s29+$0x10040]  }
0x7e: {  	v5 =	vadd.f32 v31, v5;
	v2 =	vmul.f32 v2, v29;
	v37 =	vadd.f32 v32, v6  }
0x7f: {  	v38 =	vld [tilespmem:s29+$0x102C0]  }
0x80: {  	v5 =	vadd.f32 v33, v5;
	[tilespmem:s28+$0x11440] =	vst v2;
	v2 =	vadd.f32 v34, v37  }
0x81: {  	v39 =	vld [tilespmem:s29+$0x10540]  }
0x82: {  	v5 =	vadd.f32 v35, v5;
	v2 =	vadd.f32 v36, v2  }
0x83: {  	v40 =	vld [tilespmem:s29+$0x107C0]  }
0x84: {  	v5 =	vadd.f32 $1.000000000e+00, v5;
	v2 =	vadd.f32 v38, v2  }
0x85: {  	v41 =	vld [tilespmem:s29+$0x10A40]  }
0x86: {  	[tilespmem:s26+$0xC440] =	vst v5;
	v2 =	vadd.f32 v39, v2  }
0x87: {  	v42 =	vld [tilespmem:s29+$0x10CC0]  }
0x88: {  	v2 =	vadd.f32 v40, v2  }
0x89: {  	v43 =	vld [tilespmem:s29+$0x10F40]  }
0x8a: {  	v2 =	vadd.f32 v41, v2  }
0x8b: {  	v44 =	vld [tilespmem:s29+$0x111C0]  }
0x8c: {  	v2 =	vadd.f32 v42, v2;
	_ =	sdelay $0x1  }
0x8d: {  	v2 =	vadd.f32 v43, v2;
	_ =	sdelay $0x1  }
0x8e: {  	v2 =	vadd.f32 v44, v2  }
0x8f: {  	v45 =	vshrl.u32 v3, $0x1;
	v3 =	vmul.f32 $5.000000000e-01, v3  }
0x90: {  	v4 =	vsub.s32 $0x5F3759DF, v45;
	v2 =	vadd.f32 $1.000000000e+00, v2  }
0x91: {  	v46 =	vmul.f32 v4, v3;
	v47 =	vshrl.u32 v5, $0x1;
	v5 =	vmul.f32 $5.000000000e-01, v5  }
0x92: {  	v7 =	vsub.s32 $0x5F3759DF, v47;
	v48 =	vshrl.u32 v2, $0x1;
	v49 =	vmul.f32 $5.000000000e-01, v2  }
0x93: {  	v6 =	vmul.f32 v4, v46;
	v50 =	vmul.f32 v7, v5;
	v8 =	vsub.s32 $0x5F3759DF, v48  }
0x94: {  	v51 =	vmul.f32 v8, v49  }
0x95: {  	v6 =	vsub.f32 $1.500000000e+00, v6;
	v10 =	vmul.f32 v7, v50  }
0x96: {  	v11 =	vmul.f32 v8, v51  }
0x97: {  	v4 =	vmul.f32 v4, v6;
	v52 =	vsub.f32 $1.500000000e+00, v10  }
0x98: {  	v53 =	vsub.f32 $1.500000000e+00, v11  }
0x99: {  	v54 =	vmul.f32 v4, v3;
	v6 =	vmul.f32 v7, v52  }
0x9a: {  	v55 =	vmul.f32 v8, v53  }
0x9b: {  	v56 =	vmul.f32 v54, v4;
	v57 =	vmul.f32 v6, v5  }
0x9c: {  	v58 =	vmul.f32 v55, v49  }
0x9d: {  	v10 =	vmul.f32 v57, v6;
	v8 =	vsub.f32 $1.500000000e+00, v56  }
0x9e: {  	v11 =	vmul.f32 v58, v55  }
0x9f: {  	v59 =	vsub.f32 $1.500000000e+00, v10;
	v4 =	vmul.f32 v8, v4  }
0xa0: {  	v60 =	vsub.f32 $1.500000000e+00, v11  }
0xa1: {  	v6 =	vmul.f32 v59, v6;
	v3 =	vmul.f32 v4, v3  }
0xa2: {  	v7 =	vmul.f32 v60, v55  }
0xa3: {  	v5 =	vmul.f32 v6, v5;
	v3 =	vmul.f32 v3, v4  }
0xa4: {  	v61 =	vmul.f32 v7, v49  }
0xa5: {  	v5 =	vmul.f32 v5, v6;
	v3 =	vsub.f32 $1.500000000e+00, v3  }
0xa6: {  	v8 =	vmul.f32 v61, v7  }
0xa7: {  	v62 =	vsub.f32 $1.500000000e+00, v5;
	v3 =	vmul.f32 v3, v4  }
0xa8: {  	s24 =	smul.u32 $0x2800, s24;
	v63 =	vsub.f32 $1.500000000e+00, v8  }
0xa9: {  	[tilespmem:s25+$0x11440] =	vst v3;
	v3 =	vmul.f32 v62, v6  }
0xaa: {  	s24 =	sadd.s32 s8, s24;
	[tilespmem:s29+$0xC440] =	vst v2;
	v2 =	vmul.f32 v63, v7  }
0xab: {  	s24 =	sshrl.u32 s24, $0x3;
	[tilespmem:s26+$0x11440] =	vst v3  }
0xac: {  	s31 =	simm.s32 $0x0;
	s30 =	sadd.s32 s6, s24;
	[tilespmem:s29+$0x11440] =	vst v2  }
0xad: {  	[hbm4b:s30+s31] =	stream.linear.scatter [tilespmem:s17], [sflag:$0x1], $0x280, $0x38;
	[tilespmem:$0x14140] =	vst v63  }
0xae: {  	_ =	swait.ge [sflag:s15], $0x280  }
0xaf: {  	[sflag:s15] =	ssyncset.done $0x0  }
0xb0: {  	[sflag:s15] =	ssyncadd.s32 $0xFFFFFD80  }
0xb1: {  	[spmem:s13] =	stream.linear.scatter [tilespmem:s21], [sflag:$0x1], $0x280, $0x38;
	[tilespmem:$0x14140] =	vst v63  }
0xb2: {  	_ =	swait.ge [sflag:s15], $0x280  }
0xb3: {  	[sflag:s15] =	ssyncset.done $0x0  }
0xb4: {  	[sflag:s15] =	ssyncadd.s32 $0xFFFFFD80  }
0xb5: {  	[bflag:$0x0] =	sbarrier.arrive $0xFFFF  }
0xb6: {  	[tilespmem:s22], [sflag:$0x1] =	stream.linear.gather [spmem:s2], $0x2800, $0x38;
	[tilespmem:$0x14140] =	vst v63  }
0xb7: {  	_ =	swait.ge [sflag:s15], $0x2800  }
0xb8: {  	[sflag:s15] =	ssyncset.done $0x0  }
0xb9: {  	s25 =	simm.s32 $0x40;
	s26 =	simm.s32 $0x0;
	[sflag:s15] =	ssyncadd.s32 $0xFFFFD800  }
.LBB2_9:
0xba: {  	p1 =	sne.s32 s25, $0x9FC0;
	[tilespmem:s26+$0xC440] =	vst v0;
	s26 =	smov.u32 s25;
	s25 =	sadd.s32 $0x40, s25  }
.Ltmp3:
0xbb: {  	(pc) =	sbr.rel @p1 .LBB2_9-.Ltmp3, $2  }
0xbc: {  	_ =	sdelay $0x2  }
0xbd: {  	s26 =	sshra.s32 s26, $0x2  }
0xbe: {  	[tilespmem:s26+$0xC440] =	vst v0;
	s26 =	simm.s32 $0x0  }
0xbf: {  	s25 =	simm.s32 $0x40;
	v2 =	vld [tilespmem:s26+$0x0]  }
.LBB2_11:
0xc0: {  	p1 =	sne.s32 s25, $0x13840;
	v3 =	vld [tilespmem:s26+$0x4E20];
	_ =	sdelay $0x6  }
0xc1: {  	v4 =	vld.idx.msk [tilespmem:v2+s22+$0x0], $0xffff  }
0xc2: {  	v3 =	vld.idx.msk [tilespmem:v3+s22+$0x0], $0xffff;
	_ =	sdelay $0x4  }
.Ltmp4:
0xc3: {  	(pc) =	sbr.rel @p1 .LBB2_11-.Ltmp4, $3  }
0xc4: {  	v3 =	vmul.f32 v3, v4;
	_ =	sdelay $0x1  }
0xc5: {  	s26 =	sshra.s32 s25, $0x2;
	[tilespmem:v2+s17+$0x0] =	vst.idx.add.f32.msk $0xffff, v3  }
0xc6: {  	s25 =	sadd.s32 $0x40, s25;
	v2 =	vld [tilespmem:s26+$0x0]  }
0xc7: {  	_ = 	snop  }
0xc8: {  	v3 =	vld [tilespmem:s26+$0x4E20];
	_ =	sdelay $0x6  }
0xc9: {  	v4 =	vld.idx.msk [tilespmem:v2+s22+$0x0], $0xffff  }
0xca: {  	v3 =	vld.idx.msk [tilespmem:v3+s22+$0x0], $0xffff;
	_ =	sdelay $0x4  }
0xcb: {  	v3 =	vmul.f32 v3, v4;
	_ =	sdelay $0x1  }
0xcc: {  	[tilespmem:v2+s17+$0x0] =	vst.idx.add.f32.msk $0xffff, v3  }
0xcd: {  	[spmem:s11] =	stream.linear.scatter [tilespmem:s17], [sflag:$0x1], $0x2800, $0x38;
	[tilespmem:$0x14140] =	vst v63  }
0xce: {  	_ =	swait.ge [sflag:s15], $0x2800  }
0xcf: {  	[sflag:s15] =	ssyncset.done $0x0  }
0xd0: {  	[sflag:s15] =	ssyncadd.s32 $0xFFFFD800  }
0xd1: {  	[bflag:$0x0] =	sbarrier.arrive $0xFFFF  }
0xd2: {  	[tilespmem:s20], [sflag:$0x1] =	stream.strided.gather [spmem:s12], $0x2800, s19, s18, $0x38;
	[tilespmem:$0x14140] =	vst v63  }
0xd3: {  	_ =	swait.ge [sflag:s15], $0x2800  }
0xd4: {  	[sflag:s15] =	ssyncset.done $0x0  }
0xd5: {  	s26 =	simm.s32 $0x0;
	[sflag:s15] =	ssyncadd.s32 $0xFFFFD800  }
0xd6: {  	v2 =	vld [tilespmem:s26+$0xEC40]  }
0xd7: {  	v3 =	vld [tilespmem:s26+$0xEEC0];
	_ =	sdelay $0x1  }
0xd8: {  	v4 =	vld [tilespmem:s26+$0xF140];
	_ =	sdelay $0x1  }
0xd9: {  	v5 =	vld [tilespmem:s26+$0xF3C0]  }
0xda: {  	v2 =	vadd.f32 v3, v2  }
0xdb: {  	v3 =	vld [tilespmem:s26+$0xF640]  }
0xdc: {  	v2 =	vadd.f32 v4, v2  }
0xdd: {  	v4 =	vld [tilespmem:s26+$0xF8C0]  }
0xde: {  	v2 =	vadd.f32 v5, v2  }
0xdf: {  	v5 =	vld [tilespmem:s26+$0xFB40]  }
0xe0: {  	v2 =	vadd.f32 v3, v2  }
0xe1: {  	v3 =	vld [tilespmem:s26+$0xFDC0]  }
0xe2: {  	v8 =	vld [tilespmem:s26+$0x111C0];
	v2 =	vadd.f32 v4, v2  }
0xe3: {  	s25 =	simm.s32 $0x10;
	v4 =	vld [tilespmem:s26+$0x10040]  }
0xe4: {  	v6 =	vld [tilespmem:s25+$0xEC40];
	v2 =	vadd.f32 v5, v2  }
0xe5: {  	v5 =	vld [tilespmem:s26+$0x102C0]  }
0xe6: {  	v7 =	vld [tilespmem:s25+$0xEEC0];
	v2 =	vadd.f32 v3, v2  }
0xe7: {  	v3 =	vld [tilespmem:s26+$0x10540]  }
0xe8: {  	v9 =	vld [tilespmem:s25+$0xF140];
	v2 =	vadd.f32 v4, v2  }
0xe9: {  	v4 =	vld [tilespmem:s26+$0x107C0]  }
0xea: {  	v10 =	vld [tilespmem:s25+$0xF3C0];
	v2 =	vadd.f32 v5, v2  }
0xeb: {  	v6 =	vadd.f32 v7, v6;
	v5 =	vld [tilespmem:s26+$0x10A40]  }
0xec: {  	v7 =	vld [tilespmem:s25+$0xF640];
	v2 =	vadd.f32 v3, v2  }
0xed: {  	v6 =	vadd.f32 v9, v6;
	v3 =	vld [tilespmem:s26+$0x10CC0]  }
0xee: {  	v9 =	vld [tilespmem:s25+$0xF8C0];
	v2 =	vadd.f32 v4, v2  }
0xef: {  	v6 =	vadd.f32 v10, v6;
	v4 =	vld [tilespmem:s26+$0x10F40]  }
0xf0: {  	v10 =	vld [tilespmem:s25+$0xFB40];
	v2 =	vadd.f32 v5, v2  }
0xf1: {  	v11 =	vld [tilespmem:s26+$0x11440];
	v5 =	vadd.f32 v7, v6  }
0xf2: {  	v6 =	vld [tilespmem:s25+$0xFDC0];
	v3 =	vadd.f32 v3, v2  }
0xf3: {  	v2 =	vld [tilespmem:s25+$0x111C0];
	v7 =	vadd.f32 v9, v5  }
0xf4: {  	v5 =	vld [tilespmem:s25+$0x10040];
	v9 =	vadd.f32 v4, v3  }
0xf5: {  	s28 =	simm.s32 $0x20;
	v3 =	vld [tilespmem:s25+$0x102C0];
	v7 =	vadd.f32 v10, v7  }
0xf6: {  	s29 =	simm.s32 $0xC0;
	v4 =	vld [tilespmem:s28+$0xEC40];
	v8 =	vadd.f32 v8, v9;
	v9 =	vmul.f32 v11, v11  }
.LBB2_13:
0xf7: {  	p1 =	sne.s32 s29, $0x9C0;
	v10 =	vld [tilespmem:s28+$0xEEC0];
	v6 =	vadd.f32 v6, v7  }
0xf8: {  	v7 =	vld [tilespmem:s25+$0x10540];
	v8 =	vadd.f32 v9, v8;
	v9 =	vmov v2  }
0xf9: {  	v2 =	vld [tilespmem:s28+$0xF140];
	v5 =	vadd.f32 v5, v6  }
0xfa: {  	v6 =	vld [tilespmem:s25+$0x107C0];
	[tilespmem:s26+$0x11440] =	vst v8;
	s26 =	smov.u32 s25;
	s25 =	smov.u32 s28  }
0xfb: {  	v8 =	vld [tilespmem:s25+$0xF3C0];
	v3 =	vadd.f32 v3, v5  }
0xfc: {  	v4 =	vadd.f32 v10, v4;
	v5 =	vld [tilespmem:s26+$0x10A40]  }
0xfd: {  	v10 =	vld [tilespmem:s25+$0xF640];
	v3 =	vadd.f32 v7, v3  }
0xfe: {  	v2 =	vadd.f32 v2, v4;
	v4 =	vld [tilespmem:s26+$0x10CC0]  }
0xff: {  	v7 =	vld [tilespmem:s25+$0xF8C0];
	v3 =	vadd.f32 v6, v3  }
0x100: {  	v2 =	vadd.f32 v8, v2;
	v8 =	vld [tilespmem:s26+$0x10F40]  }
0x101: {  	v11 =	vld [tilespmem:s25+$0xFB40];
	v3 =	vadd.f32 v5, v3  }
0x102: {  	v2 =	vadd.f32 v10, v2;
	v10 =	vld [tilespmem:s26+$0x11440]  }
.Ltmp5:
0x103: {  	v6 =	vld [tilespmem:s25+$0xFDC0];
	v3 =	vadd.f32 v4, v3;
	(pc) =	sbr.rel @p1 .LBB2_13-.Ltmp5, $4  }
0x104: {  	v4 =	vadd.f32 v7, v2;
	v2 =	vld [tilespmem:s25+$0x111C0]  }
0x105: {  	v5 =	vld [tilespmem:s25+$0x10040];
	v8 =	vadd.f32 v8, v3  }
0x106: {  	s28 =	sshra.s32 s29, $0x2;
	v7 =	vadd.f32 v11, v4;
	v3 =	vld [tilespmem:s25+$0x102C0]  }
0x107: {  	s29 =	sadd.s32 $0x40, s29;
	v4 =	vld [tilespmem:s28+$0xEC40];
	v8 =	vadd.f32 v9, v8;
	v9 =	vmul.f32 v10, v10  }
0x108: {  	v10 =	vld [tilespmem:s28+$0xEEC0]  }
0x109: {  	v11 =	vld [tilespmem:s25+$0x10540];
	v6 =	vadd.f32 v6, v7;
	v46 =	vadd.f32 v9, v8  }
0x10a: {  	v47 =	vld [tilespmem:s28+$0xF140]  }
0x10b: {  	v48 =	vld [tilespmem:s25+$0x107C0];
	v5 =	vadd.f32 v5, v6;
	[tilespmem:s26+$0x11440] =	vst v46  }
0x10c: {  	v49 =	vld [tilespmem:s28+$0xF3C0]  }
0x10d: {  	v3 =	vadd.f32 v3, v5;
	v50 =	vld [tilespmem:s25+$0x10A40];
	v4 =	vadd.f32 v10, v4  }
0x10e: {  	v7 =	vld [tilespmem:s28+$0xF640]  }
0x10f: {  	v51 =	vld [tilespmem:s25+$0x10CC0];
	v3 =	vadd.f32 v11, v3;
	v4 =	vadd.f32 v47, v4  }
0x110: {  	v52 =	vld [tilespmem:s28+$0xF8C0]  }
0x111: {  	v53 =	vld [tilespmem:s25+$0x10F40];
	v3 =	vadd.f32 v48, v3;
	v4 =	vadd.f32 v49, v4  }
0x112: {  	v54 =	vld [tilespmem:s28+$0xFB40]  }
0x113: {  	v55 =	vld [tilespmem:s25+$0x11440];
	v3 =	vadd.f32 v50, v3;
	v4 =	vadd.f32 v7, v4  }
0x114: {  	v56 =	vld [tilespmem:s28+$0xFDC0]  }
0x115: {  	v3 =	vadd.f32 v51, v3;
	v4 =	vadd.f32 v52, v4  }
0x116: {  	v57 =	vld [tilespmem:s28+$0x10040]  }
0x117: {  	v3 =	vadd.f32 v53, v3;
	v4 =	vadd.f32 v54, v4  }
0x118: {  	v58 =	vld [tilespmem:s28+$0x102C0]  }
0x119: {  	v2 =	vadd.f32 v2, v3;
	v3 =	vmul.f32 v55, v55;
	v4 =	vadd.f32 v56, v4  }
0x11a: {  	v59 =	vld [tilespmem:s28+$0x10540]  }
0x11b: {  	v2 =	vadd.f32 v3, v2;
	v3 =	vadd.f32 v57, v4  }
0x11c: {  	v61 =	vld [tilespmem:s28+$0x107C0]  }
0x11d: {  	v60 =	vld [tilespmem:s28+$0x111C0];
	[tilespmem:s25+$0x11440] =	vst v2;
	v2 =	vadd.f32 v58, v3  }
0x11e: {  	v3 =	vld [tilespmem:s28+$0x10A40]  }
0x11f: {  	v2 =	vadd.f32 v59, v2  }
0x120: {  	v62 =	vld [tilespmem:s28+$0x10CC0]  }
0x121: {  	v2 =	vadd.f32 v61, v2  }
0x122: {  	v63 =	vld [tilespmem:s28+$0x10F40]  }
0x123: {  	v2 =	vadd.f32 v3, v2  }
0x124: {  	v3 =	vld [tilespmem:s28+$0x11440]  }
0x125: {  	v2 =	vadd.f32 v62, v2;
	_ =	sdelay $0x1  }
0x126: {  	v2 =	vadd.f32 v63, v2;
	_ =	sdelay $0x1  }
0x127: {  	v3 =	vmul.f32 v3, v3;
	v2 =	vadd.f32 v60, v2;
	_ =	sdelay $0x1  }
0x128: {  	v2 =	vadd.f32 v3, v2;
	_ =	sdelay $0x1  }
0x129: {  	s24 =	sadd.s32 s7, s24;
	[tilespmem:s28+$0x11440] =	vst v2  }
0x12a: {  	[hbm4b:s24+s4] =	stream.linear.scatter [tilespmem:s21], [sflag:$0x1], $0x280, $0x38;
	[tilespmem:$0x14140] =	vst v63  }
0x12b: {  	s24 =	simm.s32 $0x1  }
.Ltmp6:
0x12c: {  	_ =	swait.ge [sflag:s24], $0x280;
	(pc) =	sbr.rel @p0 .LBB2_2-.Ltmp6, $4  }
0x12d: {  	[sflag:s24] =	ssyncset.done $0x0  }
0x12e: {  	[sflag:s24] =	ssyncadd.s32 $0xFFFFFD80  }
0x12f: {  	[bflag:$0x0] =	sbarrier.arrive $0xFFFF  }
0x130: {  	p1 =	por $0x0, $0x0  }
0x131: {  	s23 =	sadd.s32 $0x1, s23  }
0x132: {  	p0 =	sne.s32 s23, s14  }
.Ltmp7:
0x133: {  	_ = 	snop;
	(pc) =	sbr.rel @p0 .LBB2_1-.Ltmp7, $1  }
0x134: {  	_ =	sdelay $0x3  }
0x135: {  	_ =	sfence.sel $0x180000  }
0x136: {  	[bflag:$0x0] =	sbarrier.arrive $0xFFFF  }
0x137: {  	p0 =	sne.s32 s3, $0x0;
	_ =	strace $0x90000047  }
0x138: {  	s0 =	sadd.s32 @!p0 $0x100000, s0;
	[bflag:$0x2] =	sbarrier.arrive $0xFFFF  }
0x139: {  	[sflag:s0] =	ssyncadd.tile.s32 @!p0 $0x1;
	_ =	shalt  }
.Lfunc_end2:
_tile_overlayer_lowered:
.L_overlay_start_2:
0x13a: {  	(tag) =	ssettag $0x2  }
0x13b: {  	s0 =	rddreg [dreg:$0x0];
	s2 =	stileid.u32  }
0x13c: {  	s1 =	rddreg [dreg:$0x1];
	p0 =	sne.s32 s2, $0x0  }
0x13d: {  	s3 =	rddreg [dreg:$0x2];
	[bflag:$0x3] =	sbarrier.arrive $0xFFFF;
	s2 =	simm.s32 @!p0 $0x1C01  }
0x13e: {  	[timem:s3], [sflag:s2] =	dma.local @!p0 [hbm:s0], s1  }
0x13f: {  	s0 =	simm.s32 @!p0 $0x1  }
0x140: {  	_ =	swait.ge @!p0 [sflag:s0], s1  }
0x141: {  	s1 =	ssub.s32 @!p0 $0x0, s1;
	[sflag:s0] =	ssyncset.done @!p0 $0x0  }
0x142: {  	[sflag:s0] =	ssyncadd.s32 @!p0 s1  }
0x143: {  	[bflag:$0x3] =	sbarrier.arrive $0xFFFF  }
0x144: {  	_ =	shalt  }

// kernel: kernel.8.cloned.1.call-start
scs
__scs_entry_jumppad:
0x0: {  	(pc) =	sbr.rel $0x88, $3  }
0x1: {  	(tag) =	ssettag $0x0;
	lr =	simm.s32 $0x1  }
0x2: {  	[smem:$0x3F99] =	sst lr;
	_ =	strace $0xD0000000  }
0x3: {  	_ = 	snop  }
0x4: {  	_ = 	snop  }
0x5: {  	_ = 	snop  }
0x6: {  	_ = 	snop  }
0x7: {  	_ = 	snop  }
__scs_overlays_trampoline_lowered:
0x8: {  	[smem:$0x3FA8] =	sst s0  }
0x9: {  	[smem:$0x3FA9] =	sst s1  }
0xa: {  	[smem:$0x3FAA] =	sst s2  }
0xb: {  	[smem:$0x3FAB] =	sst s3  }
0xc: {  	[smem:$0x3FAC] =	sst s4  }
0xd: {  	[smem:$0x3FAD] =	sst s5  }
0xe: {  	[smem:$0x3FAE] =	sst s6  }
0xf: {  	[smem:$0x3FAF] =	sst s7  }
0x10: {  	[smem:$0x3FB0] =	sst s8  }
0x11: {  	[smem:$0x3FB1] =	sst s9;
	s0 =	simm.s32 @!p0 $0x0  }
0x12: {  	s1 =	sld [smem:$0x3F97];
	s0 =	simm.s32 @p0 $0x1  }
0x13: {  	[smem:$0x3FB2] =	sst s0;
	s0 =	simm.s32 @!p1 $0x0  }
0x14: {  	s2 =	sld [smem:$0x3F96];
	s0 =	simm.s32 @p1 $0x1  }
0x15: {  	[smem:$0x3FB3] =	sst s0;
	s0 =	simm.s32 @!p2 $0x0  }
0x16: {  	s3 =	sld [smem:$0x3FDB];
	s0 =	simm.s32 @p2 $0x1  }
0x17: {  	s4 =	simm.s32 $0x1BF5;
	[smem:$0x3FB5] =	sst s0  }
0x18: {  	s0 =	sld [smem:$0x3F98];
	_ =	swait.ge [sflag:s4], $0x0  }
0x19: {  	s7 =	sld [smem:$0x3F99]  }
0x1a: {  	s8 =	sadd.s32 $0xFFFFE003, lr  }
0x1b: {  	s9 =	sadd.s32 $0xFFFFFEF7, lr;
	s5 =	simm.s32 $0xFFFFFFFF;
	p2 =	slt.u32 s8, $0xFFFFF086  }
0x1c: {  	p1 =	slt.u32 s9, $0xF7A;
	s5 =	simm.s32 @!p2 $0x0  }
0x1d: {  	s5 =	simm.s32 @p1 $0x1;
	p0 =	seq.s32 s7, s2  }
0x1e: {  	s7 =	smul.u32 @!p0 $0xF7A, s2;
	p2 =	seq.s32 @!p0 s5, $0x0  }
0x1f: {  	s9 =	smul.u32 $0xF7A, s1;
	s8 =	simm.s32 @!p0 $0x1BF5;
	p2 =	por !p2, p0  }
0x20: {  	[sflag:s8] =	ssyncset.s32 @!p0 $0xFFFFF086;
	s6 =	sadd.s32 @!p0 s3, s7;
	s7 =	simm.s32 @!p0 $0x108  }
0x21: {  	s3 =	sadd.s32 s3, s9;
	s6 =	sadd.s32 @!p0 $0x88, s6;
	s7 =	simm.s32 @p2 $0x1082  }
0x22: {  	[simem:s7], [sflag:s8] =	dma.local @!p0 [hbm:s6], $0xF7A  }
0x23: {  	s9 =	sor.u32 $0xD0000000, s2;
	s6 =	simm.s32 $0x108;
	_ =	swait.ge @!p0 [sflag:s8], $0x0  }
0x24: {  	s3 =	sadd.s32 $0x88, s3;
	s6 =	simm.s32 @!p1 $0x1082;
	[sflag:s4] =	ssyncset.s32 $0xFFFFF086  }
0x25: {  	[simem:s6], [sflag:s4] =	dma.local [hbm:s3], $0xF7A  }
0x26: {  	[smem:$0x3F99] =	sst s1;
	(tag) =	ssettag s2;
	_ =	strace s9  }
0x27: {  	s1 =	sld [smem:$0x3FA9]  }
0x28: {  	s2 =	sld [smem:$0x3FAA]  }
0x29: {  	s4 =	sld [smem:$0x3FAC]  }
0x2a: {  	p0 =	seq.s32 s5, $0x0;
	s5 =	sld [smem:$0x3FAD]  }
0x2b: {  	s6 =	sld [smem:$0x3FAE]  }
0x2c: {  	s7 =	sld [smem:$0x3FAF]  }
0x2d: {  	s3 =	simm.s32 $0x108;
	s8 =	sld [smem:$0x3FB0]  }
0x2e: {  	s3 =	simm.s32 @!p0 $0x1082;
	s9 =	sld [smem:$0x3FB1]  }
0x2f: {  	lr =	sadd.s32 s0, s3;
	s0 =	sld [smem:$0x3FA8]  }
0x30: {  	s3 =	sld [smem:$0x3FAB]  }
0x31: {  	[smem:$0x3FB4] =	sst s10  }
0x32: {  	s10 =	sld [smem:$0x3FB2];
	_ =	sdelay $0x3  }
0x33: {  	p0 =	seq.s32 s10, $0x1;
	s10 =	sld [smem:$0x3FB4];
	_ =	sdelay $0x3  }
0x34: {  	[smem:$0x3FB4] =	sst s10  }
0x35: {  	s10 =	sld [smem:$0x3FB3];
	_ =	sdelay $0x3  }
0x36: {  	p1 =	seq.s32 s10, $0x1;
	s10 =	sld [smem:$0x3FB4];
	_ =	sdelay $0x3  }
0x37: {  	[smem:$0x3FB4] =	sst s10  }
0x38: {  	s10 =	sld [smem:$0x3FB5]  }
0x39: {  	_ = 	snop;
	(pc) =	sbr.ind lr, $3  }
0x3a: {  	_ = 	snop  }
0x3b: {  	_ = 	snop  }
0x3c: {  	p2 =	seq.s32 s10, $0x1;
	s10 =	sld [smem:$0x3FB4]  }
0x3d: {  	_ =	shalt  }
0x3e: {  	_ =	shalt  }
0x3f: {  	_ =	shalt  }
0x40: {  	_ =	shalt  }
0x41: {  	_ =	shalt  }
0x42: {  	_ =	shalt  }
0x43: {  	_ =	shalt  }
0x44: {  	_ =	shalt  }
0x45: {  	_ =	shalt  }
0x46: {  	_ =	shalt  }
0x47: {  	_ =	shalt  }
0x48: {  	_ =	shalt  }
0x49: {  	_ =	shalt  }
0x4a: {  	_ =	shalt  }
0x4b: {  	_ =	shalt  }
0x4c: {  	_ =	shalt  }
0x4d: {  	_ =	shalt  }
0x4e: {  	_ =	shalt  }
0x4f: {  	_ =	shalt  }
0x50: {  	_ =	shalt  }
0x51: {  	_ =	shalt  }
0x52: {  	_ =	shalt  }
0x53: {  	_ =	shalt  }
0x54: {  	_ =	shalt  }
0x55: {  	_ =	shalt  }
0x56: {  	_ =	shalt  }
0x57: {  	_ =	shalt  }
0x58: {  	_ =	shalt  }
0x59: {  	_ =	shalt  }
0x5a: {  	_ =	shalt  }
0x5b: {  	_ =	shalt  }
0x5c: {  	_ =	shalt  }
0x5d: {  	_ =	shalt  }
0x5e: {  	_ =	shalt  }
0x5f: {  	_ =	shalt  }
0x60: {  	_ =	shalt  }
0x61: {  	_ =	shalt  }
0x62: {  	_ =	shalt  }
0x63: {  	_ =	shalt  }
0x64: {  	_ =	shalt  }
0x65: {  	_ =	shalt  }
0x66: {  	_ =	shalt  }
0x67: {  	_ =	shalt  }
0x68: {  	_ =	shalt  }
0x69: {  	_ =	shalt  }
0x6a: {  	_ =	shalt  }
0x6b: {  	_ =	shalt  }
0x6c: {  	_ =	shalt  }
0x6d: {  	_ =	shalt  }
0x6e: {  	_ =	shalt  }
0x6f: {  	_ =	shalt  }
0x70: {  	_ =	shalt  }
0x71: {  	_ =	shalt  }
0x72: {  	_ =	shalt  }
0x73: {  	_ =	shalt  }
0x74: {  	_ =	shalt  }
0x75: {  	_ =	shalt  }
0x76: {  	_ =	shalt  }
0x77: {  	_ =	shalt  }
0x78: {  	_ =	shalt  }
0x79: {  	_ =	shalt  }
0x7a: {  	_ =	shalt  }
0x7b: {  	_ =	shalt  }
0x7c: {  	_ =	shalt  }
0x7d: {  	_ =	shalt  }
0x7e: {  	_ =	shalt  }
0x7f: {  	_ =	shalt  }
0x80: {  	_ =	shalt  }
0x81: {  	_ =	shalt  }
0x82: {  	_ =	shalt  }
0x83: {  	_ =	shalt  }
0x84: {  	_ =	shalt  }
0x85: {  	_ =	shalt  }
0x86: {  	_ =	shalt  }
0x87: {  	_ =	shalt  }
.Lfunc_end0:
.L_simem_size_0:
called_computation.5_lowered:
.L_overlay_start_0:
0x88: {  	s2 =	sld [smem:$0x3FD9]  }
0x89: {  	s3 =	sld [smem:$0x3FFE];
	_ =	sdelay $0x1  }
0x8a: {  	s1 =	srdreg.scid  }
0x8b: {  	s0 =	sand.u32 $0x1, s1  }
0x8c: {  	s16 =	sshll.u32 s0, $0xA;
	s2 =	sadd.s32 s3, s2  }
0x8d: {  	s2 =	sadd.s32 s2, s16  }
0x8e: {  	[smem:$0x3FC0] =	sst s2  }
0x8f: {  	_ = 	snop  }
0x90: {  	(tm) =	ssettm $0x1  }
0x91: {  	s17 =	sld [smem:$0x3FFB];
	_ =	sdelay $0x3  }
0x92: {  	_ =	strace s17  }
0x93: {  	s2 =	sld [smem:$0x3FFC];
	_ =	sdelay $0x3  }
0x94: {  	_ =	strace s2  }
0x95: {  	s2 =	sld [smem:$0x3FFD];
	_ =	sdelay $0x3  }
0x96: {  	_ =	strace s2  }
0x97: {  	_ =	strace $0x8FFFFFFF  }
0x98: {  	s18 =	sld [smem:$0x3FDB];
	_ =	sdelay $0x1  }
0x99: {  	s19 =	simm.s32 $_scs_section_size  }
0x9a: {  	s4 =	simm.s32 $_size__tile_overlayer_lowered;
	s5 =	simm.s32 $_tile_overlayer_lowered  }
0x9b: {  	s22 =	simm.s32 $0x1BFF;
	s21 =	sshll.u32 s5, $0x1;
	s2 =	sadd.s32 s19, s18  }
0x9c: {  	s6 =	simm.s32 $0x0;
	s20 =	sshll.u32 s4, $0x1;
	s4 =	sadd.s32 s21, s2  }
0x9d: {  	[timem:s6], [sflag:s22] =	dma.local [hbm:s4], s20  }
0x9e: {  	_ =	swait.ge [sflag:s22], s20  }
0x9f: {  	s3 =	ssub.s32 $0x0, s20;
	[sflag:s22] =	ssyncset.done $0x0  }
0xa0: {  	[sflag:s22] =	ssyncadd.s32 s3;
	_ =	sdelay $0x1  }
0xa1: {  	s23 =	simm.s32 $0x1B8B  }
0xa2: {  	_ =	swait.ge [sflag:s23], $0x1  }
0xa3: {  	[sflag:s23] =	ssyncset.done $0x0  }
0xa4: {  	s25 =	simm.s32 $0x1B8E;
	s24 =	sld [smem:$0x3FFE];
	[sflag:s23] =	ssyncadd.s32 $0xFFFFFFFF  }
0xa5: {  	s26 =	simm.s32 $execute0_lowered;
	[smem:$0x3FD2] =	sst s25  }
0xa6: {  	s4 =	sshll.u32 s26, $0x1;
	_ =	strace $0x80000049;
	[dreg:$0x1] =	wrdreg $0xFFFFFFFF  }
0xa7: {  	s28 =	simm.s32 $_size_execute0_lowered;
	s2 =	sadd.s32 s2, s4;
	[dreg:$0x0] =	wrdreg $0x0  }
0xa8: {  	s4 =	sshll.u32 s28, $0x1;
	[dreg:$0x2] =	wrdreg s2  }
0xa9: {  	[dreg:$0x3] =	wrdreg s4  }
0xaa: {  	[dreg:$0x4] =	wrdreg $0xC0  }
0xab: {  	_ =	task [dreg:s6], $0x5FFFF  }
0xac: {  	[dreg:$0x1] =	wrdreg $0xFFFFFFFF  }
0xad: {  	[dreg:$0x0] =	wrdreg $0x60  }
0xae: {  	[dreg:$0x2] =	wrdreg s24  }
0xaf: {  	[dreg:$0x3] =	wrdreg $0x9  }
0xb0: {  	_ =	task.clear_ibuf [dreg:s6], $0x4FFFF;
	_ =	strace $0x90000049  }
0xb1: {  	s29 =	simm.s32 $0x9;
	_ =	strace $0x8000004B  }
0xb2: {  	_ =	swait.ge [sflag:s29], $0x1  }
0xb3: {  	[sflag:s29] =	ssyncadd.s32 $0xFFFFFFFF  }
0xb4: {  	_ =	strace $0x9000004B  }
0xb5: {  	_ =	sfence  }
0xb6: {  	s30 =	sld [smem:$0x0];
	_ =	sdelay $0x2  }
0xb7: {  	s31 =	sshll.u32 s1, $0xD;
	s1 =	sshrl.u32 s1, $0x2  }
0xb8: {  	s3 =	sand.u32 $0x4000, s31;
	s1 =	sadd.s32 s1, s30  }
0xb9: {  	s0 =	sor.u32 s3, s0;
	s1 =	sshll.u32 s1, $0x11  }
0xba: {  	s0 =	sor.u32 s1, s0  }
0xbb: {  	s0 =	sadd.s32 $0x8F2B, s0  }
0xbc: {  	[sflag:s0] =	ssyncadd.remote.s32 $0x1  }
0xbd: {  	_ =	sfence.sel $0xFFFF  }
0xbe: {  	[dreg:$0x0] =	wrdreg $0xFFFFFFFF;
	(pc) =	sbr.abs _section_cstart, $3  }
0xbf: {  	[dreg:$0x1] =	wrdreg $0xFFFFFFFF  }
0xc0: {  	_ =	task.clear_ibuf [dreg:s6], $0x2FFFF;
	_ =	strace $0x9FFFFFFF  }
0xc1: {  	(tm) =	ssettm $0x7FFFFFFF  }
tec
execute0_lowered:
.L_overlay_start_1:
0x0: {  	(tag) =	ssettag $0x1  }
0x1: {  	s1 =	rddreg [dreg:$0x0]  }
0x2: {  	s0 =	rddreg [dreg:$0x1]  }
0x3: {  	s2 =	simm.s32 $0x0;
	s3 =	srdreg.scid;
	s13 =	simm.s32 $0x2800  }
0x4: {  	s14 =	simm.s32 $0x28A0;
	s15 =	simm.s32 $0x50;
	s16 =	simm.s32 $0x2940  }
0x5: {  	s17 =	simm.s32 $0x2A80;
	s18 =	simm.s32 $0x2990;
	s19 =	simm.s32 $0x5280  }
0x6: {  	s20 =	simm.s32 $0x1;
	s21 =	simm.s32 $0x29E0;
	s22 =	simm.s32 $0x0  }
0x7: {  	[smem:$0x7FF] =	sst s2;
	s4 =	sadd.s32 $0x50E00, s1;
	s9 =	sand.u32 $0x1, s3  }
0x8: {  	s5 =	sadd.s32 $0x79400, s1;
	s3 =	stileid.u32;
	s6 =	sadd.s32 $0xA1E00, s1  }
0x9: {  	s7 =	sadd.s32 $0x13E200, s1;
	s8 =	ssub.s32 $0x2, s9;
	s11 =	smul.u32 $0x50A0, s3  }
0xa: {  	_ =	strace $0x8000004A;
	s12 =	smul.u32 $0xA1400, s9;
	s10 =	sshrl.u32 s8, $0x1  }
0xb: {  	s9 =	sshll.u32 s9, $0x1;
	s10 =	ssub.s32 s8, s10;
	s8 =	sadd.s32 $0x1400, s1  }
0xc: {  	s11 =	sadd.s32 s11, s12;
	s12 =	simm.s32 $0x2;
	s10 =	smax.u32 s10, $0x1  }
.LBB2_1:
0xd: {  	p1 =	por $0x1, $0x1;
	s23 =	simm.s32 $0x0  }
.LBB2_2:
0xe: {  	s28 =	sor.u32 s9, s23  }
0xf: {  	s24 =	smul.u32 $0x500, s28;
	_ =	sdelay $0x1  }
0x10: {  	s25 =	simm.s32 $0x0;
	s26 =	smul.u32 $0x50A00, s23;
	s24 =	sadd.s32 s1, s24  }
0x11: {  	[tilespmem:s25], [sflag:$0x2] =	stream.linear.gather [hbm4b:s24+s25], $0x2800, $0x38;
	[tilespmem:$0x7A80] =	vst v63  }
0x12: {  	s25 =	sadd.s32 s26, s11  }
0x13: {  	_ =	swait.ge [sflag:s12], $0x2800;
	s26 =	sshrl.u32 s25, $0x3  }
0x14: {  	[sflag:s12] =	ssyncset.done $0x0;
	s23 =	sadd.s32 s26, s4  }
0x15: {  	[sflag:s12] =	ssyncadd.s32 $0xFFFFD800;
	s30 =	sadd.s32 $0x0, s23  }
0x16: {  	[tilespmem:s13], [sflag:$0x2] =	stream.linear.gather [hbm4b:s30+s2], $0xA0, $0x38;
	[tilespmem:$0x7A80] =	vst v63  }
0x17: {  	_ =	swait.ge [sflag:s12], $0xA0  }
0x18: {  	s24 =	sadd.s32 s26, s5;
	[sflag:s12] =	ssyncset.done $0x0  }
0x19: {  	s29 =	sadd.s32 $0x0, s24;
	[sflag:s12] =	ssyncadd.s32 $0xFFFFFF60  }
0x1a: {  	[tilespmem:s14], [sflag:$0x2] =	stream.linear.gather [hbm4b:s29+s2], $0xA0, $0x38;
	[tilespmem:$0x7A80] =	vst v63  }
0x1b: {  	_ =	swait.ge [sflag:s12], $0xA0  }
0x1c: {  	[sflag:s12] =	ssyncset.done $0x0  }
0x1d: {  	[sflag:s12] =	ssyncadd.s32 $0xFFFFFF60  }
0x1e: {  	v1 =	vld [tilespmem:$0x2800]  }
0x1f: {  	v0 =	vld [tilespmem:$0x28A0];
	_ =	sdelay $0x5  }
0x20: {  	v4 =	vld [tilespmem:$0x2810]  }
0x21: {  	v2 =	vld.idx.msk [tilespmem:v1+s2+$0x0], $0xffff  }
0x22: {  	v3 =	vld.idx.msk [tilespmem:v0+s2+$0x0], $0xffff  }
0x23: {  	v5 =	vld [tilespmem:$0x28B0]  }
0x24: {  	s28 =	smul.u32 $0x2710, s28;
	_ =	sdelay $0x1  }
0x25: {  	v0 =	vmov s28  }
0x26: {  	v1 =	vadd.s32 v0, v1;
	v2 =	vmul.f32 v3, v2  }
0x27: {  	[tilespmem:$0x2940] =	vst v1  }
0x28: {  	v3 =	vld [tilespmem:$0x2820];
	[tilespmem:$0x29E0] =	vst v2  }
0x29: {  	v1 =	vld.idx.msk [tilespmem:v4+s2+$0x0], $0xffff  }
0x2a: {  	v2 =	vld.idx.msk [tilespmem:v5+s2+$0x0], $0xffff  }
0x2b: {  	v52 =	vld [tilespmem:$0x28C0];
	_ =	sdelay $0x3  }
0x2c: {  	v1 =	vmul.f32 v2, v1;
	v2 =	vadd.s32 v0, v4  }
0x2d: {  	[tilespmem:$0x2950] =	vst v2  }
0x2e: {  	v53 =	vld [tilespmem:$0x2830];
	[tilespmem:$0x29F0] =	vst v1  }
0x2f: {  	v1 =	vld.idx.msk [tilespmem:v3+s2+$0x0], $0xffff  }
0x30: {  	v2 =	vld.idx.msk [tilespmem:v52+s2+$0x0], $0xffff  }
0x31: {  	v54 =	vld [tilespmem:$0x28D0];
	_ =	sdelay $0x3  }
0x32: {  	v1 =	vmul.f32 v2, v1;
	v2 =	vadd.s32 v0, v3  }
0x33: {  	[tilespmem:$0x2960] =	vst v2  }
0x34: {  	v3 =	vld [tilespmem:$0x2840];
	[tilespmem:$0x2A00] =	vst v1  }
0x35: {  	v1 =	vld.idx.msk [tilespmem:v53+s2+$0x0], $0xffff  }
0x36: {  	v2 =	vld.idx.msk [tilespmem:v54+s2+$0x0], $0xffff  }
0x37: {  	v55 =	vld [tilespmem:$0x28E0];
	_ =	sdelay $0x3  }
0x38: {  	v1 =	vmul.f32 v2, v1;
	v2 =	vadd.s32 v0, v53  }
0x39: {  	[tilespmem:$0x2970] =	vst v2  }
0x3a: {  	v56 =	vld [tilespmem:$0x2850];
	[tilespmem:$0x2A10] =	vst v1  }
0x3b: {  	v1 =	vld.idx.msk [tilespmem:v3+s2+$0x0], $0xffff  }
0x3c: {  	v2 =	vld.idx.msk [tilespmem:v55+s2+$0x0], $0xffff  }
0x3d: {  	v57 =	vld [tilespmem:$0x28F0];
	_ =	sdelay $0x3  }
0x3e: {  	v3 =	vadd.s32 v0, v3;
	v1 =	vmul.f32 v2, v1  }
0x3f: {  	[tilespmem:$0x2980] =	vst v3  }
0x40: {  	v3 =	vld [tilespmem:$0x2860];
	[tilespmem:$0x2A20] =	vst v1  }
0x41: {  	v1 =	vld.idx.msk [tilespmem:v56+s2+$0x0], $0xffff  }
0x42: {  	v2 =	vld.idx.msk [tilespmem:v57+s2+$0x0], $0xffff  }
0x43: {  	v58 =	vld [tilespmem:$0x2900];
	_ =	sdelay $0x3  }
0x44: {  	v4 =	vadd.s32 v0, v56;
	v1 =	vmul.f32 v2, v1  }
0x45: {  	[tilespmem:$0x2990] =	vst v4  }
0x46: {  	v59 =	vld [tilespmem:$0x2870];
	[tilespmem:$0x2A30] =	vst v1  }
0x47: {  	v1 =	vld.idx.msk [tilespmem:v3+s2+$0x0], $0xffff  }
0x48: {  	v2 =	vld.idx.msk [tilespmem:v58+s2+$0x0], $0xffff  }
0x49: {  	v60 =	vld [tilespmem:$0x2910];
	_ =	sdelay $0x3  }
0x4a: {  	v3 =	vadd.s32 v0, v3;
	v1 =	vmul.f32 v2, v1  }
0x4b: {  	[tilespmem:$0x29A0] =	vst v3  }
0x4c: {  	v3 =	vld [tilespmem:$0x2880];
	[tilespmem:$0x2A40] =	vst v1  }
0x4d: {  	v1 =	vld.idx.msk [tilespmem:v59+s2+$0x0], $0xffff  }
0x4e: {  	v2 =	vld.idx.msk [tilespmem:v60+s2+$0x0], $0xffff  }
0x4f: {  	v61 =	vld [tilespmem:$0x2920];
	_ =	sdelay $0x3  }
0x50: {  	v4 =	vadd.s32 v0, v59;
	v1 =	vmul.f32 v2, v1  }
0x51: {  	[tilespmem:$0x29B0] =	vst v4  }
0x52: {  	v62 =	vld [tilespmem:$0x2890];
	[tilespmem:$0x2A50] =	vst v1  }
0x53: {  	v1 =	vld.idx.msk [tilespmem:v3+s2+$0x0], $0xffff  }
0x54: {  	v2 =	vld.idx.msk [tilespmem:v61+s2+$0x0], $0xffff  }
0x55: {  	v63 =	vld [tilespmem:$0x2930];
	_ =	sdelay $0x3  }
0x56: {  	v3 =	vadd.s32 v0, v3;
	v1 =	vmul.f32 v2, v1  }
0x57: {  	[tilespmem:$0x29C0] =	vst v3  }
0x58: {  	[tilespmem:$0x2A60] =	vst v1  }
0x59: {  	v1 =	vld.idx.msk [tilespmem:v62+s2+$0x0], $0xffff  }
0x5a: {  	v2 =	vld.idx.msk [tilespmem:v63+s2+$0x0], $0xffff;
	_ =	sdelay $0x4  }
0x5b: {  	v3 =	vadd.s32 v0, v62;
	v1 =	vmul.f32 v2, v1  }
0x5c: {  	[tilespmem:$0x29D0] =	vst v3  }
0x5d: {  	[tilespmem:$0x2A70] =	vst v1  }
0x5e: {  	[tilespmem:s17], [sflag:$0x1] =	stream.indirect.gather [hbm4b:s6+s15], $0x80, s16, s15, $0xb8;
	[tilespmem:$0x7A80] =	vst v63  }
0x5f: {  	p0 =	por p1, p1  }
0x60: {  	[tilespmem:s19], [sflag:$0x1] =	stream.indirect.gather [hbm4b:s6+s15], $0x80, s18, s15, $0xb8;
	[tilespmem:$0x7A80] =	vst v63  }
0x61: {  	s25 =	sshll.u32 s25, $0x4;
	s26 =	sadd.s32 s26, s8;
	_ =	swait.ge [sflag:s20], $0x2800  }
0x62: {  	s25 =	sadd.s32 s25, s7;
	s31 =	sadd.s32 $0x0, s26;
	[sflag:s20] =	ssyncset.done $0x0  }
0x63: {  	s29 =	smov.u32 s25;
	s28 =	simm.s32 $0x14;
	[sflag:s20] =	ssyncadd.s32 $0xFFFFD800  }
.LBB2_3:
0x64: {  	p1 =	sne.s32 s28, $0xA00;
	_ =	swait.ge [sflag:s20], $0x2800;
	s25 =	sadd.s32 $0xA00, s25  }
0x65: {  	s30 =	smov.u32 s28;
	s28 =	sadd.s32 $0x14, s28;
	[sflag:s20] =	ssyncset.done $0x0  }
0x66: {  	[sflag:s20] =	ssyncadd.s32 $0xFFFFD800  }
0x67: {  	[hbm4b:s29+s2] =	stream.linear.scatter [tilespmem:s17], [sflag:$0x2], $0x5000, $0x38;
	[tilespmem:$0x7A80] =	vst v63  }
0x68: {  	s29 =	smov.u32 s25;
	_ =	swait.ge [sflag:s12], $0x5000  }
0x69: {  	[sflag:s12] =	ssyncset.done $0x0  }
0x6a: {  	[sflag:s12] =	ssyncadd.s32 $0xFFFFB000  }
0x6b: {  	[hbm4b:s31+s2] =	stream.linear.scatter [tilespmem:s21], [sflag:$0x2], $0xA0, $0x38;
	[tilespmem:$0x7A80] =	vst v63  }
0x6c: {  	_ =	swait.ge [sflag:s12], $0xA0  }
0x6d: {  	[sflag:s12] =	ssyncset.done $0x0  }
0x6e: {  	s31 =	sadd.s32 s30, s23;
	[sflag:s12] =	ssyncadd.s32 $0xFFFFFF60  }
0x6f: {  	[tilespmem:s13], [sflag:$0x2] =	stream.linear.gather [hbm4b:s31+s2], $0xA0, $0x38;
	[tilespmem:$0x7A80] =	vst v63  }
0x70: {  	_ =	swait.ge [sflag:s12], $0xA0  }
0x71: {  	[sflag:s12] =	ssyncset.done $0x0  }
0x72: {  	s31 =	sadd.s32 s30, s24;
	[sflag:s12] =	ssyncadd.s32 $0xFFFFFF60  }
0x73: {  	[tilespmem:s14], [sflag:$0x2] =	stream.linear.gather [hbm4b:s31+s2], $0xA0, $0x38;
	[tilespmem:$0x7A80] =	vst v63  }
0x74: {  	_ =	swait.ge [sflag:s12], $0xA0  }
0x75: {  	[sflag:s12] =	ssyncset.done $0x0  }
0x76: {  	[sflag:s12] =	ssyncadd.s32 $0xFFFFFF60  }
0x77: {  	v1 =	vld [tilespmem:$0x2800]  }
0x78: {  	v2 =	vld [tilespmem:$0x28A0];
	_ =	sdelay $0x5  }
0x79: {  	v3 =	vld [tilespmem:$0x28B0]  }
0x7a: {  	v4 =	vld.idx.msk [tilespmem:v1+s2+$0x0], $0xffff  }
0x7b: {  	v2 =	vld.idx.msk [tilespmem:v2+s2+$0x0], $0xffff  }
0x7c: {  	v5 =	vld [tilespmem:$0x2810];
	_ =	sdelay $0x4  }
0x7d: {  	v1 =	vadd.s32 v0, v1;
	v2 =	vmul.f32 v2, v4  }
0x7e: {  	[tilespmem:$0x2940] =	vst v1  }
0x7f: {  	[tilespmem:$0x29E0] =	vst v2;
	v1 =	vld [tilespmem:$0x28C0]  }
0x80: {  	v2 =	vld.idx.msk [tilespmem:v5+s2+$0x0], $0xffff  }
0x81: {  	v3 =	vld.idx.msk [tilespmem:v3+s2+$0x0], $0xffff  }
0x82: {  	v4 =	vld [tilespmem:$0x2820];
	_ =	sdelay $0x4  }
0x83: {  	v2 =	vmul.f32 v3, v2;
	v3 =	vadd.s32 v0, v5  }
0x84: {  	[tilespmem:$0x2950] =	vst v3  }
0x85: {  	[tilespmem:$0x29F0] =	vst v2;
	v2 =	vld [tilespmem:$0x28D0]  }
0x86: {  	v3 =	vld.idx.msk [tilespmem:v4+s2+$0x0], $0xffff  }
0x87: {  	v1 =	vld.idx.msk [tilespmem:v1+s2+$0x0], $0xffff  }
0x88: {  	v5 =	vld [tilespmem:$0x2830];
	_ =	sdelay $0x4  }
0x89: {  	v1 =	vmul.f32 v1, v3;
	v3 =	vadd.s32 v0, v4  }
0x8a: {  	[tilespmem:$0x2960] =	vst v3  }
0x8b: {  	[tilespmem:$0x2A00] =	vst v1;
	v1 =	vld [tilespmem:$0x28E0]  }
0x8c: {  	v3 =	vld.idx.msk [tilespmem:v5+s2+$0x0], $0xffff  }
0x8d: {  	v2 =	vld.idx.msk [tilespmem:v2+s2+$0x0], $0xffff  }
0x8e: {  	v4 =	vld [tilespmem:$0x2840];
	_ =	sdelay $0x4  }
0x8f: {  	v2 =	vmul.f32 v2, v3;
	v3 =	vadd.s32 v0, v5  }
0x90: {  	[tilespmem:$0x2970] =	vst v3  }
0x91: {  	[tilespmem:$0x2A10] =	vst v2;
	v2 =	vld [tilespmem:$0x28F0]  }
0x92: {  	v3 =	vld.idx.msk [tilespmem:v4+s2+$0x0], $0xffff  }
0x93: {  	v4 =	vadd.s32 v0, v4;
	v1 =	vld.idx.msk [tilespmem:v1+s2+$0x0], $0xffff  }
0x94: {  	[tilespmem:$0x2980] =	vst v4;
	v4 =	vld [tilespmem:$0x2850];
	_ =	sdelay $0x4  }
0x95: {  	v1 =	vmul.f32 v1, v3;
	_ =	sdelay $0x1  }
0x96: {  	[tilespmem:$0x2A20] =	vst v1;
	v1 =	vld [tilespmem:$0x2900]  }
0x97: {  	v3 =	vld.idx.msk [tilespmem:v4+s2+$0x0], $0xffff  }
0x98: {  	v4 =	vadd.s32 v0, v4;
	v2 =	vld.idx.msk [tilespmem:v2+s2+$0x0], $0xffff  }
0x99: {  	[tilespmem:$0x2990] =	vst v4;
	v4 =	vld [tilespmem:$0x2860];
	_ =	sdelay $0x4  }
0x9a: {  	v2 =	vmul.f32 v2, v3;
	_ =	sdelay $0x1  }
0x9b: {  	[tilespmem:$0x2A30] =	vst v2;
	v2 =	vld [tilespmem:$0x2910]  }
0x9c: {  	v3 =	vld.idx.msk [tilespmem:v4+s2+$0x0], $0xffff  }
0x9d: {  	v4 =	vadd.s32 v0, v4;
	v1 =	vld.idx.msk [tilespmem:v1+s2+$0x0], $0xffff  }
0x9e: {  	[tilespmem:$0x29A0] =	vst v4;
	v4 =	vld [tilespmem:$0x2870];
	_ =	sdelay $0x4  }
0x9f: {  	v1 =	vmul.f32 v1, v3;
	_ =	sdelay $0x1  }
0xa0: {  	[tilespmem:$0x2A40] =	vst v1;
	v1 =	vld [tilespmem:$0x2920]  }
0xa1: {  	v3 =	vld.idx.msk [tilespmem:v4+s2+$0x0], $0xffff;
	v4 =	vadd.s32 v0, v4  }
0xa2: {  	v2 =	vld.idx.msk [tilespmem:v2+s2+$0x0], $0xffff  }
0xa3: {  	[tilespmem:$0x29B0] =	vst v4;
	v4 =	vld [tilespmem:$0x2880];
	_ =	sdelay $0x4  }
0xa4: {  	v2 =	vmul.f32 v2, v3;
	_ =	sdelay $0x1  }
0xa5: {  	[tilespmem:$0x2A50] =	vst v2;
	v2 =	vadd.s32 v0, v4;
	v3 =	vld [tilespmem:$0x2930]  }
0xa6: {  	v4 =	vld.idx.msk [tilespmem:v4+s2+$0x0], $0xffff  }
0xa7: {  	v1 =	vld.idx.msk [tilespmem:v1+s2+$0x0], $0xffff  }
0xa8: {  	[tilespmem:$0x29C0] =	vst v2;
	v2 =	vld [tilespmem:$0x2890];
	_ =	sdelay $0x4  }
0xa9: {  	v1 =	vmul.f32 v1, v4  }
0xaa: {  	v4 =	vadd.s32 v0, v2  }
0xab: {  	[tilespmem:$0x2A60] =	vst v1  }
0xac: {  	v1 =	vld.idx.msk [tilespmem:v2+s2+$0x0], $0xffff  }
0xad: {  	v2 =	vld.idx.msk [tilespmem:v3+s2+$0x0], $0xffff  }
0xae: {  	[tilespmem:$0x29D0] =	vst v4;
	_ =	sdelay $0x4  }
0xaf: {  	v1 =	vmul.f32 v2, v1;
	_ =	sdelay $0x1  }
0xb0: {  	[tilespmem:$0x2A70] =	vst v1  }
0xb1: {  	[tilespmem:s17], [sflag:$0x1] =	stream.indirect.gather [hbm4b:s6+s15], $0x80, s16, s15, $0xb8;
	[tilespmem:$0x7A80] =	vst v63  }
.Ltmp0:
0xb2: {  	s31 =	sadd.s32 s30, s26;
	(pc) =	sbr.rel @p1 .LBB2_3-.Ltmp0, $4  }
0xb3: {  	[tilespmem:s19], [sflag:$0x1] =	stream.indirect.gather [hbm4b:s6+s15], $0x80, s18, s15, $0xb8;
	[tilespmem:$0x7A80] =	vst v63  }
0xb4: {  	_ =	swait.ge [sflag:s20], $0x2800  }
0xb5: {  	[sflag:s20] =	ssyncset.done $0x0  }
0xb6: {  	[sflag:s20] =	ssyncadd.s32 $0xFFFFD800  }
0xb7: {  	_ =	swait.ge [sflag:s20], $0x2800  }
0xb8: {  	[sflag:s20] =	ssyncset.done $0x0  }
0xb9: {  	[sflag:s20] =	ssyncadd.s32 $0xFFFFD800  }
0xba: {  	[hbm4b:s29+s2] =	stream.linear.scatter [tilespmem:s17], [sflag:$0x2], $0x5000, $0x38;
	[tilespmem:$0x7A80] =	vst v63  }
0xbb: {  	_ =	swait.ge [sflag:s12], $0x5000  }
0xbc: {  	[sflag:s12] =	ssyncset.done $0x0  }
.Ltmp1:
0xbd: {  	[sflag:s12] =	ssyncadd.s32 $0xFFFFB000;
	(pc) =	sbr.rel @p0 .LBB2_2-.Ltmp1, $4  }
0xbe: {  	[hbm4b:s31+s2] =	stream.linear.scatter [tilespmem:s21], [sflag:$0x2], $0xA0, $0x38;
	[tilespmem:$0x7A80] =	vst v63  }
0xbf: {  	_ =	swait.ge [sflag:s12], $0xA0  }
0xc0: {  	[sflag:s12] =	ssyncset.done $0x0  }
0xc1: {  	s23 =	simm.s32 $0x1;
	p1 =	por $0x0, $0x0;
	[sflag:s12] =	ssyncadd.s32 $0xFFFFFF60  }
0xc2: {  	s22 =	sadd.s32 $0x1, s22  }
0xc3: {  	p0 =	sne.s32 s22, s10  }
.Ltmp2:
0xc4: {  	_ = 	snop;
	(pc) =	sbr.rel @p0 .LBB2_1-.Ltmp2, $1  }
0xc5: {  	_ =	sdelay $0x3  }
0xc6: {  	_ =	sfence.sel $0x180000  }
0xc7: {  	[bflag:$0x0] =	sbarrier.arrive $0xFFFF  }
0xc8: {  	p0 =	sne.s32 s3, $0x0;
	_ =	strace $0x9000004A  }
0xc9: {  	s0 =	sadd.s32 @!p0 $0x100000, s0;
	[bflag:$0x2] =	sbarrier.arrive $0xFFFF  }
0xca: {  	[sflag:s0] =	ssyncadd.tile.s32 @!p0 $0x1;
	_ =	shalt  }
.Lfunc_end2:
_tile_overlayer_lowered:
.L_overlay_start_2:
0xcb: {  	(tag) =	ssettag $0x2  }
0xcc: {  	s0 =	rddreg [dreg:$0x0];
	s2 =	stileid.u32  }
0xcd: {  	s1 =	rddreg [dreg:$0x1];
	p0 =	sne.s32 s2, $0x0  }
0xce: {  	s3 =	rddreg [dreg:$0x2];
	[bflag:$0x3] =	sbarrier.arrive $0xFFFF;
	s2 =	simm.s32 @!p0 $0x1C02  }
0xcf: {  	[timem:s3], [sflag:s2] =	dma.local @!p0 [hbm:s0], s1  }
0xd0: {  	s0 =	simm.s32 @!p0 $0x2  }
0xd1: {  	_ =	swait.ge @!p0 [sflag:s0], s1  }
0xd2: {  	s1 =	ssub.s32 @!p0 $0x0, s1;
	[sflag:s0] =	ssyncset.done @!p0 $0x0  }
0xd3: {  	[sflag:s0] =	ssyncadd.s32 @!p0 s1  }
0xd4: {  	[bflag:$0x3] =	sbarrier.arrive $0xFFFF  }
0xd5: {  	_ =	shalt  }

// kernel: scatter_offload_async_start.1
scs
__scs_entry_jumppad:
0x0: {  	(pc) =	sbr.rel $0x88, $3  }
0x1: {  	(tag) =	ssettag $0x0;
	lr =	simm.s32 $0x1  }
0x2: {  	[smem:$0x3F99] =	sst lr;
	_ =	strace $0xD0000000  }
0x3: {  	_ = 	snop  }
0x4: {  	_ = 	snop  }
0x5: {  	_ = 	snop  }
0x6: {  	_ = 	snop  }
0x7: {  	_ = 	snop  }
__scs_overlays_trampoline_lowered:
0x8: {  	[smem:$0x3FA8] =	sst s0  }
0x9: {  	[smem:$0x3FA9] =	sst s1  }
0xa: {  	[smem:$0x3FAA] =	sst s2  }
0xb: {  	[smem:$0x3FAB] =	sst s3  }
0xc: {  	[smem:$0x3FAC] =	sst s4  }
0xd: {  	[smem:$0x3FAD] =	sst s5  }
0xe: {  	[smem:$0x3FAE] =	sst s6  }
0xf: {  	[smem:$0x3FAF] =	sst s7  }
0x10: {  	[smem:$0x3FB0] =	sst s8  }
0x11: {  	[smem:$0x3FB1] =	sst s9;
	s0 =	simm.s32 @!p0 $0x0  }
0x12: {  	s1 =	sld [smem:$0x3F97];
	s0 =	simm.s32 @p0 $0x1  }
0x13: {  	[smem:$0x3FB2] =	sst s0;
	s0 =	simm.s32 @!p1 $0x0  }
0x14: {  	s2 =	sld [smem:$0x3F96];
	s0 =	simm.s32 @p1 $0x1  }
0x15: {  	[smem:$0x3FB3] =	sst s0;
	s0 =	simm.s32 @!p2 $0x0  }
0x16: {  	s3 =	sld [smem:$0x3FDB];
	s0 =	simm.s32 @p2 $0x1  }
0x17: {  	s4 =	simm.s32 $0x1BF5;
	[smem:$0x3FB5] =	sst s0  }
0x18: {  	s0 =	sld [smem:$0x3F98];
	_ =	swait.ge [sflag:s4], $0x0  }
0x19: {  	s7 =	sld [smem:$0x3F99]  }
0x1a: {  	s8 =	sadd.s32 $0xFFFFE003, lr  }
0x1b: {  	s9 =	sadd.s32 $0xFFFFFEF7, lr;
	s5 =	simm.s32 $0xFFFFFFFF;
	p2 =	slt.u32 s8, $0xFFFFF086  }
0x1c: {  	p1 =	slt.u32 s9, $0xF7A;
	s5 =	simm.s32 @!p2 $0x0  }
0x1d: {  	s5 =	simm.s32 @p1 $0x1;
	p0 =	seq.s32 s7, s2  }
0x1e: {  	s7 =	smul.u32 @!p0 $0xF7A, s2;
	p2 =	seq.s32 @!p0 s5, $0x0  }
0x1f: {  	s9 =	smul.u32 $0xF7A, s1;
	s8 =	simm.s32 @!p0 $0x1BF5;
	p2 =	por !p2, p0  }
0x20: {  	[sflag:s8] =	ssyncset.s32 @!p0 $0xFFFFF086;
	s6 =	sadd.s32 @!p0 s3, s7;
	s7 =	simm.s32 @!p0 $0x108  }
0x21: {  	s3 =	sadd.s32 s3, s9;
	s6 =	sadd.s32 @!p0 $0x88, s6;
	s7 =	simm.s32 @p2 $0x1082  }
0x22: {  	[simem:s7], [sflag:s8] =	dma.local @!p0 [hbm:s6], $0xF7A  }
0x23: {  	s9 =	sor.u32 $0xD0000000, s2;
	s6 =	simm.s32 $0x108;
	_ =	swait.ge @!p0 [sflag:s8], $0x0  }
0x24: {  	s3 =	sadd.s32 $0x88, s3;
	s6 =	simm.s32 @!p1 $0x1082;
	[sflag:s4] =	ssyncset.s32 $0xFFFFF086  }
0x25: {  	[simem:s6], [sflag:s4] =	dma.local [hbm:s3], $0xF7A  }
0x26: {  	[smem:$0x3F99] =	sst s1;
	(tag) =	ssettag s2;
	_ =	strace s9  }
0x27: {  	s1 =	sld [smem:$0x3FA9]  }
0x28: {  	s2 =	sld [smem:$0x3FAA]  }
0x29: {  	s4 =	sld [smem:$0x3FAC]  }
0x2a: {  	p0 =	seq.s32 s5, $0x0;
	s5 =	sld [smem:$0x3FAD]  }
0x2b: {  	s6 =	sld [smem:$0x3FAE]  }
0x2c: {  	s7 =	sld [smem:$0x3FAF]  }
0x2d: {  	s3 =	simm.s32 $0x108;
	s8 =	sld [smem:$0x3FB0]  }
0x2e: {  	s3 =	simm.s32 @!p0 $0x1082;
	s9 =	sld [smem:$0x3FB1]  }
0x2f: {  	lr =	sadd.s32 s0, s3;
	s0 =	sld [smem:$0x3FA8]  }
0x30: {  	s3 =	sld [smem:$0x3FAB]  }
0x31: {  	[smem:$0x3FB4] =	sst s10  }
0x32: {  	s10 =	sld [smem:$0x3FB2];
	_ =	sdelay $0x3  }
0x33: {  	p0 =	seq.s32 s10, $0x1;
	s10 =	sld [smem:$0x3FB4];
	_ =	sdelay $0x3  }
0x34: {  	[smem:$0x3FB4] =	sst s10  }
0x35: {  	s10 =	sld [smem:$0x3FB3];
	_ =	sdelay $0x3  }
0x36: {  	p1 =	seq.s32 s10, $0x1;
	s10 =	sld [smem:$0x3FB4];
	_ =	sdelay $0x3  }
0x37: {  	[smem:$0x3FB4] =	sst s10  }
0x38: {  	s10 =	sld [smem:$0x3FB5]  }
0x39: {  	_ = 	snop;
	(pc) =	sbr.ind lr, $3  }
0x3a: {  	_ = 	snop  }
0x3b: {  	_ = 	snop  }
0x3c: {  	p2 =	seq.s32 s10, $0x1;
	s10 =	sld [smem:$0x3FB4]  }
0x3d: {  	_ =	shalt  }
0x3e: {  	_ =	shalt  }
0x3f: {  	_ =	shalt  }
0x40: {  	_ =	shalt  }
0x41: {  	_ =	shalt  }
0x42: {  	_ =	shalt  }
0x43: {  	_ =	shalt  }
0x44: {  	_ =	shalt  }
0x45: {  	_ =	shalt  }
0x46: {  	_ =	shalt  }
0x47: {  	_ =	shalt  }
0x48: {  	_ =	shalt  }
0x49: {  	_ =	shalt  }
0x4a: {  	_ =	shalt  }
0x4b: {  	_ =	shalt  }
0x4c: {  	_ =	shalt  }
0x4d: {  	_ =	shalt  }
0x4e: {  	_ =	shalt  }
0x4f: {  	_ =	shalt  }
0x50: {  	_ =	shalt  }
0x51: {  	_ =	shalt  }
0x52: {  	_ =	shalt  }
0x53: {  	_ =	shalt  }
0x54: {  	_ =	shalt  }
0x55: {  	_ =	shalt  }
0x56: {  	_ =	shalt  }
0x57: {  	_ =	shalt  }
0x58: {  	_ =	shalt  }
0x59: {  	_ =	shalt  }
0x5a: {  	_ =	shalt  }
0x5b: {  	_ =	shalt  }
0x5c: {  	_ =	shalt  }
0x5d: {  	_ =	shalt  }
0x5e: {  	_ =	shalt  }
0x5f: {  	_ =	shalt  }
0x60: {  	_ =	shalt  }
0x61: {  	_ =	shalt  }
0x62: {  	_ =	shalt  }
0x63: {  	_ =	shalt  }
0x64: {  	_ =	shalt  }
0x65: {  	_ =	shalt  }
0x66: {  	_ =	shalt  }
0x67: {  	_ =	shalt  }
0x68: {  	_ =	shalt  }
0x69: {  	_ =	shalt  }
0x6a: {  	_ =	shalt  }
0x6b: {  	_ =	shalt  }
0x6c: {  	_ =	shalt  }
0x6d: {  	_ =	shalt  }
0x6e: {  	_ =	shalt  }
0x6f: {  	_ =	shalt  }
0x70: {  	_ =	shalt  }
0x71: {  	_ =	shalt  }
0x72: {  	_ =	shalt  }
0x73: {  	_ =	shalt  }
0x74: {  	_ =	shalt  }
0x75: {  	_ =	shalt  }
0x76: {  	_ =	shalt  }
0x77: {  	_ =	shalt  }
0x78: {  	_ =	shalt  }
0x79: {  	_ =	shalt  }
0x7a: {  	_ =	shalt  }
0x7b: {  	_ =	shalt  }
0x7c: {  	_ =	shalt  }
0x7d: {  	_ =	shalt  }
0x7e: {  	_ =	shalt  }
0x7f: {  	_ =	shalt  }
0x80: {  	_ =	shalt  }
0x81: {  	_ =	shalt  }
0x82: {  	_ =	shalt  }
0x83: {  	_ =	shalt  }
0x84: {  	_ =	shalt  }
0x85: {  	_ =	shalt  }
0x86: {  	_ =	shalt  }
0x87: {  	_ =	shalt  }
.Lfunc_end0:
.L_simem_size_0:
called_computation.1_lowered:
.L_overlay_start_0:
0x88: {  	s0 =	sld [smem:$0x3FD9]  }
0x89: {  	s1 =	sld [smem:$0x3FFE];
	_ =	sdelay $0x3  }
0x8a: {  	s0 =	sadd.s32 s1, s0  }
0x8b: {  	[smem:$0x3FC0] =	sst s0  }
0x8c: {  	_ = 	snop  }
0x8d: {  	(tm) =	ssettm $0x1  }
0x8e: {  	s14 =	sld [smem:$0x3FFB];
	_ =	sdelay $0x3  }
0x8f: {  	_ =	strace s14  }
0x90: {  	s0 =	sld [smem:$0x3FFC];
	_ =	sdelay $0x3  }
0x91: {  	_ =	strace s0  }
0x92: {  	s0 =	sld [smem:$0x3FFD];
	_ =	sdelay $0x3  }
0x93: {  	_ =	strace s0  }
0x94: {  	_ =	strace $0x8FFFFFFF  }
0x95: {  	s15 =	sld [smem:$0x3FDB];
	_ =	sdelay $0x1  }
0x96: {  	s16 =	simm.s32 $_scs_section_size  }
0x97: {  	s2 =	simm.s32 $_size__tile_overlayer_lowered;
	s3 =	simm.s32 $_tile_overlayer_lowered  }
0x98: {  	s4 =	simm.s32 $0x1BFF;
	s17 =	sshll.u32 s3, $0x1;
	s1 =	sadd.s32 s16, s15  }
0x99: {  	s18 =	simm.s32 $0x0;
	s2 =	sshll.u32 s2, $0x1;
	s3 =	sadd.s32 s17, s1  }
0x9a: {  	[timem:s18], [sflag:s4] =	dma.local [hbm:s3], s2  }
0x9b: {  	_ =	swait.ge [sflag:s4], s2  }
0x9c: {  	s2 =	ssub.s32 $0x0, s2;
	[sflag:s4] =	ssyncset.done $0x0  }
0x9d: {  	[sflag:s4] =	ssyncadd.s32 s2;
	_ =	sdelay $0x1  }
0x9e: {  	s19 =	simm.s32 $0x1B8B  }
0x9f: {  	_ =	swait.ge [sflag:s19], $0x1  }
0xa0: {  	[sflag:s19] =	ssyncset.done $0x0  }
0xa1: {  	s21 =	simm.s32 $0x1B8E;
	s20 =	sld [smem:$0x3FFE];
	[sflag:s19] =	ssyncadd.s32 $0xFFFFFFFF  }
0xa2: {  	s22 =	simm.s32 $execute0_lowered;
	[smem:$0x3FD2] =	sst s21  }
0xa3: {  	s3 =	sshll.u32 s22, $0x1;
	_ =	strace $0x80000052;
	[dreg:$0x1] =	wrdreg $0xFFFFFFFF  }
0xa4: {  	s23 =	simm.s32 $_size_execute0_lowered;
	s3 =	sadd.s32 s1, s3;
	[dreg:$0x0] =	wrdreg $0x0  }
0xa5: {  	s4 =	sshll.u32 s23, $0x1;
	[dreg:$0x2] =	wrdreg s3  }
0xa6: {  	[dreg:$0x3] =	wrdreg s4  }
0xa7: {  	[dreg:$0x4] =	wrdreg $0xC0  }
0xa8: {  	s24 =	simm.s32 $execute1_lowered;
	_ =	task [dreg:s18], $0x5FFFF  }
0xa9: {  	s3 =	sshll.u32 s24, $0x1;
	[dreg:$0x1] =	wrdreg $0xFFFFFFFF  }
0xaa: {  	s1 =	sadd.s32 s1, s3;
	[dreg:$0x0] =	wrdreg $0x60  }
0xab: {  	[dreg:$0x2] =	wrdreg s1  }
0xac: {  	[dreg:$0x3] =	wrdreg s20  }
0xad: {  	[dreg:$0x4] =	wrdreg $0xB  }
0xae: {  	_ =	task.clear_ibuf [dreg:s18], $0x5FFFF;
	_ =	strace $0x90000052  }
0xaf: {  	s25 =	simm.s32 $0xB;
	_ =	strace $0x80000054  }
0xb0: {  	_ =	swait.ge [sflag:s25], $0x1  }
0xb1: {  	[sflag:s25] =	ssyncadd.s32 $0xFFFFFFFF  }
0xb2: {  	_ =	strace $0x90000054  }
0xb3: {  	_ =	strace $0x80000055;
	[dreg:$0x1] =	wrdreg $0xFFFFFFFF  }
0xb4: {  	[dreg:$0x0] =	wrdreg $0x2030  }
0xb5: {  	[dreg:$0x2] =	wrdreg s20  }
0xb6: {  	[dreg:$0x3] =	wrdreg $0xC  }
0xb7: {  	_ =	task.clear_ibuf [dreg:s18], $0x4FFFF;
	_ =	strace $0x90000055  }
0xb8: {  	s26 =	simm.s32 $0xC;
	_ =	strace $0x80000057  }
0xb9: {  	_ =	swait.ge [sflag:s26], $0x1  }
0xba: {  	[sflag:s26] =	ssyncadd.s32 $0xFFFFFFFF  }
0xbb: {  	_ =	strace $0x90000057  }
0xbc: {  	_ =	sfence  }
0xbd: {  	s28 =	sld [smem:$0x0];
	_ =	sdelay $0x1  }
0xbe: {  	s29 =	srdreg.scid  }
0xbf: {  	s30 =	sshll.u32 s29, $0xD;
	s31 =	sshrl.u32 s29, $0x2  }
0xc0: {  	s2 =	sand.u32 $0x1, s29;
	s3 =	sand.u32 $0x4000, s30;
	s1 =	sadd.s32 s31, s28  }
0xc1: {  	s2 =	sor.u32 s3, s2;
	s1 =	sshll.u32 s1, $0x11  }
0xc2: {  	s1 =	sor.u32 s1, s2  }
0xc3: {  	s1 =	sadd.s32 $0x8F2B, s1  }
0xc4: {  	[sflag:s1] =	ssyncadd.remote.s32 $0x1  }
0xc5: {  	_ =	sfence.sel $0xFFFF  }
0xc6: {  	[dreg:$0x0] =	wrdreg $0xFFFFFFFF;
	(pc) =	sbr.abs _section_cstart, $3  }
0xc7: {  	[dreg:$0x1] =	wrdreg $0xFFFFFFFF  }
0xc8: {  	_ =	task.clear_ibuf [dreg:s18], $0x2FFFF;
	_ =	strace $0x9FFFFFFF  }
0xc9: {  	(tm) =	ssettm $0x7FFFFFFF  }
tec
execute0_lowered:
.L_overlay_start_1:
0x0: {  	(tag) =	ssettag $0x1  }
0x1: {  	s3 =	rddreg [dreg:$0x0]  }
0x2: {  	s2 =	rddreg [dreg:$0x1]  }
0x3: {  	s0 =	rddreg [dreg:$0x2];
	s4 =	stileid.u32;
	[bflag:$0x3] =	sbarrier.arrive $0xFFFF  }
0x4: {  	s1 =	simm.s32 $_size_execute1_lowered;
	s7 =	simm.s32 $0x2;
	p0 =	sne.s32 s4, $0x0  }
0x5: {  	s1 =	sshll.u32 s1, $0x1;
	s5 =	simm.s32 @!p0 $0x1C3F;
	s6 =	simm.s32 @!p0 $0x4060  }
0x6: {  	[timem:s6], [sflag:s5] =	dma.local @!p0 [hbm:s3], s1  }
.Ltmp0:
0x7: {  	s8 =	simm.s32 $0x0;
	s12 =	simm.s32 $0x0;
	(pc) =	sbr.rel .LBB2_1-.Ltmp0, $4  }
0x8: {  	s10 =	simm.s32 $0x0;
	s11 =	simm.s32 $0x0;
	s3 =	sshll.u32 s4, $0x7  }
0x9: {  	s5 =	simm.s32 $0x1;
	_ =	strace $0x80000053;
	s31 =	ssub.s32 $0x2700, s3  }
0xa: {  	s4 =	sadd.s32 $0xA1E00, s2;
	[sflag:s5] =	ssyncpa.u1 $0x0;
	s6 =	sshrl.u32 s31, $0xB  }
0xb: {  	s9 =	smov.u32 s3;
	[sflag:s7] =	ssyncpa.u1 $0x0;
	s7 =	sadd.s32 $0x2, s6  }
.LBB2_4:
0xc: {  	_ = 	snop  }
.LBB2_7:
0xd: {  	_ =	sdelay $0x3  }
0xe: {  	[tilespmem:v0+s16+$0x0 ss:$0x1] =	vst.idx.msk @p1 $0xffff, v2  }
0xf: {  	v56 =	vld.idx.msk [tilespmem:v1+s15+$0x0 ss:$0x1], $0xffff;
	s24 =	sor.u32 $0x70, s15;
	[tilespmem:v0+s17+$0x0 ss:$0x1] =	vst.idx.msk @p1 $0xffff, v4  }
0x10: {  	s25 =	sor.u32 $0x10, s15;
	[tilespmem:v0+s18+$0x0 ss:$0x1] =	vst.idx.msk @p1 $0xffff, v3;
	v57 =	vld.idx.msk [tilespmem:v1+s24+$0x0 ss:$0x1], $0xffff  }
0x11: {  	s26 =	sor.u32 $0x20, s15;
	[tilespmem:v0+s19+$0x0 ss:$0x1] =	vst.idx.msk @p1 $0xffff, v5;
	v58 =	vld.idx.msk [tilespmem:v1+s25+$0x0 ss:$0x1], $0xffff  }
0x12: {  	s28 =	sor.u32 $0x30, s15;
	[tilespmem:v0+s20+$0x0 ss:$0x1] =	vst.idx.msk @p1 $0xffff, v6;
	v59 =	vld.idx.msk [tilespmem:v1+s26+$0x0 ss:$0x1], $0xffff  }
0x13: {  	s29 =	sor.u32 $0x40, s15;
	[tilespmem:v0+s21+$0x0 ss:$0x1] =	vst.idx.msk @p1 $0xffff, v7;
	v60 =	vld.idx.msk [tilespmem:v1+s28+$0x0 ss:$0x1], $0xffff  }
0x14: {  	s30 =	sor.u32 $0x50, s15;
	v61 =	vld.idx.msk [tilespmem:v1+s29+$0x0 ss:$0x1], $0xffff;
	[tilespmem:v0+s15+$0x0 ss:$0x1] =	vst.idx.msk $0xffff, v56  }
0x15: {  	s31 =	sor.u32 $0x60, s15;
	v62 =	vld.idx.msk [tilespmem:v1+s30+$0x0 ss:$0x1], $0xffff;
	[tilespmem:v0+s24+$0x0 ss:$0x1] =	vst.idx.msk $0xffff, v57  }
0x16: {  	v63 =	vld.idx.msk [tilespmem:v1+s31+$0x0 ss:$0x1], $0xffff;
	[tilespmem:v0+s25+$0x0 ss:$0x1] =	vst.idx.msk $0xffff, v58  }
0x17: {  	[tilespmem:v0+s26+$0x0 ss:$0x1] =	vst.idx.msk $0xffff, v59  }
0x18: {  	[tilespmem:v0+s28+$0x0 ss:$0x1] =	vst.idx.msk $0xffff, v60  }
0x19: {  	[tilespmem:v0+s29+$0x0 ss:$0x1] =	vst.idx.msk $0xffff, v61  }
0x1a: {  	[tilespmem:v0+s30+$0x0 ss:$0x1] =	vst.idx.msk $0xffff, v62  }
0x1b: {  	[tilespmem:v0+s31+$0x0 ss:$0x1] =	vst.idx.msk $0xffff, v63  }
.LBB2_8:
0x1c: {  	s15 =	sand.u32 $0x1FFFFFF, s10  }
0x1d: {  	s16 =	smulhi.u32 $0x1A36E2F, s15;
	_ =	sdelay $0x1  }
0x1e: {  	s16 =	sshrl.u32 s16, $0x6  }
0x1f: {  	s16 =	smul.u32 $0x2710, s16;
	_ =	sdelay $0x1  }
0x20: {  	s15 =	ssub.s32 s15, s16  }
0x21: {  	s15 =	sshll.u32 s15, $0x4  }
0x22: {  	s15 =	sadd.s32 s4, s15  }
0x23: {  	[hbm4b:s15+s8] =	stream.linear.scatter [tilespmem:s14], [sflag:$0x2], s13, $0x38;
	[tilespmem:$0x10000] =	vst v63  }
.LBB2_9:
0x24: {  	p1 =	slt.u32 s11, $0x2  }
0x25: {  	p2 =	sgt.s32 @!p1 s12, $0x2690  }
0x26: {  	s13 =	smov.u32 s12;
	s14 =	sshra.s32 @!p1 s12, $0x1F;
	p2 =	por !p2, p1  }
0x27: {  	s12 =	sand.u32 @!p1 s14, s12;
	s13 =	simm.s32 @p2 $0x2690  }
0x28: {  	s12 =	ssub.s32 @!p1 s13, s12  }
0x29: {  	s12 =	sadd.s32 @!p1 $0xFFFFD970, s12  }
0x2a: {  	s13 =	sshll.u32 @!p1 s12, $0x9  }
0x2b: {  	p2 =	sgt.s32 @!p1 s12, $0x7F;
	s12 =	ssub.s32 @!p1 $0x10000, s13  }
0x2c: {  	s14 =	sadd.s32 $0x800, s9;
	p2 =	por !p2, p1;
	s12 =	sshrl.u32 @!p1 s12, $0x2  }
0x2d: {  	s12 =	simm.s32 @!p2 $0x0;
	p2 =	sgt.s32 s14, $0x270F  }
0x2e: {  	s14 =	smov.u32 @p2 s3;
	p2 =	sne.s32 s11, s7  }
.Ltmp1:
0x2f: {  	_ = 	snop;
	(pc) =	sbr.rel @!p2 .LBB2_10-.Ltmp1, $4  }
0x30: {  	s13 =	simm.s32 @!p1 $0x2  }
0x31: {  	_ =	swait.ge @!p1 [sflag:s13], s12;
	s15 =	ssub.s32 @!p1 $0x0, s12  }
0x32: {  	s12 =	smov.u32 s10;
	s11 =	sadd.s32 $0x1, s11;
	[sflag:s13] =	ssyncset.done @!p1 $0x0  }
0x33: {  	s10 =	smov.u32 s9;
	s9 =	smov.u32 s14;
	[sflag:s13] =	ssyncadd.s32 @!p1 s15  }
.LBB2_1:
0x34: {  	p1 =	sgt.u32 s11, s6  }
0x35: {  	s13 =	sand.u32 @!p1 $0x1FFFFFF, s9  }
0x36: {  	p2 =	sgt.s32 @!p1 s9, $0x2690;
	s14 =	smulhi.u32 @!p1 $0x1A36E2F, s13  }
0x37: {  	s15 =	smov.u32 s9;
	s16 =	sshra.s32 @!p1 s9, $0x1F;
	p2 =	por !p2, p1  }
0x38: {  	s16 =	sand.u32 @!p1 s16, s9;
	s15 =	simm.s32 @p2 $0x2690;
	s14 =	sshrl.u32 @!p1 s14, $0x6  }
0x39: {  	s15 =	ssub.s32 @!p1 s15, s16;
	s14 =	smul.u32 @!p1 $0x2710, s14  }
0x3a: {  	s16 =	sxor.u32 @!p1 $0xFFFFFFFF, s11;
	s15 =	sadd.s32 @!p1 $0xFFFFD970, s15  }
0x3b: {  	s16 =	sshll.u32 @!p1 s16, $0xE;
	s13 =	ssub.s32 @!p1 s13, s14;
	s14 =	sshll.u32 @!p1 s15, $0x9  }
0x3c: {  	s16 =	sand.u32 @!p1 $0x4000, s16;
	p2 =	sgt.s32 @!p1 s15, $0x7F;
	s14 =	ssub.s32 @!p1 $0x10000, s14  }
0x3d: {  	p2 =	por !p2, p1;
	s13 =	sshll.u32 @!p1 s13, $0x4;
	s14 =	sshrl.u32 @!p1 s14, $0x2  }
0x3e: {  	s15 =	simm.s32 @!p1 $0x0;
	s13 =	sadd.s32 @!p1 s2, s13;
	s14 =	simm.s32 @!p2 $0x0  }
0x3f: {  	[tilespmem:s16], [sflag:$0x1] =	stream.linear.gather @!p1 [hbm4b:s13+s15], s14, $0x38;
	[tilespmem:$0x10000] =	vst v63  }
0x40: {  	p1 =	seq.s32 s11, $0x0  }
0x41: {  	p2 =	sge.u32 @!p1 s11, s7  }
0x42: {  	p1 =	por p1, p2  }
.Ltmp2:
0x43: {  	_ = 	snop;
	(pc) =	sbr.rel @p1 .LBB2_9-.Ltmp2, $1  }
0x44: {  	_ =	sdelay $0x3  }
0x45: {  	p1 =	sgt.s32 s10, $0x2690;
	s13 =	smov.u32 s10;
	s14 =	sshra.s32 s10, $0x1F  }
0x46: {  	s13 =	simm.s32 @!p1 $0x2690;
	s14 =	sand.u32 s14, s10  }
0x47: {  	s13 =	ssub.s32 s13, s14  }
0x48: {  	s13 =	sadd.s32 $0xFFFFD970, s13  }
0x49: {  	s31 =	sshll.u32 s13, $0x9  }
0x4a: {  	s14 =	ssub.s32 $0x10000, s31  }
0x4b: {  	p1 =	sgt.s32 s13, $0x7F;
	s13 =	sshrl.u32 s14, $0x2;
	s14 =	sadd.s32 $0x80, s10  }
0x4c: {  	s13 =	simm.s32 @p1 $0x0;
	p1 =	slt.s32 s14, $0x2710  }
0x4d: {  	s14 =	simm.s32 @!p1 $0x2710  }
0x4e: {  	s16 =	ssub.s32 s14, s10  }
0x4f: {  	p1 =	slt.s32 s16, $0x1  }
.Ltmp3:
0x50: {  	_ = 	snop;
	(pc) =	sbr.rel @p1 .LBB2_8-.Ltmp3, $4  }
0x51: {  	_ = 	snop  }
0x52: {  	s15 =	sshll.u32 s11, $0xE;
	_ =	swait.ge [sflag:s5], s13  }
0x53: {  	s15 =	sand.u32 $0x4000, s15;
	s17 =	ssub.s32 $0x0, s13;
	[sflag:s5] =	ssyncset.done $0x0  }
0x54: {  	s14 =	sor.u32 $0x8000, s15;
	[sflag:s5] =	ssyncadd.s32 s17  }
0x55: {  	p2 =	sne.s32 s16, $0x1  }
.Ltmp4:
0x56: {  	v1 =	vmov s15;
	v0 =	vmov s14;
	(pc) =	sbr.rel @!p2 .LBB2_4-.Ltmp4, $3  }
0x57: {  	_ =	sdelay $0x1  }
0x58: {  	s17 =	simm.s32 $0x0  }
0x59: {  	s23 =	sadd.s32 $0xFFFFFFFF, s16;
	p1 =	por $0x0, $0x0;
	s15 =	sand.u32 $0x3F80, s17  }
0x5a: {  	_ =	sdelay $0x3  }
0x5b: {  	v6 =	vld.idx.msk [tilespmem:v1+s15+$0x0 ss:$0x1], $0xffff;
	s24 =	sor.u32 $0x70, s15  }
0x5c: {  	s16 =	sor.u32 $0x10, s15;
	v8 =	vld.idx.msk [tilespmem:v1+s24+$0x0 ss:$0x1], $0xffff  }
0x5d: {  	s17 =	sor.u32 $0x20, s15;
	p2 =	sne.s32 s23, $0x1;
	v2 =	vld.idx.msk [tilespmem:v1+s16+$0x0 ss:$0x1], $0xffff  }
.Ltmp5:
0x5e: {  	s18 =	sor.u32 $0x30, s15;
	v4 =	vld.idx.msk [tilespmem:v1+s17+$0x0 ss:$0x1], $0xffff;
	(pc) =	sbr.rel @!p2 .LBB2_7-.Ltmp5, $4  }
0x5f: {  	s19 =	sor.u32 $0x40, s15;
	v3 =	vld.idx.msk [tilespmem:v1+s18+$0x0 ss:$0x1], $0xffff  }
0x60: {  	s21 =	sor.u32 $0x60, s15;
	v5 =	vld.idx.msk [tilespmem:v1+s19+$0x0 ss:$0x1], $0xffff  }
0x61: {  	s20 =	sor.u32 $0x50, s15;
	s22 =	simm.s32 $0x80;
	v7 =	vld.idx.msk [tilespmem:v1+s21+$0x0 ss:$0x1], $0xffff;
	[tilespmem:v0+s15+$0x0 ss:$0x1] =	vst.idx.msk $0xffff, v6  }
0x62: {  	s23 =	sadd.s32 $0xFFFFFFFF, s23;
	p1 =	por $0x1, $0x1;
	v6 =	vld.idx.msk [tilespmem:v1+s20+$0x0 ss:$0x1], $0xffff;
	s15 =	sand.u32 $0x3F80, s22;
	[tilespmem:v0+s24+$0x0 ss:$0x1] =	vst.idx.msk $0xffff, v8  }
.LBB2_6:
0x63: {  	p2 =	sne.s32 s23, $0x1;
	v8 =	vld.idx.msk [tilespmem:v1+s15+$0x0 ss:$0x1], $0xffff;
	s24 =	sor.u32 $0x70, s15;
	[tilespmem:v0+s16+$0x0 ss:$0x1] =	vst.idx.msk $0xffff, v2;
	s16 =	sor.u32 $0x10, s15  }
0x64: {  	s25 =	sor.u32 $0x30, s15;
	s26 =	sor.u32 $0x40, s15;
	v9 =	vld.idx.msk [tilespmem:v1+s24+$0x0 ss:$0x1], $0xffff;
	[tilespmem:v0+s17+$0x0 ss:$0x1] =	vst.idx.msk $0xffff, v4;
	s17 =	sor.u32 $0x20, s15  }
0x65: {  	s28 =	sor.u32 $0x50, s15;
	s29 =	sor.u32 $0x60, s15;
	v2 =	vld.idx.msk [tilespmem:v1+s16+$0x0 ss:$0x1], $0xffff;
	[tilespmem:v0+s18+$0x0 ss:$0x1] =	vst.idx.msk $0xffff, v3;
	s18 =	smov.u32 s25  }
.Ltmp6:
0x66: {  	v4 =	vld.idx.msk [tilespmem:v1+s17+$0x0 ss:$0x1], $0xffff;
	[tilespmem:v0+s19+$0x0 ss:$0x1] =	vst.idx.msk $0xffff, v5;
	s19 =	smov.u32 s26;
	(pc) =	sbr.rel @p2 .LBB2_6-.Ltmp6, $4  }
0x67: {  	v3 =	vld.idx.msk [tilespmem:v1+s18+$0x0 ss:$0x1], $0xffff;
	[tilespmem:v0+s20+$0x0 ss:$0x1] =	vst.idx.msk $0xffff, v6;
	s20 =	smov.u32 s28  }
0x68: {  	v5 =	vld.idx.msk [tilespmem:v1+s19+$0x0 ss:$0x1], $0xffff;
	[tilespmem:v0+s21+$0x0 ss:$0x1] =	vst.idx.msk $0xffff, v7;
	s21 =	smov.u32 s29  }
0x69: {  	s22 =	sadd.s32 $0x80, s22;
	[tilespmem:v0+s15+$0x0 ss:$0x1] =	vst.idx.msk $0xffff, v8;
	v6 =	vld.idx.msk [tilespmem:v1+s20+$0x0 ss:$0x1], $0xffff  }
0x6a: {  	s23 =	sadd.s32 $0xFFFFFFFF, s23;
	s15 =	sand.u32 $0x3F80, s22;
	v7 =	vld.idx.msk [tilespmem:v1+s21+$0x0 ss:$0x1], $0xffff;
	[tilespmem:v0+s24+$0x0 ss:$0x1] =	vst.idx.msk $0xffff, v9  }
.Ltmp7:
0x6b: {  	_ = 	snop;
	(pc) =	sbr.rel .LBB2_7-.Ltmp7, $1  }
0x6c: {  	_ =	sdelay $0x3  }
.LBB2_10:
0x6d: {  	_ =	sfence.sel $0x180000  }
0x6e: {  	s2 =	simm.s32 $0x1;
	[bflag:$0x0] =	sbarrier.arrive $0xFFFF  }
0x6f: {  	s31 =	simm.s32 $0x2;
	[sflag:s2] =	ssyncpa.u1 $0x1  }
0x70: {  	[sflag:s31] =	ssyncpa.u1 $0x1  }
0x71: {  	_ =	strace $0x90000053  }
0x72: {  	s0 =	sadd.s32 @!p0 $0x100000, s0;
	[bflag:$0x2] =	sbarrier.arrive $0xFFFF  }
0x73: {  	[sflag:s0] =	ssyncadd.tile.s32 @!p0 $0x1;
	s0 =	simm.s32 @!p0 $0x3F  }
0x74: {  	_ =	swait.ge @!p0 [sflag:s0], s1  }
0x75: {  	s1 =	ssub.s32 @!p0 $0x0, s1;
	[sflag:s0] =	ssyncset.done @!p0 $0x0  }
0x76: {  	[sflag:s0] =	ssyncadd.s32 @!p0 s1  }
0x77: {  	[bflag:$0x3] =	sbarrier.arrive $0xFFFF  }
0x78: {  	_ =	shalt  }
.Lfunc_end2:
execute1_lowered:
.L_overlay_start_2:
0x79: {  	(tag) =	ssettag $0x2  }
0x7a: {  	s0 =	rddreg [dreg:$0x0];
	_ =	strace $0x80000056;
	s1 =	simm.s32 $0x1  }
0x7b: {  	s8 =	simm.s32 $0x108;
	v0 =	vimm.s32 $0x0;
	[sflag:s1] =	ssyncpa.u1 $0x0  }
0x7c: {  	[tilespmem:s8+$0x70] =	vst v0  }
0x7d: {  	[tilespmem:s8+$0x60] =	vst v0  }
0x7e: {  	[tilespmem:s8+$0x50] =	vst v0  }
0x7f: {  	[tilespmem:s8+$0x40] =	vst v0  }
0x80: {  	[tilespmem:s8+$0x30] =	vst v0  }
0x81: {  	s2 =	simm.s32 $0x40;
	s1 =	sadd.s32 $0xA1E00, s0;
	[tilespmem:s8+$0x20] =	vst v0  }
0x82: {  	s3 =	sadd.s32 $0x27200, s0;
	s4 =	sadd.s32 $0x1A83800, s0;
	s5 =	sadd.s32 $0x78000, s0;
	[tilespmem:s8+$0x10] =	vst v0  }
.LBB3_1:
0x83: {  	s2 =	sadd.s32 $0x40, s2;
	[tilespmem:s8+$0x0] =	vst v0;
	s8 =	sadd.s32 $0x80, s8  }
0x84: {  	p0 =	slt.u32 s2, $0x3C40;
	[tilespmem:s8+$0x70] =	vst v0  }
0x85: {  	[tilespmem:s8+$0x60] =	vst v0  }
.Ltmp8:
0x86: {  	[tilespmem:s8+$0x50] =	vst v0;
	(pc) =	sbr.rel @p0 .LBB3_1-.Ltmp8, $4  }
0x87: {  	[tilespmem:s8+$0x40] =	vst v0  }
0x88: {  	[tilespmem:s8+$0x30] =	vst v0  }
0x89: {  	[tilespmem:s8+$0x20] =	vst v0  }
0x8a: {  	[tilespmem:s8+$0x10] =	vst v0  }
0x8b: {  	s13 =	stileid.u32  }
0x8c: {  	s0 =	simm.s32 $0x4FB0;
	s6 =	smul.u32 $0x50A0, s13;
	p0 =	seq.s32 s13, $0xF  }
0x8d: {  	s0 =	simm.s32 @!p0 $0x50A0  }
0x8e: {  	s0 =	sadd.s32 s6, s0  }
0x8f: {  	s7 =	smin.u32 s0, $0x50910  }
0x90: {  	s0 =	ssub.s32 s7, s6  }
0x91: {  	p0 =	sgt.s32 s0, $0x0  }
0x92: {  	s0 =	simm.s32 @!p0 $0x0  }
0x93: {  	s2 =	simm.s32 $0x2;
	s9 =	simm.s32 $0x7;
	s31 =	smulhi.u32 $0x1111112, s0  }
0x94: {  	s10 =	simm.s32 $0x8;
	s19 =	simm.s32 $0x0;
	s15 =	simm.s32 $0xA  }
0x95: {  	s17 =	simm.s32 $0x0;
	s18 =	simm.s32 $0x0;
	s11 =	smul.u32 $0xF0, s31  }
.Ltmp9:
0x96: {  	[tilespmem:s8+$0x0] =	vst v0;
	v0 =	vimm.s32 $0xFFFFFFFF;
	[sflag:s2] =	ssyncpa.u1 $0x0;
	s13 =	sshll.u32 s13, $0x8;
	(pc) =	sbr.rel .LBB3_3-.Ltmp9, $4  }
0x97: {  	[tilespmem:$0xF208] =	vst v0;
	[sflag:s9] =	ssyncpa.u1 $0x0;
	p0 =	sne.s32 s0, s11;
	s0 =	simm.s32 $0x1  }
0x98: {  	[sflag:s10] =	ssyncpa.u1 $0x0;
	s10 =	simm.s32 $0x9;
	s0 =	simm.s32 @!p0 $0x0  }
0x99: {  	s16 =	smov.u32 s6;
	[sflag:s10] =	ssyncpa.u1 $0x0;
	s12 =	sadd.s32 s0, s31  }
0x9a: {  	v0 =	vlaneseq.u32;
	s11 =	simm.s32 $0x1;
	p0 =	por $0x0, $0x0;
	s14 =	sadd.s32 $0x1, s12  }
.LBB3_18:
0x9b: {  	s0 =	sshrl.u32 s28, $0x2  }
.LBB3_20:
0x9c: {  	_ =	swait.ge [sflag:s15], s0  }
0x9d: {  	s31 =	ssub.s32 $0x0, s0;
	v1 =	vmov s21;
	vm0 =	veq.s32 v0, $0x0;
	[sflag:s15] =	ssyncset.done $0x0  }
0x9e: {  	vm15 =	veq.s32 v0, $0x2;
	v1 =	vsel vm0, s26, v1;
	[sflag:s15] =	ssyncadd.s32 s31  }
0x9f: {  	v1 =	vsel vm15, s19, v1;
	[sflag:s15] =	ssyncpa.u1 $0x1  }
0xa0: {  	[tilespmem:$0xF208] =	vst v1  }
.LBB3_21:
0xa1: {  	s0 =	sadd.s32 $0xF0, s16  }
0xa2: {  	s2 =	smov.u32 s6;
	p1 =	slt.s32 s0, s7  }
0xa3: {  	s2 =	smov.u32 @p1 s0;
	p1 =	sne.s32 s18, s14  }
.Ltmp10:
0xa4: {  	_ = 	snop;
	(pc) =	sbr.rel @!p1 .LBB3_22-.Ltmp10, $3  }
0xa5: {  	_ =	sdelay $0x1  }
0xa6: {  	s19 =	smov.u32 s17;
	s31 =	sadd.s32 $0x1, s18;
	s17 =	smov.u32 s16  }
0xa7: {  	p0 =	por !p0, !p0;
	s18 =	smov.u32 s31;
	s16 =	smov.u32 s2  }
.LBB3_3:
0xa8: {  	p1 =	sge.u32 s18, s12  }
0xa9: {  	s0 =	smulhi.u32 @!p1 $0xAAAAAAAB, s18  }
0xaa: {  	s2 =	smov.u32 s16;
	p2 =	sgt.s32 @!p1 s16, $0x50820  }
0xab: {  	s20 =	sshra.s32 @!p1 s16, $0x1F;
	p2 =	por !p2, p1;
	s0 =	sshrl.u32 @!p1 s0, $0x1  }
0xac: {  	s20 =	sand.u32 @!p1 s20, s16;
	s2 =	simm.s32 @p2 $0x50820;
	s0 =	smul.u32 @!p1 $0x3, s0  }
0xad: {  	s2 =	ssub.s32 @!p1 s2, s20  }
0xae: {  	s2 =	sadd.s32 @!p1 $0xFFFAF7E0, s2;
	s0 =	ssub.s32 @!p1 s18, s0  }
0xaf: {  	s20 =	sshll.u32 @!p1 s2, $0x2;
	p2 =	sgt.s32 @!p1 s2, $0xEF;
	s0 =	smul.u32 @!p1 $0x3C0, s0  }
0xb0: {  	s21 =	sand.u32 @!p1 $0x7, s16;
	s2 =	ssub.s32 @!p1 $0x3C0, s20;
	p2 =	por !p2, p1  }
0xb1: {  	s20 =	sshrl.u32 @!p1 s16, $0x3;
	s2 =	sshrl.u32 @!p1 s2, $0x2;
	s0 =	sshrl.u32 @!p1 s0, $0x2  }
0xb2: {  	s20 =	sadd.s32 @!p1 s5, s20;
	s2 =	simm.s32 @!p2 $0x0;
	s0 =	sadd.s32 @!p1 $0x10238, s0  }
0xb3: {  	[tilespmem:s0], [sflag:$0x8] =	stream.linear.gather @!p1 [hbm4b:s20+s21], s2, $0x38;
	[tilespmem:$0x1F6E8] =	vst v63  }
0xb4: {  	s0 =	sadd.s32 $0xFFFFFFFF, s18  }
0xb5: {  	p1 =	sge.u32 s0, s12  }
0xb6: {  	p2 =	sgt.s32 @!p1 s17, $0x50820  }
0xb7: {  	s2 =	smov.u32 s17;
	s20 =	sshra.s32 @!p1 s17, $0x1F;
	p2 =	por !p2, p1  }
0xb8: {  	s20 =	sand.u32 @!p1 s20, s17;
	s2 =	simm.s32 @p2 $0x50820  }
0xb9: {  	s2 =	ssub.s32 @!p1 s2, s20  }
0xba: {  	s2 =	sadd.s32 @!p1 $0xFFFAF7E0, s2  }
0xbb: {  	s21 =	smulhi.u32 @!p1 $0xAAAAAAAB, s0;
	s22 =	sand.u32 @!p1 $0x1, s0;
	s20 =	sshll.u32 @!p1 s2, $0x2  }
0xbc: {  	s24 =	smul.u32 @!p1 $0x3C0, s22;
	p2 =	sgt.s32 @!p1 s2, $0xEF;
	s2 =	ssub.s32 @!p1 $0x3C0, s20  }
0xbd: {  	p2 =	por !p2, p1;
	s20 =	sshrl.u32 @!p1 s21, $0x1;
	s2 =	sshrl.u32 @!p1 s2, $0x2  }
0xbe: {  	s21 =	simm.s32 @!p1 $0x8;
	s20 =	smul.u32 @!p1 $0x3, s20;
	s2 =	simm.s32 @!p2 $0x0  }
0xbf: {  	s22 =	smul.u32 @!p1 $0x1E000, s22;
	_ =	swait.ge @!p1 [sflag:s21], s2;
	s23 =	ssub.s32 @!p1 $0x0, s2  }
0xc0: {  	s0 =	ssub.s32 @!p1 s0, s20;
	s20 =	sshrl.u32 @!p1 s17, $0x3;
	[sflag:s21] =	ssyncset.done @!p1 $0x0  }
0xc1: {  	s20 =	sadd.s32 @!p1 s3, s20;
	[sflag:s21] =	ssyncadd.s32 @!p1 s23;
	s21 =	sshrl.u32 @!p1 s24, $0x2  }
0xc2: {  	s0 =	smul.u32 @!p1 $0x3C0, s0;
	s23 =	sand.u32 @!p1 $0x7, s17;
	s21 =	sor.u32 @!p1 $0x10508, s21  }
0xc3: {  	[tilespmem:s21], [sflag:$0x9] =	stream.linear.gather @!p1 [hbm4b:s20+s23], s2, $0x38;
	[tilespmem:$0x1F6E8] =	vst v63  }
0xc4: {  	s0 =	sshrl.u32 @!p1 s0, $0x2;
	s2 =	sshrl.u32 @!p1 s22, $0x2  }
0xc5: {  	s0 =	sadd.s32 @!p1 $0x10238, s0;
	s20 =	simm.s32 @!p1 $0xF0;
	s2 =	sor.u32 @!p1 $0x106E8, s2  }
0xc6: {  	[tilespmem:s2], [sflag:$0x7] =	stream.indirect.gather @!p1 [hbm4b:s4+s20], $0x80, s0, s20, $0xb8;
	[tilespmem:$0x1F6E8] =	vst v63  }
0xc7: {  	p1 =	slt.u32 s18, $0x2  }
.Ltmp11:
0xc8: {  	_ = 	snop;
	(pc) =	sbr.rel @p1 .LBB3_21-.Ltmp11, $1  }
0xc9: {  	_ =	sdelay $0x3  }
0xca: {  	p1 =	sgt.s32 s19, $0x50820;
	s0 =	smov.u32 s19;
	s2 =	sshra.s32 s19, $0x1F  }
0xcb: {  	s0 =	simm.s32 @!p1 $0x50820;
	s2 =	sand.u32 s2, s19  }
0xcc: {  	s0 =	ssub.s32 s0, s2  }
0xcd: {  	s0 =	sadd.s32 $0xFFFAF7E0, s0  }
0xce: {  	s30 =	sshll.u32 s0, $0x2  }
0xcf: {  	_ =	swait.ge [sflag:s9], $0x7800;
	s2 =	ssub.s32 $0x3C0, s30  }
0xd0: {  	[sflag:s9] =	ssyncset.done $0x0;
	p1 =	sgt.s32 s0, $0xEF;
	s0 =	sshrl.u32 s2, $0x2  }
0xd1: {  	[sflag:s9] =	ssyncadd.s32 $0xFFFF8800;
	s0 =	simm.s32 @p1 $0x0  }
0xd2: {  	_ =	swait.ge [sflag:s10], s0  }
0xd3: {  	s0 =	ssub.s32 $0x0, s0;
	[sflag:s10] =	ssyncset.done $0x0  }
0xd4: {  	[sflag:s10] =	ssyncadd.s32 s0  }
0xd5: {  	v1 =	vld [tilespmem:$0xF208];
	_ =	sdelay $0x4  }
0xd6: {  	(v2sf) =	vpush v1, $0x0  }
0xd7: {  	(v2sf) =	vpush v1, $0x1  }
0xd8: {  	(v2sf) =	vpush v1, $0x2;
	_ =	sdelay $0x3  }
0xd9: {  	s0 =	sadd.s32 $0xF0, s19  }
0xda: {  	s2 =	ssub.s32 $0x50910, s19;
	p1 =	slt.s32 s7, s0  }
0xdb: {  	s0 =	smov.u32 @p1 s7;
	p1 =	sgt.s32 s2, $0x0  }
0xdc: {  	s23 =	ssub.s32 s0, s19;
	s2 =	simm.s32 @!p1 $0x0  }
0xdd: {  	p1 =	slt.s32 s2, s23  }
0xde: {  	s23 =	smov.u32 @p1 s2  }
0xdf: {  	s22 =	simm.s32 $0x1;
	p1 =	slt.s32 s23, $0x1  }
.Ltmp12:
0xe0: {  	s22 =	simm.s32 @!p0 $0x0;
	(pc) =	sbr.rel @p1 .LBB3_8-.Ltmp12, $4  }
0xe1: {  	s31 =	smul.u32 $0x3C0, s22  }
0xe2: {  	s24 =	spop (v2sf)  }
0xe3: {  	s0 =	sshrl.u32 s31, $0x2;
	s26 =	spop (v2sf)  }
0xe4: {  	s20 =	sor.u32 $0x10508, s0;
	s19 =	spop (v2sf)  }
0xe5: {  	s0 =	smin.u32 s23, $0x10  }
0xe6: {  	v1 =	vmov s0  }
0xe7: {  	p2 =	sgt.s32 s23, $0x10;
	vm1 =	vgt.u32 v1, v0  }
.Ltmp13:
0xe8: {  	_ = 	snop;
	(pc) =	sbr.rel @!p2 .LBB3_7-.Ltmp13, $2  }
0xe9: {  	_ =	sdelay $0x2  }
0xea: {  	s25 =	simm.s32 $0x10;
	s28 =	sadd.s32 $0xFFFFFFF0, s23;
	s21 =	smov.u32 s20;
	vm0 =	vmmov vm1  }
.LBB3_6:
0xeb: {  	s0 =	smin.u32 s28, $0x10;
	s25 =	sadd.s32 $0x10, s25;
	v1 =	vld.msk [tilespmem:s21+$0x0 ss:$0x1], vm1  }
0xec: {  	v2 =	vmov s0;
	p2 =	slt.s32 s25, s23  }
0xed: {  	vm1 =	vgt.u32 v2, v0  }
.Ltmp14:
0xee: {  	(pc) =	sbr.rel @p2 .LBB3_6-.Ltmp14, $3  }
0xef: {  	_ =	sdelay $0x1  }
0xf0: {  	v1 =	vshll.u32 v1, $0x4  }
0xf1: {  	s28 =	sadd.s32 $0xFFFFFFF0, s28;
	[tilespmem:s21+$0x0] =	vst.msk vm0, v1;
	s21 =	sadd.s32 $0x10, s21;
	vm0 =	vmmov vm1  }
.LBB3_7:
0xf2: {  	_ =	sdelay $0x4  }
0xf3: {  	v1 =	vld.msk [tilespmem:s21+$0x0 ss:$0x1], vm1;
	_ =	sdelay $0x4  }
0xf4: {  	v1 =	vshll.u32 v1, $0x4  }
0xf5: {  	[tilespmem:s21+$0x0] =	vst.msk vm0, v1  }
.LBB3_8:
0xf6: {  	s0 =	sand.u32 $0x1, s18  }
0xf7: {  	s0 =	smul.u32 $0xF0, s0  }
0xf8: {  	p2 =	sne.s32 s26, $0xFFFFFFFF  }
0xf9: {  	v1 =	vld.msk @!p2 [tilespmem:s0+$0x10508], $0x1;
	_ =	sdelay $0x4  }
0xfa: {  	(v2sf) =	vpush @!p2 v1, $0x0;
	_ =	sdelay $0xc  }
.Ltmp15:
0xfb: {  	_ = 	snop;
	(pc) =	sbr.rel @p1 .LBB3_19-.Ltmp15, $4  }
0xfc: {  	_ = 	snop  }
0xfd: {  	s25 =	spop @!p2 (v2sf)  }
0xfe: {  	s19 =	simm.s32 @!p2 $0x0;
	s21 =	smov.u32 s25  }
0xff: {  	[sflag:s15] =	ssyncpa.u1 $0x0;
	s25 =	smov.u32 @p2 s24;
	s21 =	smov.u32 @p2 s26  }
0x100: {  	v1 =	vld.msk [tilespmem:s20+$0x0], $0x1;
	_ =	sdelay $0x4  }
0x101: {  	(v2sf) =	vpush v1, $0x0;
	_ =	sdelay $0xe  }
0x102: {  	s0 =	smul.u32 $0x1E000, s22;
	s29 =	spop (v2sf)  }
0x103: {  	s23 =	ssub.s32 $0x0, s23;
	p1 =	seq.s32 s25, s29  }
0x104: {  	s26 =	sadd.s32 $0x1, s23;
	s0 =	sshrl.u32 s0, $0x2;
	p2 =	sgt.s32 @!p1 s25, $0x0  }
0x105: {  	s22 =	sor.u32 $0x10728, s0;
	s0 =	smov.u32 s25;
	p2 =	por !p2, p1  }
0x106: {  	s0 =	simm.s32 @p2 $0x0;
	p2 =	seq.s32 s26, $0x0  }
.Ltmp16:
0x107: {  	_ = 	snop;
	(pc) =	sbr.rel @p2 .LBB3_11-.Ltmp16, $4  }
0x108: {  	_ = 	snop  }
0x109: {  	s24 =	simm.s32 $0x0;
	s28 =	sadd.s32 $0x1, s20;
	s0 =	smin.u32 @!p1 s0, $0x270F0  }
0x10a: {  	s30 =	simm.s32 @!p1 $0x1;
	s31 =	simm.s32 @!p1 $0x7988;
	s2 =	sand.u32 @!p1 $0x3FFF8, s0  }
0x10b: {  	s30 =	smov.u32 @p1 s24;
	s0 =	sand.u32 @!p1 $0x7, s0;
	s2 =	sadd.s32 @!p1 s1, s2  }
.LBB3_10:
0x10c: {  	s8 =	smov.u32 s30  }
0x10d: {  	[tilespmem:s31], [sflag:$0x2] =	stream.linear.gather @!p1 [hbm4b:s2+s0], $0x80, $0x38;
	[tilespmem:$0x1F6E8] =	vst v63  }
0x10e: {  	s26 =	sadd.s32 $0x1, s26;
	s0 =	smov.u32 s29;
	v1 =	vld.msk [tilespmem:s28+$0x0], $0x1  }
0x10f: {  	p2 =	seq.s32 s26, $0x0;
	_ =	sdelay $0x3  }
0x110: {  	(v2sf) =	vpush v1, $0x0;
	_ =	sdelay $0xe  }
0x111: {  	s29 =	spop (v2sf)  }
0x112: {  	p1 =	seq.s32 s0, s29  }
0x113: {  	p3 =	sgt.s32 @!p1 s0, $0x0;
	s2 =	sshll.u32 @!p1 s30, $0x9;
	s30 =	sadd.s32 @!p1 $0x1, s30  }
.Ltmp17:
0x114: {  	p3 =	por !p3, p1;
	s2 =	sshra.s32 @!p1 s2, $0x2;
	(pc) =	sbr.rel @!p2 .LBB3_10-.Ltmp17, $4  }
0x115: {  	s30 =	smov.u32 @p1 s8;
	s0 =	simm.s32 @p3 $0x0;
	s31 =	sadd.s32 @!p1 $0x7988, s2  }
0x116: {  	s0 =	smin.u32 @!p1 s0, $0x270F0  }
0x117: {  	s2 =	sand.u32 @!p1 $0x3FFF8, s0;
	s0 =	sand.u32 @!p1 $0x7, s0  }
0x118: {  	s28 =	sadd.s32 $0x1, s28;
	s2 =	sadd.s32 @!p1 s1, s2  }
.LBB3_11:
0x119: {  	[tilespmem:s31], [sflag:$0x2] =	stream.linear.gather @!p1 [hbm4b:s2+s0], $0x80, $0x38;
	[tilespmem:$0x1F6E8] =	vst v63  }
.Ltmp18:
0x11a: {  	s30 =	sshll.u32 s30, $0x7;
	(pc) =	sbr.rel .LBB3_12-.Ltmp18, $4  }
0x11b: {  	s31 =	simm.s32 $0x2;
	s0 =	sand.u32 $0x3FFFFF80, s30  }
0x11c: {  	_ =	swait.ge [sflag:s31], s0  }
0x11d: {  	s0 =	ssub.s32 $0x0, s0;
	[sflag:s31] =	ssyncset.done $0x0  }
0x11e: {  	s28 =	simm.s32 $0x0;
	[sflag:s31] =	ssyncadd.s32 s0  }
.LBB3_13:
0x11f: {  	v1 =	vld [tilespmem:s22+$0xFFFFFFC0];
	_ =	sdelay $0x3  }
0x120: {  	s0 =	sshra.s32 s0, $0x2  }
0x121: {  	[tilespmem:s0+$0x108] =	vst.add.f32.msk $0xffff, v1  }
0x122: {  	v1 =	vld [tilespmem:s22+$0xFFFFFFD0];
	_ =	sdelay $0x4  }
0x123: {  	[tilespmem:s0+$0x118] =	vst.add.f32.msk $0xffff, v1  }
0x124: {  	v1 =	vld [tilespmem:s22+$0xFFFFFFE0];
	_ =	sdelay $0x4  }
0x125: {  	[tilespmem:s0+$0x128] =	vst.add.f32.msk $0xffff, v1  }
0x126: {  	v1 =	vld [tilespmem:s22+$0xFFFFFFF0];
	_ =	sdelay $0x4  }
0x127: {  	[tilespmem:s0+$0x138] =	vst.add.f32.msk $0xffff, v1  }
0x128: {  	v1 =	vld [tilespmem:s22+$0x0];
	_ =	sdelay $0x4  }
0x129: {  	[tilespmem:s0+$0x148] =	vst.add.f32.msk $0xffff, v1  }
0x12a: {  	v1 =	vld [tilespmem:s22+$0x10];
	_ =	sdelay $0x4  }
0x12b: {  	[tilespmem:s0+$0x158] =	vst.add.f32.msk $0xffff, v1  }
0x12c: {  	v1 =	vld [tilespmem:s22+$0x20];
	_ =	sdelay $0x4  }
0x12d: {  	[tilespmem:s0+$0x168] =	vst.add.f32.msk $0xffff, v1  }
0x12e: {  	v1 =	vld [tilespmem:s22+$0x30];
	_ =	sdelay $0x4  }
0x12f: {  	[tilespmem:s0+$0x178] =	vst.add.f32.msk $0xffff, v1  }
.LBB3_17:
0x130: {  	s23 =	sadd.s32 $0x1, s23  }
0x131: {  	p1 =	seq.s32 s23, $0x0  }
.Ltmp19:
0x132: {  	_ = 	snop;
	(pc) =	sbr.rel @p1 .LBB3_18-.Ltmp19, $2  }
0x133: {  	_ =	sdelay $0x2  }
0x134: {  	s20 =	sadd.s32 $0x1, s20;
	s22 =	sadd.s32 $0x80, s22;
	s25 =	smov.u32 s26  }
.LBB3_12:
0x135: {  	v1 =	vld.msk [tilespmem:s20+$0x0], $0x1;
	_ =	sdelay $0x4  }
0x136: {  	(v2sf) =	vpush v1, $0x0;
	_ =	sdelay $0xe  }
0x137: {  	s26 =	spop (v2sf)  }
0x138: {  	p1 =	sne.s32 s25, s26  }
.Ltmp20:
0x139: {  	_ = 	snop;
	(pc) =	sbr.rel @!p1 .LBB3_13-.Ltmp20, $2  }
0x13a: {  	_ =	sdelay $0x2  }
0x13b: {  	s0 =	sshll.u32 s19, $0x9  }
0x13c: {  	p1 =	seq.s32 s25, s21  }
.Ltmp21:
0x13d: {  	_ = 	snop;
	(pc) =	sbr.rel @!p1 .LBB3_15-.Ltmp21, $1  }
0x13e: {  	_ =	sdelay $0x3  }
0x13f: {  	s0 =	sshra.s32 s0, $0x2  }
.Ltmp22:
0x140: {  	s0 =	sadd.s32 $0x108, s0;
	(pc) =	sbr.rel .LBB3_16-.Ltmp22, $4  }
0x141: {  	[spmem:s13] =	stream.linear.scatter [tilespmem:s0], [sflag:$0x1], $0x80, $0x38;
	[tilespmem:$0x1F6E8] =	vst v63  }
0x142: {  	_ =	swait.ge [sflag:s11], $0x80  }
0x143: {  	[sflag:s11] =	ssyncset.done $0x0  }
0x144: {  	[sflag:s11] =	ssyncadd.s32 $0xFFFFFF80  }
.LBB3_15:
0x145: {  	s2 =	sshll.u32 s24, $0x9  }
0x146: {  	s2 =	sshra.s32 s2, $0x2  }
0x147: {  	v1 =	vld [tilespmem:s2+$0x7988];
	_ =	sdelay $0x3  }
0x148: {  	s0 =	sshra.s32 s0, $0x2  }
0x149: {  	[tilespmem:s0+$0x108] =	vst.add.f32.msk $0xffff, v1  }
0x14a: {  	v1 =	vld [tilespmem:s2+$0x7998];
	_ =	sdelay $0x4  }
0x14b: {  	[tilespmem:s0+$0x118] =	vst.add.f32.msk $0xffff, v1  }
0x14c: {  	v1 =	vld [tilespmem:s2+$0x79A8];
	_ =	sdelay $0x4  }
0x14d: {  	[tilespmem:s0+$0x128] =	vst.add.f32.msk $0xffff, v1  }
0x14e: {  	v1 =	vld [tilespmem:s2+$0x79B8];
	_ =	sdelay $0x4  }
0x14f: {  	[tilespmem:s0+$0x138] =	vst.add.f32.msk $0xffff, v1  }
0x150: {  	v1 =	vld [tilespmem:s2+$0x79C8];
	_ =	sdelay $0x4  }
0x151: {  	[tilespmem:s0+$0x148] =	vst.add.f32.msk $0xffff, v1  }
0x152: {  	v1 =	vld [tilespmem:s2+$0x79D8];
	_ =	sdelay $0x4  }
0x153: {  	[tilespmem:s0+$0x158] =	vst.add.f32.msk $0xffff, v1  }
0x154: {  	v1 =	vld [tilespmem:s2+$0x79E8];
	_ =	sdelay $0x4  }
0x155: {  	[tilespmem:s0+$0x168] =	vst.add.f32.msk $0xffff, v1  }
0x156: {  	v1 =	vld [tilespmem:s2+$0x79F8];
	_ =	sdelay $0x2  }
0x157: {  	p1 =	sgt.u32 s25, $0x270F0  }
0x158: {  	s2 =	sand.u32 @!p1 $0x3FFF8, s25  }
0x159: {  	s8 =	sadd.s32 $0x108, s0;
	[tilespmem:s0+$0x178] =	vst.add.f32.msk $0xffff, v1;
	s0 =	sadd.s32 @!p1 s1, s2;
	s2 =	sand.u32 @!p1 $0x7, s25  }
0x15a: {  	[hbm4b:s0+s2] =	stream.linear.scatter @!p1 [tilespmem:s8], [sflag:$0xA], $0x80, $0x38;
	[tilespmem:$0x1F6E8] =	vst v63  }
0x15b: {  	s0 =	simm.s32 $0x0  }
0x15c: {  	s0 =	simm.s32 @!p1 $0x200  }
0x15d: {  	s28 =	sadd.s32 s0, s28  }
.LBB3_16:
0x15e: {  	s0 =	sadd.s32 $0x1, s19  }
0x15f: {  	s2 =	smulhi.u32 $0x88888889, s0;
	_ =	sdelay $0x1  }
0x160: {  	v1 =	vld [tilespmem:s22+$0xFFFFFFC0];
	s2 =	sshrl.u32 s2, $0x7  }
0x161: {  	s2 =	smul.u32 $0xF0, s2;
	_ =	sdelay $0x1  }
0x162: {  	s19 =	ssub.s32 s0, s2  }
0x163: {  	s0 =	sshll.u32 s19, $0x7  }
0x164: {  	[tilespmem:s0+$0x108] =	vst v1  }
0x165: {  	v1 =	vld [tilespmem:s22+$0xFFFFFFD0];
	_ =	sdelay $0x4  }
0x166: {  	[tilespmem:s0+$0x118] =	vst v1  }
0x167: {  	v1 =	vld [tilespmem:s22+$0xFFFFFFE0];
	_ =	sdelay $0x4  }
0x168: {  	[tilespmem:s0+$0x128] =	vst v1  }
0x169: {  	v1 =	vld [tilespmem:s22+$0xFFFFFFF0];
	_ =	sdelay $0x4  }
0x16a: {  	[tilespmem:s0+$0x138] =	vst v1  }
0x16b: {  	v1 =	vld [tilespmem:s22+$0x0];
	_ =	sdelay $0x4  }
0x16c: {  	[tilespmem:s0+$0x148] =	vst v1  }
0x16d: {  	v1 =	vld [tilespmem:s22+$0x10];
	_ =	sdelay $0x4  }
0x16e: {  	[tilespmem:s0+$0x158] =	vst v1  }
0x16f: {  	v1 =	vld [tilespmem:s22+$0x20];
	_ =	sdelay $0x4  }
0x170: {  	[tilespmem:s0+$0x168] =	vst v1  }
0x171: {  	v1 =	vld [tilespmem:s22+$0x30]  }
.Ltmp23:
0x172: {  	_ = 	snop;
	(pc) =	sbr.rel .LBB3_17-.Ltmp23, $2  }
0x173: {  	_ =	sdelay $0x2  }
0x174: {  	s24 =	sadd.s32 $0x1, s24;
	[tilespmem:s0+$0x178] =	vst v1  }
.LBB3_19:
.Ltmp24:
0x175: {  	(pc) =	sbr.rel .LBB3_20-.Ltmp24, $4  }
0x176: {  	_ = 	snop  }
0x177: {  	s0 =	simm.s32 $0x2  }
0x178: {  	_ =	swait.ge [sflag:s0], $0x0  }
0x179: {  	s26 =	smov.u32 s25;
	[sflag:s0] =	ssyncset.done $0x0;
	s0 =	simm.s32 $0x0  }
.LBB3_22:
0x17a: {  	_ =	sfence.sel $0x180000  }
0x17b: {  	s0 =	simm.s32 $0x7;
	[bflag:$0x0] =	sbarrier.arrive $0xFFFF  }
0x17c: {  	s25 =	simm.s32 $0x8;
	[sflag:s0] =	ssyncpa.u1 $0x1  }
0x17d: {  	s26 =	simm.s32 $0x9;
	[sflag:s25] =	ssyncpa.u1 $0x1  }
0x17e: {  	s28 =	simm.s32 $0x2;
	[sflag:s26] =	ssyncpa.u1 $0x1  }
0x17f: {  	[sflag:s28] =	ssyncpa.u1 $0x1  }
0x180: {  	v0 =	vld [tilespmem:$0xF208];
	_ =	sdelay $0x4  }
0x181: {  	(v2sf) =	vpush v0, $0x0  }
0x182: {  	(v2sf) =	vpush v0, $0x1;
	_ =	sdelay $0x1  }
0x183: {  	(v2sf) =	vpush v0, $0x2;
	_ =	sdelay $0xb  }
0x184: {  	s0 =	spop (v2sf)  }
0x185: {  	s2 =	spop (v2sf)  }
0x186: {  	s3 =	smov.u32 s0;
	p0 =	sne.s32 s0, s2  }
0x187: {  	s4 =	spop (v2sf);
	s3 =	simm.s32 @!p0 $0xFFFFFFFF  }
0x188: {  	v2 =	vimm.s32 $0x1;
	v3 =	vlaneseq.u32;
	p0 =	seq.s32 s4, $0xFFFFFFFF;
	v1 =	vmov s3  }
0x189: {  	s7 =	stileid.u32;
	v0 =	vperm.xlane v0, v2;
	p1 =	sne.s32 @!p0 s0, s2;
	v1 =	vperm.xlane v1, v3  }
0x18a: {  	vm0 =	vcmask $0x3F04;
	s6 =	simm.s32 $0xF208;
	s0 =	simm.s32 @!p0 $0x1;
	p1 =	por !p1, p0  }
0x18b: {  	s3 =	sshll.u32 s7, $0x1;
	s2 =	sshll.u32 @!p0 s4, $0x9;
	s0 =	simm.s32 @p1 $0x0;
	v0 =	vsel vm0, v1, v0  }
0x18c: {  	s5 =	sor.u32 $0x1000, s3;
	s2 =	sshra.s32 @!p0 s2, $0x2;
	s0 =	sor.u32 @!p0 s0, s3;
	[tilespmem:$0xF208] =	vst v0  }
0x18d: {  	[spmem:s5] =	stream.linear.scatter [tilespmem:s6], [sflag:$0x1], $0x2, $0x38;
	[tilespmem:$0x1F6E8] =	vst v63  }
0x18e: {  	s2 =	sadd.s32 @!p0 $0x108, s2;
	s0 =	sshll.u32 @!p0 s0, $0x7  }
0x18f: {  	[spmem:s0] =	stream.linear.scatter @!p0 [tilespmem:s2], [sflag:$0x1], $0x80, $0x38;
	[tilespmem:$0x1F6E8] =	vst v63  }
0x190: {  	s0 =	simm.s32 @!p0 $0x82  }
0x191: {  	s3 =	simm.s32 $0x1;
	s0 =	simm.s32 @p0 $0x2  }
0x192: {  	_ =	swait.ge [sflag:s3], s0  }
0x193: {  	s0 =	ssub.s32 $0x0, s0;
	[sflag:s3] =	ssyncset.done $0x0  }
0x194: {  	[sflag:s3] =	ssyncadd.s32 s0  }
0x195: {  	_ =	sfence.stream.spmem  }
0x196: {  	s29 =	simm.s32 $0x3;
	[bflag:$0x0] =	sbarrier.arrive $0xFFFF  }
0x197: {  	s30 =	simm.s32 $0x4;
	[sflag:s29] =	ssyncpa.u1 $0x1  }
0x198: {  	s31 =	simm.s32 $0x3C;
	[sflag:s30] =	ssyncpa.u1 $0x1  }
0x199: {  	p0 =	sne.s32 s7, $0x0;
	[sflag:s31] =	ssyncpa.u1 $0x1  }
0x19a: {  	_ =	sfence @p0  }
0x19b: {  	[sflag:s3] =	ssyncpa.u1 @p0 $0x1  }
0x19c: {  	_ =	strace @p0 $0x90000056  }
0x19d: {  	[bflag:$0x2] =	sbarrier.arrive @p0 $0xFFFF  }
0x19e: {  	_ =	shalt @p0  }
.LBB3_23:
0x19f: {  	_ =	sfence.stream.spmem;
	s0 =	simm.s32 $0x5  }
0x1a0: {  	s2 =	simm.s32 $0x1000;
	s3 =	simm.s32 $0xF218;
	[sflag:s0] =	ssyncpa.u1 $0x0  }
0x1a1: {  	[tilespmem:s3], [sflag:$0x5] =	stream.linear.gather [spmem:s2], $0x20, $0x38;
	[tilespmem:$0x1F6E8] =	vst v63  }
0x1a2: {  	s30 =	simm.s32 $0xF238;
	s2 =	simm.s32 $0x0  }
0x1a3: {  	[tilespmem:s30], [sflag:$0x5] =	stream.linear.gather [spmem:s2], $0x1000, $0x38;
	[tilespmem:$0x1F6E8] =	vst v63  }
.Ltmp25:
0x1a4: {  	_ = 	snop;
	(pc) =	sbr.rel .LBB3_24-.Ltmp25, $4  }
0x1a5: {  	_ =	swait.ge [sflag:s0], $0x1020  }
0x1a6: {  	[sflag:s0] =	ssyncset.done $0x0  }
0x1a7: {  	s31 =	simm.s32 $0x6;
	[sflag:s0] =	ssyncadd.s32 $0xFFFFEFE0  }
0x1a8: {  	s3 =	simm.s32 $0x0;
	[sflag:s31] =	ssyncpa.u1 $0x0  }
.LBB3_30:
0x1a9: {  	p0 =	slt.u32 s4, $0x270F1  }
0x1aa: {  	s0 =	sand.u32 @p0 $0x3FFF8, s4  }
0x1ab: {  	s4 =	sand.u32 @p0 $0x7, s4;
	s5 =	simm.s32 @p0 $0xF188;
	s0 =	sadd.s32 @p0 s1, s0  }
0x1ac: {  	[tilespmem:s5], [sflag:$0x6] =	stream.linear.gather @p0 [hbm4b:s0+s4], $0x80, $0x38;
	[tilespmem:$0x1F6E8] =	vst v63  }
0x1ad: {  	s0 =	simm.s32 @p0 $0x6  }
0x1ae: {  	_ =	swait.ge @p0 [sflag:s0], $0x80  }
0x1af: {  	[sflag:s0] =	ssyncset.done @p0 $0x0  }
0x1b0: {  	[sflag:s0] =	ssyncadd.s32 @p0 $0xFFFFFF80  }
0x1b1: {  	v1 =	vld @p0 [tilespmem:$0xF188];
	_ =	sdelay $0x2  }
0x1b2: {  	s0 =	sshll.u32 @p0 s3, $0x9  }
0x1b3: {  	s4 =	sshrl.u32 @p0 s0, $0x2  }
0x1b4: {  	[tilespmem:s4+$0xF238] =	vst.add.f32.msk @p0 $0xffff, v1  }
0x1b5: {  	v1 =	vld @p0 [tilespmem:$0xF198];
	_ =	sdelay $0x4  }
0x1b6: {  	[tilespmem:s4+$0xF248] =	vst.add.f32.msk @p0 $0xffff, v1  }
0x1b7: {  	v1 =	vld @p0 [tilespmem:$0xF1A8];
	_ =	sdelay $0x4  }
0x1b8: {  	[tilespmem:s4+$0xF258] =	vst.add.f32.msk @p0 $0xffff, v1  }
0x1b9: {  	v1 =	vld @p0 [tilespmem:$0xF1B8];
	_ =	sdelay $0x4  }
0x1ba: {  	[tilespmem:s4+$0xF268] =	vst.add.f32.msk @p0 $0xffff, v1  }
0x1bb: {  	v1 =	vld @p0 [tilespmem:$0xF1C8];
	_ =	sdelay $0x4  }
0x1bc: {  	[tilespmem:s4+$0xF278] =	vst.add.f32.msk @p0 $0xffff, v1  }
0x1bd: {  	v1 =	vld @p0 [tilespmem:$0xF1D8];
	_ =	sdelay $0x4  }
0x1be: {  	[tilespmem:s4+$0xF288] =	vst.add.f32.msk @p0 $0xffff, v1  }
0x1bf: {  	v1 =	vld @p0 [tilespmem:$0xF1E8];
	_ =	sdelay $0x4  }
0x1c0: {  	[tilespmem:s4+$0xF298] =	vst.add.f32.msk @p0 $0xffff, v1  }
0x1c1: {  	v1 =	vld @p0 [tilespmem:$0xF1F8];
	_ =	sdelay $0x3  }
0x1c2: {  	s5 =	sshll.u32 @!p0 s3, $0x9  }
0x1c3: {  	s5 =	smov.u32 @p0 s0;
	[tilespmem:s4+$0xF2A8] =	vst.add.f32.msk @p0 $0xffff, v1  }
0x1c4: {  	s0 =	sshrl.u32 s5, $0x2;
	[tilespmem:s2+$0xF218] =	vst.msk $0x1, v0  }
0x1c5: {  	v0 =	vld [tilespmem:s0+$0xF238];
	_ =	sdelay $0x2  }
0x1c6: {  	s31 =	sshll.u32 s2, $0x9  }
0x1c7: {  	s4 =	sshra.s32 s31, $0x2  }
0x1c8: {  	[tilespmem:s4+$0xF238] =	vst v0  }
0x1c9: {  	v0 =	vld [tilespmem:s0+$0xF248];
	_ =	sdelay $0x4  }
0x1ca: {  	[tilespmem:s4+$0xF248] =	vst v0  }
0x1cb: {  	v0 =	vld [tilespmem:s0+$0xF258];
	_ =	sdelay $0x4  }
0x1cc: {  	[tilespmem:s4+$0xF258] =	vst v0  }
0x1cd: {  	v0 =	vld [tilespmem:s0+$0xF268];
	_ =	sdelay $0x4  }
0x1ce: {  	[tilespmem:s4+$0xF268] =	vst v0  }
0x1cf: {  	v0 =	vld [tilespmem:s0+$0xF278];
	_ =	sdelay $0x4  }
0x1d0: {  	[tilespmem:s4+$0xF278] =	vst v0  }
0x1d1: {  	v0 =	vld [tilespmem:s0+$0xF288];
	_ =	sdelay $0x4  }
0x1d2: {  	[tilespmem:s4+$0xF288] =	vst v0  }
0x1d3: {  	v0 =	vld [tilespmem:s0+$0xF298];
	_ =	sdelay $0x4  }
0x1d4: {  	[tilespmem:s4+$0xF298] =	vst v0  }
0x1d5: {  	v0 =	vld [tilespmem:s0+$0xF2A8];
	_ =	sdelay $0x4  }
0x1d6: {  	s2 =	sadd.s32 $0x1, s2;
	[tilespmem:s4+$0xF2A8] =	vst v0  }
.LBB3_31:
0x1d7: {  	s3 =	sadd.s32 $0x1, s3  }
0x1d8: {  	p0 =	sne.s32 s3, $0x20  }
.Ltmp26:
0x1d9: {  	_ = 	snop;
	(pc) =	sbr.rel @!p0 .LBB3_32-.Ltmp26, $1  }
0x1da: {  	_ =	sdelay $0x3  }
.LBB3_24:
0x1db: {  	v0 =	vld.msk [tilespmem:s3+$0xF218], $0x1;
	_ =	sdelay $0x4  }
0x1dc: {  	(v2sf) =	vpush v0, $0x0;
	_ =	sdelay $0xe  }
0x1dd: {  	s4 =	spop (v2sf)  }
0x1de: {  	p0 =	seq.s32 s4, $0xFFFFFFFF  }
.Ltmp27:
0x1df: {  	_ = 	snop;
	(pc) =	sbr.rel @p0 .LBB3_31-.Ltmp27, $1  }
0x1e0: {  	_ =	sdelay $0x3  }
0x1e1: {  	p0 =	slt.s32 s2, $0x1  }
.Ltmp28:
0x1e2: {  	_ = 	snop;
	(pc) =	sbr.rel @p0 .LBB3_30-.Ltmp28, $1  }
0x1e3: {  	_ =	sdelay $0x3  }
0x1e4: {  	s5 =	simm.s32 $0xF218;
	p0 =	por $0x0, $0x0  }
0x1e5: {  	v1 =	vld.msk @!p0 [tilespmem:s5+$0x0], $0x1;
	_ =	sdelay $0x4  }
0x1e6: {  	(v2sf) =	vpush @!p0 v1, $0x0;
	_ =	sdelay $0xd  }
0x1e7: {  	p2 =	sne.s32 s2, $0x1  }
.Ltmp29:
0x1e8: {  	s0 =	spop @!p0 (v2sf);
	(pc) =	sbr.rel @!p2 .LBB3_28-.Ltmp29, $4  }
0x1e9: {  	p1 =	seq.s32 @!p0 s4, s0  }
0x1ea: {  	s6 =	simm.s32 $0x0;
	p1 =	por !p1, p0  }
0x1eb: {  	s0 =	simm.s32 $0xFFFFFFFF;
	s6 =	simm.s32 @p1 $0xFFFFFFFF  }
0x1ec: {  	s7 =	simm.s32 $0x1;
	s6 =	smov.u32 @p0 s0  }
.LBB3_27:
0x1ed: {  	s0 =	smov.u32 s6;
	p0 =	sne.s32 s6, $0xFFFFFFFF  }
0x1ee: {  	s5 =	sadd.s32 $0x1, s5;
	s6 =	smov.u32 s7;
	s7 =	sadd.s32 $0x1, s7  }
0x1ef: {  	p1 =	sne.s32 s2, s7;
	v1 =	vld.msk @!p0 [tilespmem:s5+$0x0], $0x1;
	_ =	sdelay $0x4  }
0x1f0: {  	(v2sf) =	vpush @!p0 v1, $0x0;
	_ =	sdelay $0xe  }
.Ltmp30:
0x1f1: {  	s8 =	spop @!p0 (v2sf);
	(pc) =	sbr.rel @p1 .LBB3_27-.Ltmp30, $4  }
0x1f2: {  	p2 =	seq.s32 @!p0 s4, s8  }
0x1f3: {  	p2 =	por !p2, p0  }
0x1f4: {  	s6 =	simm.s32 @p2 $0xFFFFFFFF  }
0x1f5: {  	s6 =	smov.u32 @p0 s0  }
.LBB3_28:
0x1f6: {  	p0 =	seq.s32 s6, $0xFFFFFFFF  }
.Ltmp31:
0x1f7: {  	_ = 	snop;
	(pc) =	sbr.rel @p0 .LBB3_30-.Ltmp31, $1  }
0x1f8: {  	_ =	sdelay $0x3  }
0x1f9: {  	s0 =	sshll.u32 s3, $0x7  }
0x1fa: {  	s0 =	sand.u32 $0x3FFFFF80, s0  }
0x1fb: {  	v0 =	vld [tilespmem:s0+$0xF238];
	_ =	sdelay $0x2  }
0x1fc: {  	s4 =	sshll.u32 s6, $0x9  }
0x1fd: {  	s4 =	sshra.s32 s4, $0x2  }
0x1fe: {  	[tilespmem:s4+$0xF238] =	vst.add.f32.msk $0xffff, v0  }
0x1ff: {  	v0 =	vld [tilespmem:s0+$0xF248];
	_ =	sdelay $0x4  }
0x200: {  	[tilespmem:s4+$0xF248] =	vst.add.f32.msk $0xffff, v0  }
0x201: {  	v0 =	vld [tilespmem:s0+$0xF258];
	_ =	sdelay $0x4  }
0x202: {  	[tilespmem:s4+$0xF258] =	vst.add.f32.msk $0xffff, v0  }
0x203: {  	v0 =	vld [tilespmem:s0+$0xF268];
	_ =	sdelay $0x4  }
0x204: {  	[tilespmem:s4+$0xF268] =	vst.add.f32.msk $0xffff, v0  }
0x205: {  	v0 =	vld [tilespmem:s0+$0xF278];
	_ =	sdelay $0x4  }
0x206: {  	[tilespmem:s4+$0xF278] =	vst.add.f32.msk $0xffff, v0  }
0x207: {  	v0 =	vld [tilespmem:s0+$0xF288];
	_ =	sdelay $0x4  }
0x208: {  	[tilespmem:s4+$0xF288] =	vst.add.f32.msk $0xffff, v0  }
0x209: {  	v0 =	vld [tilespmem:s0+$0xF298];
	_ =	sdelay $0x4  }
0x20a: {  	[tilespmem:s4+$0xF298] =	vst.add.f32.msk $0xffff, v0  }
0x20b: {  	v0 =	vld [tilespmem:s0+$0xF2A8]  }
.Ltmp32:
0x20c: {  	_ = 	snop;
	(pc) =	sbr.rel .LBB3_31-.Ltmp32, $2  }
0x20d: {  	_ =	sdelay $0x2  }
0x20e: {  	[tilespmem:s4+$0xF2A8] =	vst.add.f32.msk $0xffff, v0  }
.LBB3_32:
0x20f: {  	p0 =	slt.s32 s2, $0x1  }
.Ltmp33:
0x210: {  	_ = 	snop;
	(pc) =	sbr.rel @p0 .LBB3_36-.Ltmp33, $3  }
0x211: {  	_ =	sdelay $0x1  }
0x212: {  	s0 =	simm.s32 $0x6  }
0x213: {  	s3 =	simm.s32 $0x0;
	[sflag:s0] =	ssyncpa.u1 $0x1  }
0x214: {  	s0 =	simm.s32 $0xF218  }
0x215: {  	v0 =	vld.msk [tilespmem:s0+$0x0], $0x1;
	_ =	sdelay $0x4  }
0x216: {  	(v2sf) =	vpush v0, $0x0;
	_ =	sdelay $0xd  }
0x217: {  	s2 =	sadd.s32 $0xFFFFFFFF, s2  }
0x218: {  	p1 =	sne.s32 s2, $0x0;
	s0 =	spop (v2sf)  }
.Ltmp34:
0x219: {  	p0 =	sgt.u32 s0, $0x270F0;
	(pc) =	sbr.rel @!p1 .LBB3_35-.Ltmp34, $4  }
0x21a: {  	s4 =	simm.s32 $0xF238;
	s5 =	sand.u32 @!p0 $0x3FFF8, s0  }
0x21b: {  	s6 =	simm.s32 $0x0;
	s0 =	sand.u32 @!p0 $0x7, s0;
	s5 =	sadd.s32 @!p0 s1, s5  }
0x21c: {  	[hbm4b:s5+s0] =	stream.linear.scatter @!p0 [tilespmem:s4], [sflag:$0x5], $0x80, $0x38;
	[tilespmem:$0x1F6E8] =	vst v63  }
0x21d: {  	s6 =	simm.s32 @!p0 $0x200;
	s5 =	simm.s32 $0xF219  }
.LBB3_34:
0x21e: {  	v0 =	vld.msk [tilespmem:s5+$0x0], $0x1;
	s2 =	sadd.s32 $0xFFFFFFFF, s2;
	s3 =	sadd.s32 s3, s6  }
0x21f: {  	p0 =	sne.s32 s2, $0x0;
	_ =	sdelay $0x3  }
0x220: {  	(v2sf) =	vpush v0, $0x0;
	_ =	sdelay $0xe  }
.Ltmp35:
0x221: {  	s0 =	spop (v2sf);
	(pc) =	sbr.rel @p0 .LBB3_34-.Ltmp35, $4  }
0x222: {  	s6 =	simm.s32 $0x0;
	p1 =	sgt.u32 s0, $0x270F0  }
0x223: {  	s4 =	sadd.s32 $0x80, s4;
	s6 =	simm.s32 @!p1 $0x200;
	s7 =	sand.u32 @!p1 $0x3FFF8, s0  }
0x224: {  	s5 =	sadd.s32 $0x1, s5;
	s0 =	sand.u32 @!p1 $0x7, s0;
	s7 =	sadd.s32 @!p1 s1, s7  }
0x225: {  	[hbm4b:s7+s0] =	stream.linear.scatter @!p1 [tilespmem:s4], [sflag:$0x5], $0x80, $0x38;
	[tilespmem:$0x1F6E8] =	vst v63  }
.LBB3_35:
0x226: {  	s0 =	sadd.s32 s3, s6  }
0x227: {  	s3 =	sshrl.u32 s0, $0x2  }
.LBB3_36:
0x228: {  	s0 =	simm.s32 $0x5  }
0x229: {  	_ =	swait.ge [sflag:s0], s3  }
0x22a: {  	s1 =	ssub.s32 $0x0, s3;
	[sflag:s0] =	ssyncset.done $0x0  }
0x22b: {  	[sflag:s0] =	ssyncadd.s32 s1  }
0x22c: {  	[sflag:s0] =	ssyncpa.u1 $0x1  }
0x22d: {  	s30 =	simm.s32 $0x1;
	_ =	sfence  }
0x22e: {  	[sflag:s30] =	ssyncpa.u1 $0x1  }
0x22f: {  	_ =	strace $0x90000056  }
0x230: {  	[bflag:$0x2] =	sbarrier.arrive $0xFFFF  }
0x231: {  	s31 =	rddreg [dreg:$0x1]  }
0x232: {  	s0 =	sadd.s32 $0x100000, s31  }
0x233: {  	[sflag:s0] =	ssyncadd.tile.s32 $0x1;
	_ =	shalt  }
.Lfunc_end3:
_tile_overlayer_lowered:
.L_overlay_start_3:
0x234: {  	(tag) =	ssettag $0x3  }
0x235: {  	s0 =	rddreg [dreg:$0x0];
	s2 =	stileid.u32  }
0x236: {  	s1 =	rddreg [dreg:$0x1];
	p0 =	sne.s32 s2, $0x0  }
0x237: {  	s3 =	rddreg [dreg:$0x2];
	[bflag:$0x3] =	sbarrier.arrive $0xFFFF;
	s2 =	simm.s32 @!p0 $0x1C01  }
0x238: {  	[timem:s3], [sflag:s2] =	dma.local @!p0 [hbm:s0], s1  }
0x239: {  	s0 =	simm.s32 @!p0 $0x1  }
0x23a: {  	_ =	swait.ge @!p0 [sflag:s0], s1  }
0x23b: {  	s1 =	ssub.s32 @!p0 $0x0, s1;
	[sflag:s0] =	ssyncset.done @!p0 $0x0  }
0x23c: {  	[sflag:s0] =	ssyncadd.s32 @!p0 s1  }
0x23d: {  	[bflag:$0x3] =	sbarrier.arrive $0xFFFF  }
0x23e: {  	_ =	shalt  }

// kernel: scatter_offload_async_start.2
scs
__scs_entry_jumppad:
0x0: {  	(pc) =	sbr.rel $0x88, $3  }
0x1: {  	(tag) =	ssettag $0x0;
	lr =	simm.s32 $0x1  }
0x2: {  	[smem:$0x3F99] =	sst lr;
	_ =	strace $0xD0000000  }
0x3: {  	_ = 	snop  }
0x4: {  	_ = 	snop  }
0x5: {  	_ = 	snop  }
0x6: {  	_ = 	snop  }
0x7: {  	_ = 	snop  }
__scs_overlays_trampoline_lowered:
0x8: {  	[smem:$0x3FA8] =	sst s0  }
0x9: {  	[smem:$0x3FA9] =	sst s1  }
0xa: {  	[smem:$0x3FAA] =	sst s2  }
0xb: {  	[smem:$0x3FAB] =	sst s3  }
0xc: {  	[smem:$0x3FAC] =	sst s4  }
0xd: {  	[smem:$0x3FAD] =	sst s5  }
0xe: {  	[smem:$0x3FAE] =	sst s6  }
0xf: {  	[smem:$0x3FAF] =	sst s7  }
0x10: {  	[smem:$0x3FB0] =	sst s8  }
0x11: {  	[smem:$0x3FB1] =	sst s9;
	s0 =	simm.s32 @!p0 $0x0  }
0x12: {  	s1 =	sld [smem:$0x3F97];
	s0 =	simm.s32 @p0 $0x1  }
0x13: {  	[smem:$0x3FB2] =	sst s0;
	s0 =	simm.s32 @!p1 $0x0  }
0x14: {  	s2 =	sld [smem:$0x3F96];
	s0 =	simm.s32 @p1 $0x1  }
0x15: {  	[smem:$0x3FB3] =	sst s0;
	s0 =	simm.s32 @!p2 $0x0  }
0x16: {  	s3 =	sld [smem:$0x3FDB];
	s0 =	simm.s32 @p2 $0x1  }
0x17: {  	s4 =	simm.s32 $0x1BF5;
	[smem:$0x3FB5] =	sst s0  }
0x18: {  	s0 =	sld [smem:$0x3F98];
	_ =	swait.ge [sflag:s4], $0x0  }
0x19: {  	s7 =	sld [smem:$0x3F99]  }
0x1a: {  	s8 =	sadd.s32 $0xFFFFE003, lr  }
0x1b: {  	s9 =	sadd.s32 $0xFFFFFEF7, lr;
	s5 =	simm.s32 $0xFFFFFFFF;
	p2 =	slt.u32 s8, $0xFFFFF086  }
0x1c: {  	p1 =	slt.u32 s9, $0xF7A;
	s5 =	simm.s32 @!p2 $0x0  }
0x1d: {  	s5 =	simm.s32 @p1 $0x1;
	p0 =	seq.s32 s7, s2  }
0x1e: {  	s7 =	smul.u32 @!p0 $0xF7A, s2;
	p2 =	seq.s32 @!p0 s5, $0x0  }
0x1f: {  	s9 =	smul.u32 $0xF7A, s1;
	s8 =	simm.s32 @!p0 $0x1BF5;
	p2 =	por !p2, p0  }
0x20: {  	[sflag:s8] =	ssyncset.s32 @!p0 $0xFFFFF086;
	s6 =	sadd.s32 @!p0 s3, s7;
	s7 =	simm.s32 @!p0 $0x108  }
0x21: {  	s3 =	sadd.s32 s3, s9;
	s6 =	sadd.s32 @!p0 $0x88, s6;
	s7 =	simm.s32 @p2 $0x1082  }
0x22: {  	[simem:s7], [sflag:s8] =	dma.local @!p0 [hbm:s6], $0xF7A  }
0x23: {  	s9 =	sor.u32 $0xD0000000, s2;
	s6 =	simm.s32 $0x108;
	_ =	swait.ge @!p0 [sflag:s8], $0x0  }
0x24: {  	s3 =	sadd.s32 $0x88, s3;
	s6 =	simm.s32 @!p1 $0x1082;
	[sflag:s4] =	ssyncset.s32 $0xFFFFF086  }
0x25: {  	[simem:s6], [sflag:s4] =	dma.local [hbm:s3], $0xF7A  }
0x26: {  	[smem:$0x3F99] =	sst s1;
	(tag) =	ssettag s2;
	_ =	strace s9  }
0x27: {  	s1 =	sld [smem:$0x3FA9]  }
0x28: {  	s2 =	sld [smem:$0x3FAA]  }
0x29: {  	s4 =	sld [smem:$0x3FAC]  }
0x2a: {  	p0 =	seq.s32 s5, $0x0;
	s5 =	sld [smem:$0x3FAD]  }
0x2b: {  	s6 =	sld [smem:$0x3FAE]  }
0x2c: {  	s7 =	sld [smem:$0x3FAF]  }
0x2d: {  	s3 =	simm.s32 $0x108;
	s8 =	sld [smem:$0x3FB0]  }
0x2e: {  	s3 =	simm.s32 @!p0 $0x1082;
	s9 =	sld [smem:$0x3FB1]  }
0x2f: {  	lr =	sadd.s32 s0, s3;
	s0 =	sld [smem:$0x3FA8]  }
0x30: {  	s3 =	sld [smem:$0x3FAB]  }
0x31: {  	[smem:$0x3FB4] =	sst s10  }
0x32: {  	s10 =	sld [smem:$0x3FB2];
	_ =	sdelay $0x3  }
0x33: {  	p0 =	seq.s32 s10, $0x1;
	s10 =	sld [smem:$0x3FB4];
	_ =	sdelay $0x3  }
0x34: {  	[smem:$0x3FB4] =	sst s10  }
0x35: {  	s10 =	sld [smem:$0x3FB3];
	_ =	sdelay $0x3  }
0x36: {  	p1 =	seq.s32 s10, $0x1;
	s10 =	sld [smem:$0x3FB4];
	_ =	sdelay $0x3  }
0x37: {  	[smem:$0x3FB4] =	sst s10  }
0x38: {  	s10 =	sld [smem:$0x3FB5]  }
0x39: {  	_ = 	snop;
	(pc) =	sbr.ind lr, $3  }
0x3a: {  	_ = 	snop  }
0x3b: {  	_ = 	snop  }
0x3c: {  	p2 =	seq.s32 s10, $0x1;
	s10 =	sld [smem:$0x3FB4]  }
0x3d: {  	_ =	shalt  }
0x3e: {  	_ =	shalt  }
0x3f: {  	_ =	shalt  }
0x40: {  	_ =	shalt  }
0x41: {  	_ =	shalt  }
0x42: {  	_ =	shalt  }
0x43: {  	_ =	shalt  }
0x44: {  	_ =	shalt  }
0x45: {  	_ =	shalt  }
0x46: {  	_ =	shalt  }
0x47: {  	_ =	shalt  }
0x48: {  	_ =	shalt  }
0x49: {  	_ =	shalt  }
0x4a: {  	_ =	shalt  }
0x4b: {  	_ =	shalt  }
0x4c: {  	_ =	shalt  }
0x4d: {  	_ =	shalt  }
0x4e: {  	_ =	shalt  }
0x4f: {  	_ =	shalt  }
0x50: {  	_ =	shalt  }
0x51: {  	_ =	shalt  }
0x52: {  	_ =	shalt  }
0x53: {  	_ =	shalt  }
0x54: {  	_ =	shalt  }
0x55: {  	_ =	shalt  }
0x56: {  	_ =	shalt  }
0x57: {  	_ =	shalt  }
0x58: {  	_ =	shalt  }
0x59: {  	_ =	shalt  }
0x5a: {  	_ =	shalt  }
0x5b: {  	_ =	shalt  }
0x5c: {  	_ =	shalt  }
0x5d: {  	_ =	shalt  }
0x5e: {  	_ =	shalt  }
0x5f: {  	_ =	shalt  }
0x60: {  	_ =	shalt  }
0x61: {  	_ =	shalt  }
0x62: {  	_ =	shalt  }
0x63: {  	_ =	shalt  }
0x64: {  	_ =	shalt  }
0x65: {  	_ =	shalt  }
0x66: {  	_ =	shalt  }
0x67: {  	_ =	shalt  }
0x68: {  	_ =	shalt  }
0x69: {  	_ =	shalt  }
0x6a: {  	_ =	shalt  }
0x6b: {  	_ =	shalt  }
0x6c: {  	_ =	shalt  }
0x6d: {  	_ =	shalt  }
0x6e: {  	_ =	shalt  }
0x6f: {  	_ =	shalt  }
0x70: {  	_ =	shalt  }
0x71: {  	_ =	shalt  }
0x72: {  	_ =	shalt  }
0x73: {  	_ =	shalt  }
0x74: {  	_ =	shalt  }
0x75: {  	_ =	shalt  }
0x76: {  	_ =	shalt  }
0x77: {  	_ =	shalt  }
0x78: {  	_ =	shalt  }
0x79: {  	_ =	shalt  }
0x7a: {  	_ =	shalt  }
0x7b: {  	_ =	shalt  }
0x7c: {  	_ =	shalt  }
0x7d: {  	_ =	shalt  }
0x7e: {  	_ =	shalt  }
0x7f: {  	_ =	shalt  }
0x80: {  	_ =	shalt  }
0x81: {  	_ =	shalt  }
0x82: {  	_ =	shalt  }
0x83: {  	_ =	shalt  }
0x84: {  	_ =	shalt  }
0x85: {  	_ =	shalt  }
0x86: {  	_ =	shalt  }
0x87: {  	_ =	shalt  }
.Lfunc_end0:
.L_simem_size_0:
called_computation.2_lowered:
.L_overlay_start_0:
0x88: {  	s0 =	sld [smem:$0x3FD9]  }
0x89: {  	s1 =	sld [smem:$0x3FFE];
	_ =	sdelay $0x3  }
0x8a: {  	s0 =	sadd.s32 s1, s0  }
0x8b: {  	[smem:$0x3FC0] =	sst s0  }
0x8c: {  	_ = 	snop  }
0x8d: {  	(tm) =	ssettm $0x1  }
0x8e: {  	s14 =	sld [smem:$0x3FFB];
	_ =	sdelay $0x3  }
0x8f: {  	_ =	strace s14  }
0x90: {  	s0 =	sld [smem:$0x3FFC];
	_ =	sdelay $0x3  }
0x91: {  	_ =	strace s0  }
0x92: {  	s0 =	sld [smem:$0x3FFD];
	_ =	sdelay $0x3  }
0x93: {  	_ =	strace s0  }
0x94: {  	_ =	strace $0x8FFFFFFF  }
0x95: {  	s15 =	sld [smem:$0x3FDB];
	_ =	sdelay $0x1  }
0x96: {  	s16 =	simm.s32 $_scs_section_size  }
0x97: {  	s2 =	simm.s32 $_size__tile_overlayer_lowered;
	s3 =	simm.s32 $_tile_overlayer_lowered  }
0x98: {  	s4 =	simm.s32 $0x1BFF;
	s17 =	sshll.u32 s3, $0x1;
	s1 =	sadd.s32 s16, s15  }
0x99: {  	s18 =	simm.s32 $0x0;
	s2 =	sshll.u32 s2, $0x1;
	s3 =	sadd.s32 s17, s1  }
0x9a: {  	[timem:s18], [sflag:s4] =	dma.local [hbm:s3], s2  }
0x9b: {  	_ =	swait.ge [sflag:s4], s2  }
0x9c: {  	s2 =	ssub.s32 $0x0, s2;
	[sflag:s4] =	ssyncset.done $0x0  }
0x9d: {  	[sflag:s4] =	ssyncadd.s32 s2;
	_ =	sdelay $0x1  }
0x9e: {  	s19 =	simm.s32 $0x1B8B  }
0x9f: {  	_ =	swait.ge [sflag:s19], $0x1  }
0xa0: {  	[sflag:s19] =	ssyncset.done $0x0  }
0xa1: {  	s21 =	simm.s32 $0x1B8E;
	s20 =	sld [smem:$0x3FFE];
	[sflag:s19] =	ssyncadd.s32 $0xFFFFFFFF  }
0xa2: {  	s22 =	simm.s32 $execute0_lowered;
	[smem:$0x3FD2] =	sst s21  }
0xa3: {  	s3 =	sshll.u32 s22, $0x1;
	_ =	strace $0x80000058;
	[dreg:$0x1] =	wrdreg $0xFFFFFFFF  }
0xa4: {  	s23 =	simm.s32 $_size_execute0_lowered;
	s3 =	sadd.s32 s1, s3;
	[dreg:$0x0] =	wrdreg $0x0  }
0xa5: {  	s4 =	sshll.u32 s23, $0x1;
	[dreg:$0x2] =	wrdreg s3  }
0xa6: {  	[dreg:$0x3] =	wrdreg s4  }
0xa7: {  	[dreg:$0x4] =	wrdreg $0xC0  }
0xa8: {  	s24 =	simm.s32 $execute1_lowered;
	_ =	task [dreg:s18], $0x5FFFF  }
0xa9: {  	s3 =	sshll.u32 s24, $0x1;
	[dreg:$0x1] =	wrdreg $0xFFFFFFFF  }
0xaa: {  	s1 =	sadd.s32 s1, s3;
	[dreg:$0x0] =	wrdreg $0x60  }
0xab: {  	[dreg:$0x2] =	wrdreg s1  }
0xac: {  	[dreg:$0x3] =	wrdreg s20  }
0xad: {  	[dreg:$0x4] =	wrdreg $0xD  }
0xae: {  	_ =	task.clear_ibuf [dreg:s18], $0x5FFFF;
	_ =	strace $0x90000058  }
0xaf: {  	s25 =	simm.s32 $0xD;
	_ =	strace $0x8000005A  }
0xb0: {  	_ =	swait.ge [sflag:s25], $0x1  }
0xb1: {  	[sflag:s25] =	ssyncadd.s32 $0xFFFFFFFF  }
0xb2: {  	_ =	strace $0x9000005A  }
0xb3: {  	_ =	strace $0x8000005B;
	[dreg:$0x1] =	wrdreg $0xFFFFFFFF  }
0xb4: {  	[dreg:$0x0] =	wrdreg $0x2030  }
0xb5: {  	[dreg:$0x2] =	wrdreg s20  }
0xb6: {  	[dreg:$0x3] =	wrdreg $0xE  }
0xb7: {  	_ =	task.clear_ibuf [dreg:s18], $0x4FFFF;
	_ =	strace $0x9000005B  }
0xb8: {  	s26 =	simm.s32 $0xE;
	_ =	strace $0x8000005D  }
0xb9: {  	_ =	swait.ge [sflag:s26], $0x1  }
0xba: {  	[sflag:s26] =	ssyncadd.s32 $0xFFFFFFFF  }
0xbb: {  	_ =	strace $0x9000005D  }
0xbc: {  	_ =	sfence  }
0xbd: {  	s28 =	sld [smem:$0x0];
	_ =	sdelay $0x1  }
0xbe: {  	s29 =	srdreg.scid  }
0xbf: {  	s30 =	sshll.u32 s29, $0xD;
	s31 =	sshrl.u32 s29, $0x2  }
0xc0: {  	s2 =	sand.u32 $0x1, s29;
	s3 =	sand.u32 $0x4000, s30;
	s1 =	sadd.s32 s31, s28  }
0xc1: {  	s2 =	sor.u32 s3, s2;
	s1 =	sshll.u32 s1, $0x11  }
0xc2: {  	s1 =	sor.u32 s1, s2  }
0xc3: {  	s1 =	sadd.s32 $0x8F2B, s1  }
0xc4: {  	[sflag:s1] =	ssyncadd.remote.s32 $0x1  }
0xc5: {  	_ =	sfence.sel $0xFFFF  }
0xc6: {  	[dreg:$0x0] =	wrdreg $0xFFFFFFFF;
	(pc) =	sbr.abs _section_cstart, $3  }
0xc7: {  	[dreg:$0x1] =	wrdreg $0xFFFFFFFF  }
0xc8: {  	_ =	task.clear_ibuf [dreg:s18], $0x2FFFF;
	_ =	strace $0x9FFFFFFF  }
0xc9: {  	(tm) =	ssettm $0x7FFFFFFF  }
tec
execute0_lowered:
.L_overlay_start_1:
0x0: {  	(tag) =	ssettag $0x1  }
0x1: {  	s3 =	rddreg [dreg:$0x0]  }
0x2: {  	s2 =	rddreg [dreg:$0x1]  }
0x3: {  	s0 =	rddreg [dreg:$0x2];
	s4 =	stileid.u32;
	[bflag:$0x3] =	sbarrier.arrive $0xFFFF  }
0x4: {  	s1 =	simm.s32 $_size_execute1_lowered;
	s7 =	simm.s32 $0x2;
	p0 =	sne.s32 s4, $0x0  }
0x5: {  	s1 =	sshll.u32 s1, $0x1;
	s5 =	simm.s32 @!p0 $0x1C3F;
	s6 =	simm.s32 @!p0 $0x4060  }
0x6: {  	[timem:s6], [sflag:s5] =	dma.local @!p0 [hbm:s3], s1  }
.Ltmp0:
0x7: {  	s8 =	simm.s32 $0x0;
	s12 =	simm.s32 $0x0;
	(pc) =	sbr.rel .LBB2_1-.Ltmp0, $4  }
0x8: {  	s10 =	simm.s32 $0x0;
	s11 =	simm.s32 $0x0;
	s3 =	sshll.u32 s4, $0x7  }
0x9: {  	s5 =	simm.s32 $0x1;
	_ =	strace $0x80000059;
	s31 =	ssub.s32 $0x2700, s3  }
0xa: {  	s4 =	sadd.s32 $0xC9000, s2;
	[sflag:s5] =	ssyncpa.u1 $0x0;
	s6 =	sshrl.u32 s31, $0xB  }
0xb: {  	s9 =	smov.u32 s3;
	[sflag:s7] =	ssyncpa.u1 $0x0;
	s7 =	sadd.s32 $0x2, s6  }
.LBB2_4:
0xc: {  	_ = 	snop  }
.LBB2_7:
0xd: {  	_ =	sdelay $0x3  }
0xe: {  	[tilespmem:v0+s16+$0x0 ss:$0x1] =	vst.idx.msk @p1 $0xffff, v2  }
0xf: {  	v56 =	vld.idx.msk [tilespmem:v1+s15+$0x0 ss:$0x1], $0xffff;
	s24 =	sor.u32 $0x70, s15;
	[tilespmem:v0+s17+$0x0 ss:$0x1] =	vst.idx.msk @p1 $0xffff, v4  }
0x10: {  	s25 =	sor.u32 $0x10, s15;
	[tilespmem:v0+s18+$0x0 ss:$0x1] =	vst.idx.msk @p1 $0xffff, v3;
	v57 =	vld.idx.msk [tilespmem:v1+s24+$0x0 ss:$0x1], $0xffff  }
0x11: {  	s26 =	sor.u32 $0x20, s15;
	[tilespmem:v0+s19+$0x0 ss:$0x1] =	vst.idx.msk @p1 $0xffff, v5;
	v58 =	vld.idx.msk [tilespmem:v1+s25+$0x0 ss:$0x1], $0xffff  }
0x12: {  	s28 =	sor.u32 $0x30, s15;
	[tilespmem:v0+s20+$0x0 ss:$0x1] =	vst.idx.msk @p1 $0xffff, v6;
	v59 =	vld.idx.msk [tilespmem:v1+s26+$0x0 ss:$0x1], $0xffff  }
0x13: {  	s29 =	sor.u32 $0x40, s15;
	[tilespmem:v0+s21+$0x0 ss:$0x1] =	vst.idx.msk @p1 $0xffff, v7;
	v60 =	vld.idx.msk [tilespmem:v1+s28+$0x0 ss:$0x1], $0xffff  }
0x14: {  	s30 =	sor.u32 $0x50, s15;
	v61 =	vld.idx.msk [tilespmem:v1+s29+$0x0 ss:$0x1], $0xffff;
	[tilespmem:v0+s15+$0x0 ss:$0x1] =	vst.idx.msk $0xffff, v56  }
0x15: {  	s31 =	sor.u32 $0x60, s15;
	v62 =	vld.idx.msk [tilespmem:v1+s30+$0x0 ss:$0x1], $0xffff;
	[tilespmem:v0+s24+$0x0 ss:$0x1] =	vst.idx.msk $0xffff, v57  }
0x16: {  	v63 =	vld.idx.msk [tilespmem:v1+s31+$0x0 ss:$0x1], $0xffff;
	[tilespmem:v0+s25+$0x0 ss:$0x1] =	vst.idx.msk $0xffff, v58  }
0x17: {  	[tilespmem:v0+s26+$0x0 ss:$0x1] =	vst.idx.msk $0xffff, v59  }
0x18: {  	[tilespmem:v0+s28+$0x0 ss:$0x1] =	vst.idx.msk $0xffff, v60  }
0x19: {  	[tilespmem:v0+s29+$0x0 ss:$0x1] =	vst.idx.msk $0xffff, v61  }
0x1a: {  	[tilespmem:v0+s30+$0x0 ss:$0x1] =	vst.idx.msk $0xffff, v62  }
0x1b: {  	[tilespmem:v0+s31+$0x0 ss:$0x1] =	vst.idx.msk $0xffff, v63  }
.LBB2_8:
0x1c: {  	s15 =	sand.u32 $0x1FFFFFF, s10  }
0x1d: {  	s16 =	smulhi.u32 $0x1A36E2F, s15;
	_ =	sdelay $0x1  }
0x1e: {  	s16 =	sshrl.u32 s16, $0x6  }
0x1f: {  	s16 =	smul.u32 $0x2710, s16;
	_ =	sdelay $0x1  }
0x20: {  	s15 =	ssub.s32 s15, s16  }
0x21: {  	s15 =	sshll.u32 s15, $0x4  }
0x22: {  	s15 =	sadd.s32 s4, s15  }
0x23: {  	[hbm4b:s15+s8] =	stream.linear.scatter [tilespmem:s14], [sflag:$0x2], s13, $0x38;
	[tilespmem:$0x10000] =	vst v63  }
.LBB2_9:
0x24: {  	p1 =	slt.u32 s11, $0x2  }
0x25: {  	p2 =	sgt.s32 @!p1 s12, $0x2690  }
0x26: {  	s13 =	smov.u32 s12;
	s14 =	sshra.s32 @!p1 s12, $0x1F;
	p2 =	por !p2, p1  }
0x27: {  	s12 =	sand.u32 @!p1 s14, s12;
	s13 =	simm.s32 @p2 $0x2690  }
0x28: {  	s12 =	ssub.s32 @!p1 s13, s12  }
0x29: {  	s12 =	sadd.s32 @!p1 $0xFFFFD970, s12  }
0x2a: {  	s13 =	sshll.u32 @!p1 s12, $0x9  }
0x2b: {  	p2 =	sgt.s32 @!p1 s12, $0x7F;
	s12 =	ssub.s32 @!p1 $0x10000, s13  }
0x2c: {  	s14 =	sadd.s32 $0x800, s9;
	p2 =	por !p2, p1;
	s12 =	sshrl.u32 @!p1 s12, $0x2  }
0x2d: {  	s12 =	simm.s32 @!p2 $0x0;
	p2 =	sgt.s32 s14, $0x270F  }
0x2e: {  	s14 =	smov.u32 @p2 s3;
	p2 =	sne.s32 s11, s7  }
.Ltmp1:
0x2f: {  	_ = 	snop;
	(pc) =	sbr.rel @!p2 .LBB2_10-.Ltmp1, $4  }
0x30: {  	s13 =	simm.s32 @!p1 $0x2  }
0x31: {  	_ =	swait.ge @!p1 [sflag:s13], s12;
	s15 =	ssub.s32 @!p1 $0x0, s12  }
0x32: {  	s12 =	smov.u32 s10;
	s11 =	sadd.s32 $0x1, s11;
	[sflag:s13] =	ssyncset.done @!p1 $0x0  }
0x33: {  	s10 =	smov.u32 s9;
	s9 =	smov.u32 s14;
	[sflag:s13] =	ssyncadd.s32 @!p1 s15  }
.LBB2_1:
0x34: {  	p1 =	sgt.u32 s11, s6  }
0x35: {  	s13 =	sand.u32 @!p1 $0x1FFFFFF, s9  }
0x36: {  	p2 =	sgt.s32 @!p1 s9, $0x2690;
	s14 =	smulhi.u32 @!p1 $0x1A36E2F, s13  }
0x37: {  	s15 =	smov.u32 s9;
	s16 =	sshra.s32 @!p1 s9, $0x1F;
	p2 =	por !p2, p1  }
0x38: {  	s16 =	sand.u32 @!p1 s16, s9;
	s15 =	simm.s32 @p2 $0x2690;
	s14 =	sshrl.u32 @!p1 s14, $0x6  }
0x39: {  	s15 =	ssub.s32 @!p1 s15, s16;
	s14 =	smul.u32 @!p1 $0x2710, s14  }
0x3a: {  	s16 =	sxor.u32 @!p1 $0xFFFFFFFF, s11;
	s15 =	sadd.s32 @!p1 $0xFFFFD970, s15  }
0x3b: {  	s16 =	sshll.u32 @!p1 s16, $0xE;
	s13 =	ssub.s32 @!p1 s13, s14;
	s14 =	sshll.u32 @!p1 s15, $0x9  }
0x3c: {  	s16 =	sand.u32 @!p1 $0x4000, s16;
	p2 =	sgt.s32 @!p1 s15, $0x7F;
	s14 =	ssub.s32 @!p1 $0x10000, s14  }
0x3d: {  	p2 =	por !p2, p1;
	s13 =	sshll.u32 @!p1 s13, $0x4;
	s14 =	sshrl.u32 @!p1 s14, $0x2  }
0x3e: {  	s15 =	simm.s32 @!p1 $0x0;
	s13 =	sadd.s32 @!p1 s2, s13;
	s14 =	simm.s32 @!p2 $0x0  }
0x3f: {  	[tilespmem:s16], [sflag:$0x1] =	stream.linear.gather @!p1 [hbm4b:s13+s15], s14, $0x38;
	[tilespmem:$0x10000] =	vst v63  }
0x40: {  	p1 =	seq.s32 s11, $0x0  }
0x41: {  	p2 =	sge.u32 @!p1 s11, s7  }
0x42: {  	p1 =	por p1, p2  }
.Ltmp2:
0x43: {  	_ = 	snop;
	(pc) =	sbr.rel @p1 .LBB2_9-.Ltmp2, $1  }
0x44: {  	_ =	sdelay $0x3  }
0x45: {  	p1 =	sgt.s32 s10, $0x2690;
	s13 =	smov.u32 s10;
	s14 =	sshra.s32 s10, $0x1F  }
0x46: {  	s13 =	simm.s32 @!p1 $0x2690;
	s14 =	sand.u32 s14, s10  }
0x47: {  	s13 =	ssub.s32 s13, s14  }
0x48: {  	s13 =	sadd.s32 $0xFFFFD970, s13  }
0x49: {  	s31 =	sshll.u32 s13, $0x9  }
0x4a: {  	s14 =	ssub.s32 $0x10000, s31  }
0x4b: {  	p1 =	sgt.s32 s13, $0x7F;
	s13 =	sshrl.u32 s14, $0x2;
	s14 =	sadd.s32 $0x80, s10  }
0x4c: {  	s13 =	simm.s32 @p1 $0x0;
	p1 =	slt.s32 s14, $0x2710  }
0x4d: {  	s14 =	simm.s32 @!p1 $0x2710  }
0x4e: {  	s16 =	ssub.s32 s14, s10  }
0x4f: {  	p1 =	slt.s32 s16, $0x1  }
.Ltmp3:
0x50: {  	_ = 	snop;
	(pc) =	sbr.rel @p1 .LBB2_8-.Ltmp3, $4  }
0x51: {  	_ = 	snop  }
0x52: {  	s15 =	sshll.u32 s11, $0xE;
	_ =	swait.ge [sflag:s5], s13  }
0x53: {  	s15 =	sand.u32 $0x4000, s15;
	s17 =	ssub.s32 $0x0, s13;
	[sflag:s5] =	ssyncset.done $0x0  }
0x54: {  	s14 =	sor.u32 $0x8000, s15;
	[sflag:s5] =	ssyncadd.s32 s17  }
0x55: {  	p2 =	sne.s32 s16, $0x1  }
.Ltmp4:
0x56: {  	v1 =	vmov s15;
	v0 =	vmov s14;
	(pc) =	sbr.rel @!p2 .LBB2_4-.Ltmp4, $3  }
0x57: {  	_ =	sdelay $0x1  }
0x58: {  	s17 =	simm.s32 $0x0  }
0x59: {  	s23 =	sadd.s32 $0xFFFFFFFF, s16;
	p1 =	por $0x0, $0x0;
	s15 =	sand.u32 $0x3F80, s17  }
0x5a: {  	_ =	sdelay $0x3  }
0x5b: {  	v6 =	vld.idx.msk [tilespmem:v1+s15+$0x0 ss:$0x1], $0xffff;
	s24 =	sor.u32 $0x70, s15  }
0x5c: {  	s16 =	sor.u32 $0x10, s15;
	v8 =	vld.idx.msk [tilespmem:v1+s24+$0x0 ss:$0x1], $0xffff  }
0x5d: {  	s17 =	sor.u32 $0x20, s15;
	p2 =	sne.s32 s23, $0x1;
	v2 =	vld.idx.msk [tilespmem:v1+s16+$0x0 ss:$0x1], $0xffff  }
.Ltmp5:
0x5e: {  	s18 =	sor.u32 $0x30, s15;
	v4 =	vld.idx.msk [tilespmem:v1+s17+$0x0 ss:$0x1], $0xffff;
	(pc) =	sbr.rel @!p2 .LBB2_7-.Ltmp5, $4  }
0x5f: {  	s19 =	sor.u32 $0x40, s15;
	v3 =	vld.idx.msk [tilespmem:v1+s18+$0x0 ss:$0x1], $0xffff  }
0x60: {  	s21 =	sor.u32 $0x60, s15;
	v5 =	vld.idx.msk [tilespmem:v1+s19+$0x0 ss:$0x1], $0xffff  }
0x61: {  	s20 =	sor.u32 $0x50, s15;
	s22 =	simm.s32 $0x80;
	v7 =	vld.idx.msk [tilespmem:v1+s21+$0x0 ss:$0x1], $0xffff;
	[tilespmem:v0+s15+$0x0 ss:$0x1] =	vst.idx.msk $0xffff, v6  }
0x62: {  	s23 =	sadd.s32 $0xFFFFFFFF, s23;
	p1 =	por $0x1, $0x1;
	v6 =	vld.idx.msk [tilespmem:v1+s20+$0x0 ss:$0x1], $0xffff;
	s15 =	sand.u32 $0x3F80, s22;
	[tilespmem:v0+s24+$0x0 ss:$0x1] =	vst.idx.msk $0xffff, v8  }
.LBB2_6:
0x63: {  	p2 =	sne.s32 s23, $0x1;
	v8 =	vld.idx.msk [tilespmem:v1+s15+$0x0 ss:$0x1], $0xffff;
	s24 =	sor.u32 $0x70, s15;
	[tilespmem:v0+s16+$0x0 ss:$0x1] =	vst.idx.msk $0xffff, v2;
	s16 =	sor.u32 $0x10, s15  }
0x64: {  	s25 =	sor.u32 $0x30, s15;
	s26 =	sor.u32 $0x40, s15;
	v9 =	vld.idx.msk [tilespmem:v1+s24+$0x0 ss:$0x1], $0xffff;
	[tilespmem:v0+s17+$0x0 ss:$0x1] =	vst.idx.msk $0xffff, v4;
	s17 =	sor.u32 $0x20, s15  }
0x65: {  	s28 =	sor.u32 $0x50, s15;
	s29 =	sor.u32 $0x60, s15;
	v2 =	vld.idx.msk [tilespmem:v1+s16+$0x0 ss:$0x1], $0xffff;
	[tilespmem:v0+s18+$0x0 ss:$0x1] =	vst.idx.msk $0xffff, v3;
	s18 =	smov.u32 s25  }
.Ltmp6:
0x66: {  	v4 =	vld.idx.msk [tilespmem:v1+s17+$0x0 ss:$0x1], $0xffff;
	[tilespmem:v0+s19+$0x0 ss:$0x1] =	vst.idx.msk $0xffff, v5;
	s19 =	smov.u32 s26;
	(pc) =	sbr.rel @p2 .LBB2_6-.Ltmp6, $4  }
0x67: {  	v3 =	vld.idx.msk [tilespmem:v1+s18+$0x0 ss:$0x1], $0xffff;
	[tilespmem:v0+s20+$0x0 ss:$0x1] =	vst.idx.msk $0xffff, v6;
	s20 =	smov.u32 s28  }
0x68: {  	v5 =	vld.idx.msk [tilespmem:v1+s19+$0x0 ss:$0x1], $0xffff;
	[tilespmem:v0+s21+$0x0 ss:$0x1] =	vst.idx.msk $0xffff, v7;
	s21 =	smov.u32 s29  }
0x69: {  	s22 =	sadd.s32 $0x80, s22;
	[tilespmem:v0+s15+$0x0 ss:$0x1] =	vst.idx.msk $0xffff, v8;
	v6 =	vld.idx.msk [tilespmem:v1+s20+$0x0 ss:$0x1], $0xffff  }
0x6a: {  	s23 =	sadd.s32 $0xFFFFFFFF, s23;
	s15 =	sand.u32 $0x3F80, s22;
	v7 =	vld.idx.msk [tilespmem:v1+s21+$0x0 ss:$0x1], $0xffff;
	[tilespmem:v0+s24+$0x0 ss:$0x1] =	vst.idx.msk $0xffff, v9  }
.Ltmp7:
0x6b: {  	_ = 	snop;
	(pc) =	sbr.rel .LBB2_7-.Ltmp7, $1  }
0x6c: {  	_ =	sdelay $0x3  }
.LBB2_10:
0x6d: {  	_ =	sfence.sel $0x180000  }
0x6e: {  	s2 =	simm.s32 $0x1;
	[bflag:$0x0] =	sbarrier.arrive $0xFFFF  }
0x6f: {  	s31 =	simm.s32 $0x2;
	[sflag:s2] =	ssyncpa.u1 $0x1  }
0x70: {  	[sflag:s31] =	ssyncpa.u1 $0x1  }
0x71: {  	_ =	strace $0x90000059  }
0x72: {  	s0 =	sadd.s32 @!p0 $0x100000, s0;
	[bflag:$0x2] =	sbarrier.arrive $0xFFFF  }
0x73: {  	[sflag:s0] =	ssyncadd.tile.s32 @!p0 $0x1;
	s0 =	simm.s32 @!p0 $0x3F  }
0x74: {  	_ =	swait.ge @!p0 [sflag:s0], s1  }
0x75: {  	s1 =	ssub.s32 @!p0 $0x0, s1;
	[sflag:s0] =	ssyncset.done @!p0 $0x0  }
0x76: {  	[sflag:s0] =	ssyncadd.s32 @!p0 s1  }
0x77: {  	[bflag:$0x3] =	sbarrier.arrive $0xFFFF  }
0x78: {  	_ =	shalt  }
.Lfunc_end2:
execute1_lowered:
.L_overlay_start_2:
0x79: {  	(tag) =	ssettag $0x2  }
0x7a: {  	s0 =	rddreg [dreg:$0x0];
	_ =	strace $0x8000005C;
	s1 =	simm.s32 $0x1  }
0x7b: {  	s8 =	simm.s32 $0x108;
	v0 =	vimm.s32 $0x0;
	[sflag:s1] =	ssyncpa.u1 $0x0  }
0x7c: {  	[tilespmem:s8+$0x70] =	vst v0  }
0x7d: {  	[tilespmem:s8+$0x60] =	vst v0  }
0x7e: {  	[tilespmem:s8+$0x50] =	vst v0  }
0x7f: {  	[tilespmem:s8+$0x40] =	vst v0  }
0x80: {  	[tilespmem:s8+$0x30] =	vst v0  }
0x81: {  	s2 =	simm.s32 $0x40;
	s1 =	sadd.s32 $0xC9000, s0;
	[tilespmem:s8+$0x20] =	vst v0  }
0x82: {  	s3 =	sadd.s32 $0x31400, s0;
	s4 =	sadd.s32 $0x1F8CA00, s0;
	s5 =	sadd.s32 $0x82200, s0;
	[tilespmem:s8+$0x10] =	vst v0  }
.LBB3_1:
0x83: {  	s2 =	sadd.s32 $0x40, s2;
	[tilespmem:s8+$0x0] =	vst v0;
	s8 =	sadd.s32 $0x80, s8  }
0x84: {  	p0 =	slt.u32 s2, $0x3C40;
	[tilespmem:s8+$0x70] =	vst v0  }
0x85: {  	[tilespmem:s8+$0x60] =	vst v0  }
.Ltmp8:
0x86: {  	[tilespmem:s8+$0x50] =	vst v0;
	(pc) =	sbr.rel @p0 .LBB3_1-.Ltmp8, $4  }
0x87: {  	[tilespmem:s8+$0x40] =	vst v0  }
0x88: {  	[tilespmem:s8+$0x30] =	vst v0  }
0x89: {  	[tilespmem:s8+$0x20] =	vst v0  }
0x8a: {  	[tilespmem:s8+$0x10] =	vst v0  }
0x8b: {  	s13 =	stileid.u32  }
0x8c: {  	s0 =	simm.s32 $0x4FB0;
	s6 =	smul.u32 $0x50A0, s13;
	p0 =	seq.s32 s13, $0xF  }
0x8d: {  	s0 =	simm.s32 @!p0 $0x50A0  }
0x8e: {  	s0 =	sadd.s32 s6, s0  }
0x8f: {  	s7 =	smin.u32 s0, $0x50910  }
0x90: {  	s0 =	ssub.s32 s7, s6  }
0x91: {  	p0 =	sgt.s32 s0, $0x0  }
0x92: {  	s0 =	simm.s32 @!p0 $0x0  }
0x93: {  	s2 =	simm.s32 $0x2;
	s9 =	simm.s32 $0x7;
	s31 =	smulhi.u32 $0x1111112, s0  }
0x94: {  	s10 =	simm.s32 $0x8;
	s19 =	simm.s32 $0x0;
	s15 =	simm.s32 $0xA  }
0x95: {  	s17 =	simm.s32 $0x0;
	s18 =	simm.s32 $0x0;
	s11 =	smul.u32 $0xF0, s31  }
.Ltmp9:
0x96: {  	[tilespmem:s8+$0x0] =	vst v0;
	v0 =	vimm.s32 $0xFFFFFFFF;
	[sflag:s2] =	ssyncpa.u1 $0x0;
	s13 =	sshll.u32 s13, $0x8;
	(pc) =	sbr.rel .LBB3_3-.Ltmp9, $4  }
0x97: {  	[tilespmem:$0xF208] =	vst v0;
	[sflag:s9] =	ssyncpa.u1 $0x0;
	p0 =	sne.s32 s0, s11;
	s0 =	simm.s32 $0x1  }
0x98: {  	[sflag:s10] =	ssyncpa.u1 $0x0;
	s10 =	simm.s32 $0x9;
	s0 =	simm.s32 @!p0 $0x0  }
0x99: {  	s16 =	smov.u32 s6;
	[sflag:s10] =	ssyncpa.u1 $0x0;
	s12 =	sadd.s32 s0, s31  }
0x9a: {  	v0 =	vlaneseq.u32;
	s11 =	simm.s32 $0x1;
	p0 =	por $0x0, $0x0;
	s14 =	sadd.s32 $0x1, s12  }
.LBB3_18:
0x9b: {  	s0 =	sshrl.u32 s28, $0x2  }
.LBB3_20:
0x9c: {  	_ =	swait.ge [sflag:s15], s0  }
0x9d: {  	s31 =	ssub.s32 $0x0, s0;
	v1 =	vmov s21;
	vm0 =	veq.s32 v0, $0x0;
	[sflag:s15] =	ssyncset.done $0x0  }
0x9e: {  	vm15 =	veq.s32 v0, $0x2;
	v1 =	vsel vm0, s26, v1;
	[sflag:s15] =	ssyncadd.s32 s31  }
0x9f: {  	v1 =	vsel vm15, s19, v1;
	[sflag:s15] =	ssyncpa.u1 $0x1  }
0xa0: {  	[tilespmem:$0xF208] =	vst v1  }
.LBB3_21:
0xa1: {  	s0 =	sadd.s32 $0xF0, s16  }
0xa2: {  	s2 =	smov.u32 s6;
	p1 =	slt.s32 s0, s7  }
0xa3: {  	s2 =	smov.u32 @p1 s0;
	p1 =	sne.s32 s18, s14  }
.Ltmp10:
0xa4: {  	_ = 	snop;
	(pc) =	sbr.rel @!p1 .LBB3_22-.Ltmp10, $3  }
0xa5: {  	_ =	sdelay $0x1  }
0xa6: {  	s19 =	smov.u32 s17;
	s31 =	sadd.s32 $0x1, s18;
	s17 =	smov.u32 s16  }
0xa7: {  	p0 =	por !p0, !p0;
	s18 =	smov.u32 s31;
	s16 =	smov.u32 s2  }
.LBB3_3:
0xa8: {  	p1 =	sge.u32 s18, s12  }
0xa9: {  	s0 =	smulhi.u32 @!p1 $0xAAAAAAAB, s18  }
0xaa: {  	s2 =	smov.u32 s16;
	p2 =	sgt.s32 @!p1 s16, $0x50820  }
0xab: {  	s20 =	sshra.s32 @!p1 s16, $0x1F;
	p2 =	por !p2, p1;
	s0 =	sshrl.u32 @!p1 s0, $0x1  }
0xac: {  	s20 =	sand.u32 @!p1 s20, s16;
	s2 =	simm.s32 @p2 $0x50820;
	s0 =	smul.u32 @!p1 $0x3, s0  }
0xad: {  	s2 =	ssub.s32 @!p1 s2, s20  }
0xae: {  	s2 =	sadd.s32 @!p1 $0xFFFAF7E0, s2;
	s0 =	ssub.s32 @!p1 s18, s0  }
0xaf: {  	s20 =	sshll.u32 @!p1 s2, $0x2;
	p2 =	sgt.s32 @!p1 s2, $0xEF;
	s0 =	smul.u32 @!p1 $0x3C0, s0  }
0xb0: {  	s21 =	sand.u32 @!p1 $0x7, s16;
	s2 =	ssub.s32 @!p1 $0x3C0, s20;
	p2 =	por !p2, p1  }
0xb1: {  	s20 =	sshrl.u32 @!p1 s16, $0x3;
	s2 =	sshrl.u32 @!p1 s2, $0x2;
	s0 =	sshrl.u32 @!p1 s0, $0x2  }
0xb2: {  	s20 =	sadd.s32 @!p1 s5, s20;
	s2 =	simm.s32 @!p2 $0x0;
	s0 =	sadd.s32 @!p1 $0x10238, s0  }
0xb3: {  	[tilespmem:s0], [sflag:$0x8] =	stream.linear.gather @!p1 [hbm4b:s20+s21], s2, $0x38;
	[tilespmem:$0x1F6E8] =	vst v63  }
0xb4: {  	s0 =	sadd.s32 $0xFFFFFFFF, s18  }
0xb5: {  	p1 =	sge.u32 s0, s12  }
0xb6: {  	p2 =	sgt.s32 @!p1 s17, $0x50820  }
0xb7: {  	s2 =	smov.u32 s17;
	s20 =	sshra.s32 @!p1 s17, $0x1F;
	p2 =	por !p2, p1  }
0xb8: {  	s20 =	sand.u32 @!p1 s20, s17;
	s2 =	simm.s32 @p2 $0x50820  }
0xb9: {  	s2 =	ssub.s32 @!p1 s2, s20  }
0xba: {  	s2 =	sadd.s32 @!p1 $0xFFFAF7E0, s2  }
0xbb: {  	s21 =	smulhi.u32 @!p1 $0xAAAAAAAB, s0;
	s22 =	sand.u32 @!p1 $0x1, s0;
	s20 =	sshll.u32 @!p1 s2, $0x2  }
0xbc: {  	s24 =	smul.u32 @!p1 $0x3C0, s22;
	p2 =	sgt.s32 @!p1 s2, $0xEF;
	s2 =	ssub.s32 @!p1 $0x3C0, s20  }
0xbd: {  	p2 =	por !p2, p1;
	s20 =	sshrl.u32 @!p1 s21, $0x1;
	s2 =	sshrl.u32 @!p1 s2, $0x2  }
0xbe: {  	s21 =	simm.s32 @!p1 $0x8;
	s20 =	smul.u32 @!p1 $0x3, s20;
	s2 =	simm.s32 @!p2 $0x0  }
0xbf: {  	s22 =	smul.u32 @!p1 $0x1E000, s22;
	_ =	swait.ge @!p1 [sflag:s21], s2;
	s23 =	ssub.s32 @!p1 $0x0, s2  }
0xc0: {  	s0 =	ssub.s32 @!p1 s0, s20;
	s20 =	sshrl.u32 @!p1 s17, $0x3;
	[sflag:s21] =	ssyncset.done @!p1 $0x0  }
0xc1: {  	s20 =	sadd.s32 @!p1 s3, s20;
	[sflag:s21] =	ssyncadd.s32 @!p1 s23;
	s21 =	sshrl.u32 @!p1 s24, $0x2  }
0xc2: {  	s0 =	smul.u32 @!p1 $0x3C0, s0;
	s23 =	sand.u32 @!p1 $0x7, s17;
	s21 =	sor.u32 @!p1 $0x10508, s21  }
0xc3: {  	[tilespmem:s21], [sflag:$0x9] =	stream.linear.gather @!p1 [hbm4b:s20+s23], s2, $0x38;
	[tilespmem:$0x1F6E8] =	vst v63  }
0xc4: {  	s0 =	sshrl.u32 @!p1 s0, $0x2;
	s2 =	sshrl.u32 @!p1 s22, $0x2  }
0xc5: {  	s0 =	sadd.s32 @!p1 $0x10238, s0;
	s20 =	simm.s32 @!p1 $0xF0;
	s2 =	sor.u32 @!p1 $0x106E8, s2  }
0xc6: {  	[tilespmem:s2], [sflag:$0x7] =	stream.indirect.gather @!p1 [hbm4b:s4+s20], $0x80, s0, s20, $0xb8;
	[tilespmem:$0x1F6E8] =	vst v63  }
0xc7: {  	p1 =	slt.u32 s18, $0x2  }
.Ltmp11:
0xc8: {  	_ = 	snop;
	(pc) =	sbr.rel @p1 .LBB3_21-.Ltmp11, $1  }
0xc9: {  	_ =	sdelay $0x3  }
0xca: {  	p1 =	sgt.s32 s19, $0x50820;
	s0 =	smov.u32 s19;
	s2 =	sshra.s32 s19, $0x1F  }
0xcb: {  	s0 =	simm.s32 @!p1 $0x50820;
	s2 =	sand.u32 s2, s19  }
0xcc: {  	s0 =	ssub.s32 s0, s2  }
0xcd: {  	s0 =	sadd.s32 $0xFFFAF7E0, s0  }
0xce: {  	s30 =	sshll.u32 s0, $0x2  }
0xcf: {  	_ =	swait.ge [sflag:s9], $0x7800;
	s2 =	ssub.s32 $0x3C0, s30  }
0xd0: {  	[sflag:s9] =	ssyncset.done $0x0;
	p1 =	sgt.s32 s0, $0xEF;
	s0 =	sshrl.u32 s2, $0x2  }
0xd1: {  	[sflag:s9] =	ssyncadd.s32 $0xFFFF8800;
	s0 =	simm.s32 @p1 $0x0  }
0xd2: {  	_ =	swait.ge [sflag:s10], s0  }
0xd3: {  	s0 =	ssub.s32 $0x0, s0;
	[sflag:s10] =	ssyncset.done $0x0  }
0xd4: {  	[sflag:s10] =	ssyncadd.s32 s0  }
0xd5: {  	v1 =	vld [tilespmem:$0xF208];
	_ =	sdelay $0x4  }
0xd6: {  	(v2sf) =	vpush v1, $0x0  }
0xd7: {  	(v2sf) =	vpush v1, $0x1  }
0xd8: {  	(v2sf) =	vpush v1, $0x2;
	_ =	sdelay $0x3  }
0xd9: {  	s0 =	sadd.s32 $0xF0, s19  }
0xda: {  	s2 =	ssub.s32 $0x50910, s19;
	p1 =	slt.s32 s7, s0  }
0xdb: {  	s0 =	smov.u32 @p1 s7;
	p1 =	sgt.s32 s2, $0x0  }
0xdc: {  	s23 =	ssub.s32 s0, s19;
	s2 =	simm.s32 @!p1 $0x0  }
0xdd: {  	p1 =	slt.s32 s2, s23  }
0xde: {  	s23 =	smov.u32 @p1 s2  }
0xdf: {  	s22 =	simm.s32 $0x1;
	p1 =	slt.s32 s23, $0x1  }
.Ltmp12:
0xe0: {  	s22 =	simm.s32 @!p0 $0x0;
	(pc) =	sbr.rel @p1 .LBB3_8-.Ltmp12, $4  }
0xe1: {  	s31 =	smul.u32 $0x3C0, s22  }
0xe2: {  	s24 =	spop (v2sf)  }
0xe3: {  	s0 =	sshrl.u32 s31, $0x2;
	s26 =	spop (v2sf)  }
0xe4: {  	s20 =	sor.u32 $0x10508, s0;
	s19 =	spop (v2sf)  }
0xe5: {  	s0 =	smin.u32 s23, $0x10  }
0xe6: {  	v1 =	vmov s0  }
0xe7: {  	p2 =	sgt.s32 s23, $0x10;
	vm1 =	vgt.u32 v1, v0  }
.Ltmp13:
0xe8: {  	_ = 	snop;
	(pc) =	sbr.rel @!p2 .LBB3_7-.Ltmp13, $2  }
0xe9: {  	_ =	sdelay $0x2  }
0xea: {  	s25 =	simm.s32 $0x10;
	s28 =	sadd.s32 $0xFFFFFFF0, s23;
	s21 =	smov.u32 s20;
	vm0 =	vmmov vm1  }
.LBB3_6:
0xeb: {  	s0 =	smin.u32 s28, $0x10;
	s25 =	sadd.s32 $0x10, s25;
	v1 =	vld.msk [tilespmem:s21+$0x0 ss:$0x1], vm1  }
0xec: {  	v2 =	vmov s0;
	p2 =	slt.s32 s25, s23  }
0xed: {  	vm1 =	vgt.u32 v2, v0  }
.Ltmp14:
0xee: {  	(pc) =	sbr.rel @p2 .LBB3_6-.Ltmp14, $3  }
0xef: {  	_ =	sdelay $0x1  }
0xf0: {  	v1 =	vshll.u32 v1, $0x4  }
0xf1: {  	s28 =	sadd.s32 $0xFFFFFFF0, s28;
	[tilespmem:s21+$0x0] =	vst.msk vm0, v1;
	s21 =	sadd.s32 $0x10, s21;
	vm0 =	vmmov vm1  }
.LBB3_7:
0xf2: {  	_ =	sdelay $0x4  }
0xf3: {  	v1 =	vld.msk [tilespmem:s21+$0x0 ss:$0x1], vm1;
	_ =	sdelay $0x4  }
0xf4: {  	v1 =	vshll.u32 v1, $0x4  }
0xf5: {  	[tilespmem:s21+$0x0] =	vst.msk vm0, v1  }
.LBB3_8:
0xf6: {  	s0 =	sand.u32 $0x1, s18  }
0xf7: {  	s0 =	smul.u32 $0xF0, s0  }
0xf8: {  	p2 =	sne.s32 s26, $0xFFFFFFFF  }
0xf9: {  	v1 =	vld.msk @!p2 [tilespmem:s0+$0x10508], $0x1;
	_ =	sdelay $0x4  }
0xfa: {  	(v2sf) =	vpush @!p2 v1, $0x0;
	_ =	sdelay $0xc  }
.Ltmp15:
0xfb: {  	_ = 	snop;
	(pc) =	sbr.rel @p1 .LBB3_19-.Ltmp15, $4  }
0xfc: {  	_ = 	snop  }
0xfd: {  	s25 =	spop @!p2 (v2sf)  }
0xfe: {  	s19 =	simm.s32 @!p2 $0x0;
	s21 =	smov.u32 s25  }
0xff: {  	[sflag:s15] =	ssyncpa.u1 $0x0;
	s25 =	smov.u32 @p2 s24;
	s21 =	smov.u32 @p2 s26  }
0x100: {  	v1 =	vld.msk [tilespmem:s20+$0x0], $0x1;
	_ =	sdelay $0x4  }
0x101: {  	(v2sf) =	vpush v1, $0x0;
	_ =	sdelay $0xe  }
0x102: {  	s0 =	smul.u32 $0x1E000, s22;
	s29 =	spop (v2sf)  }
0x103: {  	s23 =	ssub.s32 $0x0, s23;
	p1 =	seq.s32 s25, s29  }
0x104: {  	s26 =	sadd.s32 $0x1, s23;
	s0 =	sshrl.u32 s0, $0x2;
	p2 =	sgt.s32 @!p1 s25, $0x0  }
0x105: {  	s22 =	sor.u32 $0x10728, s0;
	s0 =	smov.u32 s25;
	p2 =	por !p2, p1  }
0x106: {  	s0 =	simm.s32 @p2 $0x0;
	p2 =	seq.s32 s26, $0x0  }
.Ltmp16:
0x107: {  	_ = 	snop;
	(pc) =	sbr.rel @p2 .LBB3_11-.Ltmp16, $4  }
0x108: {  	_ = 	snop  }
0x109: {  	s24 =	simm.s32 $0x0;
	s28 =	sadd.s32 $0x1, s20;
	s0 =	smin.u32 @!p1 s0, $0x270F0  }
0x10a: {  	s30 =	simm.s32 @!p1 $0x1;
	s31 =	simm.s32 @!p1 $0x7988;
	s2 =	sand.u32 @!p1 $0x3FFF8, s0  }
0x10b: {  	s30 =	smov.u32 @p1 s24;
	s0 =	sand.u32 @!p1 $0x7, s0;
	s2 =	sadd.s32 @!p1 s1, s2  }
.LBB3_10:
0x10c: {  	s8 =	smov.u32 s30  }
0x10d: {  	[tilespmem:s31], [sflag:$0x2] =	stream.linear.gather @!p1 [hbm4b:s2+s0], $0x80, $0x38;
	[tilespmem:$0x1F6E8] =	vst v63  }
0x10e: {  	s26 =	sadd.s32 $0x1, s26;
	s0 =	smov.u32 s29;
	v1 =	vld.msk [tilespmem:s28+$0x0], $0x1  }
0x10f: {  	p2 =	seq.s32 s26, $0x0;
	_ =	sdelay $0x3  }
0x110: {  	(v2sf) =	vpush v1, $0x0;
	_ =	sdelay $0xe  }
0x111: {  	s29 =	spop (v2sf)  }
0x112: {  	p1 =	seq.s32 s0, s29  }
0x113: {  	p3 =	sgt.s32 @!p1 s0, $0x0;
	s2 =	sshll.u32 @!p1 s30, $0x9;
	s30 =	sadd.s32 @!p1 $0x1, s30  }
.Ltmp17:
0x114: {  	p3 =	por !p3, p1;
	s2 =	sshra.s32 @!p1 s2, $0x2;
	(pc) =	sbr.rel @!p2 .LBB3_10-.Ltmp17, $4  }
0x115: {  	s30 =	smov.u32 @p1 s8;
	s0 =	simm.s32 @p3 $0x0;
	s31 =	sadd.s32 @!p1 $0x7988, s2  }
0x116: {  	s0 =	smin.u32 @!p1 s0, $0x270F0  }
0x117: {  	s2 =	sand.u32 @!p1 $0x3FFF8, s0;
	s0 =	sand.u32 @!p1 $0x7, s0  }
0x118: {  	s28 =	sadd.s32 $0x1, s28;
	s2 =	sadd.s32 @!p1 s1, s2  }
.LBB3_11:
0x119: {  	[tilespmem:s31], [sflag:$0x2] =	stream.linear.gather @!p1 [hbm4b:s2+s0], $0x80, $0x38;
	[tilespmem:$0x1F6E8] =	vst v63  }
.Ltmp18:
0x11a: {  	s30 =	sshll.u32 s30, $0x7;
	(pc) =	sbr.rel .LBB3_12-.Ltmp18, $4  }
0x11b: {  	s31 =	simm.s32 $0x2;
	s0 =	sand.u32 $0x3FFFFF80, s30  }
0x11c: {  	_ =	swait.ge [sflag:s31], s0  }
0x11d: {  	s0 =	ssub.s32 $0x0, s0;
	[sflag:s31] =	ssyncset.done $0x0  }
0x11e: {  	s28 =	simm.s32 $0x0;
	[sflag:s31] =	ssyncadd.s32 s0  }
.LBB3_13:
0x11f: {  	v1 =	vld [tilespmem:s22+$0xFFFFFFC0];
	_ =	sdelay $0x3  }
0x120: {  	s0 =	sshra.s32 s0, $0x2  }
0x121: {  	[tilespmem:s0+$0x108] =	vst.add.f32.msk $0xffff, v1  }
0x122: {  	v1 =	vld [tilespmem:s22+$0xFFFFFFD0];
	_ =	sdelay $0x4  }
0x123: {  	[tilespmem:s0+$0x118] =	vst.add.f32.msk $0xffff, v1  }
0x124: {  	v1 =	vld [tilespmem:s22+$0xFFFFFFE0];
	_ =	sdelay $0x4  }
0x125: {  	[tilespmem:s0+$0x128] =	vst.add.f32.msk $0xffff, v1  }
0x126: {  	v1 =	vld [tilespmem:s22+$0xFFFFFFF0];
	_ =	sdelay $0x4  }
0x127: {  	[tilespmem:s0+$0x138] =	vst.add.f32.msk $0xffff, v1  }
0x128: {  	v1 =	vld [tilespmem:s22+$0x0];
	_ =	sdelay $0x4  }
0x129: {  	[tilespmem:s0+$0x148] =	vst.add.f32.msk $0xffff, v1  }
0x12a: {  	v1 =	vld [tilespmem:s22+$0x10];
	_ =	sdelay $0x4  }
0x12b: {  	[tilespmem:s0+$0x158] =	vst.add.f32.msk $0xffff, v1  }
0x12c: {  	v1 =	vld [tilespmem:s22+$0x20];
	_ =	sdelay $0x4  }
0x12d: {  	[tilespmem:s0+$0x168] =	vst.add.f32.msk $0xffff, v1  }
0x12e: {  	v1 =	vld [tilespmem:s22+$0x30];
	_ =	sdelay $0x4  }
0x12f: {  	[tilespmem:s0+$0x178] =	vst.add.f32.msk $0xffff, v1  }
.LBB3_17:
0x130: {  	s23 =	sadd.s32 $0x1, s23  }
0x131: {  	p1 =	seq.s32 s23, $0x0  }
.Ltmp19:
0x132: {  	_ = 	snop;
	(pc) =	sbr.rel @p1 .LBB3_18-.Ltmp19, $2  }
0x133: {  	_ =	sdelay $0x2  }
0x134: {  	s20 =	sadd.s32 $0x1, s20;
	s22 =	sadd.s32 $0x80, s22;
	s25 =	smov.u32 s26  }
.LBB3_12:
0x135: {  	v1 =	vld.msk [tilespmem:s20+$0x0], $0x1;
	_ =	sdelay $0x4  }
0x136: {  	(v2sf) =	vpush v1, $0x0;
	_ =	sdelay $0xe  }
0x137: {  	s26 =	spop (v2sf)  }
0x138: {  	p1 =	sne.s32 s25, s26  }
.Ltmp20:
0x139: {  	_ = 	snop;
	(pc) =	sbr.rel @!p1 .LBB3_13-.Ltmp20, $2  }
0x13a: {  	_ =	sdelay $0x2  }
0x13b: {  	s0 =	sshll.u32 s19, $0x9  }
0x13c: {  	p1 =	seq.s32 s25, s21  }
.Ltmp21:
0x13d: {  	_ = 	snop;
	(pc) =	sbr.rel @!p1 .LBB3_15-.Ltmp21, $1  }
0x13e: {  	_ =	sdelay $0x3  }
0x13f: {  	s0 =	sshra.s32 s0, $0x2  }
.Ltmp22:
0x140: {  	s0 =	sadd.s32 $0x108, s0;
	(pc) =	sbr.rel .LBB3_16-.Ltmp22, $4  }
0x141: {  	[spmem:s13] =	stream.linear.scatter [tilespmem:s0], [sflag:$0x1], $0x80, $0x38;
	[tilespmem:$0x1F6E8] =	vst v63  }
0x142: {  	_ =	swait.ge [sflag:s11], $0x80  }
0x143: {  	[sflag:s11] =	ssyncset.done $0x0  }
0x144: {  	[sflag:s11] =	ssyncadd.s32 $0xFFFFFF80  }
.LBB3_15:
0x145: {  	s2 =	sshll.u32 s24, $0x9  }
0x146: {  	s2 =	sshra.s32 s2, $0x2  }
0x147: {  	v1 =	vld [tilespmem:s2+$0x7988];
	_ =	sdelay $0x3  }
0x148: {  	s0 =	sshra.s32 s0, $0x2  }
0x149: {  	[tilespmem:s0+$0x108] =	vst.add.f32.msk $0xffff, v1  }
0x14a: {  	v1 =	vld [tilespmem:s2+$0x7998];
	_ =	sdelay $0x4  }
0x14b: {  	[tilespmem:s0+$0x118] =	vst.add.f32.msk $0xffff, v1  }
0x14c: {  	v1 =	vld [tilespmem:s2+$0x79A8];
	_ =	sdelay $0x4  }
0x14d: {  	[tilespmem:s0+$0x128] =	vst.add.f32.msk $0xffff, v1  }
0x14e: {  	v1 =	vld [tilespmem:s2+$0x79B8];
	_ =	sdelay $0x4  }
0x14f: {  	[tilespmem:s0+$0x138] =	vst.add.f32.msk $0xffff, v1  }
0x150: {  	v1 =	vld [tilespmem:s2+$0x79C8];
	_ =	sdelay $0x4  }
0x151: {  	[tilespmem:s0+$0x148] =	vst.add.f32.msk $0xffff, v1  }
0x152: {  	v1 =	vld [tilespmem:s2+$0x79D8];
	_ =	sdelay $0x4  }
0x153: {  	[tilespmem:s0+$0x158] =	vst.add.f32.msk $0xffff, v1  }
0x154: {  	v1 =	vld [tilespmem:s2+$0x79E8];
	_ =	sdelay $0x4  }
0x155: {  	[tilespmem:s0+$0x168] =	vst.add.f32.msk $0xffff, v1  }
0x156: {  	v1 =	vld [tilespmem:s2+$0x79F8];
	_ =	sdelay $0x2  }
0x157: {  	p1 =	sgt.u32 s25, $0x270F0  }
0x158: {  	s2 =	sand.u32 @!p1 $0x3FFF8, s25  }
0x159: {  	s8 =	sadd.s32 $0x108, s0;
	[tilespmem:s0+$0x178] =	vst.add.f32.msk $0xffff, v1;
	s0 =	sadd.s32 @!p1 s1, s2;
	s2 =	sand.u32 @!p1 $0x7, s25  }
0x15a: {  	[hbm4b:s0+s2] =	stream.linear.scatter @!p1 [tilespmem:s8], [sflag:$0xA], $0x80, $0x38;
	[tilespmem:$0x1F6E8] =	vst v63  }
0x15b: {  	s0 =	simm.s32 $0x0  }
0x15c: {  	s0 =	simm.s32 @!p1 $0x200  }
0x15d: {  	s28 =	sadd.s32 s0, s28  }
.LBB3_16:
0x15e: {  	s0 =	sadd.s32 $0x1, s19  }
0x15f: {  	s2 =	smulhi.u32 $0x88888889, s0;
	_ =	sdelay $0x1  }
0x160: {  	v1 =	vld [tilespmem:s22+$0xFFFFFFC0];
	s2 =	sshrl.u32 s2, $0x7  }
0x161: {  	s2 =	smul.u32 $0xF0, s2;
	_ =	sdelay $0x1  }
0x162: {  	s19 =	ssub.s32 s0, s2  }
0x163: {  	s0 =	sshll.u32 s19, $0x7  }
0x164: {  	[tilespmem:s0+$0x108] =	vst v1  }
0x165: {  	v1 =	vld [tilespmem:s22+$0xFFFFFFD0];
	_ =	sdelay $0x4  }
0x166: {  	[tilespmem:s0+$0x118] =	vst v1  }
0x167: {  	v1 =	vld [tilespmem:s22+$0xFFFFFFE0];
	_ =	sdelay $0x4  }
0x168: {  	[tilespmem:s0+$0x128] =	vst v1  }
0x169: {  	v1 =	vld [tilespmem:s22+$0xFFFFFFF0];
	_ =	sdelay $0x4  }
0x16a: {  	[tilespmem:s0+$0x138] =	vst v1  }
0x16b: {  	v1 =	vld [tilespmem:s22+$0x0];
	_ =	sdelay $0x4  }
0x16c: {  	[tilespmem:s0+$0x148] =	vst v1  }
0x16d: {  	v1 =	vld [tilespmem:s22+$0x10];
	_ =	sdelay $0x4  }
0x16e: {  	[tilespmem:s0+$0x158] =	vst v1  }
0x16f: {  	v1 =	vld [tilespmem:s22+$0x20];
	_ =	sdelay $0x4  }
0x170: {  	[tilespmem:s0+$0x168] =	vst v1  }
0x171: {  	v1 =	vld [tilespmem:s22+$0x30]  }
.Ltmp23:
0x172: {  	_ = 	snop;
	(pc) =	sbr.rel .LBB3_17-.Ltmp23, $2  }
0x173: {  	_ =	sdelay $0x2  }
0x174: {  	s24 =	sadd.s32 $0x1, s24;
	[tilespmem:s0+$0x178] =	vst v1  }
.LBB3_19:
.Ltmp24:
0x175: {  	(pc) =	sbr.rel .LBB3_20-.Ltmp24, $4  }
0x176: {  	_ = 	snop  }
0x177: {  	s0 =	simm.s32 $0x2  }
0x178: {  	_ =	swait.ge [sflag:s0], $0x0  }
0x179: {  	s26 =	smov.u32 s25;
	[sflag:s0] =	ssyncset.done $0x0;
	s0 =	simm.s32 $0x0  }
.LBB3_22:
0x17a: {  	_ =	sfence.sel $0x180000  }
0x17b: {  	s0 =	simm.s32 $0x7;
	[bflag:$0x0] =	sbarrier.arrive $0xFFFF  }
0x17c: {  	s25 =	simm.s32 $0x8;
	[sflag:s0] =	ssyncpa.u1 $0x1  }
0x17d: {  	s26 =	simm.s32 $0x9;
	[sflag:s25] =	ssyncpa.u1 $0x1  }
0x17e: {  	s28 =	simm.s32 $0x2;
	[sflag:s26] =	ssyncpa.u1 $0x1  }
0x17f: {  	[sflag:s28] =	ssyncpa.u1 $0x1  }
0x180: {  	v0 =	vld [tilespmem:$0xF208];
	_ =	sdelay $0x4  }
0x181: {  	(v2sf) =	vpush v0, $0x0  }
0x182: {  	(v2sf) =	vpush v0, $0x1;
	_ =	sdelay $0x1  }
0x183: {  	(v2sf) =	vpush v0, $0x2;
	_ =	sdelay $0xb  }
0x184: {  	s0 =	spop (v2sf)  }
0x185: {  	s2 =	spop (v2sf)  }
0x186: {  	s3 =	smov.u32 s0;
	p0 =	sne.s32 s0, s2  }
0x187: {  	s4 =	spop (v2sf);
	s3 =	simm.s32 @!p0 $0xFFFFFFFF  }
0x188: {  	v2 =	vimm.s32 $0x1;
	v3 =	vlaneseq.u32;
	p0 =	seq.s32 s4, $0xFFFFFFFF;
	v1 =	vmov s3  }
0x189: {  	s7 =	stileid.u32;
	v0 =	vperm.xlane v0, v2;
	p1 =	sne.s32 @!p0 s0, s2;
	v1 =	vperm.xlane v1, v3  }
0x18a: {  	vm0 =	vcmask $0x3F04;
	s6 =	simm.s32 $0xF208;
	s0 =	simm.s32 @!p0 $0x1;
	p1 =	por !p1, p0  }
0x18b: {  	s3 =	sshll.u32 s7, $0x1;
	s2 =	sshll.u32 @!p0 s4, $0x9;
	s0 =	simm.s32 @p1 $0x0;
	v0 =	vsel vm0, v1, v0  }
0x18c: {  	s5 =	sor.u32 $0x1000, s3;
	s2 =	sshra.s32 @!p0 s2, $0x2;
	s0 =	sor.u32 @!p0 s0, s3;
	[tilespmem:$0xF208] =	vst v0  }
0x18d: {  	[spmem:s5] =	stream.linear.scatter [tilespmem:s6], [sflag:$0x1], $0x2, $0x38;
	[tilespmem:$0x1F6E8] =	vst v63  }
0x18e: {  	s2 =	sadd.s32 @!p0 $0x108, s2;
	s0 =	sshll.u32 @!p0 s0, $0x7  }
0x18f: {  	[spmem:s0] =	stream.linear.scatter @!p0 [tilespmem:s2], [sflag:$0x1], $0x80, $0x38;
	[tilespmem:$0x1F6E8] =	vst v63  }
0x190: {  	s0 =	simm.s32 @!p0 $0x82  }
0x191: {  	s3 =	simm.s32 $0x1;
	s0 =	simm.s32 @p0 $0x2  }
0x192: {  	_ =	swait.ge [sflag:s3], s0  }
0x193: {  	s0 =	ssub.s32 $0x0, s0;
	[sflag:s3] =	ssyncset.done $0x0  }
0x194: {  	[sflag:s3] =	ssyncadd.s32 s0  }
0x195: {  	_ =	sfence.stream.spmem  }
0x196: {  	s29 =	simm.s32 $0x3;
	[bflag:$0x0] =	sbarrier.arrive $0xFFFF  }
0x197: {  	s30 =	simm.s32 $0x4;
	[sflag:s29] =	ssyncpa.u1 $0x1  }
0x198: {  	s31 =	simm.s32 $0x3C;
	[sflag:s30] =	ssyncpa.u1 $0x1  }
0x199: {  	p0 =	sne.s32 s7, $0x0;
	[sflag:s31] =	ssyncpa.u1 $0x1  }
0x19a: {  	_ =	sfence @p0  }
0x19b: {  	[sflag:s3] =	ssyncpa.u1 @p0 $0x1  }
0x19c: {  	_ =	strace @p0 $0x9000005C  }
0x19d: {  	[bflag:$0x2] =	sbarrier.arrive @p0 $0xFFFF  }
0x19e: {  	_ =	shalt @p0  }
.LBB3_23:
0x19f: {  	_ =	sfence.stream.spmem;
	s0 =	simm.s32 $0x5  }
0x1a0: {  	s2 =	simm.s32 $0x1000;
	s3 =	simm.s32 $0xF218;
	[sflag:s0] =	ssyncpa.u1 $0x0  }
0x1a1: {  	[tilespmem:s3], [sflag:$0x5] =	stream.linear.gather [spmem:s2], $0x20, $0x38;
	[tilespmem:$0x1F6E8] =	vst v63  }
0x1a2: {  	s30 =	simm.s32 $0xF238;
	s2 =	simm.s32 $0x0  }
0x1a3: {  	[tilespmem:s30], [sflag:$0x5] =	stream.linear.gather [spmem:s2], $0x1000, $0x38;
	[tilespmem:$0x1F6E8] =	vst v63  }
.Ltmp25:
0x1a4: {  	_ = 	snop;
	(pc) =	sbr.rel .LBB3_24-.Ltmp25, $4  }
0x1a5: {  	_ =	swait.ge [sflag:s0], $0x1020  }
0x1a6: {  	[sflag:s0] =	ssyncset.done $0x0  }
0x1a7: {  	s31 =	simm.s32 $0x6;
	[sflag:s0] =	ssyncadd.s32 $0xFFFFEFE0  }
0x1a8: {  	s3 =	simm.s32 $0x0;
	[sflag:s31] =	ssyncpa.u1 $0x0  }
.LBB3_30:
0x1a9: {  	p0 =	slt.u32 s4, $0x270F1  }
0x1aa: {  	s0 =	sand.u32 @p0 $0x3FFF8, s4  }
0x1ab: {  	s4 =	sand.u32 @p0 $0x7, s4;
	s5 =	simm.s32 @p0 $0xF188;
	s0 =	sadd.s32 @p0 s1, s0  }
0x1ac: {  	[tilespmem:s5], [sflag:$0x6] =	stream.linear.gather @p0 [hbm4b:s0+s4], $0x80, $0x38;
	[tilespmem:$0x1F6E8] =	vst v63  }
0x1ad: {  	s0 =	simm.s32 @p0 $0x6  }
0x1ae: {  	_ =	swait.ge @p0 [sflag:s0], $0x80  }
0x1af: {  	[sflag:s0] =	ssyncset.done @p0 $0x0  }
0x1b0: {  	[sflag:s0] =	ssyncadd.s32 @p0 $0xFFFFFF80  }
0x1b1: {  	v1 =	vld @p0 [tilespmem:$0xF188];
	_ =	sdelay $0x2  }
0x1b2: {  	s0 =	sshll.u32 @p0 s3, $0x9  }
0x1b3: {  	s4 =	sshrl.u32 @p0 s0, $0x2  }
0x1b4: {  	[tilespmem:s4+$0xF238] =	vst.add.f32.msk @p0 $0xffff, v1  }
0x1b5: {  	v1 =	vld @p0 [tilespmem:$0xF198];
	_ =	sdelay $0x4  }
0x1b6: {  	[tilespmem:s4+$0xF248] =	vst.add.f32.msk @p0 $0xffff, v1  }
0x1b7: {  	v1 =	vld @p0 [tilespmem:$0xF1A8];
	_ =	sdelay $0x4  }
0x1b8: {  	[tilespmem:s4+$0xF258] =	vst.add.f32.msk @p0 $0xffff, v1  }
0x1b9: {  	v1 =	vld @p0 [tilespmem:$0xF1B8];
	_ =	sdelay $0x4  }
0x1ba: {  	[tilespmem:s4+$0xF268] =	vst.add.f32.msk @p0 $0xffff, v1  }
0x1bb: {  	v1 =	vld @p0 [tilespmem:$0xF1C8];
	_ =	sdelay $0x4  }
0x1bc: {  	[tilespmem:s4+$0xF278] =	vst.add.f32.msk @p0 $0xffff, v1  }
0x1bd: {  	v1 =	vld @p0 [tilespmem:$0xF1D8];
	_ =	sdelay $0x4  }
0x1be: {  	[tilespmem:s4+$0xF288] =	vst.add.f32.msk @p0 $0xffff, v1  }
0x1bf: {  	v1 =	vld @p0 [tilespmem:$0xF1E8];
	_ =	sdelay $0x4  }
0x1c0: {  	[tilespmem:s4+$0xF298] =	vst.add.f32.msk @p0 $0xffff, v1  }
0x1c1: {  	v1 =	vld @p0 [tilespmem:$0xF1F8];
	_ =	sdelay $0x3  }
0x1c2: {  	s5 =	sshll.u32 @!p0 s3, $0x9  }
0x1c3: {  	s5 =	smov.u32 @p0 s0;
	[tilespmem:s4+$0xF2A8] =	vst.add.f32.msk @p0 $0xffff, v1  }
0x1c4: {  	s0 =	sshrl.u32 s5, $0x2;
	[tilespmem:s2+$0xF218] =	vst.msk $0x1, v0  }
0x1c5: {  	v0 =	vld [tilespmem:s0+$0xF238];
	_ =	sdelay $0x2  }
0x1c6: {  	s31 =	sshll.u32 s2, $0x9  }
0x1c7: {  	s4 =	sshra.s32 s31, $0x2  }
0x1c8: {  	[tilespmem:s4+$0xF238] =	vst v0  }
0x1c9: {  	v0 =	vld [tilespmem:s0+$0xF248];
	_ =	sdelay $0x4  }
0x1ca: {  	[tilespmem:s4+$0xF248] =	vst v0  }
0x1cb: {  	v0 =	vld [tilespmem:s0+$0xF258];
	_ =	sdelay $0x4  }
0x1cc: {  	[tilespmem:s4+$0xF258] =	vst v0  }
0x1cd: {  	v0 =	vld [tilespmem:s0+$0xF268];
	_ =	sdelay $0x4  }
0x1ce: {  	[tilespmem:s4+$0xF268] =	vst v0  }
0x1cf: {  	v0 =	vld [tilespmem:s0+$0xF278];
	_ =	sdelay $0x4  }
0x1d0: {  	[tilespmem:s4+$0xF278] =	vst v0  }
0x1d1: {  	v0 =	vld [tilespmem:s0+$0xF288];
	_ =	sdelay $0x4  }
0x1d2: {  	[tilespmem:s4+$0xF288] =	vst v0  }
0x1d3: {  	v0 =	vld [tilespmem:s0+$0xF298];
	_ =	sdelay $0x4  }
0x1d4: {  	[tilespmem:s4+$0xF298] =	vst v0  }
0x1d5: {  	v0 =	vld [tilespmem:s0+$0xF2A8];
	_ =	sdelay $0x4  }
0x1d6: {  	s2 =	sadd.s32 $0x1, s2;
	[tilespmem:s4+$0xF2A8] =	vst v0  }
.LBB3_31:
0x1d7: {  	s3 =	sadd.s32 $0x1, s3  }
0x1d8: {  	p0 =	sne.s32 s3, $0x20  }
.Ltmp26:
0x1d9: {  	_ = 	snop;
	(pc) =	sbr.rel @!p0 .LBB3_32-.Ltmp26, $1  }
0x1da: {  	_ =	sdelay $0x3  }
.LBB3_24:
0x1db: {  	v0 =	vld.msk [tilespmem:s3+$0xF218], $0x1;
	_ =	sdelay $0x4  }
0x1dc: {  	(v2sf) =	vpush v0, $0x0;
	_ =	sdelay $0xe  }
0x1dd: {  	s4 =	spop (v2sf)  }
0x1de: {  	p0 =	seq.s32 s4, $0xFFFFFFFF  }
.Ltmp27:
0x1df: {  	_ = 	snop;
	(pc) =	sbr.rel @p0 .LBB3_31-.Ltmp27, $1  }
0x1e0: {  	_ =	sdelay $0x3  }
0x1e1: {  	p0 =	slt.s32 s2, $0x1  }
.Ltmp28:
0x1e2: {  	_ = 	snop;
	(pc) =	sbr.rel @p0 .LBB3_30-.Ltmp28, $1  }
0x1e3: {  	_ =	sdelay $0x3  }
0x1e4: {  	s5 =	simm.s32 $0xF218;
	p0 =	por $0x0, $0x0  }
0x1e5: {  	v1 =	vld.msk @!p0 [tilespmem:s5+$0x0], $0x1;
	_ =	sdelay $0x4  }
0x1e6: {  	(v2sf) =	vpush @!p0 v1, $0x0;
	_ =	sdelay $0xd  }
0x1e7: {  	p2 =	sne.s32 s2, $0x1  }
.Ltmp29:
0x1e8: {  	s0 =	spop @!p0 (v2sf);
	(pc) =	sbr.rel @!p2 .LBB3_28-.Ltmp29, $4  }
0x1e9: {  	p1 =	seq.s32 @!p0 s4, s0  }
0x1ea: {  	s6 =	simm.s32 $0x0;
	p1 =	por !p1, p0  }
0x1eb: {  	s0 =	simm.s32 $0xFFFFFFFF;
	s6 =	simm.s32 @p1 $0xFFFFFFFF  }
0x1ec: {  	s7 =	simm.s32 $0x1;
	s6 =	smov.u32 @p0 s0  }
.LBB3_27:
0x1ed: {  	s0 =	smov.u32 s6;
	p0 =	sne.s32 s6, $0xFFFFFFFF  }
0x1ee: {  	s5 =	sadd.s32 $0x1, s5;
	s6 =	smov.u32 s7;
	s7 =	sadd.s32 $0x1, s7  }
0x1ef: {  	p1 =	sne.s32 s2, s7;
	v1 =	vld.msk @!p0 [tilespmem:s5+$0x0], $0x1;
	_ =	sdelay $0x4  }
0x1f0: {  	(v2sf) =	vpush @!p0 v1, $0x0;
	_ =	sdelay $0xe  }
.Ltmp30:
0x1f1: {  	s8 =	spop @!p0 (v2sf);
	(pc) =	sbr.rel @p1 .LBB3_27-.Ltmp30, $4  }
0x1f2: {  	p2 =	seq.s32 @!p0 s4, s8  }
0x1f3: {  	p2 =	por !p2, p0  }
0x1f4: {  	s6 =	simm.s32 @p2 $0xFFFFFFFF  }
0x1f5: {  	s6 =	smov.u32 @p0 s0  }
.LBB3_28:
0x1f6: {  	p0 =	seq.s32 s6, $0xFFFFFFFF  }
.Ltmp31:
0x1f7: {  	_ = 	snop;
	(pc) =	sbr.rel @p0 .LBB3_30-.Ltmp31, $1  }
0x1f8: {  	_ =	sdelay $0x3  }
0x1f9: {  	s0 =	sshll.u32 s3, $0x7  }
0x1fa: {  	s0 =	sand.u32 $0x3FFFFF80, s0  }
0x1fb: {  	v0 =	vld [tilespmem:s0+$0xF238];
	_ =	sdelay $0x2  }
0x1fc: {  	s4 =	sshll.u32 s6, $0x9  }
0x1fd: {  	s4 =	sshra.s32 s4, $0x2  }
0x1fe: {  	[tilespmem:s4+$0xF238] =	vst.add.f32.msk $0xffff, v0  }
0x1ff: {  	v0 =	vld [tilespmem:s0+$0xF248];
	_ =	sdelay $0x4  }
0x200: {  	[tilespmem:s4+$0xF248] =	vst.add.f32.msk $0xffff, v0  }
0x201: {  	v0 =	vld [tilespmem:s0+$0xF258];
	_ =	sdelay $0x4  }
0x202: {  	[tilespmem:s4+$0xF258] =	vst.add.f32.msk $0xffff, v0  }
0x203: {  	v0 =	vld [tilespmem:s0+$0xF268];
	_ =	sdelay $0x4  }
0x204: {  	[tilespmem:s4+$0xF268] =	vst.add.f32.msk $0xffff, v0  }
0x205: {  	v0 =	vld [tilespmem:s0+$0xF278];
	_ =	sdelay $0x4  }
0x206: {  	[tilespmem:s4+$0xF278] =	vst.add.f32.msk $0xffff, v0  }
0x207: {  	v0 =	vld [tilespmem:s0+$0xF288];
	_ =	sdelay $0x4  }
0x208: {  	[tilespmem:s4+$0xF288] =	vst.add.f32.msk $0xffff, v0  }
0x209: {  	v0 =	vld [tilespmem:s0+$0xF298];
	_ =	sdelay $0x4  }
0x20a: {  	[tilespmem:s4+$0xF298] =	vst.add.f32.msk $0xffff, v0  }
0x20b: {  	v0 =	vld [tilespmem:s0+$0xF2A8]  }
.Ltmp32:
0x20c: {  	_ = 	snop;
	(pc) =	sbr.rel .LBB3_31-.Ltmp32, $2  }
0x20d: {  	_ =	sdelay $0x2  }
0x20e: {  	[tilespmem:s4+$0xF2A8] =	vst.add.f32.msk $0xffff, v0  }
.LBB3_32:
0x20f: {  	p0 =	slt.s32 s2, $0x1  }
.Ltmp33:
0x210: {  	_ = 	snop;
	(pc) =	sbr.rel @p0 .LBB3_36-.Ltmp33, $3  }
0x211: {  	_ =	sdelay $0x1  }
0x212: {  	s0 =	simm.s32 $0x6  }
0x213: {  	s3 =	simm.s32 $0x0;
	[sflag:s0] =	ssyncpa.u1 $0x1  }
0x214: {  	s0 =	simm.s32 $0xF218  }
0x215: {  	v0 =	vld.msk [tilespmem:s0+$0x0], $0x1;
	_ =	sdelay $0x4  }
0x216: {  	(v2sf) =	vpush v0, $0x0;
	_ =	sdelay $0xd  }
0x217: {  	s2 =	sadd.s32 $0xFFFFFFFF, s2  }
0x218: {  	p1 =	sne.s32 s2, $0x0;
	s0 =	spop (v2sf)  }
.Ltmp34:
0x219: {  	p0 =	sgt.u32 s0, $0x270F0;
	(pc) =	sbr.rel @!p1 .LBB3_35-.Ltmp34, $4  }
0x21a: {  	s4 =	simm.s32 $0xF238;
	s5 =	sand.u32 @!p0 $0x3FFF8, s0  }
0x21b: {  	s6 =	simm.s32 $0x0;
	s0 =	sand.u32 @!p0 $0x7, s0;
	s5 =	sadd.s32 @!p0 s1, s5  }
0x21c: {  	[hbm4b:s5+s0] =	stream.linear.scatter @!p0 [tilespmem:s4], [sflag:$0x5], $0x80, $0x38;
	[tilespmem:$0x1F6E8] =	vst v63  }
0x21d: {  	s6 =	simm.s32 @!p0 $0x200;
	s5 =	simm.s32 $0xF219  }
.LBB3_34:
0x21e: {  	v0 =	vld.msk [tilespmem:s5+$0x0], $0x1;
	s2 =	sadd.s32 $0xFFFFFFFF, s2;
	s3 =	sadd.s32 s3, s6  }
0x21f: {  	p0 =	sne.s32 s2, $0x0;
	_ =	sdelay $0x3  }
0x220: {  	(v2sf) =	vpush v0, $0x0;
	_ =	sdelay $0xe  }
.Ltmp35:
0x221: {  	s0 =	spop (v2sf);
	(pc) =	sbr.rel @p0 .LBB3_34-.Ltmp35, $4  }
0x222: {  	s6 =	simm.s32 $0x0;
	p1 =	sgt.u32 s0, $0x270F0  }
0x223: {  	s4 =	sadd.s32 $0x80, s4;
	s6 =	simm.s32 @!p1 $0x200;
	s7 =	sand.u32 @!p1 $0x3FFF8, s0  }
0x224: {  	s5 =	sadd.s32 $0x1, s5;
	s0 =	sand.u32 @!p1 $0x7, s0;
	s7 =	sadd.s32 @!p1 s1, s7  }
0x225: {  	[hbm4b:s7+s0] =	stream.linear.scatter @!p1 [tilespmem:s4], [sflag:$0x5], $0x80, $0x38;
	[tilespmem:$0x1F6E8] =	vst v63  }
.LBB3_35:
0x226: {  	s0 =	sadd.s32 s3, s6  }
0x227: {  	s3 =	sshrl.u32 s0, $0x2  }
.LBB3_36:
0x228: {  	s0 =	simm.s32 $0x5  }
0x229: {  	_ =	swait.ge [sflag:s0], s3  }
0x22a: {  	s1 =	ssub.s32 $0x0, s3;
	[sflag:s0] =	ssyncset.done $0x0  }
0x22b: {  	[sflag:s0] =	ssyncadd.s32 s1  }
0x22c: {  	[sflag:s0] =	ssyncpa.u1 $0x1  }
0x22d: {  	s30 =	simm.s32 $0x1;
	_ =	sfence  }
0x22e: {  	[sflag:s30] =	ssyncpa.u1 $0x1  }
0x22f: {  	_ =	strace $0x9000005C  }
0x230: {  	[bflag:$0x2] =	sbarrier.arrive $0xFFFF  }
0x231: {  	s31 =	rddreg [dreg:$0x1]  }
0x232: {  	s0 =	sadd.s32 $0x100000, s31  }
0x233: {  	[sflag:s0] =	ssyncadd.tile.s32 $0x1;
	_ =	shalt  }
.Lfunc_end3:
_tile_overlayer_lowered:
.L_overlay_start_3:
0x234: {  	(tag) =	ssettag $0x3  }
0x235: {  	s0 =	rddreg [dreg:$0x0];
	s2 =	stileid.u32  }
0x236: {  	s1 =	rddreg [dreg:$0x1];
	p0 =	sne.s32 s2, $0x0  }
0x237: {  	s3 =	rddreg [dreg:$0x2];
	[bflag:$0x3] =	sbarrier.arrive $0xFFFF;
	s2 =	simm.s32 @!p0 $0x1C01  }
0x238: {  	[timem:s3], [sflag:s2] =	dma.local @!p0 [hbm:s0], s1  }
0x239: {  	s0 =	simm.s32 @!p0 $0x1  }
0x23a: {  	_ =	swait.ge @!p0 [sflag:s0], s1  }
0x23b: {  	s1 =	ssub.s32 @!p0 $0x0, s1;
	[sflag:s0] =	ssyncset.done @!p0 $0x0  }
0x23c: {  	[sflag:s0] =	ssyncadd.s32 @!p0 s1  }
0x23d: {  	[bflag:$0x3] =	sbarrier.arrive $0xFFFF  }
0x23e: {  	_ =	shalt  }

// kernel: scatter_offload_async_start.3
scs
__scs_entry_jumppad:
0x0: {  	(pc) =	sbr.rel $0x88, $3  }
0x1: {  	(tag) =	ssettag $0x0;
	lr =	simm.s32 $0x1  }
0x2: {  	[smem:$0x3F99] =	sst lr;
	_ =	strace $0xD0000000  }
0x3: {  	_ = 	snop  }
0x4: {  	_ = 	snop  }
0x5: {  	_ = 	snop  }
0x6: {  	_ = 	snop  }
0x7: {  	_ = 	snop  }
__scs_overlays_trampoline_lowered:
0x8: {  	[smem:$0x3FA8] =	sst s0  }
0x9: {  	[smem:$0x3FA9] =	sst s1  }
0xa: {  	[smem:$0x3FAA] =	sst s2  }
0xb: {  	[smem:$0x3FAB] =	sst s3  }
0xc: {  	[smem:$0x3FAC] =	sst s4  }
0xd: {  	[smem:$0x3FAD] =	sst s5  }
0xe: {  	[smem:$0x3FAE] =	sst s6  }
0xf: {  	[smem:$0x3FAF] =	sst s7  }
0x10: {  	[smem:$0x3FB0] =	sst s8  }
0x11: {  	[smem:$0x3FB1] =	sst s9;
	s0 =	simm.s32 @!p0 $0x0  }
0x12: {  	s1 =	sld [smem:$0x3F97];
	s0 =	simm.s32 @p0 $0x1  }
0x13: {  	[smem:$0x3FB2] =	sst s0;
	s0 =	simm.s32 @!p1 $0x0  }
0x14: {  	s2 =	sld [smem:$0x3F96];
	s0 =	simm.s32 @p1 $0x1  }
0x15: {  	[smem:$0x3FB3] =	sst s0;
	s0 =	simm.s32 @!p2 $0x0  }
0x16: {  	s3 =	sld [smem:$0x3FDB];
	s0 =	simm.s32 @p2 $0x1  }
0x17: {  	s4 =	simm.s32 $0x1BF5;
	[smem:$0x3FB5] =	sst s0  }
0x18: {  	s0 =	sld [smem:$0x3F98];
	_ =	swait.ge [sflag:s4], $0x0  }
0x19: {  	s7 =	sld [smem:$0x3F99]  }
0x1a: {  	s8 =	sadd.s32 $0xFFFFE003, lr  }
0x1b: {  	s9 =	sadd.s32 $0xFFFFFEF7, lr;
	s5 =	simm.s32 $0xFFFFFFFF;
	p2 =	slt.u32 s8, $0xFFFFF086  }
0x1c: {  	p1 =	slt.u32 s9, $0xF7A;
	s5 =	simm.s32 @!p2 $0x0  }
0x1d: {  	s5 =	simm.s32 @p1 $0x1;
	p0 =	seq.s32 s7, s2  }
0x1e: {  	s7 =	smul.u32 @!p0 $0xF7A, s2;
	p2 =	seq.s32 @!p0 s5, $0x0  }
0x1f: {  	s9 =	smul.u32 $0xF7A, s1;
	s8 =	simm.s32 @!p0 $0x1BF5;
	p2 =	por !p2, p0  }
0x20: {  	[sflag:s8] =	ssyncset.s32 @!p0 $0xFFFFF086;
	s6 =	sadd.s32 @!p0 s3, s7;
	s7 =	simm.s32 @!p0 $0x108  }
0x21: {  	s3 =	sadd.s32 s3, s9;
	s6 =	sadd.s32 @!p0 $0x88, s6;
	s7 =	simm.s32 @p2 $0x1082  }
0x22: {  	[simem:s7], [sflag:s8] =	dma.local @!p0 [hbm:s6], $0xF7A  }
0x23: {  	s9 =	sor.u32 $0xD0000000, s2;
	s6 =	simm.s32 $0x108;
	_ =	swait.ge @!p0 [sflag:s8], $0x0  }
0x24: {  	s3 =	sadd.s32 $0x88, s3;
	s6 =	simm.s32 @!p1 $0x1082;
	[sflag:s4] =	ssyncset.s32 $0xFFFFF086  }
0x25: {  	[simem:s6], [sflag:s4] =	dma.local [hbm:s3], $0xF7A  }
0x26: {  	[smem:$0x3F99] =	sst s1;
	(tag) =	ssettag s2;
	_ =	strace s9  }
0x27: {  	s1 =	sld [smem:$0x3FA9]  }
0x28: {  	s2 =	sld [smem:$0x3FAA]  }
0x29: {  	s4 =	sld [smem:$0x3FAC]  }
0x2a: {  	p0 =	seq.s32 s5, $0x0;
	s5 =	sld [smem:$0x3FAD]  }
0x2b: {  	s6 =	sld [smem:$0x3FAE]  }
0x2c: {  	s7 =	sld [smem:$0x3FAF]  }
0x2d: {  	s3 =	simm.s32 $0x108;
	s8 =	sld [smem:$0x3FB0]  }
0x2e: {  	s3 =	simm.s32 @!p0 $0x1082;
	s9 =	sld [smem:$0x3FB1]  }
0x2f: {  	lr =	sadd.s32 s0, s3;
	s0 =	sld [smem:$0x3FA8]  }
0x30: {  	s3 =	sld [smem:$0x3FAB]  }
0x31: {  	[smem:$0x3FB4] =	sst s10  }
0x32: {  	s10 =	sld [smem:$0x3FB2];
	_ =	sdelay $0x3  }
0x33: {  	p0 =	seq.s32 s10, $0x1;
	s10 =	sld [smem:$0x3FB4];
	_ =	sdelay $0x3  }
0x34: {  	[smem:$0x3FB4] =	sst s10  }
0x35: {  	s10 =	sld [smem:$0x3FB3];
	_ =	sdelay $0x3  }
0x36: {  	p1 =	seq.s32 s10, $0x1;
	s10 =	sld [smem:$0x3FB4];
	_ =	sdelay $0x3  }
0x37: {  	[smem:$0x3FB4] =	sst s10  }
0x38: {  	s10 =	sld [smem:$0x3FB5]  }
0x39: {  	_ = 	snop;
	(pc) =	sbr.ind lr, $3  }
0x3a: {  	_ = 	snop  }
0x3b: {  	_ = 	snop  }
0x3c: {  	p2 =	seq.s32 s10, $0x1;
	s10 =	sld [smem:$0x3FB4]  }
0x3d: {  	_ =	shalt  }
0x3e: {  	_ =	shalt  }
0x3f: {  	_ =	shalt  }
0x40: {  	_ =	shalt  }
0x41: {  	_ =	shalt  }
0x42: {  	_ =	shalt  }
0x43: {  	_ =	shalt  }
0x44: {  	_ =	shalt  }
0x45: {  	_ =	shalt  }
0x46: {  	_ =	shalt  }
0x47: {  	_ =	shalt  }
0x48: {  	_ =	shalt  }
0x49: {  	_ =	shalt  }
0x4a: {  	_ =	shalt  }
0x4b: {  	_ =	shalt  }
0x4c: {  	_ =	shalt  }
0x4d: {  	_ =	shalt  }
0x4e: {  	_ =	shalt  }
0x4f: {  	_ =	shalt  }
0x50: {  	_ =	shalt  }
0x51: {  	_ =	shalt  }
0x52: {  	_ =	shalt  }
0x53: {  	_ =	shalt  }
0x54: {  	_ =	shalt  }
0x55: {  	_ =	shalt  }
0x56: {  	_ =	shalt  }
0x57: {  	_ =	shalt  }
0x58: {  	_ =	shalt  }
0x59: {  	_ =	shalt  }
0x5a: {  	_ =	shalt  }
0x5b: {  	_ =	shalt  }
0x5c: {  	_ =	shalt  }
0x5d: {  	_ =	shalt  }
0x5e: {  	_ =	shalt  }
0x5f: {  	_ =	shalt  }
0x60: {  	_ =	shalt  }
0x61: {  	_ =	shalt  }
0x62: {  	_ =	shalt  }
0x63: {  	_ =	shalt  }
0x64: {  	_ =	shalt  }
0x65: {  	_ =	shalt  }
0x66: {  	_ =	shalt  }
0x67: {  	_ =	shalt  }
0x68: {  	_ =	shalt  }
0x69: {  	_ =	shalt  }
0x6a: {  	_ =	shalt  }
0x6b: {  	_ =	shalt  }
0x6c: {  	_ =	shalt  }
0x6d: {  	_ =	shalt  }
0x6e: {  	_ =	shalt  }
0x6f: {  	_ =	shalt  }
0x70: {  	_ =	shalt  }
0x71: {  	_ =	shalt  }
0x72: {  	_ =	shalt  }
0x73: {  	_ =	shalt  }
0x74: {  	_ =	shalt  }
0x75: {  	_ =	shalt  }
0x76: {  	_ =	shalt  }
0x77: {  	_ =	shalt  }
0x78: {  	_ =	shalt  }
0x79: {  	_ =	shalt  }
0x7a: {  	_ =	shalt  }
0x7b: {  	_ =	shalt  }
0x7c: {  	_ =	shalt  }
0x7d: {  	_ =	shalt  }
0x7e: {  	_ =	shalt  }
0x7f: {  	_ =	shalt  }
0x80: {  	_ =	shalt  }
0x81: {  	_ =	shalt  }
0x82: {  	_ =	shalt  }
0x83: {  	_ =	shalt  }
0x84: {  	_ =	shalt  }
0x85: {  	_ =	shalt  }
0x86: {  	_ =	shalt  }
0x87: {  	_ =	shalt  }
.Lfunc_end0:
.L_simem_size_0:
called_computation.3_lowered:
.L_overlay_start_0:
0x88: {  	s0 =	sld [smem:$0x3FD9]  }
0x89: {  	s1 =	sld [smem:$0x3FFE];
	_ =	sdelay $0x3  }
0x8a: {  	s0 =	sadd.s32 s1, s0  }
0x8b: {  	[smem:$0x3FC0] =	sst s0  }
0x8c: {  	_ = 	snop  }
0x8d: {  	(tm) =	ssettm $0x1  }
0x8e: {  	s14 =	sld [smem:$0x3FFB];
	_ =	sdelay $0x3  }
0x8f: {  	_ =	strace s14  }
0x90: {  	s0 =	sld [smem:$0x3FFC];
	_ =	sdelay $0x3  }
0x91: {  	_ =	strace s0  }
0x92: {  	s0 =	sld [smem:$0x3FFD];
	_ =	sdelay $0x3  }
0x93: {  	_ =	strace s0  }
0x94: {  	_ =	strace $0x8FFFFFFF  }
0x95: {  	s15 =	sld [smem:$0x3FDB];
	_ =	sdelay $0x1  }
0x96: {  	s16 =	simm.s32 $_scs_section_size  }
0x97: {  	s2 =	simm.s32 $_size__tile_overlayer_lowered;
	s3 =	simm.s32 $_tile_overlayer_lowered  }
0x98: {  	s4 =	simm.s32 $0x1BFF;
	s17 =	sshll.u32 s3, $0x1;
	s1 =	sadd.s32 s16, s15  }
0x99: {  	s18 =	simm.s32 $0x0;
	s2 =	sshll.u32 s2, $0x1;
	s3 =	sadd.s32 s17, s1  }
0x9a: {  	[timem:s18], [sflag:s4] =	dma.local [hbm:s3], s2  }
0x9b: {  	_ =	swait.ge [sflag:s4], s2  }
0x9c: {  	s2 =	ssub.s32 $0x0, s2;
	[sflag:s4] =	ssyncset.done $0x0  }
0x9d: {  	[sflag:s4] =	ssyncadd.s32 s2;
	_ =	sdelay $0x1  }
0x9e: {  	s19 =	simm.s32 $0x1B8B  }
0x9f: {  	_ =	swait.ge [sflag:s19], $0x1  }
0xa0: {  	[sflag:s19] =	ssyncset.done $0x0  }
0xa1: {  	s21 =	simm.s32 $0x1B8E;
	s20 =	sld [smem:$0x3FFE];
	[sflag:s19] =	ssyncadd.s32 $0xFFFFFFFF  }
0xa2: {  	s22 =	simm.s32 $execute0_lowered;
	[smem:$0x3FD2] =	sst s21  }
0xa3: {  	s3 =	sshll.u32 s22, $0x1;
	_ =	strace $0x8000005E;
	[dreg:$0x1] =	wrdreg $0xFFFFFFFF  }
0xa4: {  	s23 =	simm.s32 $_size_execute0_lowered;
	s3 =	sadd.s32 s1, s3;
	[dreg:$0x0] =	wrdreg $0x0  }
0xa5: {  	s4 =	sshll.u32 s23, $0x1;
	[dreg:$0x2] =	wrdreg s3  }
0xa6: {  	[dreg:$0x3] =	wrdreg s4  }
0xa7: {  	[dreg:$0x4] =	wrdreg $0xC0  }
0xa8: {  	s24 =	simm.s32 $execute1_lowered;
	_ =	task [dreg:s18], $0x5FFFF  }
0xa9: {  	s3 =	sshll.u32 s24, $0x1;
	[dreg:$0x1] =	wrdreg $0xFFFFFFFF  }
0xaa: {  	s1 =	sadd.s32 s1, s3;
	[dreg:$0x0] =	wrdreg $0x60  }
0xab: {  	[dreg:$0x2] =	wrdreg s1  }
0xac: {  	[dreg:$0x3] =	wrdreg s20  }
0xad: {  	[dreg:$0x4] =	wrdreg $0xF  }
0xae: {  	_ =	task.clear_ibuf [dreg:s18], $0x5FFFF;
	_ =	strace $0x9000005E  }
0xaf: {  	s25 =	simm.s32 $0xF;
	_ =	strace $0x80000060  }
0xb0: {  	_ =	swait.ge [sflag:s25], $0x1  }
0xb1: {  	[sflag:s25] =	ssyncadd.s32 $0xFFFFFFFF  }
0xb2: {  	_ =	strace $0x90000060  }
0xb3: {  	_ =	strace $0x80000061;
	[dreg:$0x1] =	wrdreg $0xFFFFFFFF  }
0xb4: {  	[dreg:$0x0] =	wrdreg $0x2030  }
0xb5: {  	[dreg:$0x2] =	wrdreg s20  }
0xb6: {  	[dreg:$0x3] =	wrdreg $0x10  }
0xb7: {  	_ =	task.clear_ibuf [dreg:s18], $0x4FFFF;
	_ =	strace $0x90000061  }
0xb8: {  	s26 =	simm.s32 $0x10;
	_ =	strace $0x80000063  }
0xb9: {  	_ =	swait.ge [sflag:s26], $0x1  }
0xba: {  	[sflag:s26] =	ssyncadd.s32 $0xFFFFFFFF  }
0xbb: {  	_ =	strace $0x90000063  }
0xbc: {  	_ =	sfence  }
0xbd: {  	s28 =	sld [smem:$0x0];
	_ =	sdelay $0x1  }
0xbe: {  	s29 =	srdreg.scid  }
0xbf: {  	s30 =	sshll.u32 s29, $0xD;
	s31 =	sshrl.u32 s29, $0x2  }
0xc0: {  	s2 =	sand.u32 $0x1, s29;
	s3 =	sand.u32 $0x4000, s30;
	s1 =	sadd.s32 s31, s28  }
0xc1: {  	s2 =	sor.u32 s3, s2;
	s1 =	sshll.u32 s1, $0x11  }
0xc2: {  	s1 =	sor.u32 s1, s2  }
0xc3: {  	s1 =	sadd.s32 $0x8F2B, s1  }
0xc4: {  	[sflag:s1] =	ssyncadd.remote.s32 $0x1  }
0xc5: {  	_ =	sfence.sel $0xFFFF  }
0xc6: {  	[dreg:$0x0] =	wrdreg $0xFFFFFFFF;
	(pc) =	sbr.abs _section_cstart, $3  }
0xc7: {  	[dreg:$0x1] =	wrdreg $0xFFFFFFFF  }
0xc8: {  	_ =	task.clear_ibuf [dreg:s18], $0x2FFFF;
	_ =	strace $0x9FFFFFFF  }
0xc9: {  	(tm) =	ssettm $0x7FFFFFFF  }
tec
execute0_lowered:
.L_overlay_start_1:
0x0: {  	(tag) =	ssettag $0x1  }
0x1: {  	s3 =	rddreg [dreg:$0x0]  }
0x2: {  	s2 =	rddreg [dreg:$0x1]  }
0x3: {  	s0 =	rddreg [dreg:$0x2];
	s4 =	stileid.u32;
	[bflag:$0x3] =	sbarrier.arrive $0xFFFF  }
0x4: {  	s1 =	simm.s32 $_size_execute1_lowered;
	s7 =	simm.s32 $0x2;
	p0 =	sne.s32 s4, $0x0  }
0x5: {  	s1 =	sshll.u32 s1, $0x1;
	s5 =	simm.s32 @!p0 $0x1C3F;
	s6 =	simm.s32 @!p0 $0x4060  }
0x6: {  	[timem:s6], [sflag:s5] =	dma.local @!p0 [hbm:s3], s1  }
.Ltmp0:
0x7: {  	s8 =	simm.s32 $0x0;
	s12 =	simm.s32 $0x0;
	(pc) =	sbr.rel .LBB2_1-.Ltmp0, $4  }
0x8: {  	s10 =	simm.s32 $0x0;
	s11 =	simm.s32 $0x0;
	s3 =	sshll.u32 s4, $0x7  }
0x9: {  	s5 =	simm.s32 $0x1;
	_ =	strace $0x8000005F;
	s31 =	ssub.s32 $0x2700, s3  }
0xa: {  	s4 =	sadd.s32 $0xF0200, s2;
	[sflag:s5] =	ssyncpa.u1 $0x0;
	s6 =	sshrl.u32 s31, $0xB  }
0xb: {  	s9 =	smov.u32 s3;
	[sflag:s7] =	ssyncpa.u1 $0x0;
	s7 =	sadd.s32 $0x2, s6  }
.LBB2_4:
0xc: {  	_ = 	snop  }
.LBB2_7:
0xd: {  	_ =	sdelay $0x3  }
0xe: {  	[tilespmem:v0+s16+$0x0 ss:$0x1] =	vst.idx.msk @p1 $0xffff, v2  }
0xf: {  	v56 =	vld.idx.msk [tilespmem:v1+s15+$0x0 ss:$0x1], $0xffff;
	s24 =	sor.u32 $0x70, s15;
	[tilespmem:v0+s17+$0x0 ss:$0x1] =	vst.idx.msk @p1 $0xffff, v4  }
0x10: {  	s25 =	sor.u32 $0x10, s15;
	[tilespmem:v0+s18+$0x0 ss:$0x1] =	vst.idx.msk @p1 $0xffff, v3;
	v57 =	vld.idx.msk [tilespmem:v1+s24+$0x0 ss:$0x1], $0xffff  }
0x11: {  	s26 =	sor.u32 $0x20, s15;
	[tilespmem:v0+s19+$0x0 ss:$0x1] =	vst.idx.msk @p1 $0xffff, v5;
	v58 =	vld.idx.msk [tilespmem:v1+s25+$0x0 ss:$0x1], $0xffff  }
0x12: {  	s28 =	sor.u32 $0x30, s15;
	[tilespmem:v0+s20+$0x0 ss:$0x1] =	vst.idx.msk @p1 $0xffff, v6;
	v59 =	vld.idx.msk [tilespmem:v1+s26+$0x0 ss:$0x1], $0xffff  }
0x13: {  	s29 =	sor.u32 $0x40, s15;
	[tilespmem:v0+s21+$0x0 ss:$0x1] =	vst.idx.msk @p1 $0xffff, v7;
	v60 =	vld.idx.msk [tilespmem:v1+s28+$0x0 ss:$0x1], $0xffff  }
0x14: {  	s30 =	sor.u32 $0x50, s15;
	v61 =	vld.idx.msk [tilespmem:v1+s29+$0x0 ss:$0x1], $0xffff;
	[tilespmem:v0+s15+$0x0 ss:$0x1] =	vst.idx.msk $0xffff, v56  }
0x15: {  	s31 =	sor.u32 $0x60, s15;
	v62 =	vld.idx.msk [tilespmem:v1+s30+$0x0 ss:$0x1], $0xffff;
	[tilespmem:v0+s24+$0x0 ss:$0x1] =	vst.idx.msk $0xffff, v57  }
0x16: {  	v63 =	vld.idx.msk [tilespmem:v1+s31+$0x0 ss:$0x1], $0xffff;
	[tilespmem:v0+s25+$0x0 ss:$0x1] =	vst.idx.msk $0xffff, v58  }
0x17: {  	[tilespmem:v0+s26+$0x0 ss:$0x1] =	vst.idx.msk $0xffff, v59  }
0x18: {  	[tilespmem:v0+s28+$0x0 ss:$0x1] =	vst.idx.msk $0xffff, v60  }
0x19: {  	[tilespmem:v0+s29+$0x0 ss:$0x1] =	vst.idx.msk $0xffff, v61  }
0x1a: {  	[tilespmem:v0+s30+$0x0 ss:$0x1] =	vst.idx.msk $0xffff, v62  }
0x1b: {  	[tilespmem:v0+s31+$0x0 ss:$0x1] =	vst.idx.msk $0xffff, v63  }
.LBB2_8:
0x1c: {  	s15 =	sand.u32 $0x1FFFFFF, s10  }
0x1d: {  	s16 =	smulhi.u32 $0x1A36E2F, s15;
	_ =	sdelay $0x1  }
0x1e: {  	s16 =	sshrl.u32 s16, $0x6  }
0x1f: {  	s16 =	smul.u32 $0x2710, s16;
	_ =	sdelay $0x1  }
0x20: {  	s15 =	ssub.s32 s15, s16  }
0x21: {  	s15 =	sshll.u32 s15, $0x4  }
0x22: {  	s15 =	sadd.s32 s4, s15  }
0x23: {  	[hbm4b:s15+s8] =	stream.linear.scatter [tilespmem:s14], [sflag:$0x2], s13, $0x38;
	[tilespmem:$0x10000] =	vst v63  }
.LBB2_9:
0x24: {  	p1 =	slt.u32 s11, $0x2  }
0x25: {  	p2 =	sgt.s32 @!p1 s12, $0x2690  }
0x26: {  	s13 =	smov.u32 s12;
	s14 =	sshra.s32 @!p1 s12, $0x1F;
	p2 =	por !p2, p1  }
0x27: {  	s12 =	sand.u32 @!p1 s14, s12;
	s13 =	simm.s32 @p2 $0x2690  }
0x28: {  	s12 =	ssub.s32 @!p1 s13, s12  }
0x29: {  	s12 =	sadd.s32 @!p1 $0xFFFFD970, s12  }
0x2a: {  	s13 =	sshll.u32 @!p1 s12, $0x9  }
0x2b: {  	p2 =	sgt.s32 @!p1 s12, $0x7F;
	s12 =	ssub.s32 @!p1 $0x10000, s13  }
0x2c: {  	s14 =	sadd.s32 $0x800, s9;
	p2 =	por !p2, p1;
	s12 =	sshrl.u32 @!p1 s12, $0x2  }
0x2d: {  	s12 =	simm.s32 @!p2 $0x0;
	p2 =	sgt.s32 s14, $0x270F  }
0x2e: {  	s14 =	smov.u32 @p2 s3;
	p2 =	sne.s32 s11, s7  }
.Ltmp1:
0x2f: {  	_ = 	snop;
	(pc) =	sbr.rel @!p2 .LBB2_10-.Ltmp1, $4  }
0x30: {  	s13 =	simm.s32 @!p1 $0x2  }
0x31: {  	_ =	swait.ge @!p1 [sflag:s13], s12;
	s15 =	ssub.s32 @!p1 $0x0, s12  }
0x32: {  	s12 =	smov.u32 s10;
	s11 =	sadd.s32 $0x1, s11;
	[sflag:s13] =	ssyncset.done @!p1 $0x0  }
0x33: {  	s10 =	smov.u32 s9;
	s9 =	smov.u32 s14;
	[sflag:s13] =	ssyncadd.s32 @!p1 s15  }
.LBB2_1:
0x34: {  	p1 =	sgt.u32 s11, s6  }
0x35: {  	s13 =	sand.u32 @!p1 $0x1FFFFFF, s9  }
0x36: {  	p2 =	sgt.s32 @!p1 s9, $0x2690;
	s14 =	smulhi.u32 @!p1 $0x1A36E2F, s13  }
0x37: {  	s15 =	smov.u32 s9;
	s16 =	sshra.s32 @!p1 s9, $0x1F;
	p2 =	por !p2, p1  }
0x38: {  	s16 =	sand.u32 @!p1 s16, s9;
	s15 =	simm.s32 @p2 $0x2690;
	s14 =	sshrl.u32 @!p1 s14, $0x6  }
0x39: {  	s15 =	ssub.s32 @!p1 s15, s16;
	s14 =	smul.u32 @!p1 $0x2710, s14  }
0x3a: {  	s16 =	sxor.u32 @!p1 $0xFFFFFFFF, s11;
	s15 =	sadd.s32 @!p1 $0xFFFFD970, s15  }
0x3b: {  	s16 =	sshll.u32 @!p1 s16, $0xE;
	s13 =	ssub.s32 @!p1 s13, s14;
	s14 =	sshll.u32 @!p1 s15, $0x9  }
0x3c: {  	s16 =	sand.u32 @!p1 $0x4000, s16;
	p2 =	sgt.s32 @!p1 s15, $0x7F;
	s14 =	ssub.s32 @!p1 $0x10000, s14  }
0x3d: {  	p2 =	por !p2, p1;
	s13 =	sshll.u32 @!p1 s13, $0x4;
	s14 =	sshrl.u32 @!p1 s14, $0x2  }
0x3e: {  	s15 =	simm.s32 @!p1 $0x0;
	s13 =	sadd.s32 @!p1 s2, s13;
	s14 =	simm.s32 @!p2 $0x0  }
0x3f: {  	[tilespmem:s16], [sflag:$0x1] =	stream.linear.gather @!p1 [hbm4b:s13+s15], s14, $0x38;
	[tilespmem:$0x10000] =	vst v63  }
0x40: {  	p1 =	seq.s32 s11, $0x0  }
0x41: {  	p2 =	sge.u32 @!p1 s11, s7  }
0x42: {  	p1 =	por p1, p2  }
.Ltmp2:
0x43: {  	_ = 	snop;
	(pc) =	sbr.rel @p1 .LBB2_9-.Ltmp2, $1  }
0x44: {  	_ =	sdelay $0x3  }
0x45: {  	p1 =	sgt.s32 s10, $0x2690;
	s13 =	smov.u32 s10;
	s14 =	sshra.s32 s10, $0x1F  }
0x46: {  	s13 =	simm.s32 @!p1 $0x2690;
	s14 =	sand.u32 s14, s10  }
0x47: {  	s13 =	ssub.s32 s13, s14  }
0x48: {  	s13 =	sadd.s32 $0xFFFFD970, s13  }
0x49: {  	s31 =	sshll.u32 s13, $0x9  }
0x4a: {  	s14 =	ssub.s32 $0x10000, s31  }
0x4b: {  	p1 =	sgt.s32 s13, $0x7F;
	s13 =	sshrl.u32 s14, $0x2;
	s14 =	sadd.s32 $0x80, s10  }
0x4c: {  	s13 =	simm.s32 @p1 $0x0;
	p1 =	slt.s32 s14, $0x2710  }
0x4d: {  	s14 =	simm.s32 @!p1 $0x2710  }
0x4e: {  	s16 =	ssub.s32 s14, s10  }
0x4f: {  	p1 =	slt.s32 s16, $0x1  }
.Ltmp3:
0x50: {  	_ = 	snop;
	(pc) =	sbr.rel @p1 .LBB2_8-.Ltmp3, $4  }
0x51: {  	_ = 	snop  }
0x52: {  	s15 =	sshll.u32 s11, $0xE;
	_ =	swait.ge [sflag:s5], s13  }
0x53: {  	s15 =	sand.u32 $0x4000, s15;
	s17 =	ssub.s32 $0x0, s13;
	[sflag:s5] =	ssyncset.done $0x0  }
0x54: {  	s14 =	sor.u32 $0x8000, s15;
	[sflag:s5] =	ssyncadd.s32 s17  }
0x55: {  	p2 =	sne.s32 s16, $0x1  }
.Ltmp4:
0x56: {  	v1 =	vmov s15;
	v0 =	vmov s14;
	(pc) =	sbr.rel @!p2 .LBB2_4-.Ltmp4, $3  }
0x57: {  	_ =	sdelay $0x1  }
0x58: {  	s17 =	simm.s32 $0x0  }
0x59: {  	s23 =	sadd.s32 $0xFFFFFFFF, s16;
	p1 =	por $0x0, $0x0;
	s15 =	sand.u32 $0x3F80, s17  }
0x5a: {  	_ =	sdelay $0x3  }
0x5b: {  	v6 =	vld.idx.msk [tilespmem:v1+s15+$0x0 ss:$0x1], $0xffff;
	s24 =	sor.u32 $0x70, s15  }
0x5c: {  	s16 =	sor.u32 $0x10, s15;
	v8 =	vld.idx.msk [tilespmem:v1+s24+$0x0 ss:$0x1], $0xffff  }
0x5d: {  	s17 =	sor.u32 $0x20, s15;
	p2 =	sne.s32 s23, $0x1;
	v2 =	vld.idx.msk [tilespmem:v1+s16+$0x0 ss:$0x1], $0xffff  }
.Ltmp5:
0x5e: {  	s18 =	sor.u32 $0x30, s15;
	v4 =	vld.idx.msk [tilespmem:v1+s17+$0x0 ss:$0x1], $0xffff;
	(pc) =	sbr.rel @!p2 .LBB2_7-.Ltmp5, $4  }
0x5f: {  	s19 =	sor.u32 $0x40, s15;
	v3 =	vld.idx.msk [tilespmem:v1+s18+$0x0 ss:$0x1], $0xffff  }
0x60: {  	s21 =	sor.u32 $0x60, s15;
	v5 =	vld.idx.msk [tilespmem:v1+s19+$0x0 ss:$0x1], $0xffff  }
0x61: {  	s20 =	sor.u32 $0x50, s15;
	s22 =	simm.s32 $0x80;
	v7 =	vld.idx.msk [tilespmem:v1+s21+$0x0 ss:$0x1], $0xffff;
	[tilespmem:v0+s15+$0x0 ss:$0x1] =	vst.idx.msk $0xffff, v6  }
0x62: {  	s23 =	sadd.s32 $0xFFFFFFFF, s23;
	p1 =	por $0x1, $0x1;
	v6 =	vld.idx.msk [tilespmem:v1+s20+$0x0 ss:$0x1], $0xffff;
	s15 =	sand.u32 $0x3F80, s22;
	[tilespmem:v0+s24+$0x0 ss:$0x1] =	vst.idx.msk $0xffff, v8  }
.LBB2_6:
0x63: {  	p2 =	sne.s32 s23, $0x1;
	v8 =	vld.idx.msk [tilespmem:v1+s15+$0x0 ss:$0x1], $0xffff;
	s24 =	sor.u32 $0x70, s15;
	[tilespmem:v0+s16+$0x0 ss:$0x1] =	vst.idx.msk $0xffff, v2;
	s16 =	sor.u32 $0x10, s15  }
0x64: {  	s25 =	sor.u32 $0x30, s15;
	s26 =	sor.u32 $0x40, s15;
	v9 =	vld.idx.msk [tilespmem:v1+s24+$0x0 ss:$0x1], $0xffff;
	[tilespmem:v0+s17+$0x0 ss:$0x1] =	vst.idx.msk $0xffff, v4;
	s17 =	sor.u32 $0x20, s15  }
0x65: {  	s28 =	sor.u32 $0x50, s15;
	s29 =	sor.u32 $0x60, s15;
	v2 =	vld.idx.msk [tilespmem:v1+s16+$0x0 ss:$0x1], $0xffff;
	[tilespmem:v0+s18+$0x0 ss:$0x1] =	vst.idx.msk $0xffff, v3;
	s18 =	smov.u32 s25  }
.Ltmp6:
0x66: {  	v4 =	vld.idx.msk [tilespmem:v1+s17+$0x0 ss:$0x1], $0xffff;
	[tilespmem:v0+s19+$0x0 ss:$0x1] =	vst.idx.msk $0xffff, v5;
	s19 =	smov.u32 s26;
	(pc) =	sbr.rel @p2 .LBB2_6-.Ltmp6, $4  }
0x67: {  	v3 =	vld.idx.msk [tilespmem:v1+s18+$0x0 ss:$0x1], $0xffff;
	[tilespmem:v0+s20+$0x0 ss:$0x1] =	vst.idx.msk $0xffff, v6;
	s20 =	smov.u32 s28  }
0x68: {  	v5 =	vld.idx.msk [tilespmem:v1+s19+$0x0 ss:$0x1], $0xffff;
	[tilespmem:v0+s21+$0x0 ss:$0x1] =	vst.idx.msk $0xffff, v7;
	s21 =	smov.u32 s29  }
0x69: {  	s22 =	sadd.s32 $0x80, s22;
	[tilespmem:v0+s15+$0x0 ss:$0x1] =	vst.idx.msk $0xffff, v8;
	v6 =	vld.idx.msk [tilespmem:v1+s20+$0x0 ss:$0x1], $0xffff  }
0x6a: {  	s23 =	sadd.s32 $0xFFFFFFFF, s23;
	s15 =	sand.u32 $0x3F80, s22;
	v7 =	vld.idx.msk [tilespmem:v1+s21+$0x0 ss:$0x1], $0xffff;
	[tilespmem:v0+s24+$0x0 ss:$0x1] =	vst.idx.msk $0xffff, v9  }
.Ltmp7:
0x6b: {  	_ = 	snop;
	(pc) =	sbr.rel .LBB2_7-.Ltmp7, $1  }
0x6c: {  	_ =	sdelay $0x3  }
.LBB2_10:
0x6d: {  	_ =	sfence.sel $0x180000  }
0x6e: {  	s2 =	simm.s32 $0x1;
	[bflag:$0x0] =	sbarrier.arrive $0xFFFF  }
0x6f: {  	s31 =	simm.s32 $0x2;
	[sflag:s2] =	ssyncpa.u1 $0x1  }
0x70: {  	[sflag:s31] =	ssyncpa.u1 $0x1  }
0x71: {  	_ =	strace $0x9000005F  }
0x72: {  	s0 =	sadd.s32 @!p0 $0x100000, s0;
	[bflag:$0x2] =	sbarrier.arrive $0xFFFF  }
0x73: {  	[sflag:s0] =	ssyncadd.tile.s32 @!p0 $0x1;
	s0 =	simm.s32 @!p0 $0x3F  }
0x74: {  	_ =	swait.ge @!p0 [sflag:s0], s1  }
0x75: {  	s1 =	ssub.s32 @!p0 $0x0, s1;
	[sflag:s0] =	ssyncset.done @!p0 $0x0  }
0x76: {  	[sflag:s0] =	ssyncadd.s32 @!p0 s1  }
0x77: {  	[bflag:$0x3] =	sbarrier.arrive $0xFFFF  }
0x78: {  	_ =	shalt  }
.Lfunc_end2:
execute1_lowered:
.L_overlay_start_2:
0x79: {  	(tag) =	ssettag $0x2  }
0x7a: {  	s0 =	rddreg [dreg:$0x0];
	_ =	strace $0x80000062;
	s1 =	simm.s32 $0x1  }
0x7b: {  	s8 =	simm.s32 $0x108;
	v0 =	vimm.s32 $0x0;
	[sflag:s1] =	ssyncpa.u1 $0x0  }
0x7c: {  	[tilespmem:s8+$0x70] =	vst v0  }
0x7d: {  	[tilespmem:s8+$0x60] =	vst v0  }
0x7e: {  	[tilespmem:s8+$0x50] =	vst v0  }
0x7f: {  	[tilespmem:s8+$0x40] =	vst v0  }
0x80: {  	[tilespmem:s8+$0x30] =	vst v0  }
0x81: {  	s2 =	simm.s32 $0x40;
	s1 =	sadd.s32 $0xF0200, s0;
	[tilespmem:s8+$0x20] =	vst v0  }
0x82: {  	s3 =	sadd.s32 $0x3B600, s0;
	s4 =	sadd.s32 $0x2495C00, s0;
	s5 =	sadd.s32 $0x8C400, s0;
	[tilespmem:s8+$0x10] =	vst v0  }
.LBB3_1:
0x83: {  	s2 =	sadd.s32 $0x40, s2;
	[tilespmem:s8+$0x0] =	vst v0;
	s8 =	sadd.s32 $0x80, s8  }
0x84: {  	p0 =	slt.u32 s2, $0x3C40;
	[tilespmem:s8+$0x70] =	vst v0  }
0x85: {  	[tilespmem:s8+$0x60] =	vst v0  }
.Ltmp8:
0x86: {  	[tilespmem:s8+$0x50] =	vst v0;
	(pc) =	sbr.rel @p0 .LBB3_1-.Ltmp8, $4  }
0x87: {  	[tilespmem:s8+$0x40] =	vst v0  }
0x88: {  	[tilespmem:s8+$0x30] =	vst v0  }
0x89: {  	[tilespmem:s8+$0x20] =	vst v0  }
0x8a: {  	[tilespmem:s8+$0x10] =	vst v0  }
0x8b: {  	s13 =	stileid.u32  }
0x8c: {  	s0 =	simm.s32 $0x4FB0;
	s6 =	smul.u32 $0x50A0, s13;
	p0 =	seq.s32 s13, $0xF  }
0x8d: {  	s0 =	simm.s32 @!p0 $0x50A0  }
0x8e: {  	s0 =	sadd.s32 s6, s0  }
0x8f: {  	s7 =	smin.u32 s0, $0x50910  }
0x90: {  	s0 =	ssub.s32 s7, s6  }
0x91: {  	p0 =	sgt.s32 s0, $0x0  }
0x92: {  	s0 =	simm.s32 @!p0 $0x0  }
0x93: {  	s2 =	simm.s32 $0x2;
	s9 =	simm.s32 $0x7;
	s31 =	smulhi.u32 $0x1111112, s0  }
0x94: {  	s10 =	simm.s32 $0x8;
	s19 =	simm.s32 $0x0;
	s15 =	simm.s32 $0xA  }
0x95: {  	s17 =	simm.s32 $0x0;
	s18 =	simm.s32 $0x0;
	s11 =	smul.u32 $0xF0, s31  }
.Ltmp9:
0x96: {  	[tilespmem:s8+$0x0] =	vst v0;
	v0 =	vimm.s32 $0xFFFFFFFF;
	[sflag:s2] =	ssyncpa.u1 $0x0;
	s13 =	sshll.u32 s13, $0x8;
	(pc) =	sbr.rel .LBB3_3-.Ltmp9, $4  }
0x97: {  	[tilespmem:$0xF208] =	vst v0;
	[sflag:s9] =	ssyncpa.u1 $0x0;
	p0 =	sne.s32 s0, s11;
	s0 =	simm.s32 $0x1  }
0x98: {  	[sflag:s10] =	ssyncpa.u1 $0x0;
	s10 =	simm.s32 $0x9;
	s0 =	simm.s32 @!p0 $0x0  }
0x99: {  	s16 =	smov.u32 s6;
	[sflag:s10] =	ssyncpa.u1 $0x0;
	s12 =	sadd.s32 s0, s31  }
0x9a: {  	v0 =	vlaneseq.u32;
	s11 =	simm.s32 $0x1;
	p0 =	por $0x0, $0x0;
	s14 =	sadd.s32 $0x1, s12  }
.LBB3_18:
0x9b: {  	s0 =	sshrl.u32 s28, $0x2  }
.LBB3_20:
0x9c: {  	_ =	swait.ge [sflag:s15], s0  }
0x9d: {  	s31 =	ssub.s32 $0x0, s0;
	v1 =	vmov s21;
	vm0 =	veq.s32 v0, $0x0;
	[sflag:s15] =	ssyncset.done $0x0  }
0x9e: {  	vm15 =	veq.s32 v0, $0x2;
	v1 =	vsel vm0, s26, v1;
	[sflag:s15] =	ssyncadd.s32 s31  }
0x9f: {  	v1 =	vsel vm15, s19, v1;
	[sflag:s15] =	ssyncpa.u1 $0x1  }
0xa0: {  	[tilespmem:$0xF208] =	vst v1  }
.LBB3_21:
0xa1: {  	s0 =	sadd.s32 $0xF0, s16  }
0xa2: {  	s2 =	smov.u32 s6;
	p1 =	slt.s32 s0, s7  }
0xa3: {  	s2 =	smov.u32 @p1 s0;
	p1 =	sne.s32 s18, s14  }
.Ltmp10:
0xa4: {  	_ = 	snop;
	(pc) =	sbr.rel @!p1 .LBB3_22-.Ltmp10, $3  }
0xa5: {  	_ =	sdelay $0x1  }
0xa6: {  	s19 =	smov.u32 s17;
	s31 =	sadd.s32 $0x1, s18;
	s17 =	smov.u32 s16  }
0xa7: {  	p0 =	por !p0, !p0;
	s18 =	smov.u32 s31;
	s16 =	smov.u32 s2  }
.LBB3_3:
0xa8: {  	p1 =	sge.u32 s18, s12  }
0xa9: {  	s0 =	smulhi.u32 @!p1 $0xAAAAAAAB, s18  }
0xaa: {  	s2 =	smov.u32 s16;
	p2 =	sgt.s32 @!p1 s16, $0x50820  }
0xab: {  	s20 =	sshra.s32 @!p1 s16, $0x1F;
	p2 =	por !p2, p1;
	s0 =	sshrl.u32 @!p1 s0, $0x1  }
0xac: {  	s20 =	sand.u32 @!p1 s20, s16;
	s2 =	simm.s32 @p2 $0x50820;
	s0 =	smul.u32 @!p1 $0x3, s0  }
0xad: {  	s2 =	ssub.s32 @!p1 s2, s20  }
0xae: {  	s2 =	sadd.s32 @!p1 $0xFFFAF7E0, s2;
	s0 =	ssub.s32 @!p1 s18, s0  }
0xaf: {  	s20 =	sshll.u32 @!p1 s2, $0x2;
	p2 =	sgt.s32 @!p1 s2, $0xEF;
	s0 =	smul.u32 @!p1 $0x3C0, s0  }
0xb0: {  	s21 =	sand.u32 @!p1 $0x7, s16;
	s2 =	ssub.s32 @!p1 $0x3C0, s20;
	p2 =	por !p2, p1  }
0xb1: {  	s20 =	sshrl.u32 @!p1 s16, $0x3;
	s2 =	sshrl.u32 @!p1 s2, $0x2;
	s0 =	sshrl.u32 @!p1 s0, $0x2  }
0xb2: {  	s20 =	sadd.s32 @!p1 s5, s20;
	s2 =	simm.s32 @!p2 $0x0;
	s0 =	sadd.s32 @!p1 $0x10238, s0  }
0xb3: {  	[tilespmem:s0], [sflag:$0x8] =	stream.linear.gather @!p1 [hbm4b:s20+s21], s2, $0x38;
	[tilespmem:$0x1F6E8] =	vst v63  }
0xb4: {  	s0 =	sadd.s32 $0xFFFFFFFF, s18  }
0xb5: {  	p1 =	sge.u32 s0, s12  }
0xb6: {  	p2 =	sgt.s32 @!p1 s17, $0x50820  }
0xb7: {  	s2 =	smov.u32 s17;
	s20 =	sshra.s32 @!p1 s17, $0x1F;
	p2 =	por !p2, p1  }
0xb8: {  	s20 =	sand.u32 @!p1 s20, s17;
	s2 =	simm.s32 @p2 $0x50820  }
0xb9: {  	s2 =	ssub.s32 @!p1 s2, s20  }
0xba: {  	s2 =	sadd.s32 @!p1 $0xFFFAF7E0, s2  }
0xbb: {  	s21 =	smulhi.u32 @!p1 $0xAAAAAAAB, s0;
	s22 =	sand.u32 @!p1 $0x1, s0;
	s20 =	sshll.u32 @!p1 s2, $0x2  }
0xbc: {  	s24 =	smul.u32 @!p1 $0x3C0, s22;
	p2 =	sgt.s32 @!p1 s2, $0xEF;
	s2 =	ssub.s32 @!p1 $0x3C0, s20  }
0xbd: {  	p2 =	por !p2, p1;
	s20 =	sshrl.u32 @!p1 s21, $0x1;
	s2 =	sshrl.u32 @!p1 s2, $0x2  }
0xbe: {  	s21 =	simm.s32 @!p1 $0x8;
	s20 =	smul.u32 @!p1 $0x3, s20;
	s2 =	simm.s32 @!p2 $0x0  }
0xbf: {  	s22 =	smul.u32 @!p1 $0x1E000, s22;
	_ =	swait.ge @!p1 [sflag:s21], s2;
	s23 =	ssub.s32 @!p1 $0x0, s2  }
0xc0: {  	s0 =	ssub.s32 @!p1 s0, s20;
	s20 =	sshrl.u32 @!p1 s17, $0x3;
	[sflag:s21] =	ssyncset.done @!p1 $0x0  }
0xc1: {  	s20 =	sadd.s32 @!p1 s3, s20;
	[sflag:s21] =	ssyncadd.s32 @!p1 s23;
	s21 =	sshrl.u32 @!p1 s24, $0x2  }
0xc2: {  	s0 =	smul.u32 @!p1 $0x3C0, s0;
	s23 =	sand.u32 @!p1 $0x7, s17;
	s21 =	sor.u32 @!p1 $0x10508, s21  }
0xc3: {  	[tilespmem:s21], [sflag:$0x9] =	stream.linear.gather @!p1 [hbm4b:s20+s23], s2, $0x38;
	[tilespmem:$0x1F6E8] =	vst v63  }
0xc4: {  	s0 =	sshrl.u32 @!p1 s0, $0x2;
	s2 =	sshrl.u32 @!p1 s22, $0x2  }
0xc5: {  	s0 =	sadd.s32 @!p1 $0x10238, s0;
	s20 =	simm.s32 @!p1 $0xF0;
	s2 =	sor.u32 @!p1 $0x106E8, s2  }
0xc6: {  	[tilespmem:s2], [sflag:$0x7] =	stream.indirect.gather @!p1 [hbm4b:s4+s20], $0x80, s0, s20, $0xb8;
	[tilespmem:$0x1F6E8] =	vst v63  }
0xc7: {  	p1 =	slt.u32 s18, $0x2  }
.Ltmp11:
0xc8: {  	_ = 	snop;
	(pc) =	sbr.rel @p1 .LBB3_21-.Ltmp11, $1  }
0xc9: {  	_ =	sdelay $0x3  }
0xca: {  	p1 =	sgt.s32 s19, $0x50820;
	s0 =	smov.u32 s19;
	s2 =	sshra.s32 s19, $0x1F  }
0xcb: {  	s0 =	simm.s32 @!p1 $0x50820;
	s2 =	sand.u32 s2, s19  }
0xcc: {  	s0 =	ssub.s32 s0, s2  }
0xcd: {  	s0 =	sadd.s32 $0xFFFAF7E0, s0  }
0xce: {  	s30 =	sshll.u32 s0, $0x2  }
0xcf: {  	_ =	swait.ge [sflag:s9], $0x7800;
	s2 =	ssub.s32 $0x3C0, s30  }
0xd0: {  	[sflag:s9] =	ssyncset.done $0x0;
	p1 =	sgt.s32 s0, $0xEF;
	s0 =	sshrl.u32 s2, $0x2  }
0xd1: {  	[sflag:s9] =	ssyncadd.s32 $0xFFFF8800;
	s0 =	simm.s32 @p1 $0x0  }
0xd2: {  	_ =	swait.ge [sflag:s10], s0  }
0xd3: {  	s0 =	ssub.s32 $0x0, s0;
	[sflag:s10] =	ssyncset.done $0x0  }
0xd4: {  	[sflag:s10] =	ssyncadd.s32 s0  }
0xd5: {  	v1 =	vld [tilespmem:$0xF208];
	_ =	sdelay $0x4  }
0xd6: {  	(v2sf) =	vpush v1, $0x0  }
0xd7: {  	(v2sf) =	vpush v1, $0x1  }
0xd8: {  	(v2sf) =	vpush v1, $0x2;
	_ =	sdelay $0x3  }
0xd9: {  	s0 =	sadd.s32 $0xF0, s19  }
0xda: {  	s2 =	ssub.s32 $0x50910, s19;
	p1 =	slt.s32 s7, s0  }
0xdb: {  	s0 =	smov.u32 @p1 s7;
	p1 =	sgt.s32 s2, $0x0  }
0xdc: {  	s23 =	ssub.s32 s0, s19;
	s2 =	simm.s32 @!p1 $0x0  }
0xdd: {  	p1 =	slt.s32 s2, s23  }
0xde: {  	s23 =	smov.u32 @p1 s2  }
0xdf: {  	s22 =	simm.s32 $0x1;
	p1 =	slt.s32 s23, $0x1  }
.Ltmp12:
0xe0: {  	s22 =	simm.s32 @!p0 $0x0;
	(pc) =	sbr.rel @p1 .LBB3_8-.Ltmp12, $4  }
0xe1: {  	s31 =	smul.u32 $0x3C0, s22  }
0xe2: {  	s24 =	spop (v2sf)  }
0xe3: {  	s0 =	sshrl.u32 s31, $0x2;
	s26 =	spop (v2sf)  }
0xe4: {  	s20 =	sor.u32 $0x10508, s0;
	s19 =	spop (v2sf)  }
0xe5: {  	s0 =	smin.u32 s23, $0x10  }
0xe6: {  	v1 =	vmov s0  }
0xe7: {  	p2 =	sgt.s32 s23, $0x10;
	vm1 =	vgt.u32 v1, v0  }
.Ltmp13:
0xe8: {  	_ = 	snop;
	(pc) =	sbr.rel @!p2 .LBB3_7-.Ltmp13, $2  }
0xe9: {  	_ =	sdelay $0x2  }
0xea: {  	s25 =	simm.s32 $0x10;
	s28 =	sadd.s32 $0xFFFFFFF0, s23;
	s21 =	smov.u32 s20;
	vm0 =	vmmov vm1  }
.LBB3_6:
0xeb: {  	s0 =	smin.u32 s28, $0x10;
	s25 =	sadd.s32 $0x10, s25;
	v1 =	vld.msk [tilespmem:s21+$0x0 ss:$0x1], vm1  }
0xec: {  	v2 =	vmov s0;
	p2 =	slt.s32 s25, s23  }
0xed: {  	vm1 =	vgt.u32 v2, v0  }
.Ltmp14:
0xee: {  	(pc) =	sbr.rel @p2 .LBB3_6-.Ltmp14, $3  }
0xef: {  	_ =	sdelay $0x1  }
0xf0: {  	v1 =	vshll.u32 v1, $0x4  }
0xf1: {  	s28 =	sadd.s32 $0xFFFFFFF0, s28;
	[tilespmem:s21+$0x0] =	vst.msk vm0, v1;
	s21 =	sadd.s32 $0x10, s21;
	vm0 =	vmmov vm1  }
.LBB3_7:
0xf2: {  	_ =	sdelay $0x4  }
0xf3: {  	v1 =	vld.msk [tilespmem:s21+$0x0 ss:$0x1], vm1;
	_ =	sdelay $0x4  }
0xf4: {  	v1 =	vshll.u32 v1, $0x4  }
0xf5: {  	[tilespmem:s21+$0x0] =	vst.msk vm0, v1  }
.LBB3_8:
0xf6: {  	s0 =	sand.u32 $0x1, s18  }
0xf7: {  	s0 =	smul.u32 $0xF0, s0  }
0xf8: {  	p2 =	sne.s32 s26, $0xFFFFFFFF  }
0xf9: {  	v1 =	vld.msk @!p2 [tilespmem:s0+$0x10508], $0x1;
	_ =	sdelay $0x4  }
0xfa: {  	(v2sf) =	vpush @!p2 v1, $0x0;
	_ =	sdelay $0xc  }
.Ltmp15:
0xfb: {  	_ = 	snop;
	(pc) =	sbr.rel @p1 .LBB3_19-.Ltmp15, $4  }
0xfc: {  	_ = 	snop  }
0xfd: {  	s25 =	spop @!p2 (v2sf)  }
0xfe: {  	s19 =	simm.s32 @!p2 $0x0;
	s21 =	smov.u32 s25  }
0xff: {  	[sflag:s15] =	ssyncpa.u1 $0x0;
	s25 =	smov.u32 @p2 s24;
	s21 =	smov.u32 @p2 s26  }
0x100: {  	v1 =	vld.msk [tilespmem:s20+$0x0], $0x1;
	_ =	sdelay $0x4  }
0x101: {  	(v2sf) =	vpush v1, $0x0;
	_ =	sdelay $0xe  }
0x102: {  	s0 =	smul.u32 $0x1E000, s22;
	s29 =	spop (v2sf)  }
0x103: {  	s23 =	ssub.s32 $0x0, s23;
	p1 =	seq.s32 s25, s29  }
0x104: {  	s26 =	sadd.s32 $0x1, s23;
	s0 =	sshrl.u32 s0, $0x2;
	p2 =	sgt.s32 @!p1 s25, $0x0  }
0x105: {  	s22 =	sor.u32 $0x10728, s0;
	s0 =	smov.u32 s25;
	p2 =	por !p2, p1  }
0x106: {  	s0 =	simm.s32 @p2 $0x0;
	p2 =	seq.s32 s26, $0x0  }
.Ltmp16:
0x107: {  	_ = 	snop;
	(pc) =	sbr.rel @p2 .LBB3_11-.Ltmp16, $4  }
0x108: {  	_ = 	snop  }
0x109: {  	s24 =	simm.s32 $0x0;
	s28 =	sadd.s32 $0x1, s20;
	s0 =	smin.u32 @!p1 s0, $0x270F0  }
0x10a: {  	s30 =	simm.s32 @!p1 $0x1;
	s31 =	simm.s32 @!p1 $0x7988;
	s2 =	sand.u32 @!p1 $0x3FFF8, s0  }
0x10b: {  	s30 =	smov.u32 @p1 s24;
	s0 =	sand.u32 @!p1 $0x7, s0;
	s2 =	sadd.s32 @!p1 s1, s2  }
.LBB3_10:
0x10c: {  	s8 =	smov.u32 s30  }
0x10d: {  	[tilespmem:s31], [sflag:$0x2] =	stream.linear.gather @!p1 [hbm4b:s2+s0], $0x80, $0x38;
	[tilespmem:$0x1F6E8] =	vst v63  }
0x10e: {  	s26 =	sadd.s32 $0x1, s26;
	s0 =	smov.u32 s29;
	v1 =	vld.msk [tilespmem:s28+$0x0], $0x1  }
0x10f: {  	p2 =	seq.s32 s26, $0x0;
	_ =	sdelay $0x3  }
0x110: {  	(v2sf) =	vpush v1, $0x0;
	_ =	sdelay $0xe  }
0x111: {  	s29 =	spop (v2sf)  }
0x112: {  	p1 =	seq.s32 s0, s29  }
0x113: {  	p3 =	sgt.s32 @!p1 s0, $0x0;
	s2 =	sshll.u32 @!p1 s30, $0x9;
	s30 =	sadd.s32 @!p1 $0x1, s30  }
.Ltmp17:
0x114: {  	p3 =	por !p3, p1;
	s2 =	sshra.s32 @!p1 s2, $0x2;
	(pc) =	sbr.rel @!p2 .LBB3_10-.Ltmp17, $4  }
0x115: {  	s30 =	smov.u32 @p1 s8;
	s0 =	simm.s32 @p3 $0x0;
	s31 =	sadd.s32 @!p1 $0x7988, s2  }
0x116: {  	s0 =	smin.u32 @!p1 s0, $0x270F0  }
0x117: {  	s2 =	sand.u32 @!p1 $0x3FFF8, s0;
	s0 =	sand.u32 @!p1 $0x7, s0  }
0x118: {  	s28 =	sadd.s32 $0x1, s28;
	s2 =	sadd.s32 @!p1 s1, s2  }
.LBB3_11:
0x119: {  	[tilespmem:s31], [sflag:$0x2] =	stream.linear.gather @!p1 [hbm4b:s2+s0], $0x80, $0x38;
	[tilespmem:$0x1F6E8] =	vst v63  }
.Ltmp18:
0x11a: {  	s30 =	sshll.u32 s30, $0x7;
	(pc) =	sbr.rel .LBB3_12-.Ltmp18, $4  }
0x11b: {  	s31 =	simm.s32 $0x2;
	s0 =	sand.u32 $0x3FFFFF80, s30  }
0x11c: {  	_ =	swait.ge [sflag:s31], s0  }
0x11d: {  	s0 =	ssub.s32 $0x0, s0;
	[sflag:s31] =	ssyncset.done $0x0  }
0x11e: {  	s28 =	simm.s32 $0x0;
	[sflag:s31] =	ssyncadd.s32 s0  }
.LBB3_13:
0x11f: {  	v1 =	vld [tilespmem:s22+$0xFFFFFFC0];
	_ =	sdelay $0x3  }
0x120: {  	s0 =	sshra.s32 s0, $0x2  }
0x121: {  	[tilespmem:s0+$0x108] =	vst.add.f32.msk $0xffff, v1  }
0x122: {  	v1 =	vld [tilespmem:s22+$0xFFFFFFD0];
	_ =	sdelay $0x4  }
0x123: {  	[tilespmem:s0+$0x118] =	vst.add.f32.msk $0xffff, v1  }
0x124: {  	v1 =	vld [tilespmem:s22+$0xFFFFFFE0];
	_ =	sdelay $0x4  }
0x125: {  	[tilespmem:s0+$0x128] =	vst.add.f32.msk $0xffff, v1  }
0x126: {  	v1 =	vld [tilespmem:s22+$0xFFFFFFF0];
	_ =	sdelay $0x4  }
0x127: {  	[tilespmem:s0+$0x138] =	vst.add.f32.msk $0xffff, v1  }
0x128: {  	v1 =	vld [tilespmem:s22+$0x0];
	_ =	sdelay $0x4  }
0x129: {  	[tilespmem:s0+$0x148] =	vst.add.f32.msk $0xffff, v1  }
0x12a: {  	v1 =	vld [tilespmem:s22+$0x10];
	_ =	sdelay $0x4  }
0x12b: {  	[tilespmem:s0+$0x158] =	vst.add.f32.msk $0xffff, v1  }
0x12c: {  	v1 =	vld [tilespmem:s22+$0x20];
	_ =	sdelay $0x4  }
0x12d: {  	[tilespmem:s0+$0x168] =	vst.add.f32.msk $0xffff, v1  }
0x12e: {  	v1 =	vld [tilespmem:s22+$0x30];
	_ =	sdelay $0x4  }
0x12f: {  	[tilespmem:s0+$0x178] =	vst.add.f32.msk $0xffff, v1  }
.LBB3_17:
0x130: {  	s23 =	sadd.s32 $0x1, s23  }
0x131: {  	p1 =	seq.s32 s23, $0x0  }
.Ltmp19:
0x132: {  	_ = 	snop;
	(pc) =	sbr.rel @p1 .LBB3_18-.Ltmp19, $2  }
0x133: {  	_ =	sdelay $0x2  }
0x134: {  	s20 =	sadd.s32 $0x1, s20;
	s22 =	sadd.s32 $0x80, s22;
	s25 =	smov.u32 s26  }
.LBB3_12:
0x135: {  	v1 =	vld.msk [tilespmem:s20+$0x0], $0x1;
	_ =	sdelay $0x4  }
0x136: {  	(v2sf) =	vpush v1, $0x0;
	_ =	sdelay $0xe  }
0x137: {  	s26 =	spop (v2sf)  }
0x138: {  	p1 =	sne.s32 s25, s26  }
.Ltmp20:
0x139: {  	_ = 	snop;
	(pc) =	sbr.rel @!p1 .LBB3_13-.Ltmp20, $2  }
0x13a: {  	_ =	sdelay $0x2  }
0x13b: {  	s0 =	sshll.u32 s19, $0x9  }
0x13c: {  	p1 =	seq.s32 s25, s21  }
.Ltmp21:
0x13d: {  	_ = 	snop;
	(pc) =	sbr.rel @!p1 .LBB3_15-.Ltmp21, $1  }
0x13e: {  	_ =	sdelay $0x3  }
0x13f: {  	s0 =	sshra.s32 s0, $0x2  }
.Ltmp22:
0x140: {  	s0 =	sadd.s32 $0x108, s0;
	(pc) =	sbr.rel .LBB3_16-.Ltmp22, $4  }
0x141: {  	[spmem:s13] =	stream.linear.scatter [tilespmem:s0], [sflag:$0x1], $0x80, $0x38;
	[tilespmem:$0x1F6E8] =	vst v63  }
0x142: {  	_ =	swait.ge [sflag:s11], $0x80  }
0x143: {  	[sflag:s11] =	ssyncset.done $0x0  }
0x144: {  	[sflag:s11] =	ssyncadd.s32 $0xFFFFFF80  }
.LBB3_15:
0x145: {  	s2 =	sshll.u32 s24, $0x9  }
0x146: {  	s2 =	sshra.s32 s2, $0x2  }
0x147: {  	v1 =	vld [tilespmem:s2+$0x7988];
	_ =	sdelay $0x3  }
0x148: {  	s0 =	sshra.s32 s0, $0x2  }
0x149: {  	[tilespmem:s0+$0x108] =	vst.add.f32.msk $0xffff, v1  }
0x14a: {  	v1 =	vld [tilespmem:s2+$0x7998];
	_ =	sdelay $0x4  }
0x14b: {  	[tilespmem:s0+$0x118] =	vst.add.f32.msk $0xffff, v1  }
0x14c: {  	v1 =	vld [tilespmem:s2+$0x79A8];
	_ =	sdelay $0x4  }
0x14d: {  	[tilespmem:s0+$0x128] =	vst.add.f32.msk $0xffff, v1  }
0x14e: {  	v1 =	vld [tilespmem:s2+$0x79B8];
	_ =	sdelay $0x4  }
0x14f: {  	[tilespmem:s0+$0x138] =	vst.add.f32.msk $0xffff, v1  }
0x150: {  	v1 =	vld [tilespmem:s2+$0x79C8];
	_ =	sdelay $0x4  }
0x151: {  	[tilespmem:s0+$0x148] =	vst.add.f32.msk $0xffff, v1  }
0x152: {  	v1 =	vld [tilespmem:s2+$0x79D8];
	_ =	sdelay $0x4  }
0x153: {  	[tilespmem:s0+$0x158] =	vst.add.f32.msk $0xffff, v1  }
0x154: {  	v1 =	vld [tilespmem:s2+$0x79E8];
	_ =	sdelay $0x4  }
0x155: {  	[tilespmem:s0+$0x168] =	vst.add.f32.msk $0xffff, v1  }
0x156: {  	v1 =	vld [tilespmem:s2+$0x79F8];
	_ =	sdelay $0x2  }
0x157: {  	p1 =	sgt.u32 s25, $0x270F0  }
0x158: {  	s2 =	sand.u32 @!p1 $0x3FFF8, s25  }
0x159: {  	s8 =	sadd.s32 $0x108, s0;
	[tilespmem:s0+$0x178] =	vst.add.f32.msk $0xffff, v1;
	s0 =	sadd.s32 @!p1 s1, s2;
	s2 =	sand.u32 @!p1 $0x7, s25  }
0x15a: {  	[hbm4b:s0+s2] =	stream.linear.scatter @!p1 [tilespmem:s8], [sflag:$0xA], $0x80, $0x38;
	[tilespmem:$0x1F6E8] =	vst v63  }
0x15b: {  	s0 =	simm.s32 $0x0  }
0x15c: {  	s0 =	simm.s32 @!p1 $0x200  }
0x15d: {  	s28 =	sadd.s32 s0, s28  }
.LBB3_16:
0x15e: {  	s0 =	sadd.s32 $0x1, s19  }
0x15f: {  	s2 =	smulhi.u32 $0x88888889, s0;
	_ =	sdelay $0x1  }
0x160: {  	v1 =	vld [tilespmem:s22+$0xFFFFFFC0];
	s2 =	sshrl.u32 s2, $0x7  }
0x161: {  	s2 =	smul.u32 $0xF0, s2;
	_ =	sdelay $0x1  }
0x162: {  	s19 =	ssub.s32 s0, s2  }
0x163: {  	s0 =	sshll.u32 s19, $0x7  }
0x164: {  	[tilespmem:s0+$0x108] =	vst v1  }
0x165: {  	v1 =	vld [tilespmem:s22+$0xFFFFFFD0];
	_ =	sdelay $0x4  }
0x166: {  	[tilespmem:s0+$0x118] =	vst v1  }
0x167: {  	v1 =	vld [tilespmem:s22+$0xFFFFFFE0];
	_ =	sdelay $0x4  }
0x168: {  	[tilespmem:s0+$0x128] =	vst v1  }
0x169: {  	v1 =	vld [tilespmem:s22+$0xFFFFFFF0];
	_ =	sdelay $0x4  }
0x16a: {  	[tilespmem:s0+$0x138] =	vst v1  }
0x16b: {  	v1 =	vld [tilespmem:s22+$0x0];
	_ =	sdelay $0x4  }
0x16c: {  	[tilespmem:s0+$0x148] =	vst v1  }
0x16d: {  	v1 =	vld [tilespmem:s22+$0x10];
	_ =	sdelay $0x4  }
0x16e: {  	[tilespmem:s0+$0x158] =	vst v1  }
0x16f: {  	v1 =	vld [tilespmem:s22+$0x20];
	_ =	sdelay $0x4  }
0x170: {  	[tilespmem:s0+$0x168] =	vst v1  }
0x171: {  	v1 =	vld [tilespmem:s22+$0x30]  }
.Ltmp23:
0x172: {  	_ = 	snop;
	(pc) =	sbr.rel .LBB3_17-.Ltmp23, $2  }
0x173: {  	_ =	sdelay $0x2  }
0x174: {  	s24 =	sadd.s32 $0x1, s24;
	[tilespmem:s0+$0x178] =	vst v1  }
.LBB3_19:
.Ltmp24:
0x175: {  	(pc) =	sbr.rel .LBB3_20-.Ltmp24, $4  }
0x176: {  	_ = 	snop  }
0x177: {  	s0 =	simm.s32 $0x2  }
0x178: {  	_ =	swait.ge [sflag:s0], $0x0  }
0x179: {  	s26 =	smov.u32 s25;
	[sflag:s0] =	ssyncset.done $0x0;
	s0 =	simm.s32 $0x0  }
.LBB3_22:
0x17a: {  	_ =	sfence.sel $0x180000  }
0x17b: {  	s0 =	simm.s32 $0x7;
	[bflag:$0x0] =	sbarrier.arrive $0xFFFF  }
0x17c: {  	s25 =	simm.s32 $0x8;
	[sflag:s0] =	ssyncpa.u1 $0x1  }
0x17d: {  	s26 =	simm.s32 $0x9;
	[sflag:s25] =	ssyncpa.u1 $0x1  }
0x17e: {  	s28 =	simm.s32 $0x2;
	[sflag:s26] =	ssyncpa.u1 $0x1  }
0x17f: {  	[sflag:s28] =	ssyncpa.u1 $0x1  }
0x180: {  	v0 =	vld [tilespmem:$0xF208];
	_ =	sdelay $0x4  }
0x181: {  	(v2sf) =	vpush v0, $0x0  }
0x182: {  	(v2sf) =	vpush v0, $0x1;
	_ =	sdelay $0x1  }
0x183: {  	(v2sf) =	vpush v0, $0x2;
	_ =	sdelay $0xb  }
0x184: {  	s0 =	spop (v2sf)  }
0x185: {  	s2 =	spop (v2sf)  }
0x186: {  	s3 =	smov.u32 s0;
	p0 =	sne.s32 s0, s2  }
0x187: {  	s4 =	spop (v2sf);
	s3 =	simm.s32 @!p0 $0xFFFFFFFF  }
0x188: {  	v2 =	vimm.s32 $0x1;
	v3 =	vlaneseq.u32;
	p0 =	seq.s32 s4, $0xFFFFFFFF;
	v1 =	vmov s3  }
0x189: {  	s7 =	stileid.u32;
	v0 =	vperm.xlane v0, v2;
	p1 =	sne.s32 @!p0 s0, s2;
	v1 =	vperm.xlane v1, v3  }
0x18a: {  	vm0 =	vcmask $0x3F04;
	s6 =	simm.s32 $0xF208;
	s0 =	simm.s32 @!p0 $0x1;
	p1 =	por !p1, p0  }
0x18b: {  	s3 =	sshll.u32 s7, $0x1;
	s2 =	sshll.u32 @!p0 s4, $0x9;
	s0 =	simm.s32 @p1 $0x0;
	v0 =	vsel vm0, v1, v0  }
0x18c: {  	s5 =	sor.u32 $0x1000, s3;
	s2 =	sshra.s32 @!p0 s2, $0x2;
	s0 =	sor.u32 @!p0 s0, s3;
	[tilespmem:$0xF208] =	vst v0  }
0x18d: {  	[spmem:s5] =	stream.linear.scatter [tilespmem:s6], [sflag:$0x1], $0x2, $0x38;
	[tilespmem:$0x1F6E8] =	vst v63  }
0x18e: {  	s2 =	sadd.s32 @!p0 $0x108, s2;
	s0 =	sshll.u32 @!p0 s0, $0x7  }
0x18f: {  	[spmem:s0] =	stream.linear.scatter @!p0 [tilespmem:s2], [sflag:$0x1], $0x80, $0x38;
	[tilespmem:$0x1F6E8] =	vst v63  }
0x190: {  	s0 =	simm.s32 @!p0 $0x82  }
0x191: {  	s3 =	simm.s32 $0x1;
	s0 =	simm.s32 @p0 $0x2  }
0x192: {  	_ =	swait.ge [sflag:s3], s0  }
0x193: {  	s0 =	ssub.s32 $0x0, s0;
	[sflag:s3] =	ssyncset.done $0x0  }
0x194: {  	[sflag:s3] =	ssyncadd.s32 s0  }
0x195: {  	_ =	sfence.stream.spmem  }
0x196: {  	s29 =	simm.s32 $0x3;
	[bflag:$0x0] =	sbarrier.arrive $0xFFFF  }
0x197: {  	s30 =	simm.s32 $0x4;
	[sflag:s29] =	ssyncpa.u1 $0x1  }
0x198: {  	s31 =	simm.s32 $0x3C;
	[sflag:s30] =	ssyncpa.u1 $0x1  }
0x199: {  	p0 =	sne.s32 s7, $0x0;
	[sflag:s31] =	ssyncpa.u1 $0x1  }
0x19a: {  	_ =	sfence @p0  }
0x19b: {  	[sflag:s3] =	ssyncpa.u1 @p0 $0x1  }
0x19c: {  	_ =	strace @p0 $0x90000062  }
0x19d: {  	[bflag:$0x2] =	sbarrier.arrive @p0 $0xFFFF  }
0x19e: {  	_ =	shalt @p0  }
.LBB3_23:
0x19f: {  	_ =	sfence.stream.spmem;
	s0 =	simm.s32 $0x5  }
0x1a0: {  	s2 =	simm.s32 $0x1000;
	s3 =	simm.s32 $0xF218;
	[sflag:s0] =	ssyncpa.u1 $0x0  }
0x1a1: {  	[tilespmem:s3], [sflag:$0x5] =	stream.linear.gather [spmem:s2], $0x20, $0x38;
	[tilespmem:$0x1F6E8] =	vst v63  }
0x1a2: {  	s30 =	simm.s32 $0xF238;
	s2 =	simm.s32 $0x0  }
0x1a3: {  	[tilespmem:s30], [sflag:$0x5] =	stream.linear.gather [spmem:s2], $0x1000, $0x38;
	[tilespmem:$0x1F6E8] =	vst v63  }
.Ltmp25:
0x1a4: {  	_ = 	snop;
	(pc) =	sbr.rel .LBB3_24-.Ltmp25, $4  }
0x1a5: {  	_ =	swait.ge [sflag:s0], $0x1020  }
0x1a6: {  	[sflag:s0] =	ssyncset.done $0x0  }
0x1a7: {  	s31 =	simm.s32 $0x6;
	[sflag:s0] =	ssyncadd.s32 $0xFFFFEFE0  }
0x1a8: {  	s3 =	simm.s32 $0x0;
	[sflag:s31] =	ssyncpa.u1 $0x0  }
.LBB3_30:
0x1a9: {  	p0 =	slt.u32 s4, $0x270F1  }
0x1aa: {  	s0 =	sand.u32 @p0 $0x3FFF8, s4  }
0x1ab: {  	s4 =	sand.u32 @p0 $0x7, s4;
	s5 =	simm.s32 @p0 $0xF188;
	s0 =	sadd.s32 @p0 s1, s0  }
0x1ac: {  	[tilespmem:s5], [sflag:$0x6] =	stream.linear.gather @p0 [hbm4b:s0+s4], $0x80, $0x38;
	[tilespmem:$0x1F6E8] =	vst v63  }
0x1ad: {  	s0 =	simm.s32 @p0 $0x6  }
0x1ae: {  	_ =	swait.ge @p0 [sflag:s0], $0x80  }
0x1af: {  	[sflag:s0] =	ssyncset.done @p0 $0x0  }
0x1b0: {  	[sflag:s0] =	ssyncadd.s32 @p0 $0xFFFFFF80  }
0x1b1: {  	v1 =	vld @p0 [tilespmem:$0xF188];
	_ =	sdelay $0x2  }
0x1b2: {  	s0 =	sshll.u32 @p0 s3, $0x9  }
0x1b3: {  	s4 =	sshrl.u32 @p0 s0, $0x2  }
0x1b4: {  	[tilespmem:s4+$0xF238] =	vst.add.f32.msk @p0 $0xffff, v1  }
0x1b5: {  	v1 =	vld @p0 [tilespmem:$0xF198];
	_ =	sdelay $0x4  }
0x1b6: {  	[tilespmem:s4+$0xF248] =	vst.add.f32.msk @p0 $0xffff, v1  }
0x1b7: {  	v1 =	vld @p0 [tilespmem:$0xF1A8];
	_ =	sdelay $0x4  }
0x1b8: {  	[tilespmem:s4+$0xF258] =	vst.add.f32.msk @p0 $0xffff, v1  }
0x1b9: {  	v1 =	vld @p0 [tilespmem:$0xF1B8];
	_ =	sdelay $0x4  }
0x1ba: {  	[tilespmem:s4+$0xF268] =	vst.add.f32.msk @p0 $0xffff, v1  }
0x1bb: {  	v1 =	vld @p0 [tilespmem:$0xF1C8];
	_ =	sdelay $0x4  }
0x1bc: {  	[tilespmem:s4+$0xF278] =	vst.add.f32.msk @p0 $0xffff, v1  }
0x1bd: {  	v1 =	vld @p0 [tilespmem:$0xF1D8];
	_ =	sdelay $0x4  }
0x1be: {  	[tilespmem:s4+$0xF288] =	vst.add.f32.msk @p0 $0xffff, v1  }
0x1bf: {  	v1 =	vld @p0 [tilespmem:$0xF1E8];
	_ =	sdelay $0x4  }
0x1c0: {  	[tilespmem:s4+$0xF298] =	vst.add.f32.msk @p0 $0xffff, v1  }
0x1c1: {  	v1 =	vld @p0 [tilespmem:$0xF1F8];
	_ =	sdelay $0x3  }
0x1c2: {  	s5 =	sshll.u32 @!p0 s3, $0x9  }
0x1c3: {  	s5 =	smov.u32 @p0 s0;
	[tilespmem:s4+$0xF2A8] =	vst.add.f32.msk @p0 $0xffff, v1  }
0x1c4: {  	s0 =	sshrl.u32 s5, $0x2;
	[tilespmem:s2+$0xF218] =	vst.msk $0x1, v0  }
0x1c5: {  	v0 =	vld [tilespmem:s0+$0xF238];
	_ =	sdelay $0x2  }
0x1c6: {  	s31 =	sshll.u32 s2, $0x9  }
0x1c7: {  	s4 =	sshra.s32 s31, $0x2  }
0x1c8: {  	[tilespmem:s4+$0xF238] =	vst v0  }
0x1c9: {  	v0 =	vld [tilespmem:s0+$0xF248];
	_ =	sdelay $0x4  }
0x1ca: {  	[tilespmem:s4+$0xF248] =	vst v0  }
0x1cb: {  	v0 =	vld [tilespmem:s0+$0xF258];
	_ =	sdelay $0x4  }
0x1cc: {  	[tilespmem:s4+$0xF258] =	vst v0  }
0x1cd: {  	v0 =	vld [tilespmem:s0+$0xF268];
	_ =	sdelay $0x4  }
0x1ce: {  	[tilespmem:s4+$0xF268] =	vst v0  }
0x1cf: {  	v0 =	vld [tilespmem:s0+$0xF278];
	_ =	sdelay $0x4  }
0x1d0: {  	[tilespmem:s4+$0xF278] =	vst v0  }
0x1d1: {  	v0 =	vld [tilespmem:s0+$0xF288];
	_ =	sdelay $0x4  }
0x1d2: {  	[tilespmem:s4+$0xF288] =	vst v0  }
0x1d3: {  	v0 =	vld [tilespmem:s0+$0xF298];
	_ =	sdelay $0x4  }
0x1d4: {  	[tilespmem:s4+$0xF298] =	vst v0  }
0x1d5: {  	v0 =	vld [tilespmem:s0+$0xF2A8];
	_ =	sdelay $0x4  }
0x1d6: {  	s2 =	sadd.s32 $0x1, s2;
	[tilespmem:s4+$0xF2A8] =	vst v0  }
.LBB3_31:
0x1d7: {  	s3 =	sadd.s32 $0x1, s3  }
0x1d8: {  	p0 =	sne.s32 s3, $0x20  }
.Ltmp26:
0x1d9: {  	_ = 	snop;
	(pc) =	sbr.rel @!p0 .LBB3_32-.Ltmp26, $1  }
0x1da: {  	_ =	sdelay $0x3  }
.LBB3_24:
0x1db: {  	v0 =	vld.msk [tilespmem:s3+$0xF218], $0x1;
	_ =	sdelay $0x4  }
0x1dc: {  	(v2sf) =	vpush v0, $0x0;
	_ =	sdelay $0xe  }
0x1dd: {  	s4 =	spop (v2sf)  }
0x1de: {  	p0 =	seq.s32 s4, $0xFFFFFFFF  }
.Ltmp27:
0x1df: {  	_ = 	snop;
	(pc) =	sbr.rel @p0 .LBB3_31-.Ltmp27, $1  }
0x1e0: {  	_ =	sdelay $0x3  }
0x1e1: {  	p0 =	slt.s32 s2, $0x1  }
.Ltmp28:
0x1e2: {  	_ = 	snop;
	(pc) =	sbr.rel @p0 .LBB3_30-.Ltmp28, $1  }
0x1e3: {  	_ =	sdelay $0x3  }
0x1e4: {  	s5 =	simm.s32 $0xF218;
	p0 =	por $0x0, $0x0  }
0x1e5: {  	v1 =	vld.msk @!p0 [tilespmem:s5+$0x0], $0x1;
	_ =	sdelay $0x4  }
0x1e6: {  	(v2sf) =	vpush @!p0 v1, $0x0;
	_ =	sdelay $0xd  }
0x1e7: {  	p2 =	sne.s32 s2, $0x1  }
.Ltmp29:
0x1e8: {  	s0 =	spop @!p0 (v2sf);
	(pc) =	sbr.rel @!p2 .LBB3_28-.Ltmp29, $4  }
0x1e9: {  	p1 =	seq.s32 @!p0 s4, s0  }
0x1ea: {  	s6 =	simm.s32 $0x0;
	p1 =	por !p1, p0  }
0x1eb: {  	s0 =	simm.s32 $0xFFFFFFFF;
	s6 =	simm.s32 @p1 $0xFFFFFFFF  }
0x1ec: {  	s7 =	simm.s32 $0x1;
	s6 =	smov.u32 @p0 s0  }
.LBB3_27:
0x1ed: {  	s0 =	smov.u32 s6;
	p0 =	sne.s32 s6, $0xFFFFFFFF  }
0x1ee: {  	s5 =	sadd.s32 $0x1, s5;
	s6 =	smov.u32 s7;
	s7 =	sadd.s32 $0x1, s7  }
0x1ef: {  	p1 =	sne.s32 s2, s7;
	v1 =	vld.msk @!p0 [tilespmem:s5+$0x0], $0x1;
	_ =	sdelay $0x4  }
0x1f0: {  	(v2sf) =	vpush @!p0 v1, $0x0;
	_ =	sdelay $0xe  }
.Ltmp30:
0x1f1: {  	s8 =	spop @!p0 (v2sf);
	(pc) =	sbr.rel @p1 .LBB3_27-.Ltmp30, $4  }
0x1f2: {  	p2 =	seq.s32 @!p0 s4, s8  }
0x1f3: {  	p2 =	por !p2, p0  }
0x1f4: {  	s6 =	simm.s32 @p2 $0xFFFFFFFF  }
0x1f5: {  	s6 =	smov.u32 @p0 s0  }
.LBB3_28:
0x1f6: {  	p0 =	seq.s32 s6, $0xFFFFFFFF  }
.Ltmp31:
0x1f7: {  	_ = 	snop;
	(pc) =	sbr.rel @p0 .LBB3_30-.Ltmp31, $1  }
0x1f8: {  	_ =	sdelay $0x3  }
0x1f9: {  	s0 =	sshll.u32 s3, $0x7  }
0x1fa: {  	s0 =	sand.u32 $0x3FFFFF80, s0  }
0x1fb: {  	v0 =	vld [tilespmem:s0+$0xF238];
	_ =	sdelay $0x2  }
0x1fc: {  	s4 =	sshll.u32 s6, $0x9  }
0x1fd: {  	s4 =	sshra.s32 s4, $0x2  }
0x1fe: {  	[tilespmem:s4+$0xF238] =	vst.add.f32.msk $0xffff, v0  }
0x1ff: {  	v0 =	vld [tilespmem:s0+$0xF248];
	_ =	sdelay $0x4  }
0x200: {  	[tilespmem:s4+$0xF248] =	vst.add.f32.msk $0xffff, v0  }
0x201: {  	v0 =	vld [tilespmem:s0+$0xF258];
	_ =	sdelay $0x4  }
0x202: {  	[tilespmem:s4+$0xF258] =	vst.add.f32.msk $0xffff, v0  }
0x203: {  	v0 =	vld [tilespmem:s0+$0xF268];
	_ =	sdelay $0x4  }
0x204: {  	[tilespmem:s4+$0xF268] =	vst.add.f32.msk $0xffff, v0  }
0x205: {  	v0 =	vld [tilespmem:s0+$0xF278];
	_ =	sdelay $0x4  }
0x206: {  	[tilespmem:s4+$0xF278] =	vst.add.f32.msk $0xffff, v0  }
0x207: {  	v0 =	vld [tilespmem:s0+$0xF288];
	_ =	sdelay $0x4  }
0x208: {  	[tilespmem:s4+$0xF288] =	vst.add.f32.msk $0xffff, v0  }
0x209: {  	v0 =	vld [tilespmem:s0+$0xF298];
	_ =	sdelay $0x4  }
0x20a: {  	[tilespmem:s4+$0xF298] =	vst.add.f32.msk $0xffff, v0  }
0x20b: {  	v0 =	vld [tilespmem:s0+$0xF2A8]  }
.Ltmp32:
0x20c: {  	_ = 	snop;
	(pc) =	sbr.rel .LBB3_31-.Ltmp32, $2  }
0x20d: {  	_ =	sdelay $0x2  }
0x20e: {  	[tilespmem:s4+$0xF2A8] =	vst.add.f32.msk $0xffff, v0  }
.LBB3_32:
0x20f: {  	p0 =	slt.s32 s2, $0x1  }
.Ltmp33:
0x210: {  	_ = 	snop;
	(pc) =	sbr.rel @p0 .LBB3_36-.Ltmp33, $3  }
0x211: {  	_ =	sdelay $0x1  }
0x212: {  	s0 =	simm.s32 $0x6  }
0x213: {  	s3 =	simm.s32 $0x0;
	[sflag:s0] =	ssyncpa.u1 $0x1  }
0x214: {  	s0 =	simm.s32 $0xF218  }
0x215: {  	v0 =	vld.msk [tilespmem:s0+$0x0], $0x1;
	_ =	sdelay $0x4  }
0x216: {  	(v2sf) =	vpush v0, $0x0;
	_ =	sdelay $0xd  }
0x217: {  	s2 =	sadd.s32 $0xFFFFFFFF, s2  }
0x218: {  	p1 =	sne.s32 s2, $0x0;
	s0 =	spop (v2sf)  }
.Ltmp34:
0x219: {  	p0 =	sgt.u32 s0, $0x270F0;
	(pc) =	sbr.rel @!p1 .LBB3_35-.Ltmp34, $4  }
0x21a: {  	s4 =	simm.s32 $0xF238;
	s5 =	sand.u32 @!p0 $0x3FFF8, s0  }
0x21b: {  	s6 =	simm.s32 $0x0;
	s0 =	sand.u32 @!p0 $0x7, s0;
	s5 =	sadd.s32 @!p0 s1, s5  }
0x21c: {  	[hbm4b:s5+s0] =	stream.linear.scatter @!p0 [tilespmem:s4], [sflag:$0x5], $0x80, $0x38;
	[tilespmem:$0x1F6E8] =	vst v63  }
0x21d: {  	s6 =	simm.s32 @!p0 $0x200;
	s5 =	simm.s32 $0xF219  }
.LBB3_34:
0x21e: {  	v0 =	vld.msk [tilespmem:s5+$0x0], $0x1;
	s2 =	sadd.s32 $0xFFFFFFFF, s2;
	s3 =	sadd.s32 s3, s6  }
0x21f: {  	p0 =	sne.s32 s2, $0x0;
	_ =	sdelay $0x3  }
0x220: {  	(v2sf) =	vpush v0, $0x0;
	_ =	sdelay $0xe  }
.Ltmp35:
0x221: {  	s0 =	spop (v2sf);
	(pc) =	sbr.rel @p0 .LBB3_34-.Ltmp35, $4  }
0x222: {  	s6 =	simm.s32 $0x0;
	p1 =	sgt.u32 s0, $0x270F0  }
0x223: {  	s4 =	sadd.s32 $0x80, s4;
	s6 =	simm.s32 @!p1 $0x200;
	s7 =	sand.u32 @!p1 $0x3FFF8, s0  }
0x224: {  	s5 =	sadd.s32 $0x1, s5;
	s0 =	sand.u32 @!p1 $0x7, s0;
	s7 =	sadd.s32 @!p1 s1, s7  }
0x225: {  	[hbm4b:s7+s0] =	stream.linear.scatter @!p1 [tilespmem:s4], [sflag:$0x5], $0x80, $0x38;
	[tilespmem:$0x1F6E8] =	vst v63  }
.LBB3_35:
0x226: {  	s0 =	sadd.s32 s3, s6  }
0x227: {  	s3 =	sshrl.u32 s0, $0x2  }
.LBB3_36:
0x228: {  	s0 =	simm.s32 $0x5  }
0x229: {  	_ =	swait.ge [sflag:s0], s3  }
0x22a: {  	s1 =	ssub.s32 $0x0, s3;
	[sflag:s0] =	ssyncset.done $0x0  }
0x22b: {  	[sflag:s0] =	ssyncadd.s32 s1  }
0x22c: {  	[sflag:s0] =	ssyncpa.u1 $0x1  }
0x22d: {  	s30 =	simm.s32 $0x1;
	_ =	sfence  }
0x22e: {  	[sflag:s30] =	ssyncpa.u1 $0x1  }
0x22f: {  	_ =	strace $0x90000062  }
0x230: {  	[bflag:$0x2] =	sbarrier.arrive $0xFFFF  }
0x231: {  	s31 =	rddreg [dreg:$0x1]  }
0x232: {  	s0 =	sadd.s32 $0x100000, s31  }
0x233: {  	[sflag:s0] =	ssyncadd.tile.s32 $0x1;
	_ =	shalt  }
.Lfunc_end3:
_tile_overlayer_lowered:
.L_overlay_start_3:
0x234: {  	(tag) =	ssettag $0x3  }
0x235: {  	s0 =	rddreg [dreg:$0x0];
	s2 =	stileid.u32  }
0x236: {  	s1 =	rddreg [dreg:$0x1];
	p0 =	sne.s32 s2, $0x0  }
0x237: {  	s3 =	rddreg [dreg:$0x2];
	[bflag:$0x3] =	sbarrier.arrive $0xFFFF;
	s2 =	simm.s32 @!p0 $0x1C01  }
0x238: {  	[timem:s3], [sflag:s2] =	dma.local @!p0 [hbm:s0], s1  }
0x239: {  	s0 =	simm.s32 @!p0 $0x1  }
0x23a: {  	_ =	swait.ge @!p0 [sflag:s0], s1  }
0x23b: {  	s1 =	ssub.s32 @!p0 $0x0, s1;
	[sflag:s0] =	ssyncset.done @!p0 $0x0  }
0x23c: {  	[sflag:s0] =	ssyncadd.s32 @!p0 s1  }
0x23d: {  	[bflag:$0x3] =	sbarrier.arrive $0xFFFF  }
0x23e: {  	_ =	shalt  }

// kernel: scatter_offload_async_start
scs
__scs_entry_jumppad:
0x0: {  	(pc) =	sbr.rel $0x88, $3  }
0x1: {  	(tag) =	ssettag $0x0;
	lr =	simm.s32 $0x1  }
0x2: {  	[smem:$0x3F99] =	sst lr;
	_ =	strace $0xD0000000  }
0x3: {  	_ = 	snop  }
0x4: {  	_ = 	snop  }
0x5: {  	_ = 	snop  }
0x6: {  	_ = 	snop  }
0x7: {  	_ = 	snop  }
__scs_overlays_trampoline_lowered:
0x8: {  	[smem:$0x3FA8] =	sst s0  }
0x9: {  	[smem:$0x3FA9] =	sst s1  }
0xa: {  	[smem:$0x3FAA] =	sst s2  }
0xb: {  	[smem:$0x3FAB] =	sst s3  }
0xc: {  	[smem:$0x3FAC] =	sst s4  }
0xd: {  	[smem:$0x3FAD] =	sst s5  }
0xe: {  	[smem:$0x3FAE] =	sst s6  }
0xf: {  	[smem:$0x3FAF] =	sst s7  }
0x10: {  	[smem:$0x3FB0] =	sst s8  }
0x11: {  	[smem:$0x3FB1] =	sst s9;
	s0 =	simm.s32 @!p0 $0x0  }
0x12: {  	s1 =	sld [smem:$0x3F97];
	s0 =	simm.s32 @p0 $0x1  }
0x13: {  	[smem:$0x3FB2] =	sst s0;
	s0 =	simm.s32 @!p1 $0x0  }
0x14: {  	s2 =	sld [smem:$0x3F96];
	s0 =	simm.s32 @p1 $0x1  }
0x15: {  	[smem:$0x3FB3] =	sst s0;
	s0 =	simm.s32 @!p2 $0x0  }
0x16: {  	s3 =	sld [smem:$0x3FDB];
	s0 =	simm.s32 @p2 $0x1  }
0x17: {  	s4 =	simm.s32 $0x1BF5;
	[smem:$0x3FB5] =	sst s0  }
0x18: {  	s0 =	sld [smem:$0x3F98];
	_ =	swait.ge [sflag:s4], $0x0  }
0x19: {  	s7 =	sld [smem:$0x3F99]  }
0x1a: {  	s8 =	sadd.s32 $0xFFFFE003, lr  }
0x1b: {  	s9 =	sadd.s32 $0xFFFFFEF7, lr;
	s5 =	simm.s32 $0xFFFFFFFF;
	p2 =	slt.u32 s8, $0xFFFFF086  }
0x1c: {  	p1 =	slt.u32 s9, $0xF7A;
	s5 =	simm.s32 @!p2 $0x0  }
0x1d: {  	s5 =	simm.s32 @p1 $0x1;
	p0 =	seq.s32 s7, s2  }
0x1e: {  	s7 =	smul.u32 @!p0 $0xF7A, s2;
	p2 =	seq.s32 @!p0 s5, $0x0  }
0x1f: {  	s9 =	smul.u32 $0xF7A, s1;
	s8 =	simm.s32 @!p0 $0x1BF5;
	p2 =	por !p2, p0  }
0x20: {  	[sflag:s8] =	ssyncset.s32 @!p0 $0xFFFFF086;
	s6 =	sadd.s32 @!p0 s3, s7;
	s7 =	simm.s32 @!p0 $0x108  }
0x21: {  	s3 =	sadd.s32 s3, s9;
	s6 =	sadd.s32 @!p0 $0x88, s6;
	s7 =	simm.s32 @p2 $0x1082  }
0x22: {  	[simem:s7], [sflag:s8] =	dma.local @!p0 [hbm:s6], $0xF7A  }
0x23: {  	s9 =	sor.u32 $0xD0000000, s2;
	s6 =	simm.s32 $0x108;
	_ =	swait.ge @!p0 [sflag:s8], $0x0  }
0x24: {  	s3 =	sadd.s32 $0x88, s3;
	s6 =	simm.s32 @!p1 $0x1082;
	[sflag:s4] =	ssyncset.s32 $0xFFFFF086  }
0x25: {  	[simem:s6], [sflag:s4] =	dma.local [hbm:s3], $0xF7A  }
0x26: {  	[smem:$0x3F99] =	sst s1;
	(tag) =	ssettag s2;
	_ =	strace s9  }
0x27: {  	s1 =	sld [smem:$0x3FA9]  }
0x28: {  	s2 =	sld [smem:$0x3FAA]  }
0x29: {  	s4 =	sld [smem:$0x3FAC]  }
0x2a: {  	p0 =	seq.s32 s5, $0x0;
	s5 =	sld [smem:$0x3FAD]  }
0x2b: {  	s6 =	sld [smem:$0x3FAE]  }
0x2c: {  	s7 =	sld [smem:$0x3FAF]  }
0x2d: {  	s3 =	simm.s32 $0x108;
	s8 =	sld [smem:$0x3FB0]  }
0x2e: {  	s3 =	simm.s32 @!p0 $0x1082;
	s9 =	sld [smem:$0x3FB1]  }
0x2f: {  	lr =	sadd.s32 s0, s3;
	s0 =	sld [smem:$0x3FA8]  }
0x30: {  	s3 =	sld [smem:$0x3FAB]  }
0x31: {  	[smem:$0x3FB4] =	sst s10  }
0x32: {  	s10 =	sld [smem:$0x3FB2];
	_ =	sdelay $0x3  }
0x33: {  	p0 =	seq.s32 s10, $0x1;
	s10 =	sld [smem:$0x3FB4];
	_ =	sdelay $0x3  }
0x34: {  	[smem:$0x3FB4] =	sst s10  }
0x35: {  	s10 =	sld [smem:$0x3FB3];
	_ =	sdelay $0x3  }
0x36: {  	p1 =	seq.s32 s10, $0x1;
	s10 =	sld [smem:$0x3FB4];
	_ =	sdelay $0x3  }
0x37: {  	[smem:$0x3FB4] =	sst s10  }
0x38: {  	s10 =	sld [smem:$0x3FB5]  }
0x39: {  	_ = 	snop;
	(pc) =	sbr.ind lr, $3  }
0x3a: {  	_ = 	snop  }
0x3b: {  	_ = 	snop  }
0x3c: {  	p2 =	seq.s32 s10, $0x1;
	s10 =	sld [smem:$0x3FB4]  }
0x3d: {  	_ =	shalt  }
0x3e: {  	_ =	shalt  }
0x3f: {  	_ =	shalt  }
0x40: {  	_ =	shalt  }
0x41: {  	_ =	shalt  }
0x42: {  	_ =	shalt  }
0x43: {  	_ =	shalt  }
0x44: {  	_ =	shalt  }
0x45: {  	_ =	shalt  }
0x46: {  	_ =	shalt  }
0x47: {  	_ =	shalt  }
0x48: {  	_ =	shalt  }
0x49: {  	_ =	shalt  }
0x4a: {  	_ =	shalt  }
0x4b: {  	_ =	shalt  }
0x4c: {  	_ =	shalt  }
0x4d: {  	_ =	shalt  }
0x4e: {  	_ =	shalt  }
0x4f: {  	_ =	shalt  }
0x50: {  	_ =	shalt  }
0x51: {  	_ =	shalt  }
0x52: {  	_ =	shalt  }
0x53: {  	_ =	shalt  }
0x54: {  	_ =	shalt  }
0x55: {  	_ =	shalt  }
0x56: {  	_ =	shalt  }
0x57: {  	_ =	shalt  }
0x58: {  	_ =	shalt  }
0x59: {  	_ =	shalt  }
0x5a: {  	_ =	shalt  }
0x5b: {  	_ =	shalt  }
0x5c: {  	_ =	shalt  }
0x5d: {  	_ =	shalt  }
0x5e: {  	_ =	shalt  }
0x5f: {  	_ =	shalt  }
0x60: {  	_ =	shalt  }
0x61: {  	_ =	shalt  }
0x62: {  	_ =	shalt  }
0x63: {  	_ =	shalt  }
0x64: {  	_ =	shalt  }
0x65: {  	_ =	shalt  }
0x66: {  	_ =	shalt  }
0x67: {  	_ =	shalt  }
0x68: {  	_ =	shalt  }
0x69: {  	_ =	shalt  }
0x6a: {  	_ =	shalt  }
0x6b: {  	_ =	shalt  }
0x6c: {  	_ =	shalt  }
0x6d: {  	_ =	shalt  }
0x6e: {  	_ =	shalt  }
0x6f: {  	_ =	shalt  }
0x70: {  	_ =	shalt  }
0x71: {  	_ =	shalt  }
0x72: {  	_ =	shalt  }
0x73: {  	_ =	shalt  }
0x74: {  	_ =	shalt  }
0x75: {  	_ =	shalt  }
0x76: {  	_ =	shalt  }
0x77: {  	_ =	shalt  }
0x78: {  	_ =	shalt  }
0x79: {  	_ =	shalt  }
0x7a: {  	_ =	shalt  }
0x7b: {  	_ =	shalt  }
0x7c: {  	_ =	shalt  }
0x7d: {  	_ =	shalt  }
0x7e: {  	_ =	shalt  }
0x7f: {  	_ =	shalt  }
0x80: {  	_ =	shalt  }
0x81: {  	_ =	shalt  }
0x82: {  	_ =	shalt  }
0x83: {  	_ =	shalt  }
0x84: {  	_ =	shalt  }
0x85: {  	_ =	shalt  }
0x86: {  	_ =	shalt  }
0x87: {  	_ =	shalt  }
.Lfunc_end0:
.L_simem_size_0:
called_computation_lowered:
.L_overlay_start_0:
0x88: {  	s0 =	sld [smem:$0x3FD9]  }
0x89: {  	s1 =	sld [smem:$0x3FFE];
	_ =	sdelay $0x3  }
0x8a: {  	s0 =	sadd.s32 s1, s0  }
0x8b: {  	[smem:$0x3FC0] =	sst s0  }
0x8c: {  	_ = 	snop  }
0x8d: {  	(tm) =	ssettm $0x1  }
0x8e: {  	s14 =	sld [smem:$0x3FFB];
	_ =	sdelay $0x3  }
0x8f: {  	_ =	strace s14  }
0x90: {  	s0 =	sld [smem:$0x3FFC];
	_ =	sdelay $0x3  }
0x91: {  	_ =	strace s0  }
0x92: {  	s0 =	sld [smem:$0x3FFD];
	_ =	sdelay $0x3  }
0x93: {  	_ =	strace s0  }
0x94: {  	_ =	strace $0x8FFFFFFF  }
0x95: {  	s15 =	sld [smem:$0x3FDB];
	_ =	sdelay $0x1  }
0x96: {  	s16 =	simm.s32 $_scs_section_size  }
0x97: {  	s2 =	simm.s32 $_size__tile_overlayer_lowered;
	s3 =	simm.s32 $_tile_overlayer_lowered  }
0x98: {  	s4 =	simm.s32 $0x1BFF;
	s17 =	sshll.u32 s3, $0x1;
	s1 =	sadd.s32 s16, s15  }
0x99: {  	s18 =	simm.s32 $0x0;
	s2 =	sshll.u32 s2, $0x1;
	s3 =	sadd.s32 s17, s1  }
0x9a: {  	[timem:s18], [sflag:s4] =	dma.local [hbm:s3], s2  }
0x9b: {  	_ =	swait.ge [sflag:s4], s2  }
0x9c: {  	s2 =	ssub.s32 $0x0, s2;
	[sflag:s4] =	ssyncset.done $0x0  }
0x9d: {  	[sflag:s4] =	ssyncadd.s32 s2;
	_ =	sdelay $0x1  }
0x9e: {  	s19 =	simm.s32 $0x1B8B  }
0x9f: {  	_ =	swait.ge [sflag:s19], $0x1  }
0xa0: {  	[sflag:s19] =	ssyncset.done $0x0  }
0xa1: {  	s21 =	simm.s32 $0x1B8E;
	s20 =	sld [smem:$0x3FFE];
	[sflag:s19] =	ssyncadd.s32 $0xFFFFFFFF  }
0xa2: {  	s22 =	simm.s32 $execute0_lowered;
	[smem:$0x3FD2] =	sst s21  }
0xa3: {  	s3 =	sshll.u32 s22, $0x1;
	_ =	strace $0x8000004C;
	[dreg:$0x1] =	wrdreg $0xFFFFFFFF  }
0xa4: {  	s23 =	simm.s32 $_size_execute0_lowered;
	s3 =	sadd.s32 s1, s3;
	[dreg:$0x0] =	wrdreg $0x0  }
0xa5: {  	s4 =	sshll.u32 s23, $0x1;
	[dreg:$0x2] =	wrdreg s3  }
0xa6: {  	[dreg:$0x3] =	wrdreg s4  }
0xa7: {  	[dreg:$0x4] =	wrdreg $0xC0  }
0xa8: {  	s24 =	simm.s32 $execute1_lowered;
	_ =	task [dreg:s18], $0x5FFFF  }
0xa9: {  	s3 =	sshll.u32 s24, $0x1;
	[dreg:$0x1] =	wrdreg $0xFFFFFFFF  }
0xaa: {  	s1 =	sadd.s32 s1, s3;
	[dreg:$0x0] =	wrdreg $0x60  }
0xab: {  	[dreg:$0x2] =	wrdreg s1  }
0xac: {  	[dreg:$0x3] =	wrdreg s20  }
0xad: {  	[dreg:$0x4] =	wrdreg $0x9  }
0xae: {  	_ =	task.clear_ibuf [dreg:s18], $0x5FFFF;
	_ =	strace $0x9000004C  }
0xaf: {  	s25 =	simm.s32 $0x9;
	_ =	strace $0x8000004E  }
0xb0: {  	_ =	swait.ge [sflag:s25], $0x1  }
0xb1: {  	[sflag:s25] =	ssyncadd.s32 $0xFFFFFFFF  }
0xb2: {  	_ =	strace $0x9000004E  }
0xb3: {  	_ =	strace $0x8000004F;
	[dreg:$0x1] =	wrdreg $0xFFFFFFFF  }
0xb4: {  	[dreg:$0x0] =	wrdreg $0x2030  }
0xb5: {  	[dreg:$0x2] =	wrdreg s20  }
0xb6: {  	[dreg:$0x3] =	wrdreg $0xA  }
0xb7: {  	_ =	task.clear_ibuf [dreg:s18], $0x4FFFF;
	_ =	strace $0x9000004F  }
0xb8: {  	s26 =	simm.s32 $0xA;
	_ =	strace $0x80000051  }
0xb9: {  	_ =	swait.ge [sflag:s26], $0x1  }
0xba: {  	[sflag:s26] =	ssyncadd.s32 $0xFFFFFFFF  }
0xbb: {  	_ =	strace $0x90000051  }
0xbc: {  	_ =	sfence  }
0xbd: {  	s28 =	sld [smem:$0x0];
	_ =	sdelay $0x1  }
0xbe: {  	s29 =	srdreg.scid  }
0xbf: {  	s30 =	sshll.u32 s29, $0xD;
	s31 =	sshrl.u32 s29, $0x2  }
0xc0: {  	s2 =	sand.u32 $0x1, s29;
	s3 =	sand.u32 $0x4000, s30;
	s1 =	sadd.s32 s31, s28  }
0xc1: {  	s2 =	sor.u32 s3, s2;
	s1 =	sshll.u32 s1, $0x11  }
0xc2: {  	s1 =	sor.u32 s1, s2  }
0xc3: {  	s1 =	sadd.s32 $0x8F2B, s1  }
0xc4: {  	[sflag:s1] =	ssyncadd.remote.s32 $0x1  }
0xc5: {  	_ =	sfence.sel $0xFFFF  }
0xc6: {  	[dreg:$0x0] =	wrdreg $0xFFFFFFFF;
	(pc) =	sbr.abs _section_cstart, $3  }
0xc7: {  	[dreg:$0x1] =	wrdreg $0xFFFFFFFF  }
0xc8: {  	_ =	task.clear_ibuf [dreg:s18], $0x2FFFF;
	_ =	strace $0x9FFFFFFF  }
0xc9: {  	(tm) =	ssettm $0x7FFFFFFF  }
tec
execute0_lowered:
.L_overlay_start_1:
0x0: {  	(tag) =	ssettag $0x1  }
0x1: {  	s3 =	rddreg [dreg:$0x0]  }
0x2: {  	s2 =	rddreg [dreg:$0x1]  }
0x3: {  	s0 =	rddreg [dreg:$0x2];
	s4 =	stileid.u32;
	[bflag:$0x3] =	sbarrier.arrive $0xFFFF  }
0x4: {  	s1 =	simm.s32 $_size_execute1_lowered;
	s7 =	simm.s32 $0x2;
	p0 =	sne.s32 s4, $0x0  }
0x5: {  	s1 =	sshll.u32 s1, $0x1;
	s5 =	simm.s32 @!p0 $0x1C3F;
	s6 =	simm.s32 @!p0 $0x4060  }
0x6: {  	[timem:s6], [sflag:s5] =	dma.local @!p0 [hbm:s3], s1  }
.Ltmp0:
0x7: {  	s8 =	simm.s32 $0x0;
	s12 =	simm.s32 $0x0;
	(pc) =	sbr.rel .LBB2_1-.Ltmp0, $4  }
0x8: {  	s10 =	simm.s32 $0x0;
	s11 =	simm.s32 $0x0;
	s3 =	sshll.u32 s4, $0x7  }
0x9: {  	s5 =	simm.s32 $0x1;
	_ =	strace $0x8000004D;
	s31 =	ssub.s32 $0x2700, s3  }
0xa: {  	s4 =	sadd.s32 $0x50E00, s2;
	[sflag:s5] =	ssyncpa.u1 $0x0;
	s6 =	sshrl.u32 s31, $0xB  }
0xb: {  	s9 =	smov.u32 s3;
	[sflag:s7] =	ssyncpa.u1 $0x0;
	s7 =	sadd.s32 $0x2, s6  }
.LBB2_4:
0xc: {  	_ = 	snop  }
.LBB2_7:
0xd: {  	_ =	sdelay $0x3  }
0xe: {  	[tilespmem:v0+s16+$0x0 ss:$0x1] =	vst.idx.msk @p1 $0xffff, v2  }
0xf: {  	v56 =	vld.idx.msk [tilespmem:v1+s15+$0x0 ss:$0x1], $0xffff;
	s24 =	sor.u32 $0x70, s15;
	[tilespmem:v0+s17+$0x0 ss:$0x1] =	vst.idx.msk @p1 $0xffff, v4  }
0x10: {  	s25 =	sor.u32 $0x10, s15;
	[tilespmem:v0+s18+$0x0 ss:$0x1] =	vst.idx.msk @p1 $0xffff, v3;
	v57 =	vld.idx.msk [tilespmem:v1+s24+$0x0 ss:$0x1], $0xffff  }
0x11: {  	s26 =	sor.u32 $0x20, s15;
	[tilespmem:v0+s19+$0x0 ss:$0x1] =	vst.idx.msk @p1 $0xffff, v5;
	v58 =	vld.idx.msk [tilespmem:v1+s25+$0x0 ss:$0x1], $0xffff  }
0x12: {  	s28 =	sor.u32 $0x30, s15;
	[tilespmem:v0+s20+$0x0 ss:$0x1] =	vst.idx.msk @p1 $0xffff, v6;
	v59 =	vld.idx.msk [tilespmem:v1+s26+$0x0 ss:$0x1], $0xffff  }
0x13: {  	s29 =	sor.u32 $0x40, s15;
	[tilespmem:v0+s21+$0x0 ss:$0x1] =	vst.idx.msk @p1 $0xffff, v7;
	v60 =	vld.idx.msk [tilespmem:v1+s28+$0x0 ss:$0x1], $0xffff  }
0x14: {  	s30 =	sor.u32 $0x50, s15;
	v61 =	vld.idx.msk [tilespmem:v1+s29+$0x0 ss:$0x1], $0xffff;
	[tilespmem:v0+s15+$0x0 ss:$0x1] =	vst.idx.msk $0xffff, v56  }
0x15: {  	s31 =	sor.u32 $0x60, s15;
	v62 =	vld.idx.msk [tilespmem:v1+s30+$0x0 ss:$0x1], $0xffff;
	[tilespmem:v0+s24+$0x0 ss:$0x1] =	vst.idx.msk $0xffff, v57  }
0x16: {  	v63 =	vld.idx.msk [tilespmem:v1+s31+$0x0 ss:$0x1], $0xffff;
	[tilespmem:v0+s25+$0x0 ss:$0x1] =	vst.idx.msk $0xffff, v58  }
0x17: {  	[tilespmem:v0+s26+$0x0 ss:$0x1] =	vst.idx.msk $0xffff, v59  }
0x18: {  	[tilespmem:v0+s28+$0x0 ss:$0x1] =	vst.idx.msk $0xffff, v60  }
0x19: {  	[tilespmem:v0+s29+$0x0 ss:$0x1] =	vst.idx.msk $0xffff, v61  }
0x1a: {  	[tilespmem:v0+s30+$0x0 ss:$0x1] =	vst.idx.msk $0xffff, v62  }
0x1b: {  	[tilespmem:v0+s31+$0x0 ss:$0x1] =	vst.idx.msk $0xffff, v63  }
.LBB2_8:
0x1c: {  	s15 =	sand.u32 $0x1FFFFFF, s10  }
0x1d: {  	s16 =	smulhi.u32 $0x1A36E2F, s15;
	_ =	sdelay $0x1  }
0x1e: {  	s16 =	sshrl.u32 s16, $0x6  }
0x1f: {  	s16 =	smul.u32 $0x2710, s16;
	_ =	sdelay $0x1  }
0x20: {  	s15 =	ssub.s32 s15, s16  }
0x21: {  	s15 =	sshll.u32 s15, $0x4  }
0x22: {  	s15 =	sadd.s32 s4, s15  }
0x23: {  	[hbm4b:s15+s8] =	stream.linear.scatter [tilespmem:s14], [sflag:$0x2], s13, $0x38;
	[tilespmem:$0x10000] =	vst v63  }
.LBB2_9:
0x24: {  	p1 =	slt.u32 s11, $0x2  }
0x25: {  	p2 =	sgt.s32 @!p1 s12, $0x2690  }
0x26: {  	s13 =	smov.u32 s12;
	s14 =	sshra.s32 @!p1 s12, $0x1F;
	p2 =	por !p2, p1  }
0x27: {  	s12 =	sand.u32 @!p1 s14, s12;
	s13 =	simm.s32 @p2 $0x2690  }
0x28: {  	s12 =	ssub.s32 @!p1 s13, s12  }
0x29: {  	s12 =	sadd.s32 @!p1 $0xFFFFD970, s12  }
0x2a: {  	s13 =	sshll.u32 @!p1 s12, $0x9  }
0x2b: {  	p2 =	sgt.s32 @!p1 s12, $0x7F;
	s12 =	ssub.s32 @!p1 $0x10000, s13  }
0x2c: {  	s14 =	sadd.s32 $0x800, s9;
	p2 =	por !p2, p1;
	s12 =	sshrl.u32 @!p1 s12, $0x2  }
0x2d: {  	s12 =	simm.s32 @!p2 $0x0;
	p2 =	sgt.s32 s14, $0x270F  }
0x2e: {  	s14 =	smov.u32 @p2 s3;
	p2 =	sne.s32 s11, s7  }
.Ltmp1:
0x2f: {  	_ = 	snop;
	(pc) =	sbr.rel @!p2 .LBB2_10-.Ltmp1, $4  }
0x30: {  	s13 =	simm.s32 @!p1 $0x2  }
0x31: {  	_ =	swait.ge @!p1 [sflag:s13], s12;
	s15 =	ssub.s32 @!p1 $0x0, s12  }
0x32: {  	s12 =	smov.u32 s10;
	s11 =	sadd.s32 $0x1, s11;
	[sflag:s13] =	ssyncset.done @!p1 $0x0  }
0x33: {  	s10 =	smov.u32 s9;
	s9 =	smov.u32 s14;
	[sflag:s13] =	ssyncadd.s32 @!p1 s15  }
.LBB2_1:
0x34: {  	p1 =	sgt.u32 s11, s6  }
0x35: {  	s13 =	sand.u32 @!p1 $0x1FFFFFF, s9  }
0x36: {  	p2 =	sgt.s32 @!p1 s9, $0x2690;
	s14 =	smulhi.u32 @!p1 $0x1A36E2F, s13  }
0x37: {  	s15 =	smov.u32 s9;
	s16 =	sshra.s32 @!p1 s9, $0x1F;
	p2 =	por !p2, p1  }
0x38: {  	s16 =	sand.u32 @!p1 s16, s9;
	s15 =	simm.s32 @p2 $0x2690;
	s14 =	sshrl.u32 @!p1 s14, $0x6  }
0x39: {  	s15 =	ssub.s32 @!p1 s15, s16;
	s14 =	smul.u32 @!p1 $0x2710, s14  }
0x3a: {  	s16 =	sxor.u32 @!p1 $0xFFFFFFFF, s11;
	s15 =	sadd.s32 @!p1 $0xFFFFD970, s15  }
0x3b: {  	s16 =	sshll.u32 @!p1 s16, $0xE;
	s13 =	ssub.s32 @!p1 s13, s14;
	s14 =	sshll.u32 @!p1 s15, $0x9  }
0x3c: {  	s16 =	sand.u32 @!p1 $0x4000, s16;
	p2 =	sgt.s32 @!p1 s15, $0x7F;
	s14 =	ssub.s32 @!p1 $0x10000, s14  }
0x3d: {  	p2 =	por !p2, p1;
	s13 =	sshll.u32 @!p1 s13, $0x4;
	s14 =	sshrl.u32 @!p1 s14, $0x2  }
0x3e: {  	s15 =	simm.s32 @!p1 $0x0;
	s13 =	sadd.s32 @!p1 s2, s13;
	s14 =	simm.s32 @!p2 $0x0  }
0x3f: {  	[tilespmem:s16], [sflag:$0x1] =	stream.linear.gather @!p1 [hbm4b:s13+s15], s14, $0x38;
	[tilespmem:$0x10000] =	vst v63  }
0x40: {  	p1 =	seq.s32 s11, $0x0  }
0x41: {  	p2 =	sge.u32 @!p1 s11, s7  }
0x42: {  	p1 =	por p1, p2  }
.Ltmp2:
0x43: {  	_ = 	snop;
	(pc) =	sbr.rel @p1 .LBB2_9-.Ltmp2, $1  }
0x44: {  	_ =	sdelay $0x3  }
0x45: {  	p1 =	sgt.s32 s10, $0x2690;
	s13 =	smov.u32 s10;
	s14 =	sshra.s32 s10, $0x1F  }
0x46: {  	s13 =	simm.s32 @!p1 $0x2690;
	s14 =	sand.u32 s14, s10  }
0x47: {  	s13 =	ssub.s32 s13, s14  }
0x48: {  	s13 =	sadd.s32 $0xFFFFD970, s13  }
0x49: {  	s31 =	sshll.u32 s13, $0x9  }
0x4a: {  	s14 =	ssub.s32 $0x10000, s31  }
0x4b: {  	p1 =	sgt.s32 s13, $0x7F;
	s13 =	sshrl.u32 s14, $0x2;
	s14 =	sadd.s32 $0x80, s10  }
0x4c: {  	s13 =	simm.s32 @p1 $0x0;
	p1 =	slt.s32 s14, $0x2710  }
0x4d: {  	s14 =	simm.s32 @!p1 $0x2710  }
0x4e: {  	s16 =	ssub.s32 s14, s10  }
0x4f: {  	p1 =	slt.s32 s16, $0x1  }
.Ltmp3:
0x50: {  	_ = 	snop;
	(pc) =	sbr.rel @p1 .LBB2_8-.Ltmp3, $4  }
0x51: {  	_ = 	snop  }
0x52: {  	s15 =	sshll.u32 s11, $0xE;
	_ =	swait.ge [sflag:s5], s13  }
0x53: {  	s15 =	sand.u32 $0x4000, s15;
	s17 =	ssub.s32 $0x0, s13;
	[sflag:s5] =	ssyncset.done $0x0  }
0x54: {  	s14 =	sor.u32 $0x8000, s15;
	[sflag:s5] =	ssyncadd.s32 s17  }
0x55: {  	p2 =	sne.s32 s16, $0x1  }
.Ltmp4:
0x56: {  	v1 =	vmov s15;
	v0 =	vmov s14;
	(pc) =	sbr.rel @!p2 .LBB2_4-.Ltmp4, $3  }
0x57: {  	_ =	sdelay $0x1  }
0x58: {  	s17 =	simm.s32 $0x0  }
0x59: {  	s23 =	sadd.s32 $0xFFFFFFFF, s16;
	p1 =	por $0x0, $0x0;
	s15 =	sand.u32 $0x3F80, s17  }
0x5a: {  	_ =	sdelay $0x3  }
0x5b: {  	v6 =	vld.idx.msk [tilespmem:v1+s15+$0x0 ss:$0x1], $0xffff;
	s24 =	sor.u32 $0x70, s15  }
0x5c: {  	s16 =	sor.u32 $0x10, s15;
	v8 =	vld.idx.msk [tilespmem:v1+s24+$0x0 ss:$0x1], $0xffff  }
0x5d: {  	s17 =	sor.u32 $0x20, s15;
	p2 =	sne.s32 s23, $0x1;
	v2 =	vld.idx.msk [tilespmem:v1+s16+$0x0 ss:$0x1], $0xffff  }
.Ltmp5:
0x5e: {  	s18 =	sor.u32 $0x30, s15;
	v4 =	vld.idx.msk [tilespmem:v1+s17+$0x0 ss:$0x1], $0xffff;
	(pc) =	sbr.rel @!p2 .LBB2_7-.Ltmp5, $4  }
0x5f: {  	s19 =	sor.u32 $0x40, s15;
	v3 =	vld.idx.msk [tilespmem:v1+s18+$0x0 ss:$0x1], $0xffff  }
0x60: {  	s21 =	sor.u32 $0x60, s15;
	v5 =	vld.idx.msk [tilespmem:v1+s19+$0x0 ss:$0x1], $0xffff  }
0x61: {  	s20 =	sor.u32 $0x50, s15;
	s22 =	simm.s32 $0x80;
	v7 =	vld.idx.msk [tilespmem:v1+s21+$0x0 ss:$0x1], $0xffff;
	[tilespmem:v0+s15+$0x0 ss:$0x1] =	vst.idx.msk $0xffff, v6  }
0x62: {  	s23 =	sadd.s32 $0xFFFFFFFF, s23;
	p1 =	por $0x1, $0x1;
	v6 =	vld.idx.msk [tilespmem:v1+s20+$0x0 ss:$0x1], $0xffff;
	s15 =	sand.u32 $0x3F80, s22;
	[tilespmem:v0+s24+$0x0 ss:$0x1] =	vst.idx.msk $0xffff, v8  }
.LBB2_6:
0x63: {  	p2 =	sne.s32 s23, $0x1;
	v8 =	vld.idx.msk [tilespmem:v1+s15+$0x0 ss:$0x1], $0xffff;
	s24 =	sor.u32 $0x70, s15;
	[tilespmem:v0+s16+$0x0 ss:$0x1] =	vst.idx.msk $0xffff, v2;
	s16 =	sor.u32 $0x10, s15  }
0x64: {  	s25 =	sor.u32 $0x30, s15;
	s26 =	sor.u32 $0x40, s15;
	v9 =	vld.idx.msk [tilespmem:v1+s24+$0x0 ss:$0x1], $0xffff;
	[tilespmem:v0+s17+$0x0 ss:$0x1] =	vst.idx.msk $0xffff, v4;
	s17 =	sor.u32 $0x20, s15  }
0x65: {  	s28 =	sor.u32 $0x50, s15;
	s29 =	sor.u32 $0x60, s15;
	v2 =	vld.idx.msk [tilespmem:v1+s16+$0x0 ss:$0x1], $0xffff;
	[tilespmem:v0+s18+$0x0 ss:$0x1] =	vst.idx.msk $0xffff, v3;
	s18 =	smov.u32 s25  }
.Ltmp6:
0x66: {  	v4 =	vld.idx.msk [tilespmem:v1+s17+$0x0 ss:$0x1], $0xffff;
	[tilespmem:v0+s19+$0x0 ss:$0x1] =	vst.idx.msk $0xffff, v5;
	s19 =	smov.u32 s26;
	(pc) =	sbr.rel @p2 .LBB2_6-.Ltmp6, $4  }
0x67: {  	v3 =	vld.idx.msk [tilespmem:v1+s18+$0x0 ss:$0x1], $0xffff;
	[tilespmem:v0+s20+$0x0 ss:$0x1] =	vst.idx.msk $0xffff, v6;
	s20 =	smov.u32 s28  }
0x68: {  	v5 =	vld.idx.msk [tilespmem:v1+s19+$0x0 ss:$0x1], $0xffff;
	[tilespmem:v0+s21+$0x0 ss:$0x1] =	vst.idx.msk $0xffff, v7;
	s21 =	smov.u32 s29  }
0x69: {  	s22 =	sadd.s32 $0x80, s22;
	[tilespmem:v0+s15+$0x0 ss:$0x1] =	vst.idx.msk $0xffff, v8;
	v6 =	vld.idx.msk [tilespmem:v1+s20+$0x0 ss:$0x1], $0xffff  }
0x6a: {  	s23 =	sadd.s32 $0xFFFFFFFF, s23;
	s15 =	sand.u32 $0x3F80, s22;
	v7 =	vld.idx.msk [tilespmem:v1+s21+$0x0 ss:$0x1], $0xffff;
	[tilespmem:v0+s24+$0x0 ss:$0x1] =	vst.idx.msk $0xffff, v9  }
.Ltmp7:
0x6b: {  	_ = 	snop;
	(pc) =	sbr.rel .LBB2_7-.Ltmp7, $1  }
0x6c: {  	_ =	sdelay $0x3  }
.LBB2_10:
0x6d: {  	_ =	sfence.sel $0x180000  }
0x6e: {  	s2 =	simm.s32 $0x1;
	[bflag:$0x0] =	sbarrier.arrive $0xFFFF  }
0x6f: {  	s31 =	simm.s32 $0x2;
	[sflag:s2] =	ssyncpa.u1 $0x1  }
0x70: {  	[sflag:s31] =	ssyncpa.u1 $0x1  }
0x71: {  	_ =	strace $0x9000004D  }
0x72: {  	s0 =	sadd.s32 @!p0 $0x100000, s0;
	[bflag:$0x2] =	sbarrier.arrive $0xFFFF  }
0x73: {  	[sflag:s0] =	ssyncadd.tile.s32 @!p0 $0x1;
	s0 =	simm.s32 @!p0 $0x3F  }
0x74: {  	_ =	swait.ge @!p0 [sflag:s0], s1  }
0x75: {  	s1 =	ssub.s32 @!p0 $0x0, s1;
	[sflag:s0] =	ssyncset.done @!p0 $0x0  }
0x76: {  	[sflag:s0] =	ssyncadd.s32 @!p0 s1  }
0x77: {  	[bflag:$0x3] =	sbarrier.arrive $0xFFFF  }
0x78: {  	_ =	shalt  }
.Lfunc_end2:
execute1_lowered:
.L_overlay_start_2:
0x79: {  	(tag) =	ssettag $0x2  }
0x7a: {  	s0 =	rddreg [dreg:$0x0];
	_ =	strace $0x80000050;
	s1 =	simm.s32 $0x1  }
0x7b: {  	s8 =	simm.s32 $0x108;
	v0 =	vimm.s32 $0x0;
	[sflag:s1] =	ssyncpa.u1 $0x0  }
0x7c: {  	[tilespmem:s8+$0x70] =	vst v0  }
0x7d: {  	[tilespmem:s8+$0x60] =	vst v0  }
0x7e: {  	[tilespmem:s8+$0x50] =	vst v0  }
0x7f: {  	[tilespmem:s8+$0x40] =	vst v0  }
0x80: {  	[tilespmem:s8+$0x30] =	vst v0  }
0x81: {  	s1 =	sadd.s32 $0x50E00, s0;
	s3 =	sadd.s32 $0x1566200, s0;
	[tilespmem:s8+$0x20] =	vst v0  }
0x82: {  	s2 =	simm.s32 $0x40;
	s4 =	sadd.s32 $0x157A600, s0;
	s5 =	sadd.s32 $0x1570400, s0;
	[tilespmem:s8+$0x10] =	vst v0  }
.LBB3_1:
0x83: {  	s2 =	sadd.s32 $0x40, s2;
	[tilespmem:s8+$0x0] =	vst v0;
	s8 =	sadd.s32 $0x80, s8  }
0x84: {  	p0 =	slt.u32 s2, $0x3C40;
	[tilespmem:s8+$0x70] =	vst v0  }
0x85: {  	[tilespmem:s8+$0x60] =	vst v0  }
.Ltmp8:
0x86: {  	[tilespmem:s8+$0x50] =	vst v0;
	(pc) =	sbr.rel @p0 .LBB3_1-.Ltmp8, $4  }
0x87: {  	[tilespmem:s8+$0x40] =	vst v0  }
0x88: {  	[tilespmem:s8+$0x30] =	vst v0  }
0x89: {  	[tilespmem:s8+$0x20] =	vst v0  }
0x8a: {  	[tilespmem:s8+$0x10] =	vst v0  }
0x8b: {  	s13 =	stileid.u32  }
0x8c: {  	s0 =	simm.s32 $0x4FB0;
	s6 =	smul.u32 $0x50A0, s13;
	p0 =	seq.s32 s13, $0xF  }
0x8d: {  	s0 =	simm.s32 @!p0 $0x50A0  }
0x8e: {  	s0 =	sadd.s32 s6, s0  }
0x8f: {  	s7 =	smin.u32 s0, $0x50910  }
0x90: {  	s0 =	ssub.s32 s7, s6  }
0x91: {  	p0 =	sgt.s32 s0, $0x0  }
0x92: {  	s0 =	simm.s32 @!p0 $0x0  }
0x93: {  	s2 =	simm.s32 $0x2;
	s9 =	simm.s32 $0x7;
	s31 =	smulhi.u32 $0x1111112, s0  }
0x94: {  	s10 =	simm.s32 $0x8;
	s19 =	simm.s32 $0x0;
	s15 =	simm.s32 $0xA  }
0x95: {  	s17 =	simm.s32 $0x0;
	s18 =	simm.s32 $0x0;
	s11 =	smul.u32 $0xF0, s31  }
.Ltmp9:
0x96: {  	[tilespmem:s8+$0x0] =	vst v0;
	v0 =	vimm.s32 $0xFFFFFFFF;
	[sflag:s2] =	ssyncpa.u1 $0x0;
	s13 =	sshll.u32 s13, $0x8;
	(pc) =	sbr.rel .LBB3_3-.Ltmp9, $4  }
0x97: {  	[tilespmem:$0xF208] =	vst v0;
	[sflag:s9] =	ssyncpa.u1 $0x0;
	p0 =	sne.s32 s0, s11;
	s0 =	simm.s32 $0x1  }
0x98: {  	[sflag:s10] =	ssyncpa.u1 $0x0;
	s10 =	simm.s32 $0x9;
	s0 =	simm.s32 @!p0 $0x0  }
0x99: {  	s16 =	smov.u32 s6;
	[sflag:s10] =	ssyncpa.u1 $0x0;
	s12 =	sadd.s32 s0, s31  }
0x9a: {  	v0 =	vlaneseq.u32;
	s11 =	simm.s32 $0x1;
	p0 =	por $0x0, $0x0;
	s14 =	sadd.s32 $0x1, s12  }
.LBB3_18:
0x9b: {  	s0 =	sshrl.u32 s28, $0x2  }
.LBB3_20:
0x9c: {  	_ =	swait.ge [sflag:s15], s0  }
0x9d: {  	s31 =	ssub.s32 $0x0, s0;
	v1 =	vmov s21;
	vm0 =	veq.s32 v0, $0x0;
	[sflag:s15] =	ssyncset.done $0x0  }
0x9e: {  	vm15 =	veq.s32 v0, $0x2;
	v1 =	vsel vm0, s26, v1;
	[sflag:s15] =	ssyncadd.s32 s31  }
0x9f: {  	v1 =	vsel vm15, s19, v1;
	[sflag:s15] =	ssyncpa.u1 $0x1  }
0xa0: {  	[tilespmem:$0xF208] =	vst v1  }
.LBB3_21:
0xa1: {  	s0 =	sadd.s32 $0xF0, s16  }
0xa2: {  	s2 =	smov.u32 s6;
	p1 =	slt.s32 s0, s7  }
0xa3: {  	s2 =	smov.u32 @p1 s0;
	p1 =	sne.s32 s18, s14  }
.Ltmp10:
0xa4: {  	_ = 	snop;
	(pc) =	sbr.rel @!p1 .LBB3_22-.Ltmp10, $3  }
0xa5: {  	_ =	sdelay $0x1  }
0xa6: {  	s19 =	smov.u32 s17;
	s31 =	sadd.s32 $0x1, s18;
	s17 =	smov.u32 s16  }
0xa7: {  	p0 =	por !p0, !p0;
	s18 =	smov.u32 s31;
	s16 =	smov.u32 s2  }
.LBB3_3:
0xa8: {  	p1 =	sge.u32 s18, s12  }
0xa9: {  	s0 =	smulhi.u32 @!p1 $0xAAAAAAAB, s18  }
0xaa: {  	s2 =	smov.u32 s16;
	p2 =	sgt.s32 @!p1 s16, $0x50820  }
0xab: {  	s20 =	sshra.s32 @!p1 s16, $0x1F;
	p2 =	por !p2, p1;
	s0 =	sshrl.u32 @!p1 s0, $0x1  }
0xac: {  	s20 =	sand.u32 @!p1 s20, s16;
	s2 =	simm.s32 @p2 $0x50820;
	s0 =	smul.u32 @!p1 $0x3, s0  }
0xad: {  	s2 =	ssub.s32 @!p1 s2, s20  }
0xae: {  	s2 =	sadd.s32 @!p1 $0xFFFAF7E0, s2;
	s0 =	ssub.s32 @!p1 s18, s0  }
0xaf: {  	s20 =	sshll.u32 @!p1 s2, $0x2;
	p2 =	sgt.s32 @!p1 s2, $0xEF;
	s0 =	smul.u32 @!p1 $0x3C0, s0  }
0xb0: {  	s21 =	sand.u32 @!p1 $0x7, s16;
	s2 =	ssub.s32 @!p1 $0x3C0, s20;
	p2 =	por !p2, p1  }
0xb1: {  	s20 =	sshrl.u32 @!p1 s16, $0x3;
	s2 =	sshrl.u32 @!p1 s2, $0x2;
	s0 =	sshrl.u32 @!p1 s0, $0x2  }
0xb2: {  	s20 =	sadd.s32 @!p1 s5, s20;
	s2 =	simm.s32 @!p2 $0x0;
	s0 =	sadd.s32 @!p1 $0x10238, s0  }
0xb3: {  	[tilespmem:s0], [sflag:$0x8] =	stream.linear.gather @!p1 [hbm4b:s20+s21], s2, $0x38;
	[tilespmem:$0x1F6E8] =	vst v63  }
0xb4: {  	s0 =	sadd.s32 $0xFFFFFFFF, s18  }
0xb5: {  	p1 =	sge.u32 s0, s12  }
0xb6: {  	p2 =	sgt.s32 @!p1 s17, $0x50820  }
0xb7: {  	s2 =	smov.u32 s17;
	s20 =	sshra.s32 @!p1 s17, $0x1F;
	p2 =	por !p2, p1  }
0xb8: {  	s20 =	sand.u32 @!p1 s20, s17;
	s2 =	simm.s32 @p2 $0x50820  }
0xb9: {  	s2 =	ssub.s32 @!p1 s2, s20  }
0xba: {  	s2 =	sadd.s32 @!p1 $0xFFFAF7E0, s2  }
0xbb: {  	s21 =	smulhi.u32 @!p1 $0xAAAAAAAB, s0;
	s22 =	sand.u32 @!p1 $0x1, s0;
	s20 =	sshll.u32 @!p1 s2, $0x2  }
0xbc: {  	s24 =	smul.u32 @!p1 $0x3C0, s22;
	p2 =	sgt.s32 @!p1 s2, $0xEF;
	s2 =	ssub.s32 @!p1 $0x3C0, s20  }
0xbd: {  	p2 =	por !p2, p1;
	s20 =	sshrl.u32 @!p1 s21, $0x1;
	s2 =	sshrl.u32 @!p1 s2, $0x2  }
0xbe: {  	s21 =	simm.s32 @!p1 $0x8;
	s20 =	smul.u32 @!p1 $0x3, s20;
	s2 =	simm.s32 @!p2 $0x0  }
0xbf: {  	s22 =	smul.u32 @!p1 $0x1E000, s22;
	_ =	swait.ge @!p1 [sflag:s21], s2;
	s23 =	ssub.s32 @!p1 $0x0, s2  }
0xc0: {  	s0 =	ssub.s32 @!p1 s0, s20;
	s20 =	sshrl.u32 @!p1 s17, $0x3;
	[sflag:s21] =	ssyncset.done @!p1 $0x0  }
0xc1: {  	s20 =	sadd.s32 @!p1 s3, s20;
	[sflag:s21] =	ssyncadd.s32 @!p1 s23;
	s21 =	sshrl.u32 @!p1 s24, $0x2  }
0xc2: {  	s0 =	smul.u32 @!p1 $0x3C0, s0;
	s23 =	sand.u32 @!p1 $0x7, s17;
	s21 =	sor.u32 @!p1 $0x10508, s21  }
0xc3: {  	[tilespmem:s21], [sflag:$0x9] =	stream.linear.gather @!p1 [hbm4b:s20+s23], s2, $0x38;
	[tilespmem:$0x1F6E8] =	vst v63  }
0xc4: {  	s0 =	sshrl.u32 @!p1 s0, $0x2;
	s2 =	sshrl.u32 @!p1 s22, $0x2  }
0xc5: {  	s0 =	sadd.s32 @!p1 $0x10238, s0;
	s20 =	simm.s32 @!p1 $0xF0;
	s2 =	sor.u32 @!p1 $0x106E8, s2  }
0xc6: {  	[tilespmem:s2], [sflag:$0x7] =	stream.indirect.gather @!p1 [hbm4b:s4+s20], $0x80, s0, s20, $0xb8;
	[tilespmem:$0x1F6E8] =	vst v63  }
0xc7: {  	p1 =	slt.u32 s18, $0x2  }
.Ltmp11:
0xc8: {  	_ = 	snop;
	(pc) =	sbr.rel @p1 .LBB3_21-.Ltmp11, $1  }
0xc9: {  	_ =	sdelay $0x3  }
0xca: {  	p1 =	sgt.s32 s19, $0x50820;
	s0 =	smov.u32 s19;
	s2 =	sshra.s32 s19, $0x1F  }
0xcb: {  	s0 =	simm.s32 @!p1 $0x50820;
	s2 =	sand.u32 s2, s19  }
0xcc: {  	s0 =	ssub.s32 s0, s2  }
0xcd: {  	s0 =	sadd.s32 $0xFFFAF7E0, s0  }
0xce: {  	s30 =	sshll.u32 s0, $0x2  }
0xcf: {  	_ =	swait.ge [sflag:s9], $0x7800;
	s2 =	ssub.s32 $0x3C0, s30  }
0xd0: {  	[sflag:s9] =	ssyncset.done $0x0;
	p1 =	sgt.s32 s0, $0xEF;
	s0 =	sshrl.u32 s2, $0x2  }
0xd1: {  	[sflag:s9] =	ssyncadd.s32 $0xFFFF8800;
	s0 =	simm.s32 @p1 $0x0  }
0xd2: {  	_ =	swait.ge [sflag:s10], s0  }
0xd3: {  	s0 =	ssub.s32 $0x0, s0;
	[sflag:s10] =	ssyncset.done $0x0  }
0xd4: {  	[sflag:s10] =	ssyncadd.s32 s0  }
0xd5: {  	v1 =	vld [tilespmem:$0xF208];
	_ =	sdelay $0x4  }
0xd6: {  	(v2sf) =	vpush v1, $0x0  }
0xd7: {  	(v2sf) =	vpush v1, $0x1  }
0xd8: {  	(v2sf) =	vpush v1, $0x2;
	_ =	sdelay $0x3  }
0xd9: {  	s0 =	sadd.s32 $0xF0, s19  }
0xda: {  	s2 =	ssub.s32 $0x50910, s19;
	p1 =	slt.s32 s7, s0  }
0xdb: {  	s0 =	smov.u32 @p1 s7;
	p1 =	sgt.s32 s2, $0x0  }
0xdc: {  	s23 =	ssub.s32 s0, s19;
	s2 =	simm.s32 @!p1 $0x0  }
0xdd: {  	p1 =	slt.s32 s2, s23  }
0xde: {  	s23 =	smov.u32 @p1 s2  }
0xdf: {  	s22 =	simm.s32 $0x1;
	p1 =	slt.s32 s23, $0x1  }
.Ltmp12:
0xe0: {  	s22 =	simm.s32 @!p0 $0x0;
	(pc) =	sbr.rel @p1 .LBB3_8-.Ltmp12, $4  }
0xe1: {  	s31 =	smul.u32 $0x3C0, s22  }
0xe2: {  	s24 =	spop (v2sf)  }
0xe3: {  	s0 =	sshrl.u32 s31, $0x2;
	s26 =	spop (v2sf)  }
0xe4: {  	s20 =	sor.u32 $0x10508, s0;
	s19 =	spop (v2sf)  }
0xe5: {  	s0 =	smin.u32 s23, $0x10  }
0xe6: {  	v1 =	vmov s0  }
0xe7: {  	p2 =	sgt.s32 s23, $0x10;
	vm1 =	vgt.u32 v1, v0  }
.Ltmp13:
0xe8: {  	_ = 	snop;
	(pc) =	sbr.rel @!p2 .LBB3_7-.Ltmp13, $2  }
0xe9: {  	_ =	sdelay $0x2  }
0xea: {  	s25 =	simm.s32 $0x10;
	s28 =	sadd.s32 $0xFFFFFFF0, s23;
	s21 =	smov.u32 s20;
	vm0 =	vmmov vm1  }
.LBB3_6:
0xeb: {  	s0 =	smin.u32 s28, $0x10;
	s25 =	sadd.s32 $0x10, s25;
	v1 =	vld.msk [tilespmem:s21+$0x0 ss:$0x1], vm1  }
0xec: {  	v2 =	vmov s0;
	p2 =	slt.s32 s25, s23  }
0xed: {  	vm1 =	vgt.u32 v2, v0  }
.Ltmp14:
0xee: {  	(pc) =	sbr.rel @p2 .LBB3_6-.Ltmp14, $3  }
0xef: {  	_ =	sdelay $0x1  }
0xf0: {  	v1 =	vshll.u32 v1, $0x4  }
0xf1: {  	s28 =	sadd.s32 $0xFFFFFFF0, s28;
	[tilespmem:s21+$0x0] =	vst.msk vm0, v1;
	s21 =	sadd.s32 $0x10, s21;
	vm0 =	vmmov vm1  }
.LBB3_7:
0xf2: {  	_ =	sdelay $0x4  }
0xf3: {  	v1 =	vld.msk [tilespmem:s21+$0x0 ss:$0x1], vm1;
	_ =	sdelay $0x4  }
0xf4: {  	v1 =	vshll.u32 v1, $0x4  }
0xf5: {  	[tilespmem:s21+$0x0] =	vst.msk vm0, v1  }
.LBB3_8:
0xf6: {  	s0 =	sand.u32 $0x1, s18  }
0xf7: {  	s0 =	smul.u32 $0xF0, s0  }
0xf8: {  	p2 =	sne.s32 s26, $0xFFFFFFFF  }
0xf9: {  	v1 =	vld.msk @!p2 [tilespmem:s0+$0x10508], $0x1;
	_ =	sdelay $0x4  }
0xfa: {  	(v2sf) =	vpush @!p2 v1, $0x0;
	_ =	sdelay $0xc  }
.Ltmp15:
0xfb: {  	_ = 	snop;
	(pc) =	sbr.rel @p1 .LBB3_19-.Ltmp15, $4  }
0xfc: {  	_ = 	snop  }
0xfd: {  	s25 =	spop @!p2 (v2sf)  }
0xfe: {  	s19 =	simm.s32 @!p2 $0x0;
	s21 =	smov.u32 s25  }
0xff: {  	[sflag:s15] =	ssyncpa.u1 $0x0;
	s25 =	smov.u32 @p2 s24;
	s21 =	smov.u32 @p2 s26  }
0x100: {  	v1 =	vld.msk [tilespmem:s20+$0x0], $0x1;
	_ =	sdelay $0x4  }
0x101: {  	(v2sf) =	vpush v1, $0x0;
	_ =	sdelay $0xe  }
0x102: {  	s0 =	smul.u32 $0x1E000, s22;
	s29 =	spop (v2sf)  }
0x103: {  	s23 =	ssub.s32 $0x0, s23;
	p1 =	seq.s32 s25, s29  }
0x104: {  	s26 =	sadd.s32 $0x1, s23;
	s0 =	sshrl.u32 s0, $0x2;
	p2 =	sgt.s32 @!p1 s25, $0x0  }
0x105: {  	s22 =	sor.u32 $0x10728, s0;
	s0 =	smov.u32 s25;
	p2 =	por !p2, p1  }
0x106: {  	s0 =	simm.s32 @p2 $0x0;
	p2 =	seq.s32 s26, $0x0  }
.Ltmp16:
0x107: {  	_ = 	snop;
	(pc) =	sbr.rel @p2 .LBB3_11-.Ltmp16, $4  }
0x108: {  	_ = 	snop  }
0x109: {  	s24 =	simm.s32 $0x0;
	s28 =	sadd.s32 $0x1, s20;
	s0 =	smin.u32 @!p1 s0, $0x270F0  }
0x10a: {  	s30 =	simm.s32 @!p1 $0x1;
	s31 =	simm.s32 @!p1 $0x7988;
	s2 =	sand.u32 @!p1 $0x3FFF8, s0  }
0x10b: {  	s30 =	smov.u32 @p1 s24;
	s0 =	sand.u32 @!p1 $0x7, s0;
	s2 =	sadd.s32 @!p1 s1, s2  }
.LBB3_10:
0x10c: {  	s8 =	smov.u32 s30  }
0x10d: {  	[tilespmem:s31], [sflag:$0x2] =	stream.linear.gather @!p1 [hbm4b:s2+s0], $0x80, $0x38;
	[tilespmem:$0x1F6E8] =	vst v63  }
0x10e: {  	s26 =	sadd.s32 $0x1, s26;
	s0 =	smov.u32 s29;
	v1 =	vld.msk [tilespmem:s28+$0x0], $0x1  }
0x10f: {  	p2 =	seq.s32 s26, $0x0;
	_ =	sdelay $0x3  }
0x110: {  	(v2sf) =	vpush v1, $0x0;
	_ =	sdelay $0xe  }
0x111: {  	s29 =	spop (v2sf)  }
0x112: {  	p1 =	seq.s32 s0, s29  }
0x113: {  	p3 =	sgt.s32 @!p1 s0, $0x0;
	s2 =	sshll.u32 @!p1 s30, $0x9;
	s30 =	sadd.s32 @!p1 $0x1, s30  }
.Ltmp17:
0x114: {  	p3 =	por !p3, p1;
	s2 =	sshra.s32 @!p1 s2, $0x2;
	(pc) =	sbr.rel @!p2 .LBB3_10-.Ltmp17, $4  }
0x115: {  	s30 =	smov.u32 @p1 s8;
	s0 =	simm.s32 @p3 $0x0;
	s31 =	sadd.s32 @!p1 $0x7988, s2  }
0x116: {  	s0 =	smin.u32 @!p1 s0, $0x270F0  }
0x117: {  	s2 =	sand.u32 @!p1 $0x3FFF8, s0;
	s0 =	sand.u32 @!p1 $0x7, s0  }
0x118: {  	s28 =	sadd.s32 $0x1, s28;
	s2 =	sadd.s32 @!p1 s1, s2  }
.LBB3_11:
0x119: {  	[tilespmem:s31], [sflag:$0x2] =	stream.linear.gather @!p1 [hbm4b:s2+s0], $0x80, $0x38;
	[tilespmem:$0x1F6E8] =	vst v63  }
.Ltmp18:
0x11a: {  	s30 =	sshll.u32 s30, $0x7;
	(pc) =	sbr.rel .LBB3_12-.Ltmp18, $4  }
0x11b: {  	s31 =	simm.s32 $0x2;
	s0 =	sand.u32 $0x3FFFFF80, s30  }
0x11c: {  	_ =	swait.ge [sflag:s31], s0  }
0x11d: {  	s0 =	ssub.s32 $0x0, s0;
	[sflag:s31] =	ssyncset.done $0x0  }
0x11e: {  	s28 =	simm.s32 $0x0;
	[sflag:s31] =	ssyncadd.s32 s0  }
.LBB3_13:
0x11f: {  	v1 =	vld [tilespmem:s22+$0xFFFFFFC0];
	_ =	sdelay $0x3  }
0x120: {  	s0 =	sshra.s32 s0, $0x2  }
0x121: {  	[tilespmem:s0+$0x108] =	vst.add.f32.msk $0xffff, v1  }
0x122: {  	v1 =	vld [tilespmem:s22+$0xFFFFFFD0];
	_ =	sdelay $0x4  }
0x123: {  	[tilespmem:s0+$0x118] =	vst.add.f32.msk $0xffff, v1  }
0x124: {  	v1 =	vld [tilespmem:s22+$0xFFFFFFE0];
	_ =	sdelay $0x4  }
0x125: {  	[tilespmem:s0+$0x128] =	vst.add.f32.msk $0xffff, v1  }
0x126: {  	v1 =	vld [tilespmem:s22+$0xFFFFFFF0];
	_ =	sdelay $0x4  }
0x127: {  	[tilespmem:s0+$0x138] =	vst.add.f32.msk $0xffff, v1  }
0x128: {  	v1 =	vld [tilespmem:s22+$0x0];
	_ =	sdelay $0x4  }
0x129: {  	[tilespmem:s0+$0x148] =	vst.add.f32.msk $0xffff, v1  }
0x12a: {  	v1 =	vld [tilespmem:s22+$0x10];
	_ =	sdelay $0x4  }
0x12b: {  	[tilespmem:s0+$0x158] =	vst.add.f32.msk $0xffff, v1  }
0x12c: {  	v1 =	vld [tilespmem:s22+$0x20];
	_ =	sdelay $0x4  }
0x12d: {  	[tilespmem:s0+$0x168] =	vst.add.f32.msk $0xffff, v1  }
0x12e: {  	v1 =	vld [tilespmem:s22+$0x30];
	_ =	sdelay $0x4  }
0x12f: {  	[tilespmem:s0+$0x178] =	vst.add.f32.msk $0xffff, v1  }
.LBB3_17:
0x130: {  	s23 =	sadd.s32 $0x1, s23  }
0x131: {  	p1 =	seq.s32 s23, $0x0  }
.Ltmp19:
0x132: {  	_ = 	snop;
	(pc) =	sbr.rel @p1 .LBB3_18-.Ltmp19, $2  }
0x133: {  	_ =	sdelay $0x2  }
0x134: {  	s20 =	sadd.s32 $0x1, s20;
	s22 =	sadd.s32 $0x80, s22;
	s25 =	smov.u32 s26  }
.LBB3_12:
0x135: {  	v1 =	vld.msk [tilespmem:s20+$0x0], $0x1;
	_ =	sdelay $0x4  }
0x136: {  	(v2sf) =	vpush v1, $0x0;
	_ =	sdelay $0xe  }
0x137: {  	s26 =	spop (v2sf)  }
0x138: {  	p1 =	sne.s32 s25, s26  }
.Ltmp20:
0x139: {  	_ = 	snop;
	(pc) =	sbr.rel @!p1 .LBB3_13-.Ltmp20, $2  }
0x13a: {  	_ =	sdelay $0x2  }
0x13b: {  	s0 =	sshll.u32 s19, $0x9  }
0x13c: {  	p1 =	seq.s32 s25, s21  }
.Ltmp21:
0x13d: {  	_ = 	snop;
	(pc) =	sbr.rel @!p1 .LBB3_15-.Ltmp21, $1  }
0x13e: {  	_ =	sdelay $0x3  }
0x13f: {  	s0 =	sshra.s32 s0, $0x2  }
.Ltmp22:
0x140: {  	s0 =	sadd.s32 $0x108, s0;
	(pc) =	sbr.rel .LBB3_16-.Ltmp22, $4  }
0x141: {  	[spmem:s13] =	stream.linear.scatter [tilespmem:s0], [sflag:$0x1], $0x80, $0x38;
	[tilespmem:$0x1F6E8] =	vst v63  }
0x142: {  	_ =	swait.ge [sflag:s11], $0x80  }
0x143: {  	[sflag:s11] =	ssyncset.done $0x0  }
0x144: {  	[sflag:s11] =	ssyncadd.s32 $0xFFFFFF80  }
.LBB3_15:
0x145: {  	s2 =	sshll.u32 s24, $0x9  }
0x146: {  	s2 =	sshra.s32 s2, $0x2  }
0x147: {  	v1 =	vld [tilespmem:s2+$0x7988];
	_ =	sdelay $0x3  }
0x148: {  	s0 =	sshra.s32 s0, $0x2  }
0x149: {  	[tilespmem:s0+$0x108] =	vst.add.f32.msk $0xffff, v1  }
0x14a: {  	v1 =	vld [tilespmem:s2+$0x7998];
	_ =	sdelay $0x4  }
0x14b: {  	[tilespmem:s0+$0x118] =	vst.add.f32.msk $0xffff, v1  }
0x14c: {  	v1 =	vld [tilespmem:s2+$0x79A8];
	_ =	sdelay $0x4  }
0x14d: {  	[tilespmem:s0+$0x128] =	vst.add.f32.msk $0xffff, v1  }
0x14e: {  	v1 =	vld [tilespmem:s2+$0x79B8];
	_ =	sdelay $0x4  }
0x14f: {  	[tilespmem:s0+$0x138] =	vst.add.f32.msk $0xffff, v1  }
0x150: {  	v1 =	vld [tilespmem:s2+$0x79C8];
	_ =	sdelay $0x4  }
0x151: {  	[tilespmem:s0+$0x148] =	vst.add.f32.msk $0xffff, v1  }
0x152: {  	v1 =	vld [tilespmem:s2+$0x79D8];
	_ =	sdelay $0x4  }
0x153: {  	[tilespmem:s0+$0x158] =	vst.add.f32.msk $0xffff, v1  }
0x154: {  	v1 =	vld [tilespmem:s2+$0x79E8];
	_ =	sdelay $0x4  }
0x155: {  	[tilespmem:s0+$0x168] =	vst.add.f32.msk $0xffff, v1  }
0x156: {  	v1 =	vld [tilespmem:s2+$0x79F8];
	_ =	sdelay $0x2  }
0x157: {  	p1 =	sgt.u32 s25, $0x270F0  }
0x158: {  	s2 =	sand.u32 @!p1 $0x3FFF8, s25  }
0x159: {  	s8 =	sadd.s32 $0x108, s0;
	[tilespmem:s0+$0x178] =	vst.add.f32.msk $0xffff, v1;
	s0 =	sadd.s32 @!p1 s1, s2;
	s2 =	sand.u32 @!p1 $0x7, s25  }
0x15a: {  	[hbm4b:s0+s2] =	stream.linear.scatter @!p1 [tilespmem:s8], [sflag:$0xA], $0x80, $0x38;
	[tilespmem:$0x1F6E8] =	vst v63  }
0x15b: {  	s0 =	simm.s32 $0x0  }
0x15c: {  	s0 =	simm.s32 @!p1 $0x200  }
0x15d: {  	s28 =	sadd.s32 s0, s28  }
.LBB3_16:
0x15e: {  	s0 =	sadd.s32 $0x1, s19  }
0x15f: {  	s2 =	smulhi.u32 $0x88888889, s0;
	_ =	sdelay $0x1  }
0x160: {  	v1 =	vld [tilespmem:s22+$0xFFFFFFC0];
	s2 =	sshrl.u32 s2, $0x7  }
0x161: {  	s2 =	smul.u32 $0xF0, s2;
	_ =	sdelay $0x1  }
0x162: {  	s19 =	ssub.s32 s0, s2  }
0x163: {  	s0 =	sshll.u32 s19, $0x7  }
0x164: {  	[tilespmem:s0+$0x108] =	vst v1  }
0x165: {  	v1 =	vld [tilespmem:s22+$0xFFFFFFD0];
	_ =	sdelay $0x4  }
0x166: {  	[tilespmem:s0+$0x118] =	vst v1  }
0x167: {  	v1 =	vld [tilespmem:s22+$0xFFFFFFE0];
	_ =	sdelay $0x4  }
0x168: {  	[tilespmem:s0+$0x128] =	vst v1  }
0x169: {  	v1 =	vld [tilespmem:s22+$0xFFFFFFF0];
	_ =	sdelay $0x4  }
0x16a: {  	[tilespmem:s0+$0x138] =	vst v1  }
0x16b: {  	v1 =	vld [tilespmem:s22+$0x0];
	_ =	sdelay $0x4  }
0x16c: {  	[tilespmem:s0+$0x148] =	vst v1  }
0x16d: {  	v1 =	vld [tilespmem:s22+$0x10];
	_ =	sdelay $0x4  }
0x16e: {  	[tilespmem:s0+$0x158] =	vst v1  }
0x16f: {  	v1 =	vld [tilespmem:s22+$0x20];
	_ =	sdelay $0x4  }
0x170: {  	[tilespmem:s0+$0x168] =	vst v1  }
0x171: {  	v1 =	vld [tilespmem:s22+$0x30]  }
.Ltmp23:
0x172: {  	_ = 	snop;
	(pc) =	sbr.rel .LBB3_17-.Ltmp23, $2  }
0x173: {  	_ =	sdelay $0x2  }
0x174: {  	s24 =	sadd.s32 $0x1, s24;
	[tilespmem:s0+$0x178] =	vst v1  }
.LBB3_19:
.Ltmp24:
0x175: {  	(pc) =	sbr.rel .LBB3_20-.Ltmp24, $4  }
0x176: {  	_ = 	snop  }
0x177: {  	s0 =	simm.s32 $0x2  }
0x178: {  	_ =	swait.ge [sflag:s0], $0x0  }
0x179: {  	s26 =	smov.u32 s25;
	[sflag:s0] =	ssyncset.done $0x0;
	s0 =	simm.s32 $0x0  }
.LBB3_22:
0x17a: {  	_ =	sfence.sel $0x180000  }
0x17b: {  	s0 =	simm.s32 $0x7;
	[bflag:$0x0] =	sbarrier.arrive $0xFFFF  }
0x17c: {  	s25 =	simm.s32 $0x8;
	[sflag:s0] =	ssyncpa.u1 $0x1  }
0x17d: {  	s26 =	simm.s32 $0x9;
	[sflag:s25] =	ssyncpa.u1 $0x1  }
0x17e: {  	s28 =	simm.s32 $0x2;
	[sflag:s26] =	ssyncpa.u1 $0x1  }
0x17f: {  	[sflag:s28] =	ssyncpa.u1 $0x1  }
0x180: {  	v0 =	vld [tilespmem:$0xF208];
	_ =	sdelay $0x4  }
0x181: {  	(v2sf) =	vpush v0, $0x0  }
0x182: {  	(v2sf) =	vpush v0, $0x1;
	_ =	sdelay $0x1  }
0x183: {  	(v2sf) =	vpush v0, $0x2;
	_ =	sdelay $0xb  }
0x184: {  	s0 =	spop (v2sf)  }
0x185: {  	s2 =	spop (v2sf)  }
0x186: {  	s3 =	smov.u32 s0;
	p0 =	sne.s32 s0, s2  }
0x187: {  	s4 =	spop (v2sf);
	s3 =	simm.s32 @!p0 $0xFFFFFFFF  }
0x188: {  	v2 =	vimm.s32 $0x1;
	v3 =	vlaneseq.u32;
	p0 =	seq.s32 s4, $0xFFFFFFFF;
	v1 =	vmov s3  }
0x189: {  	s7 =	stileid.u32;
	v0 =	vperm.xlane v0, v2;
	p1 =	sne.s32 @!p0 s0, s2;
	v1 =	vperm.xlane v1, v3  }
0x18a: {  	vm0 =	vcmask $0x3F04;
	s6 =	simm.s32 $0xF208;
	s0 =	simm.s32 @!p0 $0x1;
	p1 =	por !p1, p0  }
0x18b: {  	s3 =	sshll.u32 s7, $0x1;
	s2 =	sshll.u32 @!p0 s4, $0x9;
	s0 =	simm.s32 @p1 $0x0;
	v0 =	vsel vm0, v1, v0  }
0x18c: {  	s5 =	sor.u32 $0x1000, s3;
	s2 =	sshra.s32 @!p0 s2, $0x2;
	s0 =	sor.u32 @!p0 s0, s3;
	[tilespmem:$0xF208] =	vst v0  }
0x18d: {  	[spmem:s5] =	stream.linear.scatter [tilespmem:s6], [sflag:$0x1], $0x2, $0x38;
	[tilespmem:$0x1F6E8] =	vst v63  }
0x18e: {  	s2 =	sadd.s32 @!p0 $0x108, s2;
	s0 =	sshll.u32 @!p0 s0, $0x7  }
0x18f: {  	[spmem:s0] =	stream.linear.scatter @!p0 [tilespmem:s2], [sflag:$0x1], $0x80, $0x38;
	[tilespmem:$0x1F6E8] =	vst v63  }
0x190: {  	s0 =	simm.s32 @!p0 $0x82  }
0x191: {  	s3 =	simm.s32 $0x1;
	s0 =	simm.s32 @p0 $0x2  }
0x192: {  	_ =	swait.ge [sflag:s3], s0  }
0x193: {  	s0 =	ssub.s32 $0x0, s0;
	[sflag:s3] =	ssyncset.done $0x0  }
0x194: {  	[sflag:s3] =	ssyncadd.s32 s0  }
0x195: {  	_ =	sfence.stream.spmem  }
0x196: {  	s29 =	simm.s32 $0x3;
	[bflag:$0x0] =	sbarrier.arrive $0xFFFF  }
0x197: {  	s30 =	simm.s32 $0x4;
	[sflag:s29] =	ssyncpa.u1 $0x1  }
0x198: {  	s31 =	simm.s32 $0x3C;
	[sflag:s30] =	ssyncpa.u1 $0x1  }
0x199: {  	p0 =	sne.s32 s7, $0x0;
	[sflag:s31] =	ssyncpa.u1 $0x1  }
0x19a: {  	_ =	sfence @p0  }
0x19b: {  	[sflag:s3] =	ssyncpa.u1 @p0 $0x1  }
0x19c: {  	_ =	strace @p0 $0x90000050  }
0x19d: {  	[bflag:$0x2] =	sbarrier.arrive @p0 $0xFFFF  }
0x19e: {  	_ =	shalt @p0  }
.LBB3_23:
0x19f: {  	_ =	sfence.stream.spmem;
	s0 =	simm.s32 $0x5  }
0x1a0: {  	s2 =	simm.s32 $0x1000;
	s3 =	simm.s32 $0xF218;
	[sflag:s0] =	ssyncpa.u1 $0x0  }
0x1a1: {  	[tilespmem:s3], [sflag:$0x5] =	stream.linear.gather [spmem:s2], $0x20, $0x38;
	[tilespmem:$0x1F6E8] =	vst v63  }
0x1a2: {  	s30 =	simm.s32 $0xF238;
	s2 =	simm.s32 $0x0  }
0x1a3: {  	[tilespmem:s30], [sflag:$0x5] =	stream.linear.gather [spmem:s2], $0x1000, $0x38;
	[tilespmem:$0x1F6E8] =	vst v63  }
.Ltmp25:
0x1a4: {  	_ = 	snop;
	(pc) =	sbr.rel .LBB3_24-.Ltmp25, $4  }
0x1a5: {  	_ =	swait.ge [sflag:s0], $0x1020  }
0x1a6: {  	[sflag:s0] =	ssyncset.done $0x0  }
0x1a7: {  	s31 =	simm.s32 $0x6;
	[sflag:s0] =	ssyncadd.s32 $0xFFFFEFE0  }
0x1a8: {  	s3 =	simm.s32 $0x0;
	[sflag:s31] =	ssyncpa.u1 $0x0  }
.LBB3_30:
0x1a9: {  	p0 =	slt.u32 s4, $0x270F1  }
0x1aa: {  	s0 =	sand.u32 @p0 $0x3FFF8, s4  }
0x1ab: {  	s4 =	sand.u32 @p0 $0x7, s4;
	s5 =	simm.s32 @p0 $0xF188;
	s0 =	sadd.s32 @p0 s1, s0  }
0x1ac: {  	[tilespmem:s5], [sflag:$0x6] =	stream.linear.gather @p0 [hbm4b:s0+s4], $0x80, $0x38;
	[tilespmem:$0x1F6E8] =	vst v63  }
0x1ad: {  	s0 =	simm.s32 @p0 $0x6  }
0x1ae: {  	_ =	swait.ge @p0 [sflag:s0], $0x80  }
0x1af: {  	[sflag:s0] =	ssyncset.done @p0 $0x0  }
0x1b0: {  	[sflag:s0] =	ssyncadd.s32 @p0 $0xFFFFFF80  }
0x1b1: {  	v1 =	vld @p0 [tilespmem:$0xF188];
	_ =	sdelay $0x2  }
0x1b2: {  	s0 =	sshll.u32 @p0 s3, $0x9  }
0x1b3: {  	s4 =	sshrl.u32 @p0 s0, $0x2  }
0x1b4: {  	[tilespmem:s4+$0xF238] =	vst.add.f32.msk @p0 $0xffff, v1  }
0x1b5: {  	v1 =	vld @p0 [tilespmem:$0xF198];
	_ =	sdelay $0x4  }
0x1b6: {  	[tilespmem:s4+$0xF248] =	vst.add.f32.msk @p0 $0xffff, v1  }
0x1b7: {  	v1 =	vld @p0 [tilespmem:$0xF1A8];
	_ =	sdelay $0x4  }
0x1b8: {  	[tilespmem:s4+$0xF258] =	vst.add.f32.msk @p0 $0xffff, v1  }
0x1b9: {  	v1 =	vld @p0 [tilespmem:$0xF1B8];
	_ =	sdelay $0x4  }
0x1ba: {  	[tilespmem:s4+$0xF268] =	vst.add.f32.msk @p0 $0xffff, v1  }
0x1bb: {  	v1 =	vld @p0 [tilespmem:$0xF1C8];
	_ =	sdelay $0x4  }
0x1bc: {  	[tilespmem:s4+$0xF278] =	vst.add.f32.msk @p0 $0xffff, v1  }
0x1bd: {  	v1 =	vld @p0 [tilespmem:$0xF1D8];
	_ =	sdelay $0x4  }
0x1be: {  	[tilespmem:s4+$0xF288] =	vst.add.f32.msk @p0 $0xffff, v1  }
0x1bf: {  	v1 =	vld @p0 [tilespmem:$0xF1E8];
	_ =	sdelay $0x4  }
0x1c0: {  	[tilespmem:s4+$0xF298] =	vst.add.f32.msk @p0 $0xffff, v1  }
0x1c1: {  	v1 =	vld @p0 [tilespmem:$0xF1F8];
	_ =	sdelay $0x3  }
0x1c2: {  	s5 =	sshll.u32 @!p0 s3, $0x9  }
0x1c3: {  	s5 =	smov.u32 @p0 s0;
	[tilespmem:s4+$0xF2A8] =	vst.add.f32.msk @p0 $0xffff, v1  }
0x1c4: {  	s0 =	sshrl.u32 s5, $0x2;
	[tilespmem:s2+$0xF218] =	vst.msk $0x1, v0  }
0x1c5: {  	v0 =	vld [tilespmem:s0+$0xF238];
	_ =	sdelay $0x2  }
0x1c6: {  	s31 =	sshll.u32 s2, $0x9  }
0x1c7: {  	s4 =	sshra.s32 s31, $0x2  }
0x1c8: {  	[tilespmem:s4+$0xF238] =	vst v0  }
0x1c9: {  	v0 =	vld [tilespmem:s0+$0xF248];
	_ =	sdelay $0x4  }
0x1ca: {  	[tilespmem:s4+$0xF248] =	vst v0  }
0x1cb: {  	v0 =	vld [tilespmem:s0+$0xF258];
	_ =	sdelay $0x4  }
0x1cc: {  	[tilespmem:s4+$0xF258] =	vst v0  }
0x1cd: {  	v0 =	vld [tilespmem:s0+$0xF268];
	_ =	sdelay $0x4  }
0x1ce: {  	[tilespmem:s4+$0xF268] =	vst v0  }
0x1cf: {  	v0 =	vld [tilespmem:s0+$0xF278];
	_ =	sdelay $0x4  }
0x1d0: {  	[tilespmem:s4+$0xF278] =	vst v0  }
0x1d1: {  	v0 =	vld [tilespmem:s0+$0xF288];
	_ =	sdelay $0x4  }
0x1d2: {  	[tilespmem:s4+$0xF288] =	vst v0  }
0x1d3: {  	v0 =	vld [tilespmem:s0+$0xF298];
	_ =	sdelay $0x4  }
0x1d4: {  	[tilespmem:s4+$0xF298] =	vst v0  }
0x1d5: {  	v0 =	vld [tilespmem:s0+$0xF2A8];
	_ =	sdelay $0x4  }
0x1d6: {  	s2 =	sadd.s32 $0x1, s2;
	[tilespmem:s4+$0xF2A8] =	vst v0  }
.LBB3_31:
0x1d7: {  	s3 =	sadd.s32 $0x1, s3  }
0x1d8: {  	p0 =	sne.s32 s3, $0x20  }
.Ltmp26:
0x1d9: {  	_ = 	snop;
	(pc) =	sbr.rel @!p0 .LBB3_32-.Ltmp26, $1  }
0x1da: {  	_ =	sdelay $0x3  }
.LBB3_24:
0x1db: {  	v0 =	vld.msk [tilespmem:s3+$0xF218], $0x1;
	_ =	sdelay $0x4  }
0x1dc: {  	(v2sf) =	vpush v0, $0x0;
	_ =	sdelay $0xe  }
0x1dd: {  	s4 =	spop (v2sf)  }
0x1de: {  	p0 =	seq.s32 s4, $0xFFFFFFFF  }
.Ltmp27:
0x1df: {  	_ = 	snop;
	(pc) =	sbr.rel @p0 .LBB3_31-.Ltmp27, $1  }
0x1e0: {  	_ =	sdelay $0x3  }
0x1e1: {  	p0 =	slt.s32 s2, $0x1  }
.Ltmp28:
0x1e2: {  	_ = 	snop;
	(pc) =	sbr.rel @p0 .LBB3_30-.Ltmp28, $1  }
0x1e3: {  	_ =	sdelay $0x3  }
0x1e4: {  	s5 =	simm.s32 $0xF218;
	p0 =	por $0x0, $0x0  }
0x1e5: {  	v1 =	vld.msk @!p0 [tilespmem:s5+$0x0], $0x1;
	_ =	sdelay $0x4  }
0x1e6: {  	(v2sf) =	vpush @!p0 v1, $0x0;
	_ =	sdelay $0xd  }
0x1e7: {  	p2 =	sne.s32 s2, $0x1  }
.Ltmp29:
0x1e8: {  	s0 =	spop @!p0 (v2sf);
	(pc) =	sbr.rel @!p2 .LBB3_28-.Ltmp29, $4  }
0x1e9: {  	p1 =	seq.s32 @!p0 s4, s0  }
0x1ea: {  	s6 =	simm.s32 $0x0;
	p1 =	por !p1, p0  }
0x1eb: {  	s0 =	simm.s32 $0xFFFFFFFF;
	s6 =	simm.s32 @p1 $0xFFFFFFFF  }
0x1ec: {  	s7 =	simm.s32 $0x1;
	s6 =	smov.u32 @p0 s0  }
.LBB3_27:
0x1ed: {  	s0 =	smov.u32 s6;
	p0 =	sne.s32 s6, $0xFFFFFFFF  }
0x1ee: {  	s5 =	sadd.s32 $0x1, s5;
	s6 =	smov.u32 s7;
	s7 =	sadd.s32 $0x1, s7  }
0x1ef: {  	p1 =	sne.s32 s2, s7;
	v1 =	vld.msk @!p0 [tilespmem:s5+$0x0], $0x1;
	_ =	sdelay $0x4  }
0x1f0: {  	(v2sf) =	vpush @!p0 v1, $0x0;
	_ =	sdelay $0xe  }
.Ltmp30:
0x1f1: {  	s8 =	spop @!p0 (v2sf);
	(pc) =	sbr.rel @p1 .LBB3_27-.Ltmp30, $4  }
0x1f2: {  	p2 =	seq.s32 @!p0 s4, s8  }
0x1f3: {  	p2 =	por !p2, p0  }
0x1f4: {  	s6 =	simm.s32 @p2 $0xFFFFFFFF  }
0x1f5: {  	s6 =	smov.u32 @p0 s0  }
.LBB3_28:
0x1f6: {  	p0 =	seq.s32 s6, $0xFFFFFFFF  }
.Ltmp31:
0x1f7: {  	_ = 	snop;
	(pc) =	sbr.rel @p0 .LBB3_30-.Ltmp31, $1  }
0x1f8: {  	_ =	sdelay $0x3  }
0x1f9: {  	s0 =	sshll.u32 s3, $0x7  }
0x1fa: {  	s0 =	sand.u32 $0x3FFFFF80, s0  }
0x1fb: {  	v0 =	vld [tilespmem:s0+$0xF238];
	_ =	sdelay $0x2  }
0x1fc: {  	s4 =	sshll.u32 s6, $0x9  }
0x1fd: {  	s4 =	sshra.s32 s4, $0x2  }
0x1fe: {  	[tilespmem:s4+$0xF238] =	vst.add.f32.msk $0xffff, v0  }
0x1ff: {  	v0 =	vld [tilespmem:s0+$0xF248];
	_ =	sdelay $0x4  }
0x200: {  	[tilespmem:s4+$0xF248] =	vst.add.f32.msk $0xffff, v0  }
0x201: {  	v0 =	vld [tilespmem:s0+$0xF258];
	_ =	sdelay $0x4  }
0x202: {  	[tilespmem:s4+$0xF258] =	vst.add.f32.msk $0xffff, v0  }
0x203: {  	v0 =	vld [tilespmem:s0+$0xF268];
	_ =	sdelay $0x4  }
0x204: {  	[tilespmem:s4+$0xF268] =	vst.add.f32.msk $0xffff, v0  }
0x205: {  	v0 =	vld [tilespmem:s0+$0xF278];
	_ =	sdelay $0x4  }
0x206: {  	[tilespmem:s4+$0xF278] =	vst.add.f32.msk $0xffff, v0  }
0x207: {  	v0 =	vld [tilespmem:s0+$0xF288];
	_ =	sdelay $0x4  }
0x208: {  	[tilespmem:s4+$0xF288] =	vst.add.f32.msk $0xffff, v0  }
0x209: {  	v0 =	vld [tilespmem:s0+$0xF298];
	_ =	sdelay $0x4  }
0x20a: {  	[tilespmem:s4+$0xF298] =	vst.add.f32.msk $0xffff, v0  }
0x20b: {  	v0 =	vld [tilespmem:s0+$0xF2A8]  }
.Ltmp32:
0x20c: {  	_ = 	snop;
	(pc) =	sbr.rel .LBB3_31-.Ltmp32, $2  }
0x20d: {  	_ =	sdelay $0x2  }
0x20e: {  	[tilespmem:s4+$0xF2A8] =	vst.add.f32.msk $0xffff, v0  }
.LBB3_32:
0x20f: {  	p0 =	slt.s32 s2, $0x1  }
.Ltmp33:
0x210: {  	_ = 	snop;
	(pc) =	sbr.rel @p0 .LBB3_36-.Ltmp33, $3  }
0x211: {  	_ =	sdelay $0x1  }
0x212: {  	s0 =	simm.s32 $0x6  }
0x213: {  	s3 =	simm.s32 $0x0;
	[sflag:s0] =	ssyncpa.u1 $0x1  }
0x214: {  	s0 =	simm.s32 $0xF218  }
0x215: {  	v0 =	vld.msk [tilespmem:s0+$0x0], $0x1;
	_ =	sdelay $0x4  }
0x216: {  	(v2sf) =	vpush v0, $0x0;
	_ =	sdelay $0xd  }
0x217: {  	s2 =	sadd.s32 $0xFFFFFFFF, s2  }
0x218: {  	p1 =	sne.s32 s2, $0x0;
	s0 =	spop (v2sf)  }
.Ltmp34:
0x219: {  	p0 =	sgt.u32 s0, $0x270F0;
	(pc) =	sbr.rel @!p1 .LBB3_35-.Ltmp34, $4  }
0x21a: {  	s4 =	simm.s32 $0xF238;
	s5 =	sand.u32 @!p0 $0x3FFF8, s0  }
0x21b: {  	s6 =	simm.s32 $0x0;
	s0 =	sand.u32 @!p0 $0x7, s0;
	s5 =	sadd.s32 @!p0 s1, s5  }
0x21c: {  	[hbm4b:s5+s0] =	stream.linear.scatter @!p0 [tilespmem:s4], [sflag:$0x5], $0x80, $0x38;
	[tilespmem:$0x1F6E8] =	vst v63  }
0x21d: {  	s6 =	simm.s32 @!p0 $0x200;
	s5 =	simm.s32 $0xF219  }
.LBB3_34:
0x21e: {  	v0 =	vld.msk [tilespmem:s5+$0x0], $0x1;
	s2 =	sadd.s32 $0xFFFFFFFF, s2;
	s3 =	sadd.s32 s3, s6  }
0x21f: {  	p0 =	sne.s32 s2, $0x0;
	_ =	sdelay $0x3  }
0x220: {  	(v2sf) =	vpush v0, $0x0;
	_ =	sdelay $0xe  }
.Ltmp35:
0x221: {  	s0 =	spop (v2sf);
	(pc) =	sbr.rel @p0 .LBB3_34-.Ltmp35, $4  }
0x222: {  	s6 =	simm.s32 $0x0;
	p1 =	sgt.u32 s0, $0x270F0  }
0x223: {  	s4 =	sadd.s32 $0x80, s4;
	s6 =	simm.s32 @!p1 $0x200;
	s7 =	sand.u32 @!p1 $0x3FFF8, s0  }
0x224: {  	s5 =	sadd.s32 $0x1, s5;
	s0 =	sand.u32 @!p1 $0x7, s0;
	s7 =	sadd.s32 @!p1 s1, s7  }
0x225: {  	[hbm4b:s7+s0] =	stream.linear.scatter @!p1 [tilespmem:s4], [sflag:$0x5], $0x80, $0x38;
	[tilespmem:$0x1F6E8] =	vst v63  }
.LBB3_35:
0x226: {  	s0 =	sadd.s32 s3, s6  }
0x227: {  	s3 =	sshrl.u32 s0, $0x2  }
.LBB3_36:
0x228: {  	s0 =	simm.s32 $0x5  }
0x229: {  	_ =	swait.ge [sflag:s0], s3  }
0x22a: {  	s1 =	ssub.s32 $0x0, s3;
	[sflag:s0] =	ssyncset.done $0x0  }
0x22b: {  	[sflag:s0] =	ssyncadd.s32 s1  }
0x22c: {  	[sflag:s0] =	ssyncpa.u1 $0x1  }
0x22d: {  	s30 =	simm.s32 $0x1;
	_ =	sfence  }
0x22e: {  	[sflag:s30] =	ssyncpa.u1 $0x1  }
0x22f: {  	_ =	strace $0x90000050  }
0x230: {  	[bflag:$0x2] =	sbarrier.arrive $0xFFFF  }
0x231: {  	s31 =	rddreg [dreg:$0x1]  }
0x232: {  	s0 =	sadd.s32 $0x100000, s31  }
0x233: {  	[sflag:s0] =	ssyncadd.tile.s32 $0x1;
	_ =	shalt  }
.Lfunc_end3:
_tile_overlayer_lowered:
.L_overlay_start_3:
0x234: {  	(tag) =	ssettag $0x3  }
0x235: {  	s0 =	rddreg [dreg:$0x0];
	s2 =	stileid.u32  }
0x236: {  	s1 =	rddreg [dreg:$0x1];
	p0 =	sne.s32 s2, $0x0  }
0x237: {  	s3 =	rddreg [dreg:$0x2];
	[bflag:$0x3] =	sbarrier.arrive $0xFFFF;
	s2 =	simm.s32 @!p0 $0x1C01  }
0x238: {  	[timem:s3], [sflag:s2] =	dma.local @!p0 [hbm:s0], s1  }
0x239: {  	s0 =	simm.s32 @!p0 $0x1  }
0x23a: {  	_ =	swait.ge @!p0 [sflag:s0], s1  }
0x23b: {  	s1 =	ssub.s32 @!p0 $0x0, s1;
	[sflag:s0] =	ssyncset.done @!p0 $0x0  }
0x23c: {  	[sflag:s0] =	ssyncadd.s32 @!p0 s1  }
0x23d: {  	[bflag:$0x3] =	sbarrier.arrive $0xFFFF  }
0x23e: {  	_ =	shalt  }

</sc_bundles>
